<compile_context>
chip_gen: v7x
topology: tpu7x:2x2x1
jax: 0.10.2.dev20260603
libtpu: 0.0.44.dev20260713+nightly
codegen_flags: <defaults>
</compile_context>

<pallas_src>
import dataclasses
import functools

import jax
import jax.numpy as jnp
from jax import lax
from jax.experimental import pallas as pl
from jax.experimental.pallas import tpu as pltpu
from jax.experimental.pallas import tpu_sc as plsc

N = 10000
E = 320000
D = 128
G = 128

NP = 10016
NPD = 10240
EP = 327680
ER = EP // 128
ROWS_A = ER // 16
ROWS_C = ER // 32
DEN0 = 10080

_HIGH = jax.lax.Precision.HIGHEST


def _dot(a, b):
    return jax.lax.dot_general(a, b, (((1,), (0,)), ((), ())),
                               precision=_HIGH, preferred_element_type=jnp.float32)



def _prep_body(x_ref, wcat_ref, bp_ref, hv_ref, pq_ref):
    acc = _dot(x_ref[...], wcat_ref[...])
    hv_ref[...] = acc[:, :G] + bp_ref[...]
    pq_ref[...] = acc[:, G:]


def _prep(x, wcat, bp):
    blk = 2000
    return pl.pallas_call(
        _prep_body,
        grid=(N // blk,),
        in_specs=[
            pl.BlockSpec((blk, D), lambda i: (i, 0)),
            pl.BlockSpec((D, 2 * G), lambda i: (0, 0)),
            pl.BlockSpec((1, G), lambda i: (0, 0)),
        ],
        out_specs=[
            pl.BlockSpec((blk, G), lambda i: (i, 0)),
            pl.BlockSpec((blk, G), lambda i: (i, 0)),
        ],
        out_shape=[
            jax.ShapeDtypeStruct((N, G), jnp.float32),
            jax.ShapeDtypeStruct((N, G), jnp.float32),
        ],
    )(x, wcat, bp)



def _sc_body(pd_h, ps_h, hv_h, src_h, dst_h, b_h, cout_h,
             pd_v, ps_v, src_v, dst_v, den_v, rows_v, w_v, idxr_v,
             c_sh, gs0, gs1, ss0, ss1):
    cid = lax.axis_index("core")
    sid = lax.axis_index("subcore")
    gs = (gs0, gs1)
    ss = (ss0, ss1)

    pltpu.sync_copy(pd_h, pd_v)
    pltpu.sync_copy(ps_h, ps_v)
    pltpu.sync_copy(b_h, w_v.at[pl.ds(112, 16)])

    zeros16 = jnp.zeros((16,), jnp.float32)

    @pl.loop(0, 80)
    def _(i):
        for k in range(8):
            den_v[i, pl.ds(k * 16, 16)] = zeros16

    @pl.loop(0, 128)
    def _(i):
        for k in range(8):
            rows_v[i, pl.ds(k * 16, 16)] = zeros16

    @pl.loop(0, 5)
    def _(i):
        pltpu.sync_copy(rows_v, c_sh.at[pl.ds(sid * 640 + i * 128, 128)])

    w_v[pl.ds(0, 16)] = jnp.full((16,), -3e38, jnp.float32)
    w_v[pl.ds(16, 16)] = jnp.full((16,), -3e38, jnp.float32)

    @pl.loop(0, NP // 16)
    def _(i):
        w_v[pl.ds(0, 16)] = jnp.maximum(w_v[pl.ds(0, 16)],
                                        pd_v[pl.ds(i * 16, 16)])
        w_v[pl.ds(16, 16)] = jnp.maximum(w_v[pl.ds(16, 16)],
                                         ps_v[pl.ds(i * 16, 16)])

    bsc = w_v[pl.ds(112, 16)][0]
    zm = jnp.max(w_v[pl.ds(0, 16)]) + jnp.max(w_v[pl.ds(16, 16)]) + bsc
    mtop = jnp.maximum(zm, 0.01 * zm)

    base_a = sid * ROWS_A

    with jax.named_scope("sc_phase_a"):
        @pl.loop(0, ROWS_A // 8)
        def _(c8):
            pltpu.async_copy(src_h.at[pl.ds(base_a + c8 * 8, 8)], src_v, gs0)
            pltpu.async_copy(dst_h.at[pl.ds(base_a + c8 * 8, 8)], dst_v, gs1)
            pltpu.make_async_copy(src_h.at[pl.ds(base_a + c8 * 8, 8)],
                                  src_v, gs0).wait()
            pltpu.make_async_copy(dst_h.at[pl.ds(base_a + c8 * 8, 8)],
                                  dst_v, gs1).wait()

            @pl.loop(0, 8)
            def _(r):
                for k in range(8):
                    si = src_v[r, pl.ds(k * 16, 16)]
                    di = dst_v[r, pl.ds(k * 16, 16)]
                    z = (plsc.load_gather(pd_v, [di])
                         + plsc.load_gather(ps_v, [si]) + bsc)
                    l = jnp.maximum(z, 0.01 * z)
                    ex = jnp.exp(l - mtop)
                    plsc.addupdate_scatter(
                        den_v,
                        [lax.shift_right_logical(di, 7),
                         lax.bitwise_and(di, 127)],
                        ex)

    with jax.named_scope("sc_combine"):
        for k in range(5):
            idxr_v[0, pl.ds(k * 16, 16)] = (lax.iota(jnp.int32, 16)
                                            + (DEN0 + k * 16))

        plsc.subcore_barrier()
        pltpu.sync_copy(den_v, c_sh.at[idxr_v.at[0]], add=True)
        plsc.subcore_barrier()

        @pl.loop(0, 10)
        def _(i):
            pltpu.sync_copy(c_sh.at[pl.ds(DEN0 + i * 8, 8)],
                            den_v.at[pl.ds(i * 8, 8)])

    wid = cid * 16 + sid
    base_c = wid * ROWS_C

    half = (rows_v.at[pl.ds(0, 64)], rows_v.at[pl.ds(64, 64)])

    def _gidx(r, h):
        return src_v.at[r, pl.ds(h * 64, 64)]

    def _sidx(r, h):
        return dst_v.at[r, pl.ds(h * 64, 64)]

    def _scale_half(r, h):
        for k in range(4):
            si = src_v[r, pl.ds(h * 64 + k * 16, 16)]
            di = dst_v[r, pl.ds(h * 64 + k * 16, 16)]
            z = (plsc.load_gather(pd_v, [di])
                 + plsc.load_gather(ps_v, [si]) + bsc)
            l = jnp.maximum(z, 0.01 * z)
            ex = jnp.exp(l - mtop)
            den = plsc.load_gather(
                den_v,
                [lax.shift_right_logical(di, 7), lax.bitwise_and(di, 127)])
            w_v[pl.ds(k * 16, 16)] = ex / den + 1.0

        @pl.loop(0, 4)
        def _(kc):
            wch = w_v[pl.ds(kc * 16, 16)]
            for lane in range(16):
                ws = wch[lane]
                e = h * 64 + kc * 16 + lane
                for m in range(8):
                    rows_v[e, pl.ds(m * 16, 16)] = (
                        rows_v[e, pl.ds(m * 16, 16)] * ws)

    with jax.named_scope("sc_phase_c"):
        pltpu.sync_copy(src_h.at[pl.ds(base_c, 8)], src_v)
        pltpu.sync_copy(dst_h.at[pl.ds(base_c, 8)], dst_v)
        pltpu.async_copy(hv_h.at[_gidx(0, 0)], half[0], gs[0])
        pltpu.async_copy(hv_h.at[_gidx(0, 1)], half[1], gs[1])

        @pl.loop(0, ROWS_C)
        def _(q):
            r = q % 8
            for h in range(2):
                pltpu.make_async_copy(hv_h.at[_gidx(r, h)],
                                      half[h], gs[h]).wait()
                _scale_half(r, h)
                pltpu.async_copy(half[h], c_sh.at[_sidx(r, h)], ss[h],
                                 add=True)

            @pl.when(q < ROWS_C - 1)
            def _():
                @pl.when(r == 7)
                def _():
                    for h in range(2):
                        pltpu.make_async_copy(half[h], c_sh.at[_sidx(7, h)],
                                              ss[h]).wait()
                    nxt = base_c + (q // 8 + 1) * 8
                    pltpu.async_copy(src_h.at[pl.ds(nxt, 8)], src_v, gs0)
                    pltpu.async_copy(dst_h.at[pl.ds(nxt, 8)], dst_v, gs1)
                    pltpu.make_async_copy(src_h.at[pl.ds(nxt, 8)],
                                          src_v, gs0).wait()
                    pltpu.make_async_copy(dst_h.at[pl.ds(nxt, 8)],
                                          dst_v, gs1).wait()
                    for h in range(2):
                        pltpu.async_copy(hv_h.at[_gidx(0, h)], half[h], gs[h])

                @pl.when(r < 7)
                def _():
                    for h in range(2):
                        pltpu.make_async_copy(half[h], c_sh.at[_sidx(r, h)],
                                              ss[h]).wait()
                        pltpu.async_copy(hv_h.at[_gidx(r + 1, h)],
                                         half[h], gs[h])

        for h in range(2):
            pltpu.make_async_copy(half[h], c_sh.at[_sidx(7, h)], ss[h]).wait()

    with jax.named_scope("sc_copyout"):
        plsc.subcore_barrier()

        @pl.loop(0, 5)
        def _(i):
            pltpu.sync_copy(c_sh.at[pl.ds(sid * 640 + i * 128, 128)], rows_v)
            pltpu.sync_copy(
                rows_v,
                cout_h.at[pl.ds(cid * NPD + sid * 640 + i * 128, 128)])


def _sc_aggregate(pd, ps, hv_p, src_p, dst_p, b16):
    mesh = plsc.VectorSubcoreMesh(core_axis_name="core", subcore_axis_name="subcore")
    cp = pltpu.CompilerParams()
    if "needs_layout_passes" in pltpu.CompilerParams.__dataclass_fields__:
        cp = dataclasses.replace(cp, needs_layout_passes=False)
    return pl.kernel(
        _sc_body,
        compiler_params=cp,
        out_type=jax.ShapeDtypeStruct((2 * NPD, G), jnp.float32),
        mesh=mesh,
        scratch_types=[
            pltpu.VMEM((NP,), jnp.float32),
            pltpu.VMEM((NP,), jnp.float32),
            pltpu.VMEM((8, 128), jnp.int32),
            pltpu.VMEM((8, 128), jnp.int32),
            pltpu.VMEM((80, 128), jnp.float32),
            pltpu.VMEM((128, G), jnp.float32),
            pltpu.VMEM((128,), jnp.float32),
            pltpu.VMEM((1, 80), jnp.int32),
            pltpu.VMEM_SHARED((NPD, G), jnp.float32),
            pltpu.SemaphoreType.DMA,
            pltpu.SemaphoreType.DMA,
            pltpu.SemaphoreType.DMA,
            pltpu.SemaphoreType.DMA,
        ],
    )(pd, ps, hv_p, src_p, dst_p, b16)



def _gru_body(cp_ref, x_ref, wih_ref, whh_ref, bih_ref, bhh_ref, g_ref, bt_ref,
              y_ref, out_scr, sum_scr, sq_scr):
    p = pl.program_id(0)
    i = pl.program_id(1)
    blk = 1000

    @pl.when(p == 0)
    def _():
        xb = x_ref[...]
        cb = cp_ref[0] + cp_ref[1]
        ctx = jnp.where(cb > 0, cb, jnp.exp(jnp.minimum(cb, 0.0)) - 1.0)
        gi = _dot(ctx, wih_ref[...]) + bih_ref[...]
        gh = _dot(xb, whh_ref[...]) + bhh_ref[...]
        r = jax.nn.sigmoid(gi[:, :G] + gh[:, :G])
        z = jax.nn.sigmoid(gi[:, G:2 * G] + gh[:, G:2 * G])
        n = jnp.tanh(gi[:, 2 * G:] + r * gh[:, 2 * G:])
        out = jnp.maximum((1.0 - z) * n + z * xb, 0.0)
        out_scr[pl.ds(i * blk, blk), :] = out
        so = jnp.sum(out, axis=0, keepdims=True)
        sq = jnp.sum(out * out, axis=0, keepdims=True)

        @pl.when(i == 0)
        def _():
            sum_scr[...] = so
            sq_scr[...] = sq

        @pl.when(i > 0)
        def _():
            sum_scr[...] += so
            sq_scr[...] += sq

    @pl.when(p == 1)
    def _():
        mean = sum_scr[...] * (1.0 / N)
        var = sq_scr[...] * (1.0 / N) - mean * mean
        inv = jax.lax.rsqrt(var + 1e-5)
        y_ref[...] = ((out_scr[pl.ds(i * blk, blk), :] - mean) * inv
                      * g_ref[...] + bt_ref[...])


def _gru_bn(c_pair, x, wih, whh, bih, bhh, gamma, beta):
    blk = 1000
    return pl.pallas_call(
        _gru_body,
        grid=(2, N // blk),
        in_specs=[
            pl.BlockSpec((2, blk, G), lambda p, i: (0, i, 0)),
            pl.BlockSpec((blk, D), lambda p, i: (i, 0)),
            pl.BlockSpec((G, 3 * D), lambda p, i: (0, 0)),
            pl.BlockSpec((D, 3 * D), lambda p, i: (0, 0)),
            pl.BlockSpec((1, 3 * D), lambda p, i: (0, 0)),
            pl.BlockSpec((1, 3 * D), lambda p, i: (0, 0)),
            pl.BlockSpec((1, G), lambda p, i: (0, 0)),
            pl.BlockSpec((1, G), lambda p, i: (0, 0)),
        ],
        out_specs=pl.BlockSpec((blk, G), lambda p, i: (i, 0)),
        out_shape=jax.ShapeDtypeStruct((N, G), jnp.float32),
        scratch_shapes=[
            pltpu.VMEM((N, G), jnp.float32),
            pltpu.VMEM((1, G), jnp.float32),
            pltpu.VMEM((1, G), jnp.float32),
        ],
    )(c_pair, x, wih, whh, bih, bhh, gamma, beta)



def kernel(node_feats, edge_index, W_edge, b_edge, W_proj, b_proj,
           W_ih, b_ih, W_hh, b_hh, gamma, beta):
    wcat = jnp.concatenate(
        [W_proj.T,
         W_edge[0, :D][:, None],
         W_edge[0, D:][:, None],
         jnp.zeros((D, G - 2), jnp.float32)], axis=1)
    hv, pq = _prep(node_feats, wcat, b_proj.reshape(1, G))

    pd = jnp.pad(pq[:, 0], (0, NP - N))
    ps = jnp.pad(pq[:, 1], (0, NP - N))
    hv_p = jnp.pad(hv, ((0, NP - N), (0, 0)))

    pad_n = (EP - E) // 32
    pad_src = jnp.broadcast_to(
        N + (jnp.arange(pad_n, dtype=jnp.int32) % 16), (32, pad_n))
    pad_dst = jnp.broadcast_to(
        N + (jnp.arange(32, dtype=jnp.int32) % 16)[:, None], (32, pad_n))
    src_p = jnp.concatenate(
        [edge_index[0].reshape(32, E // 32), pad_src], axis=1).reshape(ER, 128)
    dst_p = jnp.concatenate(
        [edge_index[1].reshape(32, E // 32), pad_dst], axis=1).reshape(ER, 128)
    b16 = jnp.broadcast_to(b_edge, (16,)).astype(jnp.float32)

    cout = _sc_aggregate(pd, ps, hv_p, src_p, dst_p, b16)
    c_pair = cout.reshape(2, NPD, G)

    return _gru_bn(c_pair, node_feats,
                   W_ih.T, W_hh.T,
                   b_ih.reshape(1, 3 * D), b_hh.reshape(1, 3 * D),
                   gamma.reshape(1, G), beta.reshape(1, G))

# --- scband reference (transcript-rebuilt; emitter-appended) ---
"""Pipeline reference for scband-gnnlayer-5136780886782 (READ-ONLY COPY).

The authoritative reference and input builder live on the scoring server;
editing this copy changes nothing except your own understanding.
"""

import jax, jax.numpy as jnp
import numpy as np

N = 10000
E = 320000
D = 128  # node_feat_size
G = 128  # graph_feat_size


def setup_inputs(seed: int = 0) -> dict:
    key = jax.random.key(seed)
    ks = jax.random.split(key, 12)
    node_feats = jax.random.normal(ks[0], (N, D), dtype=jnp.float32)
    edge_index = jax.random.randint(ks[1], (2, E), 0, N, dtype=jnp.int32)
    s_edge = 1.0 / np.sqrt(2 * D)
    s_proj = 1.0 / np.sqrt(D)
    s_gru_i = 1.0 / np.sqrt(G)
    s_gru_h = 1.0 / np.sqrt(D)
    W_edge = jax.random.uniform(ks[2], (1, 2 * D), jnp.float32, -s_edge, s_edge)
    b_edge = jax.random.uniform(ks[3], (1,), jnp.float32, -s_edge, s_edge)
    W_proj = jax.random.uniform(ks[4], (G, D), jnp.float32, -s_proj, s_proj)
    b_proj = jax.random.uniform(ks[5], (G,), jnp.float32, -s_proj, s_proj)
    W_ih = jax.random.uniform(ks[6], (3 * D, G), jnp.float32, -s_gru_i, s_gru_i)
    b_ih = jax.random.uniform(ks[7], (3 * D,), jnp.float32, -s_gru_i, s_gru_i)
    W_hh = jax.random.uniform(ks[8], (3 * D, D), jnp.float32, -s_gru_h, s_gru_h)
    b_hh = jax.random.uniform(ks[9], (3 * D,), jnp.float32, -s_gru_h, s_gru_h)
    gamma = jnp.ones((G,), jnp.float32)
    beta = jnp.zeros((G,), jnp.float32)
    return {"node_feats": node_feats, "edge_index": edge_index,
            "W_edge": W_edge, "b_edge": b_edge, "W_proj": W_proj, "b_proj": b_proj,
            "W_ih": W_ih, "b_ih": b_ih, "W_hh": W_hh, "b_hh": b_hh,
            "gamma": gamma, "beta": beta}


def reference(node_feats, edge_index, W_edge, b_edge, W_proj, b_proj,
              W_ih, b_ih, W_hh, b_hh, gamma, beta):
    src = edge_index[0]
    dst = edge_index[1]
    # apply_edges: he = cat([dst_hv, src_hv])
    he = jnp.concatenate([node_feats[dst], node_feats[src]], axis=1)
    # project_edge: Linear(2d -> 1) + LeakyReLU (dropout = identity in eval)
    logits = jax.nn.leaky_relu(he @ W_edge.T + b_edge, negative_slope=0.01)[:, 0]
    # edge_softmax grouped by destination node
    mx = jax.ops.segment_max(logits, dst, num_segments=N)
    ex = jnp.exp(logits - mx[dst])
    denom = jax.ops.segment_sum(ex, dst, num_segments=N)
    a = ex / denom[dst]
    e = a + 1.0
    # project_node then src_mul_edge + sum aggregation
    hv = node_feats @ W_proj.T + b_proj
    msg = hv[src] * e[:, None]
    c = jax.ops.segment_sum(msg, dst, num_segments=N)
    context = jax.nn.elu(c)
    # GRUCell(context, node_feats)
    gi = context @ W_ih.T + b_ih
    gh = node_feats @ W_hh.T + b_hh
    i_r, i_z, i_n = jnp.split(gi, 3, axis=1)
    h_r, h_z, h_n = jnp.split(gh, 3, axis=1)
    r = jax.nn.sigmoid(i_r + h_r)
    z = jax.nn.sigmoid(i_z + h_z)
    n = jnp.tanh(i_n + r * h_n)
    h = (1.0 - z) * n + z * node_feats
    out = jax.nn.relu(h)
    # BatchNorm1d (training-mode batch statistics)
    mean = out.mean(axis=0)
    var = out.var(axis=0)
    y = (out - mean) / jnp.sqrt(var + 1e-5) * gamma + beta
    return y

if __name__ == "__main__":
    import jax
    _d = setup_inputs()
    print(jax.jit(kernel)(*tuple(_d.values())))

</pallas_src>

<mosaic_0001>
#map = affine_map<(d0, d1) -> (0)>
#map1 = affine_map<(d0, d1) -> (0, 0)>
module attributes {stable_mosaic.version = 14 : i64} {
  func.func @_sc_body(%arg0: i32, %arg1: i32, %arg2: memref<10016xf32, #tpu.memory_space<hbm>>, %arg3: memref<10016xf32, #tpu.memory_space<hbm>>, %arg4: memref<10016x128xf32, #tpu.memory_space<hbm>>, %arg5: memref<2560x128xi32, #tpu.memory_space<hbm>>, %arg6: memref<2560x128xi32, #tpu.memory_space<hbm>>, %arg7: memref<16xf32, #tpu.memory_space<hbm>>, %arg8: memref<20480x128xf32, #tpu.memory_space<hbm>>, %arg9: memref<10016xf32, #tpu.memory_space<vmem>>, %arg10: memref<10016xf32, #tpu.memory_space<vmem>>, %arg11: memref<8x128xi32, #tpu.memory_space<vmem>>, %arg12: memref<8x128xi32, #tpu.memory_space<vmem>>, %arg13: memref<80x128xf32, #tpu.memory_space<vmem>>, %arg14: memref<128x128xf32, #tpu.memory_space<vmem>>, %arg15: memref<128xf32, #tpu.memory_space<vmem>>, %arg16: memref<1x80xi32, #tpu.memory_space<vmem>>, %arg17: memref<10240x128xf32, #tpu.memory_space<vmem_shared>>, %arg18: memref<!tpu.dma_semaphore, #tpu.memory_space<semaphore_mem>>, %arg19: memref<!tpu.dma_semaphore, #tpu.memory_space<semaphore_mem>>, %arg20: memref<!tpu.dma_semaphore, #tpu.memory_space<semaphore_mem>>, %arg21: memref<!tpu.dma_semaphore, #tpu.memory_space<semaphore_mem>>) attributes {dimension_semantics = [#tpu.dimension_semantics<core_parallel>, #tpu.dimension_semantics<subcore_parallel>], iteration_bounds = array<i64: 2, 16>, scalar_prefetch = 0 : i64, scratch_operands = 13 : i64, tpu.core_type = #tpu.core_type<sc_vector_subcore>, window_params = [{transform_indices = #map}, {transform_indices = #map}, {transform_indices = #map1}, {transform_indices = #map1}, {transform_indices = #map1}, {transform_indices = #map}, {transform_indices = #map1}]} {
    "tpu.region"() ({
      %run_scoped3A_147 = tpu.sem_alloc : memref<!tpu.dma_semaphore, #tpu.memory_space<semaphore_mem>>
      tpu.enqueue_dma source(%arg2 : memref<10016xf32, #tpu.memory_space<hbm>>) target(%arg9 : memref<10016xf32, #tpu.memory_space<vmem>>) target_semaphore(%run_scoped3A_147 : memref<!tpu.dma_semaphore, #tpu.memory_space<semaphore_mem>>)
      tpu.wait_dma2 semaphore(%run_scoped3A_147 : memref<!tpu.dma_semaphore, #tpu.memory_space<semaphore_mem>>) src(%arg2 : memref<10016xf32, #tpu.memory_space<hbm>>) dst(%arg9 : memref<10016xf32, #tpu.memory_space<vmem>>)
      tpu.yield
    }) : () -> ()
    "tpu.region"() ({
      %run_scoped3A_147 = tpu.sem_alloc : memref<!tpu.dma_semaphore, #tpu.memory_space<semaphore_mem>>
      tpu.enqueue_dma source(%arg3 : memref<10016xf32, #tpu.memory_space<hbm>>) target(%arg10 : memref<10016xf32, #tpu.memory_space<vmem>>) target_semaphore(%run_scoped3A_147 : memref<!tpu.dma_semaphore, #tpu.memory_space<semaphore_mem>>)
      tpu.wait_dma2 semaphore(%run_scoped3A_147 : memref<!tpu.dma_semaphore, #tpu.memory_space<semaphore_mem>>) src(%arg3 : memref<10016xf32, #tpu.memory_space<hbm>>) dst(%arg10 : memref<10016xf32, #tpu.memory_space<vmem>>)
      tpu.yield
    }) : () -> ()
    "tpu.region"() ({
      %run_scoped3A_147 = tpu.sem_alloc : memref<!tpu.dma_semaphore, #tpu.memory_space<semaphore_mem>>
      %dma_start3A_148 = arith.constant 112 : i32
      %dma_start3A_149 = tpu.memref_slice %arg15[%dma_start3A_148] : memref<128xf32, #tpu.memory_space<vmem>> -> memref<16xf32, #tpu.memory_space<vmem>>
      %dma_start3A_150 = arith.constant 112 : i32
      %dma_start3A_151 = tpu.memref_slice %arg15[%dma_start3A_150] : memref<128xf32, #tpu.memory_space<vmem>> -> memref<16xf32, #tpu.memory_space<vmem>>
      tpu.enqueue_dma source(%arg7 : memref<16xf32, #tpu.memory_space<hbm>>) target(%dma_start3A_151 : memref<16xf32, #tpu.memory_space<vmem>>) target_semaphore(%run_scoped3A_147 : memref<!tpu.dma_semaphore, #tpu.memory_space<semaphore_mem>>)
      %dma_wait3A_152 = arith.constant 112 : i32
      %dma_wait3A_153 = tpu.memref_slice %arg15[%dma_wait3A_152] : memref<128xf32, #tpu.memory_space<vmem>> -> memref<16xf32, #tpu.memory_space<vmem>>
      %dma_wait3A_154 = arith.constant 112 : i32
      %dma_wait3A_155 = tpu.memref_slice %arg15[%dma_wait3A_154] : memref<128xf32, #tpu.memory_space<vmem>> -> memref<16xf32, #tpu.memory_space<vmem>>
      tpu.wait_dma2 semaphore(%run_scoped3A_147 : memref<!tpu.dma_semaphore, #tpu.memory_space<semaphore_mem>>) src(%arg7 : memref<16xf32, #tpu.memory_space<hbm>>) dst(%dma_wait3A_155 : memref<16xf32, #tpu.memory_space<vmem>>)
      tpu.yield
    }) : () -> ()
    %broadcast_in_dim3A = arith.constant 0.000000e+00 : f32
    %broadcast_in_dim3A_0 = vector.broadcast %broadcast_in_dim3A : f32 to vector<16xf32>
    %scan3A = arith.constant 0 : i32
    %scan3A_1 = arith.constant 80 : i32
    %scan3A_2 = arith.addi %scan3A, %scan3A_1 : i32
    %scan3A_3 = arith.constant 1 : i32
    scf.for %scan3A_147 = %scan3A to %scan3A_2 step %scan3A_3  : i32 {
      %mul3A_148 = arith.constant 1 : i32
      %mul3A_149 = arith.muli %scan3A_147, %mul3A_148 : i32
      %add3A_150 = arith.constant 0 : i32
      %add3A_151 = arith.addi %add3A_150, %mul3A_149 : i32
      %swap3A_152 = arith.index_cast %add3A_151 : i32 to index
      %swap3A_153 = arith.constant 0 : index
      %swap3A_154 = tpu.vector_load %arg13[%swap3A_152, %swap3A_153] {strides = array<i32>} : memref<80x128xf32, #tpu.memory_space<vmem>>, vector<16xf32>,
      tpu.vector_store %arg13[%swap3A_152, %swap3A_153], %broadcast_in_dim3A_0 {strides = array<i32>} : memref<80x128xf32, #tpu.memory_space<vmem>>, vector<16xf32>,
      %swap3A_155 = arith.index_cast %add3A_151 : i32 to index
      %swap3A_156 = arith.constant 16 : index
      %swap3A_157 = tpu.vector_load %arg13[%swap3A_155, %swap3A_156] {strides = array<i32>} : memref<80x128xf32, #tpu.memory_space<vmem>>, vector<16xf32>,
      tpu.vector_store %arg13[%swap3A_155, %swap3A_156], %broadcast_in_dim3A_0 {strides = array<i32>} : memref<80x128xf32, #tpu.memory_space<vmem>>, vector<16xf32>,
      %swap3A_158 = arith.index_cast %add3A_151 : i32 to index
      %swap3A_159 = arith.constant 32 : index
      %swap3A_160 = tpu.vector_load %arg13[%swap3A_158, %swap3A_159] {strides = array<i32>} : memref<80x128xf32, #tpu.memory_space<vmem>>, vector<16xf32>,
      tpu.vector_store %arg13[%swap3A_158, %swap3A_159], %broadcast_in_dim3A_0 {strides = array<i32>} : memref<80x128xf32, #tpu.memory_space<vmem>>, vector<16xf32>,
      %swap3A_161 = arith.index_cast %add3A_151 : i32 to index
      %swap3A_162 = arith.constant 48 : index
      %swap3A_163 = tpu.vector_load %arg13[%swap3A_161, %swap3A_162] {strides = array<i32>} : memref<80x128xf32, #tpu.memory_space<vmem>>, vector<16xf32>,
      tpu.vector_store %arg13[%swap3A_161, %swap3A_162], %broadcast_in_dim3A_0 {strides = array<i32>} : memref<80x128xf32, #tpu.memory_space<vmem>>, vector<16xf32>,
      %swap3A_164 = arith.index_cast %add3A_151 : i32 to index
      %swap3A_165 = arith.constant 64 : index
      %swap3A_166 = tpu.vector_load %arg13[%swap3A_164, %swap3A_165] {strides = array<i32>} : memref<80x128xf32, #tpu.memory_space<vmem>>, vector<16xf32>,
      tpu.vector_store %arg13[%swap3A_164, %swap3A_165], %broadcast_in_dim3A_0 {strides = array<i32>} : memref<80x128xf32, #tpu.memory_space<vmem>>, vector<16xf32>,
      %swap3A_167 = arith.index_cast %add3A_151 : i32 to index
      %swap3A_168 = arith.constant 80 : index
      %swap3A_169 = tpu.vector_load %arg13[%swap3A_167, %swap3A_168] {strides = array<i32>} : memref<80x128xf32, #tpu.memory_space<vmem>>, vector<16xf32>,
      tpu.vector_store %arg13[%swap3A_167, %swap3A_168], %broadcast_in_dim3A_0 {strides = array<i32>} : memref<80x128xf32, #tpu.memory_space<vmem>>, vector<16xf32>,
      %swap3A_170 = arith.index_cast %add3A_151 : i32 to index
      %swap3A_171 = arith.constant 96 : index
      %swap3A_172 = tpu.vector_load %arg13[%swap3A_170, %swap3A_171] {strides = array<i32>} : memref<80x128xf32, #tpu.memory_space<vmem>>, vector<16xf32>,
      tpu.vector_store %arg13[%swap3A_170, %swap3A_171], %broadcast_in_dim3A_0 {strides = array<i32>} : memref<80x128xf32, #tpu.memory_space<vmem>>, vector<16xf32>,
      %swap3A_173 = arith.index_cast %add3A_151 : i32 to index
      %swap3A_174 = arith.constant 112 : index
      %swap3A_175 = tpu.vector_load %arg13[%swap3A_173, %swap3A_174] {strides = array<i32>} : memref<80x128xf32, #tpu.memory_space<vmem>>, vector<16xf32>,
      tpu.vector_store %arg13[%swap3A_173, %swap3A_174], %broadcast_in_dim3A_0 {strides = array<i32>} : memref<80x128xf32, #tpu.memory_space<vmem>>, vector<16xf32>,
    }
    %scan3A_4 = arith.constant 80 : i32
    %scan3A_5 = arith.constant 0 : i32
    %scan3A_6 = arith.constant 128 : i32
    %scan3A_7 = arith.addi %scan3A_5, %scan3A_6 : i32
    %scan3A_8 = arith.constant 1 : i32
    scf.for %scan3A_147 = %scan3A_5 to %scan3A_7 step %scan3A_8  : i32 {
      %mul3A_148 = arith.constant 1 : i32
      %mul3A_149 = arith.muli %scan3A_147, %mul3A_148 : i32
      %add3A_150 = arith.constant 0 : i32
      %add3A_151 = arith.addi %add3A_150, %mul3A_149 : i32
      %swap3A_152 = arith.index_cast %add3A_151 : i32 to index
      %swap3A_153 = arith.constant 0 : index
      %swap3A_154 = tpu.vector_load %arg14[%swap3A_152, %swap3A_153] {strides = array<i32>} : memref<128x128xf32, #tpu.memory_space<vmem>>, vector<16xf32>,
      tpu.vector_store %arg14[%swap3A_152, %swap3A_153], %broadcast_in_dim3A_0 {strides = array<i32>} : memref<128x128xf32, #tpu.memory_space<vmem>>, vector<16xf32>,
      %swap3A_155 = arith.index_cast %add3A_151 : i32 to index
      %swap3A_156 = arith.constant 16 : index
      %swap3A_157 = tpu.vector_load %arg14[%swap3A_155, %swap3A_156] {strides = array<i32>} : memref<128x128xf32, #tpu.memory_space<vmem>>, vector<16xf32>,
      tpu.vector_store %arg14[%swap3A_155, %swap3A_156], %broadcast_in_dim3A_0 {strides = array<i32>} : memref<128x128xf32, #tpu.memory_space<vmem>>, vector<16xf32>,
      %swap3A_158 = arith.index_cast %add3A_151 : i32 to index
      %swap3A_159 = arith.constant 32 : index
      %swap3A_160 = tpu.vector_load %arg14[%swap3A_158, %swap3A_159] {strides = array<i32>} : memref<128x128xf32, #tpu.memory_space<vmem>>, vector<16xf32>,
      tpu.vector_store %arg14[%swap3A_158, %swap3A_159], %broadcast_in_dim3A_0 {strides = array<i32>} : memref<128x128xf32, #tpu.memory_space<vmem>>, vector<16xf32>,
      %swap3A_161 = arith.index_cast %add3A_151 : i32 to index
      %swap3A_162 = arith.constant 48 : index
      %swap3A_163 = tpu.vector_load %arg14[%swap3A_161, %swap3A_162] {strides = array<i32>} : memref<128x128xf32, #tpu.memory_space<vmem>>, vector<16xf32>,
      tpu.vector_store %arg14[%swap3A_161, %swap3A_162], %broadcast_in_dim3A_0 {strides = array<i32>} : memref<128x128xf32, #tpu.memory_space<vmem>>, vector<16xf32>,
      %swap3A_164 = arith.index_cast %add3A_151 : i32 to index
      %swap3A_165 = arith.constant 64 : index
      %swap3A_166 = tpu.vector_load %arg14[%swap3A_164, %swap3A_165] {strides = array<i32>} : memref<128x128xf32, #tpu.memory_space<vmem>>, vector<16xf32>,
      tpu.vector_store %arg14[%swap3A_164, %swap3A_165], %broadcast_in_dim3A_0 {strides = array<i32>} : memref<128x128xf32, #tpu.memory_space<vmem>>, vector<16xf32>,
      %swap3A_167 = arith.index_cast %add3A_151 : i32 to index
      %swap3A_168 = arith.constant 80 : index
      %swap3A_169 = tpu.vector_load %arg14[%swap3A_167, %swap3A_168] {strides = array<i32>} : memref<128x128xf32, #tpu.memory_space<vmem>>, vector<16xf32>,
      tpu.vector_store %arg14[%swap3A_167, %swap3A_168], %broadcast_in_dim3A_0 {strides = array<i32>} : memref<128x128xf32, #tpu.memory_space<vmem>>, vector<16xf32>,
      %swap3A_170 = arith.index_cast %add3A_151 : i32 to index
      %swap3A_171 = arith.constant 96 : index
      %swap3A_172 = tpu.vector_load %arg14[%swap3A_170, %swap3A_171] {strides = array<i32>} : memref<128x128xf32, #tpu.memory_space<vmem>>, vector<16xf32>,
      tpu.vector_store %arg14[%swap3A_170, %swap3A_171], %broadcast_in_dim3A_0 {strides = array<i32>} : memref<128x128xf32, #tpu.memory_space<vmem>>, vector<16xf32>,
      %swap3A_173 = arith.index_cast %add3A_151 : i32 to index
      %swap3A_174 = arith.constant 112 : index
      %swap3A_175 = tpu.vector_load %arg14[%swap3A_173, %swap3A_174] {strides = array<i32>} : memref<128x128xf32, #tpu.memory_space<vmem>>, vector<16xf32>,
      tpu.vector_store %arg14[%swap3A_173, %swap3A_174], %broadcast_in_dim3A_0 {strides = array<i32>} : memref<128x128xf32, #tpu.memory_space<vmem>>, vector<16xf32>,
    }
    %scan3A_9 = arith.constant 128 : i32
    %scan3A_10 = arith.constant 0 : i32
    %scan3A_11 = arith.constant 5 : i32
    %scan3A_12 = arith.addi %scan3A_10, %scan3A_11 : i32
    %scan3A_13 = arith.constant 1 : i32
    scf.for %scan3A_147 = %scan3A_10 to %scan3A_12 step %scan3A_13  : i32 {
      %mul3A_148 = arith.constant 1 : i32
      %mul3A_149 = arith.muli %scan3A_147, %mul3A_148 : i32
      %add3A_150 = arith.constant 0 : i32
      %add3A_151 = arith.addi %add3A_150, %mul3A_149 : i32
      %mul3A_152 = arith.constant 640 : i32
      %mul3A_153 = arith.muli %arg1, %mul3A_152 : i32
      %mul3A_154 = arith.constant 128 : i32
      %mul3A_155 = arith.muli %add3A_151, %mul3A_154 : i32
      %add3A_156 = arith.addi %mul3A_153, %mul3A_155 : i32
      "tpu.region"() ({
        %run_scoped3A_157 = tpu.sem_alloc : memref<!tpu.dma_semaphore, #tpu.memory_space<semaphore_mem>>
        %dma_start3A_158 = arith.constant 0 : i32
        %dma_start3A_159 = tpu.memref_slice %arg17[%add3A_156, %dma_start3A_158] : memref<10240x128xf32, #tpu.memory_space<vmem_shared>> -> memref<128x128xf32, #tpu.memory_space<vmem_shared>>
        %dma_start3A_160 = arith.constant 0 : i32
        %dma_start3A_161 = tpu.memref_slice %arg17[%add3A_156, %dma_start3A_160] : memref<10240x128xf32, #tpu.memory_space<vmem_shared>> -> memref<128x128xf32, #tpu.memory_space<vmem_shared>>
        tpu.enqueue_dma source(%arg14 : memref<128x128xf32, #tpu.memory_space<vmem>>) target(%dma_start3A_161 : memref<128x128xf32, #tpu.memory_space<vmem_shared>>) target_semaphore(%run_scoped3A_157 : memref<!tpu.dma_semaphore, #tpu.memory_space<semaphore_mem>>)
        %dma_wait3A_162 = arith.constant 0 : i32
        %dma_wait3A_163 = tpu.memref_slice %arg17[%add3A_156, %dma_wait3A_162] : memref<10240x128xf32, #tpu.memory_space<vmem_shared>> -> memref<128x128xf32, #tpu.memory_space<vmem_shared>>
        %dma_wait3A_164 = arith.constant 0 : i32
        %dma_wait3A_165 = tpu.memref_slice %arg17[%add3A_156, %dma_wait3A_164] : memref<10240x128xf32, #tpu.memory_space<vmem_shared>> -> memref<128x128xf32, #tpu.memory_space<vmem_shared>>
        tpu.wait_dma2 semaphore(%run_scoped3A_157 : memref<!tpu.dma_semaphore, #tpu.memory_space<semaphore_mem>>) src(%arg14 : memref<128x128xf32, #tpu.memory_space<vmem>>) dst(%dma_wait3A_165 : memref<128x128xf32, #tpu.memory_space<vmem_shared>>)
        tpu.yield
      }) : () -> ()
    }
    %scan3A_14 = arith.constant 5 : i32
    %broadcast_in_dim3A_15 = arith.constant -3.000000e+38 : f32
    %broadcast_in_dim3A_16 = vector.broadcast %broadcast_in_dim3A_15 : f32 to vector<16xf32>
    %swap3A = arith.constant 0 : index
    %swap3A_17 = tpu.vector_load %arg15[%swap3A] {strides = array<i32>} : memref<128xf32, #tpu.memory_space<vmem>>, vector<16xf32>,
    tpu.vector_store %arg15[%swap3A], %broadcast_in_dim3A_16 {strides = array<i32>} : memref<128xf32, #tpu.memory_space<vmem>>, vector<16xf32>,
    %broadcast_in_dim3A_18 = arith.constant -3.000000e+38 : f32
    %broadcast_in_dim3A_19 = vector.broadcast %broadcast_in_dim3A_18 : f32 to vector<16xf32>
    %swap3A_20 = arith.constant 16 : index
    %swap3A_21 = tpu.vector_load %arg15[%swap3A_20] {strides = array<i32>} : memref<128xf32, #tpu.memory_space<vmem>>, vector<16xf32>,
    tpu.vector_store %arg15[%swap3A_20], %broadcast_in_dim3A_19 {strides = array<i32>} : memref<128xf32, #tpu.memory_space<vmem>>, vector<16xf32>,
    %scan3A_22 = arith.constant 0 : i32
    %scan3A_23 = arith.constant 626 : i32
    %scan3A_24 = arith.addi %scan3A_22, %scan3A_23 : i32
    %scan3A_25 = arith.constant 1 : i32
    scf.for %scan3A_147 = %scan3A_22 to %scan3A_24 step %scan3A_25  : i32 {
      %mul3A_148 = arith.constant 1 : i32
      %mul3A_149 = arith.muli %scan3A_147, %mul3A_148 : i32
      %add3A_150 = arith.constant 0 : i32
      %add3A_151 = arith.addi %add3A_150, %mul3A_149 : i32
      %get3A_152 = arith.constant 0 : index
      %get3A_153 = tpu.vector_load %arg15[%get3A_152] {strides = array<i32>} : memref<128xf32, #tpu.memory_space<vmem>>, vector<16xf32>,
      %mul3A_154 = arith.constant 16 : i32
      %mul3A_155 = arith.muli %add3A_151, %mul3A_154 : i32
      %get3A_156 = arith.index_cast %mul3A_155 : i32 to index
      %get3A_157 = tpu.vector_load %arg9[%get3A_156] {strides = array<i32>} : memref<10016xf32, #tpu.memory_space<vmem>>, vector<16xf32>,
      %max3A_158 = arith.maximumf %get3A_153, %get3A_157 : vector<16xf32>
      %swap3A_159 = arith.constant 0 : index
      %swap3A_160 = tpu.vector_load %arg15[%swap3A_159] {strides = array<i32>} : memref<128xf32, #tpu.memory_space<vmem>>, vector<16xf32>,
      tpu.vector_store %arg15[%swap3A_159], %max3A_158 {strides = array<i32>} : memref<128xf32, #tpu.memory_space<vmem>>, vector<16xf32>,
      %get3A_161 = arith.constant 16 : index
      %get3A_162 = tpu.vector_load %arg15[%get3A_161] {strides = array<i32>} : memref<128xf32, #tpu.memory_space<vmem>>, vector<16xf32>,
      %mul3A_163 = arith.constant 16 : i32
      %mul3A_164 = arith.muli %add3A_151, %mul3A_163 : i32
      %get3A_165 = arith.index_cast %mul3A_164 : i32 to index
      %get3A_166 = tpu.vector_load %arg10[%get3A_165] {strides = array<i32>} : memref<10016xf32, #tpu.memory_space<vmem>>, vector<16xf32>,
      %max3A_167 = arith.maximumf %get3A_162, %get3A_166 : vector<16xf32>
      %swap3A_168 = arith.constant 16 : index
      %swap3A_169 = tpu.vector_load %arg15[%swap3A_168] {strides = array<i32>} : memref<128xf32, #tpu.memory_space<vmem>>, vector<16xf32>,
      tpu.vector_store %arg15[%swap3A_168], %max3A_167 {strides = array<i32>} : memref<128xf32, #tpu.memory_space<vmem>>, vector<16xf32>,
    }
    %scan3A_26 = arith.constant 626 : i32
    %get3A = arith.constant 112 : index
    %get3A_27 = tpu.vector_load %arg15[%get3A] {strides = array<i32>} : memref<128xf32, #tpu.memory_space<vmem>>, vector<16xf32>,
    %slice3A = vector.extract_strided_slice %get3A_27 {offsets = [0], sizes = [1], strides = [1]} : vector<16xf32> to vector<1xf32>
    %squeeze3A = vector.extract %slice3A[0] : f32 from vector<1xf32>
    %get3A_28 = arith.constant 0 : index
    %get3A_29 = tpu.vector_load %arg15[%get3A_28] {strides = array<i32>} : memref<128xf32, #tpu.memory_space<vmem>>, vector<16xf32>,
    %reduce_max3A = arith.constant true
    %reduce_max3A_30 = vector.broadcast %reduce_max3A : i1 to vector<16xi1>
    %reduce_max3A_31 = tpu.scan <max>, %get3A_29 masked %reduce_max3A_30 : vector<16xf32>, vector<16xi1> -> vector<16xf32>
    %reduce_max3A_32 = vector.extract %reduce_max3A_31[15] : f32 from vector<16xf32>
    %get3A_33 = arith.constant 16 : index
    %get3A_34 = tpu.vector_load %arg15[%get3A_33] {strides = array<i32>} : memref<128xf32, #tpu.memory_space<vmem>>, vector<16xf32>,
    %reduce_max3A_35 = arith.constant true
    %reduce_max3A_36 = vector.broadcast %reduce_max3A_35 : i1 to vector<16xi1>
    %reduce_max3A_37 = tpu.scan <max>, %get3A_34 masked %reduce_max3A_36 : vector<16xf32>, vector<16xi1> -> vector<16xf32>
    %reduce_max3A_38 = vector.extract %reduce_max3A_37[15] : f32 from vector<16xf32>
    %add3A = arith.addf %reduce_max3A_32, %reduce_max3A_38 : f32
    %add3A_39 = arith.addf %add3A, %squeeze3A : f32
    %mul3A = arith.constant 0.00999999977 : f32
    %mul3A_40 = arith.mulf %mul3A, %add3A_39 : f32
    %max3A = arith.maximumf %add3A_39, %mul3A_40 : f32
    %mul3A_41 = arith.constant 160 : i32
    %mul3A_42 = arith.muli %arg1, %mul3A_41 : i32
    "tpu.trace_start"() <{level = 10 : i32, message = "sc_phase_a"}> : () -> ()
    %scan3A_43 = arith.constant 0 : i32
    %scan3A_44 = arith.constant 20 : i32
    %scan3A_45 = arith.addi %scan3A_43, %scan3A_44 : i32
    %scan3A_46 = arith.constant 1 : i32
    scf.for %scan3A_147 = %scan3A_43 to %scan3A_45 step %scan3A_46  : i32 {
      %mul3A_148 = arith.constant 1 : i32
      %mul3A_149 = arith.muli %scan3A_147, %mul3A_148 : i32
      %add3A_150 = arith.constant 0 : i32
      %add3A_151 = arith.addi %add3A_150, %mul3A_149 : i32
      %mul3A_152 = arith.constant 8 : i32
      %mul3A_153 = arith.muli %add3A_151, %mul3A_152 : i32
      %add3A_154 = arith.addi %mul3A_42, %mul3A_153 : i32
      %dma_start3A_155 = arith.constant 0 : i32
      %dma_start3A_156 = tpu.memref_slice %arg5[%add3A_154, %dma_start3A_155] : memref<2560x128xi32, #tpu.memory_space<hbm>> -> memref<8x128xi32, #tpu.memory_space<hbm>>
      %dma_start3A_157 = arith.constant 0 : i32
      %dma_start3A_158 = tpu.memref_slice %arg5[%add3A_154, %dma_start3A_157] : memref<2560x128xi32, #tpu.memory_space<hbm>> -> memref<8x128xi32, #tpu.memory_space<hbm>>
      tpu.enqueue_dma source(%dma_start3A_158 : memref<8x128xi32, #tpu.memory_space<hbm>>) target(%arg11 : memref<8x128xi32, #tpu.memory_space<vmem>>) target_semaphore(%arg18 : memref<!tpu.dma_semaphore, #tpu.memory_space<semaphore_mem>>)
      %mul3A_159 = arith.constant 8 : i32
      %mul3A_160 = arith.muli %add3A_151, %mul3A_159 : i32
      %add3A_161 = arith.addi %mul3A_42, %mul3A_160 : i32
      %dma_start3A_162 = arith.constant 0 : i32
      %dma_start3A_163 = tpu.memref_slice %arg6[%add3A_161, %dma_start3A_162] : memref<2560x128xi32, #tpu.memory_space<hbm>> -> memref<8x128xi32, #tpu.memory_space<hbm>>
      %dma_start3A_164 = arith.constant 0 : i32
      %dma_start3A_165 = tpu.memref_slice %arg6[%add3A_161, %dma_start3A_164] : memref<2560x128xi32, #tpu.memory_space<hbm>> -> memref<8x128xi32, #tpu.memory_space<hbm>>
      tpu.enqueue_dma source(%dma_start3A_165 : memref<8x128xi32, #tpu.memory_space<hbm>>) target(%arg12 : memref<8x128xi32, #tpu.memory_space<vmem>>) target_semaphore(%arg19 : memref<!tpu.dma_semaphore, #tpu.memory_space<semaphore_mem>>)
      %mul3A_166 = arith.constant 8 : i32
      %mul3A_167 = arith.muli %add3A_151, %mul3A_166 : i32
      %add3A_168 = arith.addi %mul3A_42, %mul3A_167 : i32
      %dma_wait3A_169 = arith.constant 0 : i32
      %dma_wait3A_170 = tpu.memref_slice %arg5[%add3A_168, %dma_wait3A_169] : memref<2560x128xi32, #tpu.memory_space<hbm>> -> memref<8x128xi32, #tpu.memory_space<hbm>>
      %dma_wait3A_171 = arith.constant 0 : i32
      %dma_wait3A_172 = tpu.memref_slice %arg5[%add3A_168, %dma_wait3A_171] : memref<2560x128xi32, #tpu.memory_space<hbm>> -> memref<8x128xi32, #tpu.memory_space<hbm>>
      tpu.wait_dma2 semaphore(%arg18 : memref<!tpu.dma_semaphore, #tpu.memory_space<semaphore_mem>>) src(%dma_wait3A_172 : memref<8x128xi32, #tpu.memory_space<hbm>>) dst(%arg11 : memref<8x128xi32, #tpu.memory_space<vmem>>)
      %mul3A_173 = arith.constant 8 : i32
      %mul3A_174 = arith.muli %add3A_151, %mul3A_173 : i32
      %add3A_175 = arith.addi %mul3A_42, %mul3A_174 : i32
      %dma_wait3A_176 = arith.constant 0 : i32
      %dma_wait3A_177 = tpu.memref_slice %arg6[%add3A_175, %dma_wait3A_176] : memref<2560x128xi32, #tpu.memory_space<hbm>> -> memref<8x128xi32, #tpu.memory_space<hbm>>
      %dma_wait3A_178 = arith.constant 0 : i32
      %dma_wait3A_179 = tpu.memref_slice %arg6[%add3A_175, %dma_wait3A_178] : memref<2560x128xi32, #tpu.memory_space<hbm>> -> memref<8x128xi32, #tpu.memory_space<hbm>>
      tpu.wait_dma2 semaphore(%arg19 : memref<!tpu.dma_semaphore, #tpu.memory_space<semaphore_mem>>) src(%dma_wait3A_179 : memref<8x128xi32, #tpu.memory_space<hbm>>) dst(%arg12 : memref<8x128xi32, #tpu.memory_space<vmem>>)
      %scan3A_180 = arith.constant 0 : i32
      %scan3A_181 = arith.constant 8 : i32
      %scan3A_182 = arith.addi %scan3A_180, %scan3A_181 : i32
      %scan3A_183 = arith.constant 1 : i32
      scf.for %scan3A_185 = %scan3A_180 to %scan3A_182 step %scan3A_183  : i32 {
        %mul3A_186 = arith.constant 1 : i32
        %mul3A_187 = arith.muli %scan3A_185, %mul3A_186 : i32
        %add3A_188 = arith.constant 0 : i32
        %add3A_189 = arith.addi %add3A_188, %mul3A_187 : i32
        %get3A_190 = arith.index_cast %add3A_189 : i32 to index
        %get3A_191 = arith.constant 0 : index
        %get3A_192 = tpu.vector_load %arg11[%get3A_190, %get3A_191] {strides = array<i32>} : memref<8x128xi32, #tpu.memory_space<vmem>>, vector<16xi32>,
        %get3A_193 = arith.index_cast %add3A_189 : i32 to index
        %get3A_194 = arith.constant 0 : index
        %get3A_195 = tpu.vector_load %arg12[%get3A_193, %get3A_194] {strides = array<i32>} : memref<8x128xi32, #tpu.memory_space<vmem>>, vector<16xi32>,
        %gather3A = tpu.vector_load_idx %arg9[%get3A_195] : memref<10016xf32, #tpu.memory_space<vmem>>[vector<16xi32>], vector<16xf32>,
        %gather3A_196 = tpu.vector_load_idx %arg10[%get3A_192] : memref<10016xf32, #tpu.memory_space<vmem>>[vector<16xi32>], vector<16xf32>,
        %add3A_197 = arith.addf %gather3A, %gather3A_196 : vector<16xf32>
        %add3A_198 = vector.broadcast %squeeze3A : f32 to vector<16xf32>
        %add3A_199 = arith.addf %add3A_197, %add3A_198 : vector<16xf32>
        %mul3A_200 = arith.constant 0.00999999977 : f32
        %mul3A_201 = vector.broadcast %mul3A_200 : f32 to vector<16xf32>
        %mul3A_202 = arith.mulf %mul3A_201, %add3A_199 : vector<16xf32>
        %max3A_203 = arith.maximumf %add3A_199, %mul3A_202 : vector<16xf32>
        %sub3A = vector.broadcast %max3A : f32 to vector<16xf32>
        %sub3A_204 = arith.subf %max3A_203, %sub3A : vector<16xf32>
        %exp3A = math.exp %sub3A_204 : vector<16xf32>
        %shift_right_logical3A = arith.constant 7 : i32
        %shift_right_logical3A_205 = vector.broadcast %shift_right_logical3A : i32 to vector<16xi32>
        %shift_right_logical3A_206 = arith.shrui %get3A_195, %shift_right_logical3A_205 : vector<16xi32>
        %and3A = arith.constant 127 : i32
        %and3A_207 = vector.broadcast %and3A : i32 to vector<16xi32>
        %and3A_208 = arith.andi %get3A_195, %and3A_207 : vector<16xi32>
        tpu.vector_store_idx %arg13[%shift_right_logical3A_206, %and3A_208], %exp3A {add = true} : memref<80x128xf32, #tpu.memory_space<vmem>>[vector<16xi32>, vector<16xi32>], vector<16xf32>,
        %get3A_209 = arith.index_cast %add3A_189 : i32 to index
        %get3A_210 = arith.constant 16 : index
        %get3A_211 = tpu.vector_load %arg11[%get3A_209, %get3A_210] {strides = array<i32>} : memref<8x128xi32, #tpu.memory_space<vmem>>, vector<16xi32>,
        %get3A_212 = arith.index_cast %add3A_189 : i32 to index
        %get3A_213 = arith.constant 16 : index
        %get3A_214 = tpu.vector_load %arg12[%get3A_212, %get3A_213] {strides = array<i32>} : memref<8x128xi32, #tpu.memory_space<vmem>>, vector<16xi32>,
        %gather3A_215 = tpu.vector_load_idx %arg9[%get3A_214] : memref<10016xf32, #tpu.memory_space<vmem>>[vector<16xi32>], vector<16xf32>,
        %gather3A_216 = tpu.vector_load_idx %arg10[%get3A_211] : memref<10016xf32, #tpu.memory_space<vmem>>[vector<16xi32>], vector<16xf32>,
        %add3A_217 = arith.addf %gather3A_215, %gather3A_216 : vector<16xf32>
        %add3A_218 = vector.broadcast %squeeze3A : f32 to vector<16xf32>
        %add3A_219 = arith.addf %add3A_217, %add3A_218 : vector<16xf32>
        %mul3A_220 = arith.constant 0.00999999977 : f32
        %mul3A_221 = vector.broadcast %mul3A_220 : f32 to vector<16xf32>
        %mul3A_222 = arith.mulf %mul3A_221, %add3A_219 : vector<16xf32>
        %max3A_223 = arith.maximumf %add3A_219, %mul3A_222 : vector<16xf32>
        %sub3A_224 = vector.broadcast %max3A : f32 to vector<16xf32>
        %sub3A_225 = arith.subf %max3A_223, %sub3A_224 : vector<16xf32>
        %exp3A_226 = math.exp %sub3A_225 : vector<16xf32>
        %shift_right_logical3A_227 = arith.constant 7 : i32
        %shift_right_logical3A_228 = vector.broadcast %shift_right_logical3A_227 : i32 to vector<16xi32>
        %shift_right_logical3A_229 = arith.shrui %get3A_214, %shift_right_logical3A_228 : vector<16xi32>
        %and3A_230 = arith.constant 127 : i32
        %and3A_231 = vector.broadcast %and3A_230 : i32 to vector<16xi32>
        %and3A_232 = arith.andi %get3A_214, %and3A_231 : vector<16xi32>
        tpu.vector_store_idx %arg13[%shift_right_logical3A_229, %and3A_232], %exp3A_226 {add = true} : memref<80x128xf32, #tpu.memory_space<vmem>>[vector<16xi32>, vector<16xi32>], vector<16xf32>,
        %get3A_233 = arith.index_cast %add3A_189 : i32 to index
        %get3A_234 = arith.constant 32 : index
        %get3A_235 = tpu.vector_load %arg11[%get3A_233, %get3A_234] {strides = array<i32>} : memref<8x128xi32, #tpu.memory_space<vmem>>, vector<16xi32>,
        %get3A_236 = arith.index_cast %add3A_189 : i32 to index
        %get3A_237 = arith.constant 32 : index
        %get3A_238 = tpu.vector_load %arg12[%get3A_236, %get3A_237] {strides = array<i32>} : memref<8x128xi32, #tpu.memory_space<vmem>>, vector<16xi32>,
        %gather3A_239 = tpu.vector_load_idx %arg9[%get3A_238] : memref<10016xf32, #tpu.memory_space<vmem>>[vector<16xi32>], vector<16xf32>,
        %gather3A_240 = tpu.vector_load_idx %arg10[%get3A_235] : memref<10016xf32, #tpu.memory_space<vmem>>[vector<16xi32>], vector<16xf32>,
        %add3A_241 = arith.addf %gather3A_239, %gather3A_240 : vector<16xf32>
        %add3A_242 = vector.broadcast %squeeze3A : f32 to vector<16xf32>
        %add3A_243 = arith.addf %add3A_241, %add3A_242 : vector<16xf32>
        %mul3A_244 = arith.constant 0.00999999977 : f32
        %mul3A_245 = vector.broadcast %mul3A_244 : f32 to vector<16xf32>
        %mul3A_246 = arith.mulf %mul3A_245, %add3A_243 : vector<16xf32>
        %max3A_247 = arith.maximumf %add3A_243, %mul3A_246 : vector<16xf32>
        %sub3A_248 = vector.broadcast %max3A : f32 to vector<16xf32>
        %sub3A_249 = arith.subf %max3A_247, %sub3A_248 : vector<16xf32>
        %exp3A_250 = math.exp %sub3A_249 : vector<16xf32>
        %shift_right_logical3A_251 = arith.constant 7 : i32
        %shift_right_logical3A_252 = vector.broadcast %shift_right_logical3A_251 : i32 to vector<16xi32>
        %shift_right_logical3A_253 = arith.shrui %get3A_238, %shift_right_logical3A_252 : vector<16xi32>
        %and3A_254 = arith.constant 127 : i32
        %and3A_255 = vector.broadcast %and3A_254 : i32 to vector<16xi32>
        %and3A_256 = arith.andi %get3A_238, %and3A_255 : vector<16xi32>
        tpu.vector_store_idx %arg13[%shift_right_logical3A_253, %and3A_256], %exp3A_250 {add = true} : memref<80x128xf32, #tpu.memory_space<vmem>>[vector<16xi32>, vector<16xi32>], vector<16xf32>,
        %get3A_257 = arith.index_cast %add3A_189 : i32 to index
        %get3A_258 = arith.constant 48 : index
        %get3A_259 = tpu.vector_load %arg11[%get3A_257, %get3A_258] {strides = array<i32>} : memref<8x128xi32, #tpu.memory_space<vmem>>, vector<16xi32>,
        %get3A_260 = arith.index_cast %add3A_189 : i32 to index
        %get3A_261 = arith.constant 48 : index
        %get3A_262 = tpu.vector_load %arg12[%get3A_260, %get3A_261] {strides = array<i32>} : memref<8x128xi32, #tpu.memory_space<vmem>>, vector<16xi32>,
        %gather3A_263 = tpu.vector_load_idx %arg9[%get3A_262] : memref<10016xf32, #tpu.memory_space<vmem>>[vector<16xi32>], vector<16xf32>,
        %gather3A_264 = tpu.vector_load_idx %arg10[%get3A_259] : memref<10016xf32, #tpu.memory_space<vmem>>[vector<16xi32>], vector<16xf32>,
        %add3A_265 = arith.addf %gather3A_263, %gather3A_264 : vector<16xf32>
        %add3A_266 = vector.broadcast %squeeze3A : f32 to vector<16xf32>
        %add3A_267 = arith.addf %add3A_265, %add3A_266 : vector<16xf32>
        %mul3A_268 = arith.constant 0.00999999977 : f32
        %mul3A_269 = vector.broadcast %mul3A_268 : f32 to vector<16xf32>
        %mul3A_270 = arith.mulf %mul3A_269, %add3A_267 : vector<16xf32>
        %max3A_271 = arith.maximumf %add3A_267, %mul3A_270 : vector<16xf32>
        %sub3A_272 = vector.broadcast %max3A : f32 to vector<16xf32>
        %sub3A_273 = arith.subf %max3A_271, %sub3A_272 : vector<16xf32>
        %exp3A_274 = math.exp %sub3A_273 : vector<16xf32>
        %shift_right_logical3A_275 = arith.constant 7 : i32
        %shift_right_logical3A_276 = vector.broadcast %shift_right_logical3A_275 : i32 to vector<16xi32>
        %shift_right_logical3A_277 = arith.shrui %get3A_262, %shift_right_logical3A_276 : vector<16xi32>
        %and3A_278 = arith.constant 127 : i32
        %and3A_279 = vector.broadcast %and3A_278 : i32 to vector<16xi32>
        %and3A_280 = arith.andi %get3A_262, %and3A_279 : vector<16xi32>
        tpu.vector_store_idx %arg13[%shift_right_logical3A_277, %and3A_280], %exp3A_274 {add = true} : memref<80x128xf32, #tpu.memory_space<vmem>>[vector<16xi32>, vector<16xi32>], vector<16xf32>,
        %get3A_281 = arith.index_cast %add3A_189 : i32 to index
        %get3A_282 = arith.constant 64 : index
        %get3A_283 = tpu.vector_load %arg11[%get3A_281, %get3A_282] {strides = array<i32>} : memref<8x128xi32, #tpu.memory_space<vmem>>, vector<16xi32>,
        %get3A_284 = arith.index_cast %add3A_189 : i32 to index
        %get3A_285 = arith.constant 64 : index
        %get3A_286 = tpu.vector_load %arg12[%get3A_284, %get3A_285] {strides = array<i32>} : memref<8x128xi32, #tpu.memory_space<vmem>>, vector<16xi32>,
        %gather3A_287 = tpu.vector_load_idx %arg9[%get3A_286] : memref<10016xf32, #tpu.memory_space<vmem>>[vector<16xi32>], vector<16xf32>,
        %gather3A_288 = tpu.vector_load_idx %arg10[%get3A_283] : memref<10016xf32, #tpu.memory_space<vmem>>[vector<16xi32>], vector<16xf32>,
        %add3A_289 = arith.addf %gather3A_287, %gather3A_288 : vector<16xf32>
        %add3A_290 = vector.broadcast %squeeze3A : f32 to vector<16xf32>
        %add3A_291 = arith.addf %add3A_289, %add3A_290 : vector<16xf32>
        %mul3A_292 = arith.constant 0.00999999977 : f32
        %mul3A_293 = vector.broadcast %mul3A_292 : f32 to vector<16xf32>
        %mul3A_294 = arith.mulf %mul3A_293, %add3A_291 : vector<16xf32>
        %max3A_295 = arith.maximumf %add3A_291, %mul3A_294 : vector<16xf32>
        %sub3A_296 = vector.broadcast %max3A : f32 to vector<16xf32>
        %sub3A_297 = arith.subf %max3A_295, %sub3A_296 : vector<16xf32>
        %exp3A_298 = math.exp %sub3A_297 : vector<16xf32>
        %shift_right_logical3A_299 = arith.constant 7 : i32
        %shift_right_logical3A_300 = vector.broadcast %shift_right_logical3A_299 : i32 to vector<16xi32>
        %shift_right_logical3A_301 = arith.shrui %get3A_286, %shift_right_logical3A_300 : vector<16xi32>
        %and3A_302 = arith.constant 127 : i32
        %and3A_303 = vector.broadcast %and3A_302 : i32 to vector<16xi32>
        %and3A_304 = arith.andi %get3A_286, %and3A_303 : vector<16xi32>
        tpu.vector_store_idx %arg13[%shift_right_logical3A_301, %and3A_304], %exp3A_298 {add = true} : memref<80x128xf32, #tpu.memory_space<vmem>>[vector<16xi32>, vector<16xi32>], vector<16xf32>,
        %get3A_305 = arith.index_cast %add3A_189 : i32 to index
        %get3A_306 = arith.constant 80 : index
        %get3A_307 = tpu.vector_load %arg11[%get3A_305, %get3A_306] {strides = array<i32>} : memref<8x128xi32, #tpu.memory_space<vmem>>, vector<16xi32>,
        %get3A_308 = arith.index_cast %add3A_189 : i32 to index
        %get3A_309 = arith.constant 80 : index
        %get3A_310 = tpu.vector_load %arg12[%get3A_308, %get3A_309] {strides = array<i32>} : memref<8x128xi32, #tpu.memory_space<vmem>>, vector<16xi32>,
        %gather3A_311 = tpu.vector_load_idx %arg9[%get3A_310] : memref<10016xf32, #tpu.memory_space<vmem>>[vector<16xi32>], vector<16xf32>,
        %gather3A_312 = tpu.vector_load_idx %arg10[%get3A_307] : memref<10016xf32, #tpu.memory_space<vmem>>[vector<16xi32>], vector<16xf32>,
        %add3A_313 = arith.addf %gather3A_311, %gather3A_312 : vector<16xf32>
        %add3A_314 = vector.broadcast %squeeze3A : f32 to vector<16xf32>
        %add3A_315 = arith.addf %add3A_313, %add3A_314 : vector<16xf32>
        %mul3A_316 = arith.constant 0.00999999977 : f32
        %mul3A_317 = vector.broadcast %mul3A_316 : f32 to vector<16xf32>
        %mul3A_318 = arith.mulf %mul3A_317, %add3A_315 : vector<16xf32>
        %max3A_319 = arith.maximumf %add3A_315, %mul3A_318 : vector<16xf32>
        %sub3A_320 = vector.broadcast %max3A : f32 to vector<16xf32>
        %sub3A_321 = arith.subf %max3A_319, %sub3A_320 : vector<16xf32>
        %exp3A_322 = math.exp %sub3A_321 : vector<16xf32>
        %shift_right_logical3A_323 = arith.constant 7 : i32
        %shift_right_logical3A_324 = vector.broadcast %shift_right_logical3A_323 : i32 to vector<16xi32>
        %shift_right_logical3A_325 = arith.shrui %get3A_310, %shift_right_logical3A_324 : vector<16xi32>
        %and3A_326 = arith.constant 127 : i32
        %and3A_327 = vector.broadcast %and3A_326 : i32 to vector<16xi32>
        %and3A_328 = arith.andi %get3A_310, %and3A_327 : vector<16xi32>
        tpu.vector_store_idx %arg13[%shift_right_logical3A_325, %and3A_328], %exp3A_322 {add = true} : memref<80x128xf32, #tpu.memory_space<vmem>>[vector<16xi32>, vector<16xi32>], vector<16xf32>,
        %get3A_329 = arith.index_cast %add3A_189 : i32 to index
        %get3A_330 = arith.constant 96 : index
        %get3A_331 = tpu.vector_load %arg11[%get3A_329, %get3A_330] {strides = array<i32>} : memref<8x128xi32, #tpu.memory_space<vmem>>, vector<16xi32>,
        %get3A_332 = arith.index_cast %add3A_189 : i32 to index
        %get3A_333 = arith.constant 96 : index
        %get3A_334 = tpu.vector_load %arg12[%get3A_332, %get3A_333] {strides = array<i32>} : memref<8x128xi32, #tpu.memory_space<vmem>>, vector<16xi32>,
        %gather3A_335 = tpu.vector_load_idx %arg9[%get3A_334] : memref<10016xf32, #tpu.memory_space<vmem>>[vector<16xi32>], vector<16xf32>,
        %gather3A_336 = tpu.vector_load_idx %arg10[%get3A_331] : memref<10016xf32, #tpu.memory_space<vmem>>[vector<16xi32>], vector<16xf32>,
        %add3A_337 = arith.addf %gather3A_335, %gather3A_336 : vector<16xf32>
        %add3A_338 = vector.broadcast %squeeze3A : f32 to vector<16xf32>
        %add3A_339 = arith.addf %add3A_337, %add3A_338 : vector<16xf32>
        %mul3A_340 = arith.constant 0.00999999977 : f32
        %mul3A_341 = vector.broadcast %mul3A_340 : f32 to vector<16xf32>
        %mul3A_342 = arith.mulf %mul3A_341, %add3A_339 : vector<16xf32>
        %max3A_343 = arith.maximumf %add3A_339, %mul3A_342 : vector<16xf32>
        %sub3A_344 = vector.broadcast %max3A : f32 to vector<16xf32>
        %sub3A_345 = arith.subf %max3A_343, %sub3A_344 : vector<16xf32>
        %exp3A_346 = math.exp %sub3A_345 : vector<16xf32>
        %shift_right_logical3A_347 = arith.constant 7 : i32
        %shift_right_logical3A_348 = vector.broadcast %shift_right_logical3A_347 : i32 to vector<16xi32>
        %shift_right_logical3A_349 = arith.shrui %get3A_334, %shift_right_logical3A_348 : vector<16xi32>
        %and3A_350 = arith.constant 127 : i32
        %and3A_351 = vector.broadcast %and3A_350 : i32 to vector<16xi32>
        %and3A_352 = arith.andi %get3A_334, %and3A_351 : vector<16xi32>
        tpu.vector_store_idx %arg13[%shift_right_logical3A_349, %and3A_352], %exp3A_346 {add = true} : memref<80x128xf32, #tpu.memory_space<vmem>>[vector<16xi32>, vector<16xi32>], vector<16xf32>,
        %get3A_353 = arith.index_cast %add3A_189 : i32 to index
        %get3A_354 = arith.constant 112 : index
        %get3A_355 = tpu.vector_load %arg11[%get3A_353, %get3A_354] {strides = array<i32>} : memref<8x128xi32, #tpu.memory_space<vmem>>, vector<16xi32>,
        %get3A_356 = arith.index_cast %add3A_189 : i32 to index
        %get3A_357 = arith.constant 112 : index
        %get3A_358 = tpu.vector_load %arg12[%get3A_356, %get3A_357] {strides = array<i32>} : memref<8x128xi32, #tpu.memory_space<vmem>>, vector<16xi32>,
        %gather3A_359 = tpu.vector_load_idx %arg9[%get3A_358] : memref<10016xf32, #tpu.memory_space<vmem>>[vector<16xi32>], vector<16xf32>,
        %gather3A_360 = tpu.vector_load_idx %arg10[%get3A_355] : memref<10016xf32, #tpu.memory_space<vmem>>[vector<16xi32>], vector<16xf32>,
        %add3A_361 = arith.addf %gather3A_359, %gather3A_360 : vector<16xf32>
        %add3A_362 = vector.broadcast %squeeze3A : f32 to vector<16xf32>
        %add3A_363 = arith.addf %add3A_361, %add3A_362 : vector<16xf32>
        %mul3A_364 = arith.constant 0.00999999977 : f32
        %mul3A_365 = vector.broadcast %mul3A_364 : f32 to vector<16xf32>
        %mul3A_366 = arith.mulf %mul3A_365, %add3A_363 : vector<16xf32>
        %max3A_367 = arith.maximumf %add3A_363, %mul3A_366 : vector<16xf32>
        %sub3A_368 = vector.broadcast %max3A : f32 to vector<16xf32>
        %sub3A_369 = arith.subf %max3A_367, %sub3A_368 : vector<16xf32>
        %exp3A_370 = math.exp %sub3A_369 : vector<16xf32>
        %shift_right_logical3A_371 = arith.constant 7 : i32
        %shift_right_logical3A_372 = vector.broadcast %shift_right_logical3A_371 : i32 to vector<16xi32>
        %shift_right_logical3A_373 = arith.shrui %get3A_358, %shift_right_logical3A_372 : vector<16xi32>
        %and3A_374 = arith.constant 127 : i32
        %and3A_375 = vector.broadcast %and3A_374 : i32 to vector<16xi32>
        %and3A_376 = arith.andi %get3A_358, %and3A_375 : vector<16xi32>
        tpu.vector_store_idx %arg13[%shift_right_logical3A_373, %and3A_376], %exp3A_370 {add = true} : memref<80x128xf32, #tpu.memory_space<vmem>>[vector<16xi32>, vector<16xi32>], vector<16xf32>,
      }
      %scan3A_184 = arith.constant 8 : i32
    }
    %scan3A_47 = arith.constant 20 : i32
    "tpu.trace_stop"() : () -> ()
    "tpu.trace_start"() <{level = 10 : i32, message = "sc_combine"}> : () -> ()
    %iota3A = tpu.iota {dimensions = array<i32: 0>} : vector<16xi32>
    %add3A_48 = arith.constant 10080 : i32
    %add3A_49 = vector.broadcast %add3A_48 : i32 to vector<16xi32>
    %add3A_50 = arith.addi %iota3A, %add3A_49 : vector<16xi32>
    %swap3A_51 = arith.constant 0 : i32
    %swap3A_52 = arith.index_cast %swap3A_51 : i32 to index
    %swap3A_53 = arith.constant 0 : index
    %swap3A_54 = tpu.vector_load %arg16[%swap3A_52, %swap3A_53] {strides = array<i32>} : memref<1x80xi32, #tpu.memory_space<vmem>>, vector<16xi32>,
    tpu.vector_store %arg16[%swap3A_52, %swap3A_53], %add3A_50 {strides = array<i32>} : memref<1x80xi32, #tpu.memory_space<vmem>>, vector<16xi32>,
    %iota3A_55 = tpu.iota {dimensions = array<i32: 0>} : vector<16xi32>
    %add3A_56 = arith.constant 10096 : i32
    %add3A_57 = vector.broadcast %add3A_56 : i32 to vector<16xi32>
    %add3A_58 = arith.addi %iota3A_55, %add3A_57 : vector<16xi32>
    %swap3A_59 = arith.constant 0 : i32
    %swap3A_60 = arith.index_cast %swap3A_59 : i32 to index
    %swap3A_61 = arith.constant 16 : index
    %swap3A_62 = tpu.vector_load %arg16[%swap3A_60, %swap3A_61] {strides = array<i32>} : memref<1x80xi32, #tpu.memory_space<vmem>>, vector<16xi32>,
    tpu.vector_store %arg16[%swap3A_60, %swap3A_61], %add3A_58 {strides = array<i32>} : memref<1x80xi32, #tpu.memory_space<vmem>>, vector<16xi32>,
    %iota3A_63 = tpu.iota {dimensions = array<i32: 0>} : vector<16xi32>
    %add3A_64 = arith.constant 10112 : i32
    %add3A_65 = vector.broadcast %add3A_64 : i32 to vector<16xi32>
    %add3A_66 = arith.addi %iota3A_63, %add3A_65 : vector<16xi32>
    %swap3A_67 = arith.constant 0 : i32
    %swap3A_68 = arith.index_cast %swap3A_67 : i32 to index
    %swap3A_69 = arith.constant 32 : index
    %swap3A_70 = tpu.vector_load %arg16[%swap3A_68, %swap3A_69] {strides = array<i32>} : memref<1x80xi32, #tpu.memory_space<vmem>>, vector<16xi32>,
    tpu.vector_store %arg16[%swap3A_68, %swap3A_69], %add3A_66 {strides = array<i32>} : memref<1x80xi32, #tpu.memory_space<vmem>>, vector<16xi32>,
    %iota3A_71 = tpu.iota {dimensions = array<i32: 0>} : vector<16xi32>
    %add3A_72 = arith.constant 10128 : i32
    %add3A_73 = vector.broadcast %add3A_72 : i32 to vector<16xi32>
    %add3A_74 = arith.addi %iota3A_71, %add3A_73 : vector<16xi32>
    %swap3A_75 = arith.constant 0 : i32
    %swap3A_76 = arith.index_cast %swap3A_75 : i32 to index
    %swap3A_77 = arith.constant 48 : index
    %swap3A_78 = tpu.vector_load %arg16[%swap3A_76, %swap3A_77] {strides = array<i32>} : memref<1x80xi32, #tpu.memory_space<vmem>>, vector<16xi32>,
    tpu.vector_store %arg16[%swap3A_76, %swap3A_77], %add3A_74 {strides = array<i32>} : memref<1x80xi32, #tpu.memory_space<vmem>>, vector<16xi32>,
    %iota3A_79 = tpu.iota {dimensions = array<i32: 0>} : vector<16xi32>
    %add3A_80 = arith.constant 10144 : i32
    %add3A_81 = vector.broadcast %add3A_80 : i32 to vector<16xi32>
    %add3A_82 = arith.addi %iota3A_79, %add3A_81 : vector<16xi32>
    %swap3A_83 = arith.constant 0 : i32
    %swap3A_84 = arith.index_cast %swap3A_83 : i32 to index
    %swap3A_85 = arith.constant 64 : index
    %swap3A_86 = tpu.vector_load %arg16[%swap3A_84, %swap3A_85] {strides = array<i32>} : memref<1x80xi32, #tpu.memory_space<vmem>>, vector<16xi32>,
    tpu.vector_store %arg16[%swap3A_84, %swap3A_85], %add3A_82 {strides = array<i32>} : memref<1x80xi32, #tpu.memory_space<vmem>>, vector<16xi32>,
    %barrier3A = arith.constant 0 : index
    tpu.barrier barrier_id(%barrier3A)
    %run_scoped3A = arith.constant 0 : i32
    "tpu.region"() ({
      %run_scoped3A_147 = tpu.sem_alloc : memref<!tpu.dma_semaphore, #tpu.memory_space<semaphore_mem>>
      %dma_start3A_148 = arith.constant 0 : i32
      %dma_start3A_149 = tpu.memref_slice %arg16[%run_scoped3A, %dma_start3A_148] : memref<1x80xi32, #tpu.memory_space<vmem>> -> memref<1x80xi32, #tpu.memory_space<vmem>>
      %dma_start3A_150 = tpu.memref_squeeze %dma_start3A_149 : memref<1x80xi32, #tpu.memory_space<vmem>> -> memref<80xi32, #tpu.memory_space<vmem>>
      %dma_start3A_151 = arith.constant 0 : i32
      %dma_start3A_152 = arith.constant 0 : i32
      %dma_start3A_153 = tpu.memref_slice %arg17[%dma_start3A_151, %dma_start3A_152] : memref<10240x128xf32, #tpu.memory_space<vmem_shared>> -> memref<10240x128xf32, #tpu.memory_space<vmem_shared>>
      tpu.enqueue_indirect_dma source(%arg13 : memref<80x128xf32, #tpu.memory_space<vmem>>) target(%dma_start3A_153 : memref<10240x128xf32, #tpu.memory_space<vmem_shared>>) offsets(%dma_start3A_150 : memref<80xi32, #tpu.memory_space<vmem>>) semaphore(%run_scoped3A_147 : memref<!tpu.dma_semaphore, #tpu.memory_space<semaphore_mem>>) {add = true}
      %dma_wait3A_154 = arith.constant 0 : i32
      %dma_wait3A_155 = tpu.memref_slice %arg16[%run_scoped3A, %dma_wait3A_154] : memref<1x80xi32, #tpu.memory_space<vmem>> -> memref<1x80xi32, #tpu.memory_space<vmem>>
      %dma_wait3A_156 = tpu.memref_squeeze %dma_wait3A_155 : memref<1x80xi32, #tpu.memory_space<vmem>> -> memref<80xi32, #tpu.memory_space<vmem>>
      %dma_wait3A_157 = arith.constant 0 : i32
      %dma_wait3A_158 = arith.constant 0 : i32
      %dma_wait3A_159 = tpu.memref_slice %arg17[%dma_wait3A_157, %dma_wait3A_158] : memref<10240x128xf32, #tpu.memory_space<vmem_shared>> -> memref<10240x128xf32, #tpu.memory_space<vmem_shared>>
      tpu.wait_indirect_dma semaphore(%run_scoped3A_147 : memref<!tpu.dma_semaphore, #tpu.memory_space<semaphore_mem>>) src(%arg13 : memref<80x128xf32, #tpu.memory_space<vmem>>) dst(%dma_wait3A_159 : memref<10240x128xf32, #tpu.memory_space<vmem_shared>>)
      tpu.yield
    }) : () -> ()
    %barrier3A_87 = arith.constant 0 : index
    tpu.barrier barrier_id(%barrier3A_87)
    %scan3A_88 = arith.constant 0 : i32
    %scan3A_89 = arith.constant 10 : i32
    %scan3A_90 = arith.addi %scan3A_88, %scan3A_89 : i32
    %scan3A_91 = arith.constant 1 : i32
    scf.for %scan3A_147 = %scan3A_88 to %scan3A_90 step %scan3A_91  : i32 {
      %mul3A_148 = arith.constant 1 : i32
      %mul3A_149 = arith.muli %scan3A_147, %mul3A_148 : i32
      %add3A_150 = arith.constant 0 : i32
      %add3A_151 = arith.addi %add3A_150, %mul3A_149 : i32
      %mul3A_152 = arith.constant 8 : i32
      %mul3A_153 = arith.muli %add3A_151, %mul3A_152 : i32
      %add3A_154 = arith.constant 10080 : i32
      %add3A_155 = arith.addi %add3A_154, %mul3A_153 : i32
      %mul3A_156 = arith.constant 8 : i32
      %mul3A_157 = arith.muli %add3A_151, %mul3A_156 : i32
      "tpu.region"() ({
        %run_scoped3A_158 = tpu.sem_alloc : memref<!tpu.dma_semaphore, #tpu.memory_space<semaphore_mem>>
        %dma_start3A_159 = arith.constant 0 : i32
        %dma_start3A_160 = tpu.memref_slice %arg13[%mul3A_157, %dma_start3A_159] : memref<80x128xf32, #tpu.memory_space<vmem>> -> memref<8x128xf32, #tpu.memory_space<vmem>>
        %dma_start3A_161 = arith.constant 0 : i32
        %dma_start3A_162 = tpu.memref_slice %arg17[%add3A_155, %dma_start3A_161] : memref<10240x128xf32, #tpu.memory_space<vmem_shared>> -> memref<8x128xf32, #tpu.memory_space<vmem_shared>>
        %dma_start3A_163 = arith.constant 0 : i32
        %dma_start3A_164 = tpu.memref_slice %arg13[%mul3A_157, %dma_start3A_163] : memref<80x128xf32, #tpu.memory_space<vmem>> -> memref<8x128xf32, #tpu.memory_space<vmem>>
        %dma_start3A_165 = arith.constant 0 : i32
        %dma_start3A_166 = tpu.memref_slice %arg17[%add3A_155, %dma_start3A_165] : memref<10240x128xf32, #tpu.memory_space<vmem_shared>> -> memref<8x128xf32, #tpu.memory_space<vmem_shared>>
        tpu.enqueue_dma source(%dma_start3A_166 : memref<8x128xf32, #tpu.memory_space<vmem_shared>>) target(%dma_start3A_164 : memref<8x128xf32, #tpu.memory_space<vmem>>) target_semaphore(%run_scoped3A_158 : memref<!tpu.dma_semaphore, #tpu.memory_space<semaphore_mem>>)
        %dma_wait3A_167 = arith.constant 0 : i32
        %dma_wait3A_168 = tpu.memref_slice %arg13[%mul3A_157, %dma_wait3A_167] : memref<80x128xf32, #tpu.memory_space<vmem>> -> memref<8x128xf32, #tpu.memory_space<vmem>>
        %dma_wait3A_169 = arith.constant 0 : i32
        %dma_wait3A_170 = tpu.memref_slice %arg17[%add3A_155, %dma_wait3A_169] : memref<10240x128xf32, #tpu.memory_space<vmem_shared>> -> memref<8x128xf32, #tpu.memory_space<vmem_shared>>
        %dma_wait3A_171 = arith.constant 0 : i32
        %dma_wait3A_172 = tpu.memref_slice %arg13[%mul3A_157, %dma_wait3A_171] : memref<80x128xf32, #tpu.memory_space<vmem>> -> memref<8x128xf32, #tpu.memory_space<vmem>>
        %dma_wait3A_173 = arith.constant 0 : i32
        %dma_wait3A_174 = tpu.memref_slice %arg17[%add3A_155, %dma_wait3A_173] : memref<10240x128xf32, #tpu.memory_space<vmem_shared>> -> memref<8x128xf32, #tpu.memory_space<vmem_shared>>
        tpu.wait_dma2 semaphore(%run_scoped3A_158 : memref<!tpu.dma_semaphore, #tpu.memory_space<semaphore_mem>>) src(%dma_wait3A_174 : memref<8x128xf32, #tpu.memory_space<vmem_shared>>) dst(%dma_wait3A_172 : memref<8x128xf32, #tpu.memory_space<vmem>>)
        tpu.yield
      }) : () -> ()
    }
    %scan3A_92 = arith.constant 10 : i32
    "tpu.trace_stop"() : () -> ()
    %mul3A_93 = arith.constant 16 : i32
    %mul3A_94 = arith.muli %arg0, %mul3A_93 : i32
    %add3A_95 = arith.addi %mul3A_94, %arg1 : i32
    %mul3A_96 = arith.constant 80 : i32
    %mul3A_97 = arith.muli %add3A_95, %mul3A_96 : i32
    "tpu.trace_start"() <{level = 10 : i32, message = "sc_phase_c"}> : () -> ()
    "tpu.region"() ({
      %run_scoped3A_147 = tpu.sem_alloc : memref<!tpu.dma_semaphore, #tpu.memory_space<semaphore_mem>>
      %dma_start3A_148 = arith.constant 0 : i32
      %dma_start3A_149 = tpu.memref_slice %arg5[%mul3A_97, %dma_start3A_148] : memref<2560x128xi32, #tpu.memory_space<hbm>> -> memref<8x128xi32, #tpu.memory_space<hbm>>
      %dma_start3A_150 = arith.constant 0 : i32
      %dma_start3A_151 = tpu.memref_slice %arg5[%mul3A_97, %dma_start3A_150] : memref<2560x128xi32, #tpu.memory_space<hbm>> -> memref<8x128xi32, #tpu.memory_space<hbm>>
      tpu.enqueue_dma source(%dma_start3A_151 : memref<8x128xi32, #tpu.memory_space<hbm>>) target(%arg11 : memref<8x128xi32, #tpu.memory_space<vmem>>) target_semaphore(%run_scoped3A_147 : memref<!tpu.dma_semaphore, #tpu.memory_space<semaphore_mem>>)
      %dma_wait3A_152 = arith.constant 0 : i32
      %dma_wait3A_153 = tpu.memref_slice %arg5[%mul3A_97, %dma_wait3A_152] : memref<2560x128xi32, #tpu.memory_space<hbm>> -> memref<8x128xi32, #tpu.memory_space<hbm>>
      %dma_wait3A_154 = arith.constant 0 : i32
      %dma_wait3A_155 = tpu.memref_slice %arg5[%mul3A_97, %dma_wait3A_154] : memref<2560x128xi32, #tpu.memory_space<hbm>> -> memref<8x128xi32, #tpu.memory_space<hbm>>
      tpu.wait_dma2 semaphore(%run_scoped3A_147 : memref<!tpu.dma_semaphore, #tpu.memory_space<semaphore_mem>>) src(%dma_wait3A_155 : memref<8x128xi32, #tpu.memory_space<hbm>>) dst(%arg11 : memref<8x128xi32, #tpu.memory_space<vmem>>)
      tpu.yield
    }) : () -> ()
    "tpu.region"() ({
      %run_scoped3A_147 = tpu.sem_alloc : memref<!tpu.dma_semaphore, #tpu.memory_space<semaphore_mem>>
      %dma_start3A_148 = arith.constant 0 : i32
      %dma_start3A_149 = tpu.memref_slice %arg6[%mul3A_97, %dma_start3A_148] : memref<2560x128xi32, #tpu.memory_space<hbm>> -> memref<8x128xi32, #tpu.memory_space<hbm>>
      %dma_start3A_150 = arith.constant 0 : i32
      %dma_start3A_151 = tpu.memref_slice %arg6[%mul3A_97, %dma_start3A_150] : memref<2560x128xi32, #tpu.memory_space<hbm>> -> memref<8x128xi32, #tpu.memory_space<hbm>>
      tpu.enqueue_dma source(%dma_start3A_151 : memref<8x128xi32, #tpu.memory_space<hbm>>) target(%arg12 : memref<8x128xi32, #tpu.memory_space<vmem>>) target_semaphore(%run_scoped3A_147 : memref<!tpu.dma_semaphore, #tpu.memory_space<semaphore_mem>>)
      %dma_wait3A_152 = arith.constant 0 : i32
      %dma_wait3A_153 = tpu.memref_slice %arg6[%mul3A_97, %dma_wait3A_152] : memref<2560x128xi32, #tpu.memory_space<hbm>> -> memref<8x128xi32, #tpu.memory_space<hbm>>
      %dma_wait3A_154 = arith.constant 0 : i32
      %dma_wait3A_155 = tpu.memref_slice %arg6[%mul3A_97, %dma_wait3A_154] : memref<2560x128xi32, #tpu.memory_space<hbm>> -> memref<8x128xi32, #tpu.memory_space<hbm>>
      tpu.wait_dma2 semaphore(%run_scoped3A_147 : memref<!tpu.dma_semaphore, #tpu.memory_space<semaphore_mem>>) src(%dma_wait3A_155 : memref<8x128xi32, #tpu.memory_space<hbm>>) dst(%arg12 : memref<8x128xi32, #tpu.memory_space<vmem>>)
      tpu.yield
    }) : () -> ()
    %dma_start3A = arith.constant 0 : i32
    %dma_start3A_98 = arith.constant 0 : i32
    %dma_start3A_99 = arith.constant 0 : i32
    %dma_start3A_100 = tpu.memref_slice %arg14[%dma_start3A_98, %dma_start3A_99] : memref<128x128xf32, #tpu.memory_space<vmem>> -> memref<64x128xf32, #tpu.memory_space<vmem>>
    %dma_start3A_101 = arith.constant 0 : i32
    %dma_start3A_102 = tpu.memref_slice %arg11[%dma_start3A, %dma_start3A_101] : memref<8x128xi32, #tpu.memory_space<vmem>> -> memref<1x64xi32, #tpu.memory_space<vmem>>
    %dma_start3A_103 = tpu.memref_squeeze %dma_start3A_102 : memref<1x64xi32, #tpu.memory_space<vmem>> -> memref<64xi32, #tpu.memory_space<vmem>>
    %dma_start3A_104 = arith.constant 0 : i32
    %dma_start3A_105 = arith.constant 0 : i32
    %dma_start3A_106 = tpu.memref_slice %arg4[%dma_start3A_104, %dma_start3A_105] : memref<10016x128xf32, #tpu.memory_space<hbm>> -> memref<10016x128xf32, #tpu.memory_space<hbm>>
    tpu.enqueue_indirect_dma source(%dma_start3A_106 : memref<10016x128xf32, #tpu.memory_space<hbm>>) target(%dma_start3A_100 : memref<64x128xf32, #tpu.memory_space<vmem>>) offsets(%dma_start3A_103 : memref<64xi32, #tpu.memory_space<vmem>>) semaphore(%arg18 : memref<!tpu.dma_semaphore, #tpu.memory_space<semaphore_mem>>)
    %dma_start3A_107 = arith.constant 0 : i32
    %dma_start3A_108 = arith.constant 64 : i32
    %dma_start3A_109 = arith.constant 0 : i32
    %dma_start3A_110 = tpu.memref_slice %arg14[%dma_start3A_108, %dma_start3A_109] : memref<128x128xf32, #tpu.memory_space<vmem>> -> memref<64x128xf32, #tpu.memory_space<vmem>>
    %dma_start3A_111 = arith.constant 64 : i32
    %dma_start3A_112 = tpu.memref_slice %arg11[%dma_start3A_107, %dma_start3A_111] : memref<8x128xi32, #tpu.memory_space<vmem>> -> memref<1x64xi32, #tpu.memory_space<vmem>>
    %dma_start3A_113 = tpu.memref_squeeze %dma_start3A_112 : memref<1x64xi32, #tpu.memory_space<vmem>> -> memref<64xi32, #tpu.memory_space<vmem>>
    %dma_start3A_114 = arith.constant 0 : i32
    %dma_start3A_115 = arith.constant 0 : i32
    %dma_start3A_116 = tpu.memref_slice %arg4[%dma_start3A_114, %dma_start3A_115] : memref<10016x128xf32, #tpu.memory_space<hbm>> -> memref<10016x128xf32, #tpu.memory_space<hbm>>
    tpu.enqueue_indirect_dma source(%dma_start3A_116 : memref<10016x128xf32, #tpu.memory_space<hbm>>) target(%dma_start3A_110 : memref<64x128xf32, #tpu.memory_space<vmem>>) offsets(%dma_start3A_113 : memref<64xi32, #tpu.memory_space<vmem>>) semaphore(%arg19 : memref<!tpu.dma_semaphore, #tpu.memory_space<semaphore_mem>>)
    %scan3A_117 = arith.constant 0 : i32
    %scan3A_118 = arith.constant 80 : i32
    %scan3A_119 = arith.addi %scan3A_117, %scan3A_118 : i32
    %scan3A_120 = arith.constant 1 : i32
    scf.for %scan3A_147 = %scan3A_117 to %scan3A_119 step %scan3A_120  : i32 {
      %mul3A_148 = arith.constant 1 : i32
      %mul3A_149 = arith.muli %scan3A_147, %mul3A_148 : i32
      %add3A_150 = arith.constant 0 : i32
      %add3A_151 = arith.addi %add3A_150, %mul3A_149 : i32
      %jit3A = arith.constant 8 : i32
      %eq3A = arith.constant 0 : i32
      %eq3A_152 = arith.cmpi eq, %jit3A, %eq3A : i32
      %jit3A_153 = arith.constant 1 : i32
      %select_n3A = arith.select %eq3A_152, %jit3A_153, %jit3A : i32
      %rem3A = arith.remsi %add3A_151, %select_n3A : i32
      %ne3A = arith.constant 0 : i32
      %ne3A_154 = arith.cmpi ne, %rem3A, %ne3A : i32
      %lt3A = arith.constant 0 : i32
      %lt3A_155 = arith.cmpi slt, %rem3A, %lt3A : i32
      %lt3A_156 = arith.constant 0 : i32
      %lt3A_157 = arith.cmpi slt, %select_n3A, %lt3A_156 : i32
      %ne3A_158 = arith.xori %lt3A_155, %lt3A_157 : i1
      %and3A = arith.andi %ne3A_158, %ne3A_154 : i1
      %add3A_159 = arith.addi %rem3A, %select_n3A : i32
      %select_n3A_160 = arith.select %and3A, %add3A_159, %rem3A : i32
      %dma_wait3A_161 = arith.constant 0 : i32
      %dma_wait3A_162 = arith.constant 0 : i32
      %dma_wait3A_163 = tpu.memref_slice %arg14[%dma_wait3A_161, %dma_wait3A_162] : memref<128x128xf32, #tpu.memory_space<vmem>> -> memref<64x128xf32, #tpu.memory_space<vmem>>
      %dma_wait3A_164 = arith.constant 0 : i32
      %dma_wait3A_165 = tpu.memref_slice %arg11[%select_n3A_160, %dma_wait3A_164] : memref<8x128xi32, #tpu.memory_space<vmem>> -> memref<1x64xi32, #tpu.memory_space<vmem>>
      %dma_wait3A_166 = tpu.memref_squeeze %dma_wait3A_165 : memref<1x64xi32, #tpu.memory_space<vmem>> -> memref<64xi32, #tpu.memory_space<vmem>>
      %dma_wait3A_167 = arith.constant 0 : i32
      %dma_wait3A_168 = arith.constant 0 : i32
      %dma_wait3A_169 = tpu.memref_slice %arg4[%dma_wait3A_167, %dma_wait3A_168] : memref<10016x128xf32, #tpu.memory_space<hbm>> -> memref<10016x128xf32, #tpu.memory_space<hbm>>
      tpu.wait_indirect_dma semaphore(%arg18 : memref<!tpu.dma_semaphore, #tpu.memory_space<semaphore_mem>>) src(%dma_wait3A_169 : memref<10016x128xf32, #tpu.memory_space<hbm>>) dst(%dma_wait3A_163 : memref<64x128xf32, #tpu.memory_space<vmem>>)
      %get3A_170 = arith.index_cast %select_n3A_160 : i32 to index
      %get3A_171 = arith.constant 0 : index
      %get3A_172 = tpu.vector_load %arg11[%get3A_170, %get3A_171] {strides = array<i32>} : memref<8x128xi32, #tpu.memory_space<vmem>>, vector<16xi32>,
      %get3A_173 = arith.index_cast %select_n3A_160 : i32 to index
      %get3A_174 = arith.constant 0 : index
      %get3A_175 = tpu.vector_load %arg12[%get3A_173, %get3A_174] {strides = array<i32>} : memref<8x128xi32, #tpu.memory_space<vmem>>, vector<16xi32>,
      %gather3A = tpu.vector_load_idx %arg9[%get3A_175] : memref<10016xf32, #tpu.memory_space<vmem>>[vector<16xi32>], vector<16xf32>,
      %gather3A_176 = tpu.vector_load_idx %arg10[%get3A_172] : memref<10016xf32, #tpu.memory_space<vmem>>[vector<16xi32>], vector<16xf32>,
      %add3A_177 = arith.addf %gather3A, %gather3A_176 : vector<16xf32>
      %add3A_178 = vector.broadcast %squeeze3A : f32 to vector<16xf32>
      %add3A_179 = arith.addf %add3A_177, %add3A_178 : vector<16xf32>
      %mul3A_180 = arith.constant 0.00999999977 : f32
      %mul3A_181 = vector.broadcast %mul3A_180 : f32 to vector<16xf32>
      %mul3A_182 = arith.mulf %mul3A_181, %add3A_179 : vector<16xf32>
      %max3A_183 = arith.maximumf %add3A_179, %mul3A_182 : vector<16xf32>
      %sub3A = vector.broadcast %max3A : f32 to vector<16xf32>
      %sub3A_184 = arith.subf %max3A_183, %sub3A : vector<16xf32>
      %exp3A = math.exp %sub3A_184 : vector<16xf32>
      %shift_right_logical3A = arith.constant 7 : i32
      %shift_right_logical3A_185 = vector.broadcast %shift_right_logical3A : i32 to vector<16xi32>
      %shift_right_logical3A_186 = arith.shrui %get3A_175, %shift_right_logical3A_185 : vector<16xi32>
      %and3A_187 = arith.constant 127 : i32
      %and3A_188 = vector.broadcast %and3A_187 : i32 to vector<16xi32>
      %and3A_189 = arith.andi %get3A_175, %and3A_188 : vector<16xi32>
      %gather3A_190 = tpu.vector_load_idx %arg13[%shift_right_logical3A_186, %and3A_189] : memref<80x128xf32, #tpu.memory_space<vmem>>[vector<16xi32>, vector<16xi32>], vector<16xf32>,
      %div3A = arith.divf %exp3A, %gather3A_190 : vector<16xf32>
      %add3A_191 = arith.constant 1.000000e+00 : f32
      %add3A_192 = vector.broadcast %add3A_191 : f32 to vector<16xf32>
      %add3A_193 = arith.addf %div3A, %add3A_192 : vector<16xf32>
      %swap3A_194 = arith.constant 0 : index
      %swap3A_195 = tpu.vector_load %arg15[%swap3A_194] {strides = array<i32>} : memref<128xf32, #tpu.memory_space<vmem>>, vector<16xf32>,
      tpu.vector_store %arg15[%swap3A_194], %add3A_193 {strides = array<i32>} : memref<128xf32, #tpu.memory_space<vmem>>, vector<16xf32>,
      %get3A_196 = arith.index_cast %select_n3A_160 : i32 to index
      %get3A_197 = arith.constant 16 : index
      %get3A_198 = tpu.vector_load %arg11[%get3A_196, %get3A_197] {strides = array<i32>} : memref<8x128xi32, #tpu.memory_space<vmem>>, vector<16xi32>,
      %get3A_199 = arith.index_cast %select_n3A_160 : i32 to index
      %get3A_200 = arith.constant 16 : index
      %get3A_201 = tpu.vector_load %arg12[%get3A_199, %get3A_200] {strides = array<i32>} : memref<8x128xi32, #tpu.memory_space<vmem>>, vector<16xi32>,
      %gather3A_202 = tpu.vector_load_idx %arg9[%get3A_201] : memref<10016xf32, #tpu.memory_space<vmem>>[vector<16xi32>], vector<16xf32>,
      %gather3A_203 = tpu.vector_load_idx %arg10[%get3A_198] : memref<10016xf32, #tpu.memory_space<vmem>>[vector<16xi32>], vector<16xf32>,
      %add3A_204 = arith.addf %gather3A_202, %gather3A_203 : vector<16xf32>
      %add3A_205 = vector.broadcast %squeeze3A : f32 to vector<16xf32>
      %add3A_206 = arith.addf %add3A_204, %add3A_205 : vector<16xf32>
      %mul3A_207 = arith.constant 0.00999999977 : f32
      %mul3A_208 = vector.broadcast %mul3A_207 : f32 to vector<16xf32>
      %mul3A_209 = arith.mulf %mul3A_208, %add3A_206 : vector<16xf32>
      %max3A_210 = arith.maximumf %add3A_206, %mul3A_209 : vector<16xf32>
      %sub3A_211 = vector.broadcast %max3A : f32 to vector<16xf32>
      %sub3A_212 = arith.subf %max3A_210, %sub3A_211 : vector<16xf32>
      %exp3A_213 = math.exp %sub3A_212 : vector<16xf32>
      %shift_right_logical3A_214 = arith.constant 7 : i32
      %shift_right_logical3A_215 = vector.broadcast %shift_right_logical3A_214 : i32 to vector<16xi32>
      %shift_right_logical3A_216 = arith.shrui %get3A_201, %shift_right_logical3A_215 : vector<16xi32>
      %and3A_217 = arith.constant 127 : i32
      %and3A_218 = vector.broadcast %and3A_217 : i32 to vector<16xi32>
      %and3A_219 = arith.andi %get3A_201, %and3A_218 : vector<16xi32>
      %gather3A_220 = tpu.vector_load_idx %arg13[%shift_right_logical3A_216, %and3A_219] : memref<80x128xf32, #tpu.memory_space<vmem>>[vector<16xi32>, vector<16xi32>], vector<16xf32>,
      %div3A_221 = arith.divf %exp3A_213, %gather3A_220 : vector<16xf32>
      %add3A_222 = arith.constant 1.000000e+00 : f32
      %add3A_223 = vector.broadcast %add3A_222 : f32 to vector<16xf32>
      %add3A_224 = arith.addf %div3A_221, %add3A_223 : vector<16xf32>
      %swap3A_225 = arith.constant 16 : index
      %swap3A_226 = tpu.vector_load %arg15[%swap3A_225] {strides = array<i32>} : memref<128xf32, #tpu.memory_space<vmem>>, vector<16xf32>,
      tpu.vector_store %arg15[%swap3A_225], %add3A_224 {strides = array<i32>} : memref<128xf32, #tpu.memory_space<vmem>>, vector<16xf32>,
      %get3A_227 = arith.index_cast %select_n3A_160 : i32 to index
      %get3A_228 = arith.constant 32 : index
      %get3A_229 = tpu.vector_load %arg11[%get3A_227, %get3A_228] {strides = array<i32>} : memref<8x128xi32, #tpu.memory_space<vmem>>, vector<16xi32>,
      %get3A_230 = arith.index_cast %select_n3A_160 : i32 to index
      %get3A_231 = arith.constant 32 : index
      %get3A_232 = tpu.vector_load %arg12[%get3A_230, %get3A_231] {strides = array<i32>} : memref<8x128xi32, #tpu.memory_space<vmem>>, vector<16xi32>,
      %gather3A_233 = tpu.vector_load_idx %arg9[%get3A_232] : memref<10016xf32, #tpu.memory_space<vmem>>[vector<16xi32>], vector<16xf32>,
      %gather3A_234 = tpu.vector_load_idx %arg10[%get3A_229] : memref<10016xf32, #tpu.memory_space<vmem>>[vector<16xi32>], vector<16xf32>,
      %add3A_235 = arith.addf %gather3A_233, %gather3A_234 : vector<16xf32>
      %add3A_236 = vector.broadcast %squeeze3A : f32 to vector<16xf32>
      %add3A_237 = arith.addf %add3A_235, %add3A_236 : vector<16xf32>
      %mul3A_238 = arith.constant 0.00999999977 : f32
      %mul3A_239 = vector.broadcast %mul3A_238 : f32 to vector<16xf32>
      %mul3A_240 = arith.mulf %mul3A_239, %add3A_237 : vector<16xf32>
      %max3A_241 = arith.maximumf %add3A_237, %mul3A_240 : vector<16xf32>
      %sub3A_242 = vector.broadcast %max3A : f32 to vector<16xf32>
      %sub3A_243 = arith.subf %max3A_241, %sub3A_242 : vector<16xf32>
      %exp3A_244 = math.exp %sub3A_243 : vector<16xf32>
      %shift_right_logical3A_245 = arith.constant 7 : i32
      %shift_right_logical3A_246 = vector.broadcast %shift_right_logical3A_245 : i32 to vector<16xi32>
      %shift_right_logical3A_247 = arith.shrui %get3A_232, %shift_right_logical3A_246 : vector<16xi32>
      %and3A_248 = arith.constant 127 : i32
      %and3A_249 = vector.broadcast %and3A_248 : i32 to vector<16xi32>
      %and3A_250 = arith.andi %get3A_232, %and3A_249 : vector<16xi32>
      %gather3A_251 = tpu.vector_load_idx %arg13[%shift_right_logical3A_247, %and3A_250] : memref<80x128xf32, #tpu.memory_space<vmem>>[vector<16xi32>, vector<16xi32>], vector<16xf32>,
      %div3A_252 = arith.divf %exp3A_244, %gather3A_251 : vector<16xf32>
      %add3A_253 = arith.constant 1.000000e+00 : f32
      %add3A_254 = vector.broadcast %add3A_253 : f32 to vector<16xf32>
      %add3A_255 = arith.addf %div3A_252, %add3A_254 : vector<16xf32>
      %swap3A_256 = arith.constant 32 : index
      %swap3A_257 = tpu.vector_load %arg15[%swap3A_256] {strides = array<i32>} : memref<128xf32, #tpu.memory_space<vmem>>, vector<16xf32>,
      tpu.vector_store %arg15[%swap3A_256], %add3A_255 {strides = array<i32>} : memref<128xf32, #tpu.memory_space<vmem>>, vector<16xf32>,
      %get3A_258 = arith.index_cast %select_n3A_160 : i32 to index
      %get3A_259 = arith.constant 48 : index
      %get3A_260 = tpu.vector_load %arg11[%get3A_258, %get3A_259] {strides = array<i32>} : memref<8x128xi32, #tpu.memory_space<vmem>>, vector<16xi32>,
      %get3A_261 = arith.index_cast %select_n3A_160 : i32 to index
      %get3A_262 = arith.constant 48 : index
      %get3A_263 = tpu.vector_load %arg12[%get3A_261, %get3A_262] {strides = array<i32>} : memref<8x128xi32, #tpu.memory_space<vmem>>, vector<16xi32>,
      %gather3A_264 = tpu.vector_load_idx %arg9[%get3A_263] : memref<10016xf32, #tpu.memory_space<vmem>>[vector<16xi32>], vector<16xf32>,
      %gather3A_265 = tpu.vector_load_idx %arg10[%get3A_260] : memref<10016xf32, #tpu.memory_space<vmem>>[vector<16xi32>], vector<16xf32>,
      %add3A_266 = arith.addf %gather3A_264, %gather3A_265 : vector<16xf32>
      %add3A_267 = vector.broadcast %squeeze3A : f32 to vector<16xf32>
      %add3A_268 = arith.addf %add3A_266, %add3A_267 : vector<16xf32>
      %mul3A_269 = arith.constant 0.00999999977 : f32
      %mul3A_270 = vector.broadcast %mul3A_269 : f32 to vector<16xf32>
      %mul3A_271 = arith.mulf %mul3A_270, %add3A_268 : vector<16xf32>
      %max3A_272 = arith.maximumf %add3A_268, %mul3A_271 : vector<16xf32>
      %sub3A_273 = vector.broadcast %max3A : f32 to vector<16xf32>
      %sub3A_274 = arith.subf %max3A_272, %sub3A_273 : vector<16xf32>
      %exp3A_275 = math.exp %sub3A_274 : vector<16xf32>
      %shift_right_logical3A_276 = arith.constant 7 : i32
      %shift_right_logical3A_277 = vector.broadcast %shift_right_logical3A_276 : i32 to vector<16xi32>
      %shift_right_logical3A_278 = arith.shrui %get3A_263, %shift_right_logical3A_277 : vector<16xi32>
      %and3A_279 = arith.constant 127 : i32
      %and3A_280 = vector.broadcast %and3A_279 : i32 to vector<16xi32>
      %and3A_281 = arith.andi %get3A_263, %and3A_280 : vector<16xi32>
      %gather3A_282 = tpu.vector_load_idx %arg13[%shift_right_logical3A_278, %and3A_281] : memref<80x128xf32, #tpu.memory_space<vmem>>[vector<16xi32>, vector<16xi32>], vector<16xf32>,
      %div3A_283 = arith.divf %exp3A_275, %gather3A_282 : vector<16xf32>
      %add3A_284 = arith.constant 1.000000e+00 : f32
      %add3A_285 = vector.broadcast %add3A_284 : f32 to vector<16xf32>
      %add3A_286 = arith.addf %div3A_283, %add3A_285 : vector<16xf32>
      %swap3A_287 = arith.constant 48 : index
      %swap3A_288 = tpu.vector_load %arg15[%swap3A_287] {strides = array<i32>} : memref<128xf32, #tpu.memory_space<vmem>>, vector<16xf32>,
      tpu.vector_store %arg15[%swap3A_287], %add3A_286 {strides = array<i32>} : memref<128xf32, #tpu.memory_space<vmem>>, vector<16xf32>,
      %scan3A_289 = arith.constant 0 : i32
      %scan3A_290 = arith.constant 4 : i32
      %scan3A_291 = arith.addi %scan3A_289, %scan3A_290 : i32
      %scan3A_292 = arith.constant 1 : i32
      scf.for %scan3A_453 = %scan3A_289 to %scan3A_291 step %scan3A_292  : i32 {
        %mul3A_454 = arith.constant 1 : i32
        %mul3A_455 = arith.muli %scan3A_453, %mul3A_454 : i32
        %add3A_456 = arith.constant 0 : i32
        %add3A_457 = arith.addi %add3A_456, %mul3A_455 : i32
        %mul3A_458 = arith.constant 16 : i32
        %mul3A_459 = arith.muli %add3A_457, %mul3A_458 : i32
        %get3A_460 = arith.index_cast %mul3A_459 : i32 to index
        %get3A_461 = tpu.vector_load %arg15[%get3A_460] {strides = array<i32>} : memref<128xf32, #tpu.memory_space<vmem>>, vector<16xf32>,
        %slice3A_462 = vector.extract_strided_slice %get3A_461 {offsets = [0], sizes = [1], strides = [1]} : vector<16xf32> to vector<1xf32>
        %squeeze3A_463 = vector.extract %slice3A_462[0] : f32 from vector<1xf32>
        %mul3A_464 = arith.constant 16 : i32
        %mul3A_465 = arith.muli %add3A_457, %mul3A_464 : i32
        %add3A_466 = arith.constant 0 : i32
        %add3A_467 = arith.addi %add3A_466, %mul3A_465 : i32
        %add3A_468 = arith.constant 0 : i32
        %add3A_469 = arith.addi %add3A_467, %add3A_468 : i32
        %get3A_470 = arith.index_cast %add3A_469 : i32 to index
        %get3A_471 = arith.constant 0 : index
        %get3A_472 = tpu.vector_load %arg14[%get3A_470, %get3A_471] {strides = array<i32>} : memref<128x128xf32, #tpu.memory_space<vmem>>, vector<16xf32>,
        %mul3A_473 = vector.broadcast %squeeze3A_463 : f32 to vector<16xf32>
        %mul3A_474 = arith.mulf %get3A_472, %mul3A_473 : vector<16xf32>
        %swap3A_475 = arith.index_cast %add3A_469 : i32 to index
        %swap3A_476 = arith.constant 0 : index
        %swap3A_477 = tpu.vector_load %arg14[%swap3A_475, %swap3A_476] {strides = array<i32>} : memref<128x128xf32, #tpu.memory_space<vmem>>, vector<16xf32>,
        tpu.vector_store %arg14[%swap3A_475, %swap3A_476], %mul3A_474 {strides = array<i32>} : memref<128x128xf32, #tpu.memory_space<vmem>>, vector<16xf32>,
        %get3A_478 = arith.index_cast %add3A_469 : i32 to index
        %get3A_479 = arith.constant 16 : index
        %get3A_480 = tpu.vector_load %arg14[%get3A_478, %get3A_479] {strides = array<i32>} : memref<128x128xf32, #tpu.memory_space<vmem>>, vector<16xf32>,
        %mul3A_481 = vector.broadcast %squeeze3A_463 : f32 to vector<16xf32>
        %mul3A_482 = arith.mulf %get3A_480, %mul3A_481 : vector<16xf32>
        %swap3A_483 = arith.index_cast %add3A_469 : i32 to index
        %swap3A_484 = arith.constant 16 : index
        %swap3A_485 = tpu.vector_load %arg14[%swap3A_483, %swap3A_484] {strides = array<i32>} : memref<128x128xf32, #tpu.memory_space<vmem>>, vector<16xf32>,
        tpu.vector_store %arg14[%swap3A_483, %swap3A_484], %mul3A_482 {strides = array<i32>} : memref<128x128xf32, #tpu.memory_space<vmem>>, vector<16xf32>,
        %get3A_486 = arith.index_cast %add3A_469 : i32 to index
        %get3A_487 = arith.constant 32 : index
        %get3A_488 = tpu.vector_load %arg14[%get3A_486, %get3A_487] {strides = array<i32>} : memref<128x128xf32, #tpu.memory_space<vmem>>, vector<16xf32>,
        %mul3A_489 = vector.broadcast %squeeze3A_463 : f32 to vector<16xf32>
        %mul3A_490 = arith.mulf %get3A_488, %mul3A_489 : vector<16xf32>
        %swap3A_491 = arith.index_cast %add3A_469 : i32 to index
        %swap3A_492 = arith.constant 32 : index
        %swap3A_493 = tpu.vector_load %arg14[%swap3A_491, %swap3A_492] {strides = array<i32>} : memref<128x128xf32, #tpu.memory_space<vmem>>, vector<16xf32>,
        tpu.vector_store %arg14[%swap3A_491, %swap3A_492], %mul3A_490 {strides = array<i32>} : memref<128x128xf32, #tpu.memory_space<vmem>>, vector<16xf32>,
        %get3A_494 = arith.index_cast %add3A_469 : i32 to index
        %get3A_495 = arith.constant 48 : index
        %get3A_496 = tpu.vector_load %arg14[%get3A_494, %get3A_495] {strides = array<i32>} : memref<128x128xf32, #tpu.memory_space<vmem>>, vector<16xf32>,
        %mul3A_497 = vector.broadcast %squeeze3A_463 : f32 to vector<16xf32>
        %mul3A_498 = arith.mulf %get3A_496, %mul3A_497 : vector<16xf32>
        %swap3A_499 = arith.index_cast %add3A_469 : i32 to index
        %swap3A_500 = arith.constant 48 : index
        %swap3A_501 = tpu.vector_load %arg14[%swap3A_499, %swap3A_500] {strides = array<i32>} : memref<128x128xf32, #tpu.memory_space<vmem>>, vector<16xf32>,
        tpu.vector_store %arg14[%swap3A_499, %swap3A_500], %mul3A_498 {strides = array<i32>} : memref<128x128xf32, #tpu.memory_space<vmem>>, vector<16xf32>,
        %get3A_502 = arith.index_cast %add3A_469 : i32 to index
        %get3A_503 = arith.constant 64 : index
        %get3A_504 = tpu.vector_load %arg14[%get3A_502, %get3A_503] {strides = array<i32>} : memref<128x128xf32, #tpu.memory_space<vmem>>, vector<16xf32>,
        %mul3A_505 = vector.broadcast %squeeze3A_463 : f32 to vector<16xf32>
        %mul3A_506 = arith.mulf %get3A_504, %mul3A_505 : vector<16xf32>
        %swap3A_507 = arith.index_cast %add3A_469 : i32 to index
        %swap3A_508 = arith.constant 64 : index
        %swap3A_509 = tpu.vector_load %arg14[%swap3A_507, %swap3A_508] {strides = array<i32>} : memref<128x128xf32, #tpu.memory_space<vmem>>, vector<16xf32>,
        tpu.vector_store %arg14[%swap3A_507, %swap3A_508], %mul3A_506 {strides = array<i32>} : memref<128x128xf32, #tpu.memory_space<vmem>>, vector<16xf32>,
        %get3A_510 = arith.index_cast %add3A_469 : i32 to index
        %get3A_511 = arith.constant 80 : index
        %get3A_512 = tpu.vector_load %arg14[%get3A_510, %get3A_511] {strides = array<i32>} : memref<128x128xf32, #tpu.memory_space<vmem>>, vector<16xf32>,
        %mul3A_513 = vector.broadcast %squeeze3A_463 : f32 to vector<16xf32>
        %mul3A_514 = arith.mulf %get3A_512, %mul3A_513 : vector<16xf32>
        %swap3A_515 = arith.index_cast %add3A_469 : i32 to index
        %swap3A_516 = arith.constant 80 : index
        %swap3A_517 = tpu.vector_load %arg14[%swap3A_515, %swap3A_516] {strides = array<i32>} : memref<128x128xf32, #tpu.memory_space<vmem>>, vector<16xf32>,
        tpu.vector_store %arg14[%swap3A_515, %swap3A_516], %mul3A_514 {strides = array<i32>} : memref<128x128xf32, #tpu.memory_space<vmem>>, vector<16xf32>,
        %get3A_518 = arith.index_cast %add3A_469 : i32 to index
        %get3A_519 = arith.constant 96 : index
        %get3A_520 = tpu.vector_load %arg14[%get3A_518, %get3A_519] {strides = array<i32>} : memref<128x128xf32, #tpu.memory_space<vmem>>, vector<16xf32>,
        %mul3A_521 = vector.broadcast %squeeze3A_463 : f32 to vector<16xf32>
        %mul3A_522 = arith.mulf %get3A_520, %mul3A_521 : vector<16xf32>
        %swap3A_523 = arith.index_cast %add3A_469 : i32 to index
        %swap3A_524 = arith.constant 96 : index
        %swap3A_525 = tpu.vector_load %arg14[%swap3A_523, %swap3A_524] {strides = array<i32>} : memref<128x128xf32, #tpu.memory_space<vmem>>, vector<16xf32>,
        tpu.vector_store %arg14[%swap3A_523, %swap3A_524], %mul3A_522 {strides = array<i32>} : memref<128x128xf32, #tpu.memory_space<vmem>>, vector<16xf32>,
        %get3A_526 = arith.index_cast %add3A_469 : i32 to index
        %get3A_527 = arith.constant 112 : index
        %get3A_528 = tpu.vector_load %arg14[%get3A_526, %get3A_527] {strides = array<i32>} : memref<128x128xf32, #tpu.memory_space<vmem>>, vector<16xf32>,
        %mul3A_529 = vector.broadcast %squeeze3A_463 : f32 to vector<16xf32>
        %mul3A_530 = arith.mulf %get3A_528, %mul3A_529 : vector<16xf32>
        %swap3A_531 = arith.index_cast %add3A_469 : i32 to index
        %swap3A_532 = arith.constant 112 : index
        %swap3A_533 = tpu.vector_load %arg14[%swap3A_531, %swap3A_532] {strides = array<i32>} : memref<128x128xf32, #tpu.memory_space<vmem>>, vector<16xf32>,
        tpu.vector_store %arg14[%swap3A_531, %swap3A_532], %mul3A_530 {strides = array<i32>} : memref<128x128xf32, #tpu.memory_space<vmem>>, vector<16xf32>,
        %slice3A_534 = vector.extract_strided_slice %get3A_461 {offsets = [1], sizes = [1], strides = [1]} : vector<16xf32> to vector<1xf32>
        %squeeze3A_535 = vector.extract %slice3A_534[0] : f32 from vector<1xf32>
        %mul3A_536 = arith.constant 16 : i32
        %mul3A_537 = arith.muli %add3A_457, %mul3A_536 : i32
        %add3A_538 = arith.constant 0 : i32
        %add3A_539 = arith.addi %add3A_538, %mul3A_537 : i32
        %add3A_540 = arith.constant 1 : i32
        %add3A_541 = arith.addi %add3A_539, %add3A_540 : i32
        %get3A_542 = arith.index_cast %add3A_541 : i32 to index
        %get3A_543 = arith.constant 0 : index
        %get3A_544 = tpu.vector_load %arg14[%get3A_542, %get3A_543] {strides = array<i32>} : memref<128x128xf32, #tpu.memory_space<vmem>>, vector<16xf32>,
        %mul3A_545 = vector.broadcast %squeeze3A_535 : f32 to vector<16xf32>
        %mul3A_546 = arith.mulf %get3A_544, %mul3A_545 : vector<16xf32>
        %swap3A_547 = arith.index_cast %add3A_541 : i32 to index
        %swap3A_548 = arith.constant 0 : index
        %swap3A_549 = tpu.vector_load %arg14[%swap3A_547, %swap3A_548] {strides = array<i32>} : memref<128x128xf32, #tpu.memory_space<vmem>>, vector<16xf32>,
        tpu.vector_store %arg14[%swap3A_547, %swap3A_548], %mul3A_546 {strides = array<i32>} : memref<128x128xf32, #tpu.memory_space<vmem>>, vector<16xf32>,
        %get3A_550 = arith.index_cast %add3A_541 : i32 to index
        %get3A_551 = arith.constant 16 : index
        %get3A_552 = tpu.vector_load %arg14[%get3A_550, %get3A_551] {strides = array<i32>} : memref<128x128xf32, #tpu.memory_space<vmem>>, vector<16xf32>,
        %mul3A_553 = vector.broadcast %squeeze3A_535 : f32 to vector<16xf32>
        %mul3A_554 = arith.mulf %get3A_552, %mul3A_553 : vector<16xf32>
        %swap3A_555 = arith.index_cast %add3A_541 : i32 to index
        %swap3A_556 = arith.constant 16 : index
        %swap3A_557 = tpu.vector_load %arg14[%swap3A_555, %swap3A_556] {strides = array<i32>} : memref<128x128xf32, #tpu.memory_space<vmem>>, vector<16xf32>,
        tpu.vector_store %arg14[%swap3A_555, %swap3A_556], %mul3A_554 {strides = array<i32>} : memref<128x128xf32, #tpu.memory_space<vmem>>, vector<16xf32>,
        %get3A_558 = arith.index_cast %add3A_541 : i32 to index
        %get3A_559 = arith.constant 32 : index
        %get3A_560 = tpu.vector_load %arg14[%get3A_558, %get3A_559] {strides = array<i32>} : memref<128x128xf32, #tpu.memory_space<vmem>>, vector<16xf32>,
        %mul3A_561 = vector.broadcast %squeeze3A_535 : f32 to vector<16xf32>
        %mul3A_562 = arith.mulf %get3A_560, %mul3A_561 : vector<16xf32>
        %swap3A_563 = arith.index_cast %add3A_541 : i32 to index
        %swap3A_564 = arith.constant 32 : index
        %swap3A_565 = tpu.vector_load %arg14[%swap3A_563, %swap3A_564] {strides = array<i32>} : memref<128x128xf32, #tpu.memory_space<vmem>>, vector<16xf32>,
        tpu.vector_store %arg14[%swap3A_563, %swap3A_564], %mul3A_562 {strides = array<i32>} : memref<128x128xf32, #tpu.memory_space<vmem>>, vector<16xf32>,
        %get3A_566 = arith.index_cast %add3A_541 : i32 to index
        %get3A_567 = arith.constant 48 : index
        %get3A_568 = tpu.vector_load %arg14[%get3A_566, %get3A_567] {strides = array<i32>} : memref<128x128xf32, #tpu.memory_space<vmem>>, vector<16xf32>,
        %mul3A_569 = vector.broadcast %squeeze3A_535 : f32 to vector<16xf32>
        %mul3A_570 = arith.mulf %get3A_568, %mul3A_569 : vector<16xf32>
        %swap3A_571 = arith.index_cast %add3A_541 : i32 to index
        %swap3A_572 = arith.constant 48 : index
        %swap3A_573 = tpu.vector_load %arg14[%swap3A_571, %swap3A_572] {strides = array<i32>} : memref<128x128xf32, #tpu.memory_space<vmem>>, vector<16xf32>,
        tpu.vector_store %arg14[%swap3A_571, %swap3A_572], %mul3A_570 {strides = array<i32>} : memref<128x128xf32, #tpu.memory_space<vmem>>, vector<16xf32>,
        %get3A_574 = arith.index_cast %add3A_541 : i32 to index
        %get3A_575 = arith.constant 64 : index
        %get3A_576 = tpu.vector_load %arg14[%get3A_574, %get3A_575] {strides = array<i32>} : memref<128x128xf32, #tpu.memory_space<vmem>>, vector<16xf32>,
        %mul3A_577 = vector.broadcast %squeeze3A_535 : f32 to vector<16xf32>
        %mul3A_578 = arith.mulf %get3A_576, %mul3A_577 : vector<16xf32>
        %swap3A_579 = arith.index_cast %add3A_541 : i32 to index
        %swap3A_580 = arith.constant 64 : index
        %swap3A_581 = tpu.vector_load %arg14[%swap3A_579, %swap3A_580] {strides = array<i32>} : memref<128x128xf32, #tpu.memory_space<vmem>>, vector<16xf32>,
        tpu.vector_store %arg14[%swap3A_579, %swap3A_580], %mul3A_578 {strides = array<i32>} : memref<128x128xf32, #tpu.memory_space<vmem>>, vector<16xf32>,
        %get3A_582 = arith.index_cast %add3A_541 : i32 to index
        %get3A_583 = arith.constant 80 : index
        %get3A_584 = tpu.vector_load %arg14[%get3A_582, %get3A_583] {strides = array<i32>} : memref<128x128xf32, #tpu.memory_space<vmem>>, vector<16xf32>,
        %mul3A_585 = vector.broadcast %squeeze3A_535 : f32 to vector<16xf32>
        %mul3A_586 = arith.mulf %get3A_584, %mul3A_585 : vector<16xf32>
        %swap3A_587 = arith.index_cast %add3A_541 : i32 to index
        %swap3A_588 = arith.constant 80 : index
        %swap3A_589 = tpu.vector_load %arg14[%swap3A_587, %swap3A_588] {strides = array<i32>} : memref<128x128xf32, #tpu.memory_space<vmem>>, vector<16xf32>,
        tpu.vector_store %arg14[%swap3A_587, %swap3A_588], %mul3A_586 {strides = array<i32>} : memref<128x128xf32, #tpu.memory_space<vmem>>, vector<16xf32>,
        %get3A_590 = arith.index_cast %add3A_541 : i32 to index
        %get3A_591 = arith.constant 96 : index
        %get3A_592 = tpu.vector_load %arg14[%get3A_590, %get3A_591] {strides = array<i32>} : memref<128x128xf32, #tpu.memory_space<vmem>>, vector<16xf32>,
        %mul3A_593 = vector.broadcast %squeeze3A_535 : f32 to vector<16xf32>
        %mul3A_594 = arith.mulf %get3A_592, %mul3A_593 : vector<16xf32>
        %swap3A_595 = arith.index_cast %add3A_541 : i32 to index
        %swap3A_596 = arith.constant 96 : index
        %swap3A_597 = tpu.vector_load %arg14[%swap3A_595, %swap3A_596] {strides = array<i32>} : memref<128x128xf32, #tpu.memory_space<vmem>>, vector<16xf32>,
        tpu.vector_store %arg14[%swap3A_595, %swap3A_596], %mul3A_594 {strides = array<i32>} : memref<128x128xf32, #tpu.memory_space<vmem>>, vector<16xf32>,
        %get3A_598 = arith.index_cast %add3A_541 : i32 to index
        %get3A_599 = arith.constant 112 : index
        %get3A_600 = tpu.vector_load %arg14[%get3A_598, %get3A_599] {strides = array<i32>} : memref<128x128xf32, #tpu.memory_space<vmem>>, vector<16xf32>,
        %mul3A_601 = vector.broadcast %squeeze3A_535 : f32 to vector<16xf32>
        %mul3A_602 = arith.mulf %get3A_600, %mul3A_601 : vector<16xf32>
        %swap3A_603 = arith.index_cast %add3A_541 : i32 to index
        %swap3A_604 = arith.constant 112 : index
        %swap3A_605 = tpu.vector_load %arg14[%swap3A_603, %swap3A_604] {strides = array<i32>} : memref<128x128xf32, #tpu.memory_space<vmem>>, vector<16xf32>,
        tpu.vector_store %arg14[%swap3A_603, %swap3A_604], %mul3A_602 {strides = array<i32>} : memref<128x128xf32, #tpu.memory_space<vmem>>, vector<16xf32>,
        %slice3A_606 = vector.extract_strided_slice %get3A_461 {offsets = [2], sizes = [1], strides = [1]} : vector<16xf32> to vector<1xf32>
        %squeeze3A_607 = vector.extract %slice3A_606[0] : f32 from vector<1xf32>
        %mul3A_608 = arith.constant 16 : i32
        %mul3A_609 = arith.muli %add3A_457, %mul3A_608 : i32
        %add3A_610 = arith.constant 0 : i32
        %add3A_611 = arith.addi %add3A_610, %mul3A_609 : i32
        %add3A_612 = arith.constant 2 : i32
        %add3A_613 = arith.addi %add3A_611, %add3A_612 : i32
        %get3A_614 = arith.index_cast %add3A_613 : i32 to index
        %get3A_615 = arith.constant 0 : index
        %get3A_616 = tpu.vector_load %arg14[%get3A_614, %get3A_615] {strides = array<i32>} : memref<128x128xf32, #tpu.memory_space<vmem>>, vector<16xf32>,
        %mul3A_617 = vector.broadcast %squeeze3A_607 : f32 to vector<16xf32>
        %mul3A_618 = arith.mulf %get3A_616, %mul3A_617 : vector<16xf32>
        %swap3A_619 = arith.index_cast %add3A_613 : i32 to index
        %swap3A_620 = arith.constant 0 : index
        %swap3A_621 = tpu.vector_load %arg14[%swap3A_619, %swap3A_620] {strides = array<i32>} : memref<128x128xf32, #tpu.memory_space<vmem>>, vector<16xf32>,
        tpu.vector_store %arg14[%swap3A_619, %swap3A_620], %mul3A_618 {strides = array<i32>} : memref<128x128xf32, #tpu.memory_space<vmem>>, vector<16xf32>,
        %get3A_622 = arith.index_cast %add3A_613 : i32 to index
        %get3A_623 = arith.constant 16 : index
        %get3A_624 = tpu.vector_load %arg14[%get3A_622, %get3A_623] {strides = array<i32>} : memref<128x128xf32, #tpu.memory_space<vmem>>, vector<16xf32>,
        %mul3A_625 = vector.broadcast %squeeze3A_607 : f32 to vector<16xf32>
        %mul3A_626 = arith.mulf %get3A_624, %mul3A_625 : vector<16xf32>
        %swap3A_627 = arith.index_cast %add3A_613 : i32 to index
        %swap3A_628 = arith.constant 16 : index
        %swap3A_629 = tpu.vector_load %arg14[%swap3A_627, %swap3A_628] {strides = array<i32>} : memref<128x128xf32, #tpu.memory_space<vmem>>, vector<16xf32>,
        tpu.vector_store %arg14[%swap3A_627, %swap3A_628], %mul3A_626 {strides = array<i32>} : memref<128x128xf32, #tpu.memory_space<vmem>>, vector<16xf32>,
        %get3A_630 = arith.index_cast %add3A_613 : i32 to index
        %get3A_631 = arith.constant 32 : index
        %get3A_632 = tpu.vector_load %arg14[%get3A_630, %get3A_631] {strides = array<i32>} : memref<128x128xf32, #tpu.memory_space<vmem>>, vector<16xf32>,
        %mul3A_633 = vector.broadcast %squeeze3A_607 : f32 to vector<16xf32>
        %mul3A_634 = arith.mulf %get3A_632, %mul3A_633 : vector<16xf32>
        %swap3A_635 = arith.index_cast %add3A_613 : i32 to index
        %swap3A_636 = arith.constant 32 : index
        %swap3A_637 = tpu.vector_load %arg14[%swap3A_635, %swap3A_636] {strides = array<i32>} : memref<128x128xf32, #tpu.memory_space<vmem>>, vector<16xf32>,
        tpu.vector_store %arg14[%swap3A_635, %swap3A_636], %mul3A_634 {strides = array<i32>} : memref<128x128xf32, #tpu.memory_space<vmem>>, vector<16xf32>,
        %get3A_638 = arith.index_cast %add3A_613 : i32 to index
        %get3A_639 = arith.constant 48 : index
        %get3A_640 = tpu.vector_load %arg14[%get3A_638, %get3A_639] {strides = array<i32>} : memref<128x128xf32, #tpu.memory_space<vmem>>, vector<16xf32>,
        %mul3A_641 = vector.broadcast %squeeze3A_607 : f32 to vector<16xf32>
        %mul3A_642 = arith.mulf %get3A_640, %mul3A_641 : vector<16xf32>
        %swap3A_643 = arith.index_cast %add3A_613 : i32 to index
        %swap3A_644 = arith.constant 48 : index
        %swap3A_645 = tpu.vector_load %arg14[%swap3A_643, %swap3A_644] {strides = array<i32>} : memref<128x128xf32, #tpu.memory_space<vmem>>, vector<16xf32>,
        tpu.vector_store %arg14[%swap3A_643, %swap3A_644], %mul3A_642 {strides = array<i32>} : memref<128x128xf32, #tpu.memory_space<vmem>>, vector<16xf32>,
        %get3A_646 = arith.index_cast %add3A_613 : i32 to index
        %get3A_647 = arith.constant 64 : index
        %get3A_648 = tpu.vector_load %arg14[%get3A_646, %get3A_647] {strides = array<i32>} : memref<128x128xf32, #tpu.memory_space<vmem>>, vector<16xf32>,
        %mul3A_649 = vector.broadcast %squeeze3A_607 : f32 to vector<16xf32>
        %mul3A_650 = arith.mulf %get3A_648, %mul3A_649 : vector<16xf32>
        %swap3A_651 = arith.index_cast %add3A_613 : i32 to index
        %swap3A_652 = arith.constant 64 : index
        %swap3A_653 = tpu.vector_load %arg14[%swap3A_651, %swap3A_652] {strides = array<i32>} : memref<128x128xf32, #tpu.memory_space<vmem>>, vector<16xf32>,
        tpu.vector_store %arg14[%swap3A_651, %swap3A_652], %mul3A_650 {strides = array<i32>} : memref<128x128xf32, #tpu.memory_space<vmem>>, vector<16xf32>,
        %get3A_654 = arith.index_cast %add3A_613 : i32 to index
        %get3A_655 = arith.constant 80 : index
        %get3A_656 = tpu.vector_load %arg14[%get3A_654, %get3A_655] {strides = array<i32>} : memref<128x128xf32, #tpu.memory_space<vmem>>, vector<16xf32>,
        %mul3A_657 = vector.broadcast %squeeze3A_607 : f32 to vector<16xf32>
        %mul3A_658 = arith.mulf %get3A_656, %mul3A_657 : vector<16xf32>
        %swap3A_659 = arith.index_cast %add3A_613 : i32 to index
        %swap3A_660 = arith.constant 80 : index
        %swap3A_661 = tpu.vector_load %arg14[%swap3A_659, %swap3A_660] {strides = array<i32>} : memref<128x128xf32, #tpu.memory_space<vmem>>, vector<16xf32>,
        tpu.vector_store %arg14[%swap3A_659, %swap3A_660], %mul3A_658 {strides = array<i32>} : memref<128x128xf32, #tpu.memory_space<vmem>>, vector<16xf32>,
        %get3A_662 = arith.index_cast %add3A_613 : i32 to index
        %get3A_663 = arith.constant 96 : index
        %get3A_664 = tpu.vector_load %arg14[%get3A_662, %get3A_663] {strides = array<i32>} : memref<128x128xf32, #tpu.memory_space<vmem>>, vector<16xf32>,
        %mul3A_665 = vector.broadcast %squeeze3A_607 : f32 to vector<16xf32>
        %mul3A_666 = arith.mulf %get3A_664, %mul3A_665 : vector<16xf32>
        %swap3A_667 = arith.index_cast %add3A_613 : i32 to index
        %swap3A_668 = arith.constant 96 : index
        %swap3A_669 = tpu.vector_load %arg14[%swap3A_667, %swap3A_668] {strides = array<i32>} : memref<128x128xf32, #tpu.memory_space<vmem>>, vector<16xf32>,
        tpu.vector_store %arg14[%swap3A_667, %swap3A_668], %mul3A_666 {strides = array<i32>} : memref<128x128xf32, #tpu.memory_space<vmem>>, vector<16xf32>,
        %get3A_670 = arith.index_cast %add3A_613 : i32 to index
        %get3A_671 = arith.constant 112 : index
        %get3A_672 = tpu.vector_load %arg14[%get3A_670, %get3A_671] {strides = array<i32>} : memref<128x128xf32, #tpu.memory_space<vmem>>, vector<16xf32>,
        %mul3A_673 = vector.broadcast %squeeze3A_607 : f32 to vector<16xf32>
        %mul3A_674 = arith.mulf %get3A_672, %mul3A_673 : vector<16xf32>
        %swap3A_675 = arith.index_cast %add3A_613 : i32 to index
        %swap3A_676 = arith.constant 112 : index
        %swap3A_677 = tpu.vector_load %arg14[%swap3A_675, %swap3A_676] {strides = array<i32>} : memref<128x128xf32, #tpu.memory_space<vmem>>, vector<16xf32>,
        tpu.vector_store %arg14[%swap3A_675, %swap3A_676], %mul3A_674 {strides = array<i32>} : memref<128x128xf32, #tpu.memory_space<vmem>>, vector<16xf32>,
        %slice3A_678 = vector.extract_strided_slice %get3A_461 {offsets = [3], sizes = [1], strides = [1]} : vector<16xf32> to vector<1xf32>
        %squeeze3A_679 = vector.extract %slice3A_678[0] : f32 from vector<1xf32>
        %mul3A_680 = arith.constant 16 : i32
        %mul3A_681 = arith.muli %add3A_457, %mul3A_680 : i32
        %add3A_682 = arith.constant 0 : i32
        %add3A_683 = arith.addi %add3A_682, %mul3A_681 : i32
        %add3A_684 = arith.constant 3 : i32
        %add3A_685 = arith.addi %add3A_683, %add3A_684 : i32
        %get3A_686 = arith.index_cast %add3A_685 : i32 to index
        %get3A_687 = arith.constant 0 : index
        %get3A_688 = tpu.vector_load %arg14[%get3A_686, %get3A_687] {strides = array<i32>} : memref<128x128xf32, #tpu.memory_space<vmem>>, vector<16xf32>,
        %mul3A_689 = vector.broadcast %squeeze3A_679 : f32 to vector<16xf32>
        %mul3A_690 = arith.mulf %get3A_688, %mul3A_689 : vector<16xf32>
        %swap3A_691 = arith.index_cast %add3A_685 : i32 to index
        %swap3A_692 = arith.constant 0 : index
        %swap3A_693 = tpu.vector_load %arg14[%swap3A_691, %swap3A_692] {strides = array<i32>} : memref<128x128xf32, #tpu.memory_space<vmem>>, vector<16xf32>,
        tpu.vector_store %arg14[%swap3A_691, %swap3A_692], %mul3A_690 {strides = array<i32>} : memref<128x128xf32, #tpu.memory_space<vmem>>, vector<16xf32>,
        %get3A_694 = arith.index_cast %add3A_685 : i32 to index
        %get3A_695 = arith.constant 16 : index
        %get3A_696 = tpu.vector_load %arg14[%get3A_694, %get3A_695] {strides = array<i32>} : memref<128x128xf32, #tpu.memory_space<vmem>>, vector<16xf32>,
        %mul3A_697 = vector.broadcast %squeeze3A_679 : f32 to vector<16xf32>
        %mul3A_698 = arith.mulf %get3A_696, %mul3A_697 : vector<16xf32>
        %swap3A_699 = arith.index_cast %add3A_685 : i32 to index
        %swap3A_700 = arith.constant 16 : index
        %swap3A_701 = tpu.vector_load %arg14[%swap3A_699, %swap3A_700] {strides = array<i32>} : memref<128x128xf32, #tpu.memory_space<vmem>>, vector<16xf32>,
        tpu.vector_store %arg14[%swap3A_699, %swap3A_700], %mul3A_698 {strides = array<i32>} : memref<128x128xf32, #tpu.memory_space<vmem>>, vector<16xf32>,
        %get3A_702 = arith.index_cast %add3A_685 : i32 to index
        %get3A_703 = arith.constant 32 : index
        %get3A_704 = tpu.vector_load %arg14[%get3A_702, %get3A_703] {strides = array<i32>} : memref<128x128xf32, #tpu.memory_space<vmem>>, vector<16xf32>,
        %mul3A_705 = vector.broadcast %squeeze3A_679 : f32 to vector<16xf32>
        %mul3A_706 = arith.mulf %get3A_704, %mul3A_705 : vector<16xf32>
        %swap3A_707 = arith.index_cast %add3A_685 : i32 to index
        %swap3A_708 = arith.constant 32 : index
        %swap3A_709 = tpu.vector_load %arg14[%swap3A_707, %swap3A_708] {strides = array<i32>} : memref<128x128xf32, #tpu.memory_space<vmem>>, vector<16xf32>,
        tpu.vector_store %arg14[%swap3A_707, %swap3A_708], %mul3A_706 {strides = array<i32>} : memref<128x128xf32, #tpu.memory_space<vmem>>, vector<16xf32>,
        %get3A_710 = arith.index_cast %add3A_685 : i32 to index
        %get3A_711 = arith.constant 48 : index
        %get3A_712 = tpu.vector_load %arg14[%get3A_710, %get3A_711] {strides = array<i32>} : memref<128x128xf32, #tpu.memory_space<vmem>>, vector<16xf32>,
        %mul3A_713 = vector.broadcast %squeeze3A_679 : f32 to vector<16xf32>
        %mul3A_714 = arith.mulf %get3A_712, %mul3A_713 : vector<16xf32>
        %swap3A_715 = arith.index_cast %add3A_685 : i32 to index
        %swap3A_716 = arith.constant 48 : index
        %swap3A_717 = tpu.vector_load %arg14[%swap3A_715, %swap3A_716] {strides = array<i32>} : memref<128x128xf32, #tpu.memory_space<vmem>>, vector<16xf32>,
        tpu.vector_store %arg14[%swap3A_715, %swap3A_716], %mul3A_714 {strides = array<i32>} : memref<128x128xf32, #tpu.memory_space<vmem>>, vector<16xf32>,
        %get3A_718 = arith.index_cast %add3A_685 : i32 to index
        %get3A_719 = arith.constant 64 : index
        %get3A_720 = tpu.vector_load %arg14[%get3A_718, %get3A_719] {strides = array<i32>} : memref<128x128xf32, #tpu.memory_space<vmem>>, vector<16xf32>,
        %mul3A_721 = vector.broadcast %squeeze3A_679 : f32 to vector<16xf32>
        %mul3A_722 = arith.mulf %get3A_720, %mul3A_721 : vector<16xf32>
        %swap3A_723 = arith.index_cast %add3A_685 : i32 to index
        %swap3A_724 = arith.constant 64 : index
        %swap3A_725 = tpu.vector_load %arg14[%swap3A_723, %swap3A_724] {strides = array<i32>} : memref<128x128xf32, #tpu.memory_space<vmem>>, vector<16xf32>,
        tpu.vector_store %arg14[%swap3A_723, %swap3A_724], %mul3A_722 {strides = array<i32>} : memref<128x128xf32, #tpu.memory_space<vmem>>, vector<16xf32>,
        %get3A_726 = arith.index_cast %add3A_685 : i32 to index
        %get3A_727 = arith.constant 80 : index
        %get3A_728 = tpu.vector_load %arg14[%get3A_726, %get3A_727] {strides = array<i32>} : memref<128x128xf32, #tpu.memory_space<vmem>>, vector<16xf32>,
        %mul3A_729 = vector.broadcast %squeeze3A_679 : f32 to vector<16xf32>
        %mul3A_730 = arith.mulf %get3A_728, %mul3A_729 : vector<16xf32>
        %swap3A_731 = arith.index_cast %add3A_685 : i32 to index
        %swap3A_732 = arith.constant 80 : index
        %swap3A_733 = tpu.vector_load %arg14[%swap3A_731, %swap3A_732] {strides = array<i32>} : memref<128x128xf32, #tpu.memory_space<vmem>>, vector<16xf32>,
        tpu.vector_store %arg14[%swap3A_731, %swap3A_732], %mul3A_730 {strides = array<i32>} : memref<128x128xf32, #tpu.memory_space<vmem>>, vector<16xf32>,
        %get3A_734 = arith.index_cast %add3A_685 : i32 to index
        %get3A_735 = arith.constant 96 : index
        %get3A_736 = tpu.vector_load %arg14[%get3A_734, %get3A_735] {strides = array<i32>} : memref<128x128xf32, #tpu.memory_space<vmem>>, vector<16xf32>,
        %mul3A_737 = vector.broadcast %squeeze3A_679 : f32 to vector<16xf32>
        %mul3A_738 = arith.mulf %get3A_736, %mul3A_737 : vector<16xf32>
        %swap3A_739 = arith.index_cast %add3A_685 : i32 to index
        %swap3A_740 = arith.constant 96 : index
        %swap3A_741 = tpu.vector_load %arg14[%swap3A_739, %swap3A_740] {strides = array<i32>} : memref<128x128xf32, #tpu.memory_space<vmem>>, vector<16xf32>,
        tpu.vector_store %arg14[%swap3A_739, %swap3A_740], %mul3A_738 {strides = array<i32>} : memref<128x128xf32, #tpu.memory_space<vmem>>, vector<16xf32>,
        %get3A_742 = arith.index_cast %add3A_685 : i32 to index
        %get3A_743 = arith.constant 112 : index
        %get3A_744 = tpu.vector_load %arg14[%get3A_742, %get3A_743] {strides = array<i32>} : memref<128x128xf32, #tpu.memory_space<vmem>>, vector<16xf32>,
        %mul3A_745 = vector.broadcast %squeeze3A_679 : f32 to vector<16xf32>
        %mul3A_746 = arith.mulf %get3A_744, %mul3A_745 : vector<16xf32>
        %swap3A_747 = arith.index_cast %add3A_685 : i32 to index
        %swap3A_748 = arith.constant 112 : index
        %swap3A_749 = tpu.vector_load %arg14[%swap3A_747, %swap3A_748] {strides = array<i32>} : memref<128x128xf32, #tpu.memory_space<vmem>>, vector<16xf32>,
        tpu.vector_store %arg14[%swap3A_747, %swap3A_748], %mul3A_746 {strides = array<i32>} : memref<128x128xf32, #tpu.memory_space<vmem>>, vector<16xf32>,
        %slice3A_750 = vector.extract_strided_slice %get3A_461 {offsets = [4], sizes = [1], strides = [1]} : vector<16xf32> to vector<1xf32>
        %squeeze3A_751 = vector.extract %slice3A_750[0] : f32 from vector<1xf32>
        %mul3A_752 = arith.constant 16 : i32
        %mul3A_753 = arith.muli %add3A_457, %mul3A_752 : i32
        %add3A_754 = arith.constant 0 : i32
        %add3A_755 = arith.addi %add3A_754, %mul3A_753 : i32
        %add3A_756 = arith.constant 4 : i32
        %add3A_757 = arith.addi %add3A_755, %add3A_756 : i32
        %get3A_758 = arith.index_cast %add3A_757 : i32 to index
        %get3A_759 = arith.constant 0 : index
        %get3A_760 = tpu.vector_load %arg14[%get3A_758, %get3A_759] {strides = array<i32>} : memref<128x128xf32, #tpu.memory_space<vmem>>, vector<16xf32>,
        %mul3A_761 = vector.broadcast %squeeze3A_751 : f32 to vector<16xf32>
        %mul3A_762 = arith.mulf %get3A_760, %mul3A_761 : vector<16xf32>
        %swap3A_763 = arith.index_cast %add3A_757 : i32 to index
        %swap3A_764 = arith.constant 0 : index
        %swap3A_765 = tpu.vector_load %arg14[%swap3A_763, %swap3A_764] {strides = array<i32>} : memref<128x128xf32, #tpu.memory_space<vmem>>, vector<16xf32>,
        tpu.vector_store %arg14[%swap3A_763, %swap3A_764], %mul3A_762 {strides = array<i32>} : memref<128x128xf32, #tpu.memory_space<vmem>>, vector<16xf32>,
        %get3A_766 = arith.index_cast %add3A_757 : i32 to index
        %get3A_767 = arith.constant 16 : index
        %get3A_768 = tpu.vector_load %arg14[%get3A_766, %get3A_767] {strides = array<i32>} : memref<128x128xf32, #tpu.memory_space<vmem>>, vector<16xf32>,
        %mul3A_769 = vector.broadcast %squeeze3A_751 : f32 to vector<16xf32>
        %mul3A_770 = arith.mulf %get3A_768, %mul3A_769 : vector<16xf32>
        %swap3A_771 = arith.index_cast %add3A_757 : i32 to index
        %swap3A_772 = arith.constant 16 : index
        %swap3A_773 = tpu.vector_load %arg14[%swap3A_771, %swap3A_772] {strides = array<i32>} : memref<128x128xf32, #tpu.memory_space<vmem>>, vector<16xf32>,
        tpu.vector_store %arg14[%swap3A_771, %swap3A_772], %mul3A_770 {strides = array<i32>} : memref<128x128xf32, #tpu.memory_space<vmem>>, vector<16xf32>,
        %get3A_774 = arith.index_cast %add3A_757 : i32 to index
        %get3A_775 = arith.constant 32 : index
        %get3A_776 = tpu.vector_load %arg14[%get3A_774, %get3A_775] {strides = array<i32>} : memref<128x128xf32, #tpu.memory_space<vmem>>, vector<16xf32>,
        %mul3A_777 = vector.broadcast %squeeze3A_751 : f32 to vector<16xf32>
        %mul3A_778 = arith.mulf %get3A_776, %mul3A_777 : vector<16xf32>
        %swap3A_779 = arith.index_cast %add3A_757 : i32 to index
        %swap3A_780 = arith.constant 32 : index
        %swap3A_781 = tpu.vector_load %arg14[%swap3A_779, %swap3A_780] {strides = array<i32>} : memref<128x128xf32, #tpu.memory_space<vmem>>, vector<16xf32>,
        tpu.vector_store %arg14[%swap3A_779, %swap3A_780], %mul3A_778 {strides = array<i32>} : memref<128x128xf32, #tpu.memory_space<vmem>>, vector<16xf32>,
        %get3A_782 = arith.index_cast %add3A_757 : i32 to index
        %get3A_783 = arith.constant 48 : index
        %get3A_784 = tpu.vector_load %arg14[%get3A_782, %get3A_783] {strides = array<i32>} : memref<128x128xf32, #tpu.memory_space<vmem>>, vector<16xf32>,
        %mul3A_785 = vector.broadcast %squeeze3A_751 : f32 to vector<16xf32>
        %mul3A_786 = arith.mulf %get3A_784, %mul3A_785 : vector<16xf32>
        %swap3A_787 = arith.index_cast %add3A_757 : i32 to index
        %swap3A_788 = arith.constant 48 : index
        %swap3A_789 = tpu.vector_load %arg14[%swap3A_787, %swap3A_788] {strides = array<i32>} : memref<128x128xf32, #tpu.memory_space<vmem>>, vector<16xf32>,
        tpu.vector_store %arg14[%swap3A_787, %swap3A_788], %mul3A_786 {strides = array<i32>} : memref<128x128xf32, #tpu.memory_space<vmem>>, vector<16xf32>,
        %get3A_790 = arith.index_cast %add3A_757 : i32 to index
        %get3A_791 = arith.constant 64 : index
        %get3A_792 = tpu.vector_load %arg14[%get3A_790, %get3A_791] {strides = array<i32>} : memref<128x128xf32, #tpu.memory_space<vmem>>, vector<16xf32>,
        %mul3A_793 = vector.broadcast %squeeze3A_751 : f32 to vector<16xf32>
        %mul3A_794 = arith.mulf %get3A_792, %mul3A_793 : vector<16xf32>
        %swap3A_795 = arith.index_cast %add3A_757 : i32 to index
        %swap3A_796 = arith.constant 64 : index
        %swap3A_797 = tpu.vector_load %arg14[%swap3A_795, %swap3A_796] {strides = array<i32>} : memref<128x128xf32, #tpu.memory_space<vmem>>, vector<16xf32>,
        tpu.vector_store %arg14[%swap3A_795, %swap3A_796], %mul3A_794 {strides = array<i32>} : memref<128x128xf32, #tpu.memory_space<vmem>>, vector<16xf32>,
        %get3A_798 = arith.index_cast %add3A_757 : i32 to index
        %get3A_799 = arith.constant 80 : index
        %get3A_800 = tpu.vector_load %arg14[%get3A_798, %get3A_799] {strides = array<i32>} : memref<128x128xf32, #tpu.memory_space<vmem>>, vector<16xf32>,
        %mul3A_801 = vector.broadcast %squeeze3A_751 : f32 to vector<16xf32>
        %mul3A_802 = arith.mulf %get3A_800, %mul3A_801 : vector<16xf32>
        %swap3A_803 = arith.index_cast %add3A_757 : i32 to index
        %swap3A_804 = arith.constant 80 : index
        %swap3A_805 = tpu.vector_load %arg14[%swap3A_803, %swap3A_804] {strides = array<i32>} : memref<128x128xf32, #tpu.memory_space<vmem>>, vector<16xf32>,
        tpu.vector_store %arg14[%swap3A_803, %swap3A_804], %mul3A_802 {strides = array<i32>} : memref<128x128xf32, #tpu.memory_space<vmem>>, vector<16xf32>,
        %get3A_806 = arith.index_cast %add3A_757 : i32 to index
        %get3A_807 = arith.constant 96 : index
        %get3A_808 = tpu.vector_load %arg14[%get3A_806, %get3A_807] {strides = array<i32>} : memref<128x128xf32, #tpu.memory_space<vmem>>, vector<16xf32>,
        %mul3A_809 = vector.broadcast %squeeze3A_751 : f32 to vector<16xf32>
        %mul3A_810 = arith.mulf %get3A_808, %mul3A_809 : vector<16xf32>
        %swap3A_811 = arith.index_cast %add3A_757 : i32 to index
        %swap3A_812 = arith.constant 96 : index
        %swap3A_813 = tpu.vector_load %arg14[%swap3A_811, %swap3A_812] {strides = array<i32>} : memref<128x128xf32, #tpu.memory_space<vmem>>, vector<16xf32>,
        tpu.vector_store %arg14[%swap3A_811, %swap3A_812], %mul3A_810 {strides = array<i32>} : memref<128x128xf32, #tpu.memory_space<vmem>>, vector<16xf32>,
        %get3A_814 = arith.index_cast %add3A_757 : i32 to index
        %get3A_815 = arith.constant 112 : index
        %get3A_816 = tpu.vector_load %arg14[%get3A_814, %get3A_815] {strides = array<i32>} : memref<128x128xf32, #tpu.memory_space<vmem>>, vector<16xf32>,
        %mul3A_817 = vector.broadcast %squeeze3A_751 : f32 to vector<16xf32>
        %mul3A_818 = arith.mulf %get3A_816, %mul3A_817 : vector<16xf32>
        %swap3A_819 = arith.index_cast %add3A_757 : i32 to index
        %swap3A_820 = arith.constant 112 : index
        %swap3A_821 = tpu.vector_load %arg14[%swap3A_819, %swap3A_820] {strides = array<i32>} : memref<128x128xf32, #tpu.memory_space<vmem>>, vector<16xf32>,
        tpu.vector_store %arg14[%swap3A_819, %swap3A_820], %mul3A_818 {strides = array<i32>} : memref<128x128xf32, #tpu.memory_space<vmem>>, vector<16xf32>,
        %slice3A_822 = vector.extract_strided_slice %get3A_461 {offsets = [5], sizes = [1], strides = [1]} : vector<16xf32> to vector<1xf32>
        %squeeze3A_823 = vector.extract %slice3A_822[0] : f32 from vector<1xf32>
        %mul3A_824 = arith.constant 16 : i32
        %mul3A_825 = arith.muli %add3A_457, %mul3A_824 : i32
        %add3A_826 = arith.constant 0 : i32
        %add3A_827 = arith.addi %add3A_826, %mul3A_825 : i32
        %add3A_828 = arith.constant 5 : i32
        %add3A_829 = arith.addi %add3A_827, %add3A_828 : i32
        %get3A_830 = arith.index_cast %add3A_829 : i32 to index
        %get3A_831 = arith.constant 0 : index
        %get3A_832 = tpu.vector_load %arg14[%get3A_830, %get3A_831] {strides = array<i32>} : memref<128x128xf32, #tpu.memory_space<vmem>>, vector<16xf32>,
        %mul3A_833 = vector.broadcast %squeeze3A_823 : f32 to vector<16xf32>
        %mul3A_834 = arith.mulf %get3A_832, %mul3A_833 : vector<16xf32>
        %swap3A_835 = arith.index_cast %add3A_829 : i32 to index
        %swap3A_836 = arith.constant 0 : index
        %swap3A_837 = tpu.vector_load %arg14[%swap3A_835, %swap3A_836] {strides = array<i32>} : memref<128x128xf32, #tpu.memory_space<vmem>>, vector<16xf32>,
        tpu.vector_store %arg14[%swap3A_835, %swap3A_836], %mul3A_834 {strides = array<i32>} : memref<128x128xf32, #tpu.memory_space<vmem>>, vector<16xf32>,
        %get3A_838 = arith.index_cast %add3A_829 : i32 to index
        %get3A_839 = arith.constant 16 : index
        %get3A_840 = tpu.vector_load %arg14[%get3A_838, %get3A_839] {strides = array<i32>} : memref<128x128xf32, #tpu.memory_space<vmem>>, vector<16xf32>,
        %mul3A_841 = vector.broadcast %squeeze3A_823 : f32 to vector<16xf32>
        %mul3A_842 = arith.mulf %get3A_840, %mul3A_841 : vector<16xf32>
        %swap3A_843 = arith.index_cast %add3A_829 : i32 to index
        %swap3A_844 = arith.constant 16 : index
        %swap3A_845 = tpu.vector_load %arg14[%swap3A_843, %swap3A_844] {strides = array<i32>} : memref<128x128xf32, #tpu.memory_space<vmem>>, vector<16xf32>,
        tpu.vector_store %arg14[%swap3A_843, %swap3A_844], %mul3A_842 {strides = array<i32>} : memref<128x128xf32, #tpu.memory_space<vmem>>, vector<16xf32>,
        %get3A_846 = arith.index_cast %add3A_829 : i32 to index
        %get3A_847 = arith.constant 32 : index
        %get3A_848 = tpu.vector_load %arg14[%get3A_846, %get3A_847] {strides = array<i32>} : memref<128x128xf32, #tpu.memory_space<vmem>>, vector<16xf32>,
        %mul3A_849 = vector.broadcast %squeeze3A_823 : f32 to vector<16xf32>
        %mul3A_850 = arith.mulf %get3A_848, %mul3A_849 : vector<16xf32>
        %swap3A_851 = arith.index_cast %add3A_829 : i32 to index
        %swap3A_852 = arith.constant 32 : index
        %swap3A_853 = tpu.vector_load %arg14[%swap3A_851, %swap3A_852] {strides = array<i32>} : memref<128x128xf32, #tpu.memory_space<vmem>>, vector<16xf32>,
        tpu.vector_store %arg14[%swap3A_851, %swap3A_852], %mul3A_850 {strides = array<i32>} : memref<128x128xf32, #tpu.memory_space<vmem>>, vector<16xf32>,
        %get3A_854 = arith.index_cast %add3A_829 : i32 to index
        %get3A_855 = arith.constant 48 : index
        %get3A_856 = tpu.vector_load %arg14[%get3A_854, %get3A_855] {strides = array<i32>} : memref<128x128xf32, #tpu.memory_space<vmem>>, vector<16xf32>,
        %mul3A_857 = vector.broadcast %squeeze3A_823 : f32 to vector<16xf32>
        %mul3A_858 = arith.mulf %get3A_856, %mul3A_857 : vector<16xf32>
        %swap3A_859 = arith.index_cast %add3A_829 : i32 to index
        %swap3A_860 = arith.constant 48 : index
        %swap3A_861 = tpu.vector_load %arg14[%swap3A_859, %swap3A_860] {strides = array<i32>} : memref<128x128xf32, #tpu.memory_space<vmem>>, vector<16xf32>,
        tpu.vector_store %arg14[%swap3A_859, %swap3A_860], %mul3A_858 {strides = array<i32>} : memref<128x128xf32, #tpu.memory_space<vmem>>, vector<16xf32>,
        %get3A_862 = arith.index_cast %add3A_829 : i32 to index
        %get3A_863 = arith.constant 64 : index
        %get3A_864 = tpu.vector_load %arg14[%get3A_862, %get3A_863] {strides = array<i32>} : memref<128x128xf32, #tpu.memory_space<vmem>>, vector<16xf32>,
        %mul3A_865 = vector.broadcast %squeeze3A_823 : f32 to vector<16xf32>
        %mul3A_866 = arith.mulf %get3A_864, %mul3A_865 : vector<16xf32>
        %swap3A_867 = arith.index_cast %add3A_829 : i32 to index
        %swap3A_868 = arith.constant 64 : index
        %swap3A_869 = tpu.vector_load %arg14[%swap3A_867, %swap3A_868] {strides = array<i32>} : memref<128x128xf32, #tpu.memory_space<vmem>>, vector<16xf32>,
        tpu.vector_store %arg14[%swap3A_867, %swap3A_868], %mul3A_866 {strides = array<i32>} : memref<128x128xf32, #tpu.memory_space<vmem>>, vector<16xf32>,
        %get3A_870 = arith.index_cast %add3A_829 : i32 to index
        %get3A_871 = arith.constant 80 : index
        %get3A_872 = tpu.vector_load %arg14[%get3A_870, %get3A_871] {strides = array<i32>} : memref<128x128xf32, #tpu.memory_space<vmem>>, vector<16xf32>,
        %mul3A_873 = vector.broadcast %squeeze3A_823 : f32 to vector<16xf32>
        %mul3A_874 = arith.mulf %get3A_872, %mul3A_873 : vector<16xf32>
        %swap3A_875 = arith.index_cast %add3A_829 : i32 to index
        %swap3A_876 = arith.constant 80 : index
        %swap3A_877 = tpu.vector_load %arg14[%swap3A_875, %swap3A_876] {strides = array<i32>} : memref<128x128xf32, #tpu.memory_space<vmem>>, vector<16xf32>,
        tpu.vector_store %arg14[%swap3A_875, %swap3A_876], %mul3A_874 {strides = array<i32>} : memref<128x128xf32, #tpu.memory_space<vmem>>, vector<16xf32>,
        %get3A_878 = arith.index_cast %add3A_829 : i32 to index
        %get3A_879 = arith.constant 96 : index
        %get3A_880 = tpu.vector_load %arg14[%get3A_878, %get3A_879] {strides = array<i32>} : memref<128x128xf32, #tpu.memory_space<vmem>>, vector<16xf32>,
        %mul3A_881 = vector.broadcast %squeeze3A_823 : f32 to vector<16xf32>
        %mul3A_882 = arith.mulf %get3A_880, %mul3A_881 : vector<16xf32>
        %swap3A_883 = arith.index_cast %add3A_829 : i32 to index
        %swap3A_884 = arith.constant 96 : index
        %swap3A_885 = tpu.vector_load %arg14[%swap3A_883, %swap3A_884] {strides = array<i32>} : memref<128x128xf32, #tpu.memory_space<vmem>>, vector<16xf32>,
        tpu.vector_store %arg14[%swap3A_883, %swap3A_884], %mul3A_882 {strides = array<i32>} : memref<128x128xf32, #tpu.memory_space<vmem>>, vector<16xf32>,
        %get3A_886 = arith.index_cast %add3A_829 : i32 to index
        %get3A_887 = arith.constant 112 : index
        %get3A_888 = tpu.vector_load %arg14[%get3A_886, %get3A_887] {strides = array<i32>} : memref<128x128xf32, #tpu.memory_space<vmem>>, vector<16xf32>,
        %mul3A_889 = vector.broadcast %squeeze3A_823 : f32 to vector<16xf32>
        %mul3A_890 = arith.mulf %get3A_888, %mul3A_889 : vector<16xf32>
        %swap3A_891 = arith.index_cast %add3A_829 : i32 to index
        %swap3A_892 = arith.constant 112 : index
        %swap3A_893 = tpu.vector_load %arg14[%swap3A_891, %swap3A_892] {strides = array<i32>} : memref<128x128xf32, #tpu.memory_space<vmem>>, vector<16xf32>,
        tpu.vector_store %arg14[%swap3A_891, %swap3A_892], %mul3A_890 {strides = array<i32>} : memref<128x128xf32, #tpu.memory_space<vmem>>, vector<16xf32>,
        %slice3A_894 = vector.extract_strided_slice %get3A_461 {offsets = [6], sizes = [1], strides = [1]} : vector<16xf32> to vector<1xf32>
        %squeeze3A_895 = vector.extract %slice3A_894[0] : f32 from vector<1xf32>
        %mul3A_896 = arith.constant 16 : i32
        %mul3A_897 = arith.muli %add3A_457, %mul3A_896 : i32
        %add3A_898 = arith.constant 0 : i32
        %add3A_899 = arith.addi %add3A_898, %mul3A_897 : i32
        %add3A_900 = arith.constant 6 : i32
        %add3A_901 = arith.addi %add3A_899, %add3A_900 : i32
        %get3A_902 = arith.index_cast %add3A_901 : i32 to index
        %get3A_903 = arith.constant 0 : index
        %get3A_904 = tpu.vector_load %arg14[%get3A_902, %get3A_903] {strides = array<i32>} : memref<128x128xf32, #tpu.memory_space<vmem>>, vector<16xf32>,
        %mul3A_905 = vector.broadcast %squeeze3A_895 : f32 to vector<16xf32>
        %mul3A_906 = arith.mulf %get3A_904, %mul3A_905 : vector<16xf32>
        %swap3A_907 = arith.index_cast %add3A_901 : i32 to index
        %swap3A_908 = arith.constant 0 : index
        %swap3A_909 = tpu.vector_load %arg14[%swap3A_907, %swap3A_908] {strides = array<i32>} : memref<128x128xf32, #tpu.memory_space<vmem>>, vector<16xf32>,
        tpu.vector_store %arg14[%swap3A_907, %swap3A_908], %mul3A_906 {strides = array<i32>} : memref<128x128xf32, #tpu.memory_space<vmem>>, vector<16xf32>,
        %get3A_910 = arith.index_cast %add3A_901 : i32 to index
        %get3A_911 = arith.constant 16 : index
        %get3A_912 = tpu.vector_load %arg14[%get3A_910, %get3A_911] {strides = array<i32>} : memref<128x128xf32, #tpu.memory_space<vmem>>, vector<16xf32>,
        %mul3A_913 = vector.broadcast %squeeze3A_895 : f32 to vector<16xf32>
        %mul3A_914 = arith.mulf %get3A_912, %mul3A_913 : vector<16xf32>
        %swap3A_915 = arith.index_cast %add3A_901 : i32 to index
        %swap3A_916 = arith.constant 16 : index
        %swap3A_917 = tpu.vector_load %arg14[%swap3A_915, %swap3A_916] {strides = array<i32>} : memref<128x128xf32, #tpu.memory_space<vmem>>, vector<16xf32>,
        tpu.vector_store %arg14[%swap3A_915, %swap3A_916], %mul3A_914 {strides = array<i32>} : memref<128x128xf32, #tpu.memory_space<vmem>>, vector<16xf32>,
        %get3A_918 = arith.index_cast %add3A_901 : i32 to index
        %get3A_919 = arith.constant 32 : index
        %get3A_920 = tpu.vector_load %arg14[%get3A_918, %get3A_919] {strides = array<i32>} : memref<128x128xf32, #tpu.memory_space<vmem>>, vector<16xf32>,
        %mul3A_921 = vector.broadcast %squeeze3A_895 : f32 to vector<16xf32>
        %mul3A_922 = arith.mulf %get3A_920, %mul3A_921 : vector<16xf32>
        %swap3A_923 = arith.index_cast %add3A_901 : i32 to index
        %swap3A_924 = arith.constant 32 : index
        %swap3A_925 = tpu.vector_load %arg14[%swap3A_923, %swap3A_924] {strides = array<i32>} : memref<128x128xf32, #tpu.memory_space<vmem>>, vector<16xf32>,
        tpu.vector_store %arg14[%swap3A_923, %swap3A_924], %mul3A_922 {strides = array<i32>} : memref<128x128xf32, #tpu.memory_space<vmem>>, vector<16xf32>,
        %get3A_926 = arith.index_cast %add3A_901 : i32 to index
        %get3A_927 = arith.constant 48 : index
        %get3A_928 = tpu.vector_load %arg14[%get3A_926, %get3A_927] {strides = array<i32>} : memref<128x128xf32, #tpu.memory_space<vmem>>, vector<16xf32>,
        %mul3A_929 = vector.broadcast %squeeze3A_895 : f32 to vector<16xf32>
        %mul3A_930 = arith.mulf %get3A_928, %mul3A_929 : vector<16xf32>
        %swap3A_931 = arith.index_cast %add3A_901 : i32 to index
        %swap3A_932 = arith.constant 48 : index
        %swap3A_933 = tpu.vector_load %arg14[%swap3A_931, %swap3A_932] {strides = array<i32>} : memref<128x128xf32, #tpu.memory_space<vmem>>, vector<16xf32>,
        tpu.vector_store %arg14[%swap3A_931, %swap3A_932], %mul3A_930 {strides = array<i32>} : memref<128x128xf32, #tpu.memory_space<vmem>>, vector<16xf32>,
        %get3A_934 = arith.index_cast %add3A_901 : i32 to index
        %get3A_935 = arith.constant 64 : index
        %get3A_936 = tpu.vector_load %arg14[%get3A_934, %get3A_935] {strides = array<i32>} : memref<128x128xf32, #tpu.memory_space<vmem>>, vector<16xf32>,
        %mul3A_937 = vector.broadcast %squeeze3A_895 : f32 to vector<16xf32>
        %mul3A_938 = arith.mulf %get3A_936, %mul3A_937 : vector<16xf32>
        %swap3A_939 = arith.index_cast %add3A_901 : i32 to index
        %swap3A_940 = arith.constant 64 : index
        %swap3A_941 = tpu.vector_load %arg14[%swap3A_939, %swap3A_940] {strides = array<i32>} : memref<128x128xf32, #tpu.memory_space<vmem>>, vector<16xf32>,
        tpu.vector_store %arg14[%swap3A_939, %swap3A_940], %mul3A_938 {strides = array<i32>} : memref<128x128xf32, #tpu.memory_space<vmem>>, vector<16xf32>,
        %get3A_942 = arith.index_cast %add3A_901 : i32 to index
        %get3A_943 = arith.constant 80 : index
        %get3A_944 = tpu.vector_load %arg14[%get3A_942, %get3A_943] {strides = array<i32>} : memref<128x128xf32, #tpu.memory_space<vmem>>, vector<16xf32>,
        %mul3A_945 = vector.broadcast %squeeze3A_895 : f32 to vector<16xf32>
        %mul3A_946 = arith.mulf %get3A_944, %mul3A_945 : vector<16xf32>
        %swap3A_947 = arith.index_cast %add3A_901 : i32 to index
        %swap3A_948 = arith.constant 80 : index
        %swap3A_949 = tpu.vector_load %arg14[%swap3A_947, %swap3A_948] {strides = array<i32>} : memref<128x128xf32, #tpu.memory_space<vmem>>, vector<16xf32>,
        tpu.vector_store %arg14[%swap3A_947, %swap3A_948], %mul3A_946 {strides = array<i32>} : memref<128x128xf32, #tpu.memory_space<vmem>>, vector<16xf32>,
        %get3A_950 = arith.index_cast %add3A_901 : i32 to index
        %get3A_951 = arith.constant 96 : index
        %get3A_952 = tpu.vector_load %arg14[%get3A_950, %get3A_951] {strides = array<i32>} : memref<128x128xf32, #tpu.memory_space<vmem>>, vector<16xf32>,
        %mul3A_953 = vector.broadcast %squeeze3A_895 : f32 to vector<16xf32>
        %mul3A_954 = arith.mulf %get3A_952, %mul3A_953 : vector<16xf32>
        %swap3A_955 = arith.index_cast %add3A_901 : i32 to index
        %swap3A_956 = arith.constant 96 : index
        %swap3A_957 = tpu.vector_load %arg14[%swap3A_955, %swap3A_956] {strides = array<i32>} : memref<128x128xf32, #tpu.memory_space<vmem>>, vector<16xf32>,
        tpu.vector_store %arg14[%swap3A_955, %swap3A_956], %mul3A_954 {strides = array<i32>} : memref<128x128xf32, #tpu.memory_space<vmem>>, vector<16xf32>,
        %get3A_958 = arith.index_cast %add3A_901 : i32 to index
        %get3A_959 = arith.constant 112 : index
        %get3A_960 = tpu.vector_load %arg14[%get3A_958, %get3A_959] {strides = array<i32>} : memref<128x128xf32, #tpu.memory_space<vmem>>, vector<16xf32>,
        %mul3A_961 = vector.broadcast %squeeze3A_895 : f32 to vector<16xf32>
        %mul3A_962 = arith.mulf %get3A_960, %mul3A_961 : vector<16xf32>
        %swap3A_963 = arith.index_cast %add3A_901 : i32 to index
        %swap3A_964 = arith.constant 112 : index
        %swap3A_965 = tpu.vector_load %arg14[%swap3A_963, %swap3A_964] {strides = array<i32>} : memref<128x128xf32, #tpu.memory_space<vmem>>, vector<16xf32>,
        tpu.vector_store %arg14[%swap3A_963, %swap3A_964], %mul3A_962 {strides = array<i32>} : memref<128x128xf32, #tpu.memory_space<vmem>>, vector<16xf32>,
        %slice3A_966 = vector.extract_strided_slice %get3A_461 {offsets = [7], sizes = [1], strides = [1]} : vector<16xf32> to vector<1xf32>
        %squeeze3A_967 = vector.extract %slice3A_966[0] : f32 from vector<1xf32>
        %mul3A_968 = arith.constant 16 : i32
        %mul3A_969 = arith.muli %add3A_457, %mul3A_968 : i32
        %add3A_970 = arith.constant 0 : i32
        %add3A_971 = arith.addi %add3A_970, %mul3A_969 : i32
        %add3A_972 = arith.constant 7 : i32
        %add3A_973 = arith.addi %add3A_971, %add3A_972 : i32
        %get3A_974 = arith.index_cast %add3A_973 : i32 to index
        %get3A_975 = arith.constant 0 : index
        %get3A_976 = tpu.vector_load %arg14[%get3A_974, %get3A_975] {strides = array<i32>} : memref<128x128xf32, #tpu.memory_space<vmem>>, vector<16xf32>,
        %mul3A_977 = vector.broadcast %squeeze3A_967 : f32 to vector<16xf32>
        %mul3A_978 = arith.mulf %get3A_976, %mul3A_977 : vector<16xf32>
        %swap3A_979 = arith.index_cast %add3A_973 : i32 to index
        %swap3A_980 = arith.constant 0 : index
        %swap3A_981 = tpu.vector_load %arg14[%swap3A_979, %swap3A_980] {strides = array<i32>} : memref<128x128xf32, #tpu.memory_space<vmem>>, vector<16xf32>,
        tpu.vector_store %arg14[%swap3A_979, %swap3A_980], %mul3A_978 {strides = array<i32>} : memref<128x128xf32, #tpu.memory_space<vmem>>, vector<16xf32>,
        %get3A_982 = arith.index_cast %add3A_973 : i32 to index
        %get3A_983 = arith.constant 16 : index
        %get3A_984 = tpu.vector_load %arg14[%get3A_982, %get3A_983] {strides = array<i32>} : memref<128x128xf32, #tpu.memory_space<vmem>>, vector<16xf32>,
        %mul3A_985 = vector.broadcast %squeeze3A_967 : f32 to vector<16xf32>
        %mul3A_986 = arith.mulf %get3A_984, %mul3A_985 : vector<16xf32>
        %swap3A_987 = arith.index_cast %add3A_973 : i32 to index
        %swap3A_988 = arith.constant 16 : index
        %swap3A_989 = tpu.vector_load %arg14[%swap3A_987, %swap3A_988] {strides = array<i32>} : memref<128x128xf32, #tpu.memory_space<vmem>>, vector<16xf32>,
        tpu.vector_store %arg14[%swap3A_987, %swap3A_988], %mul3A_986 {strides = array<i32>} : memref<128x128xf32, #tpu.memory_space<vmem>>, vector<16xf32>,
        %get3A_990 = arith.index_cast %add3A_973 : i32 to index
        %get3A_991 = arith.constant 32 : index
        %get3A_992 = tpu.vector_load %arg14[%get3A_990, %get3A_991] {strides = array<i32>} : memref<128x128xf32, #tpu.memory_space<vmem>>, vector<16xf32>,
        %mul3A_993 = vector.broadcast %squeeze3A_967 : f32 to vector<16xf32>
        %mul3A_994 = arith.mulf %get3A_992, %mul3A_993 : vector<16xf32>
        %swap3A_995 = arith.index_cast %add3A_973 : i32 to index
        %swap3A_996 = arith.constant 32 : index
        %swap3A_997 = tpu.vector_load %arg14[%swap3A_995, %swap3A_996] {strides = array<i32>} : memref<128x128xf32, #tpu.memory_space<vmem>>, vector<16xf32>,
        tpu.vector_store %arg14[%swap3A_995, %swap3A_996], %mul3A_994 {strides = array<i32>} : memref<128x128xf32, #tpu.memory_space<vmem>>, vector<16xf32>,
        %get3A_998 = arith.index_cast %add3A_973 : i32 to index
        %get3A_999 = arith.constant 48 : index
        %get3A_1000 = tpu.vector_load %arg14[%get3A_998, %get3A_999] {strides = array<i32>} : memref<128x128xf32, #tpu.memory_space<vmem>>, vector<16xf32>,
        %mul3A_1001 = vector.broadcast %squeeze3A_967 : f32 to vector<16xf32>
        %mul3A_1002 = arith.mulf %get3A_1000, %mul3A_1001 : vector<16xf32>
        %swap3A_1003 = arith.index_cast %add3A_973 : i32 to index
        %swap3A_1004 = arith.constant 48 : index
        %swap3A_1005 = tpu.vector_load %arg14[%swap3A_1003, %swap3A_1004] {strides = array<i32>} : memref<128x128xf32, #tpu.memory_space<vmem>>, vector<16xf32>,
        tpu.vector_store %arg14[%swap3A_1003, %swap3A_1004], %mul3A_1002 {strides = array<i32>} : memref<128x128xf32, #tpu.memory_space<vmem>>, vector<16xf32>,
        %get3A_1006 = arith.index_cast %add3A_973 : i32 to index
        %get3A_1007 = arith.constant 64 : index
        %get3A_1008 = tpu.vector_load %arg14[%get3A_1006, %get3A_1007] {strides = array<i32>} : memref<128x128xf32, #tpu.memory_space<vmem>>, vector<16xf32>,
        %mul3A_1009 = vector.broadcast %squeeze3A_967 : f32 to vector<16xf32>
        %mul3A_1010 = arith.mulf %get3A_1008, %mul3A_1009 : vector<16xf32>
        %swap3A_1011 = arith.index_cast %add3A_973 : i32 to index
        %swap3A_1012 = arith.constant 64 : index
        %swap3A_1013 = tpu.vector_load %arg14[%swap3A_1011, %swap3A_1012] {strides = array<i32>} : memref<128x128xf32, #tpu.memory_space<vmem>>, vector<16xf32>,
        tpu.vector_store %arg14[%swap3A_1011, %swap3A_1012], %mul3A_1010 {strides = array<i32>} : memref<128x128xf32, #tpu.memory_space<vmem>>, vector<16xf32>,
        %get3A_1014 = arith.index_cast %add3A_973 : i32 to index
        %get3A_1015 = arith.constant 80 : index
        %get3A_1016 = tpu.vector_load %arg14[%get3A_1014, %get3A_1015] {strides = array<i32>} : memref<128x128xf32, #tpu.memory_space<vmem>>, vector<16xf32>,
        %mul3A_1017 = vector.broadcast %squeeze3A_967 : f32 to vector<16xf32>
        %mul3A_1018 = arith.mulf %get3A_1016, %mul3A_1017 : vector<16xf32>
        %swap3A_1019 = arith.index_cast %add3A_973 : i32 to index
        %swap3A_1020 = arith.constant 80 : index
        %swap3A_1021 = tpu.vector_load %arg14[%swap3A_1019, %swap3A_1020] {strides = array<i32>} : memref<128x128xf32, #tpu.memory_space<vmem>>, vector<16xf32>,
        tpu.vector_store %arg14[%swap3A_1019, %swap3A_1020], %mul3A_1018 {strides = array<i32>} : memref<128x128xf32, #tpu.memory_space<vmem>>, vector<16xf32>,
        %get3A_1022 = arith.index_cast %add3A_973 : i32 to index
        %get3A_1023 = arith.constant 96 : index
        %get3A_1024 = tpu.vector_load %arg14[%get3A_1022, %get3A_1023] {strides = array<i32>} : memref<128x128xf32, #tpu.memory_space<vmem>>, vector<16xf32>,
        %mul3A_1025 = vector.broadcast %squeeze3A_967 : f32 to vector<16xf32>
        %mul3A_1026 = arith.mulf %get3A_1024, %mul3A_1025 : vector<16xf32>
        %swap3A_1027 = arith.index_cast %add3A_973 : i32 to index
        %swap3A_1028 = arith.constant 96 : index
        %swap3A_1029 = tpu.vector_load %arg14[%swap3A_1027, %swap3A_1028] {strides = array<i32>} : memref<128x128xf32, #tpu.memory_space<vmem>>, vector<16xf32>,
        tpu.vector_store %arg14[%swap3A_1027, %swap3A_1028], %mul3A_1026 {strides = array<i32>} : memref<128x128xf32, #tpu.memory_space<vmem>>, vector<16xf32>,
        %get3A_1030 = arith.index_cast %add3A_973 : i32 to index
        %get3A_1031 = arith.constant 112 : index
        %get3A_1032 = tpu.vector_load %arg14[%get3A_1030, %get3A_1031] {strides = array<i32>} : memref<128x128xf32, #tpu.memory_space<vmem>>, vector<16xf32>,
        %mul3A_1033 = vector.broadcast %squeeze3A_967 : f32 to vector<16xf32>
        %mul3A_1034 = arith.mulf %get3A_1032, %mul3A_1033 : vector<16xf32>
        %swap3A_1035 = arith.index_cast %add3A_973 : i32 to index
        %swap3A_1036 = arith.constant 112 : index
        %swap3A_1037 = tpu.vector_load %arg14[%swap3A_1035, %swap3A_1036] {strides = array<i32>} : memref<128x128xf32, #tpu.memory_space<vmem>>, vector<16xf32>,
        tpu.vector_store %arg14[%swap3A_1035, %swap3A_1036], %mul3A_1034 {strides = array<i32>} : memref<128x128xf32, #tpu.memory_space<vmem>>, vector<16xf32>,
        %slice3A_1038 = vector.extract_strided_slice %get3A_461 {offsets = [8], sizes = [1], strides = [1]} : vector<16xf32> to vector<1xf32>
        %squeeze3A_1039 = vector.extract %slice3A_1038[0] : f32 from vector<1xf32>
        %mul3A_1040 = arith.constant 16 : i32
        %mul3A_1041 = arith.muli %add3A_457, %mul3A_1040 : i32
        %add3A_1042 = arith.constant 0 : i32
        %add3A_1043 = arith.addi %add3A_1042, %mul3A_1041 : i32
        %add3A_1044 = arith.constant 8 : i32
        %add3A_1045 = arith.addi %add3A_1043, %add3A_1044 : i32
        %get3A_1046 = arith.index_cast %add3A_1045 : i32 to index
        %get3A_1047 = arith.constant 0 : index
        %get3A_1048 = tpu.vector_load %arg14[%get3A_1046, %get3A_1047] {strides = array<i32>} : memref<128x128xf32, #tpu.memory_space<vmem>>, vector<16xf32>,
        %mul3A_1049 = vector.broadcast %squeeze3A_1039 : f32 to vector<16xf32>
        %mul3A_1050 = arith.mulf %get3A_1048, %mul3A_1049 : vector<16xf32>
        %swap3A_1051 = arith.index_cast %add3A_1045 : i32 to index
        %swap3A_1052 = arith.constant 0 : index
        %swap3A_1053 = tpu.vector_load %arg14[%swap3A_1051, %swap3A_1052] {strides = array<i32>} : memref<128x128xf32, #tpu.memory_space<vmem>>, vector<16xf32>,
        tpu.vector_store %arg14[%swap3A_1051, %swap3A_1052], %mul3A_1050 {strides = array<i32>} : memref<128x128xf32, #tpu.memory_space<vmem>>, vector<16xf32>,
        %get3A_1054 = arith.index_cast %add3A_1045 : i32 to index
        %get3A_1055 = arith.constant 16 : index
        %get3A_1056 = tpu.vector_load %arg14[%get3A_1054, %get3A_1055] {strides = array<i32>} : memref<128x128xf32, #tpu.memory_space<vmem>>, vector<16xf32>,
        %mul3A_1057 = vector.broadcast %squeeze3A_1039 : f32 to vector<16xf32>
        %mul3A_1058 = arith.mulf %get3A_1056, %mul3A_1057 : vector<16xf32>
        %swap3A_1059 = arith.index_cast %add3A_1045 : i32 to index
        %swap3A_1060 = arith.constant 16 : index
        %swap3A_1061 = tpu.vector_load %arg14[%swap3A_1059, %swap3A_1060] {strides = array<i32>} : memref<128x128xf32, #tpu.memory_space<vmem>>, vector<16xf32>,
        tpu.vector_store %arg14[%swap3A_1059, %swap3A_1060], %mul3A_1058 {strides = array<i32>} : memref<128x128xf32, #tpu.memory_space<vmem>>, vector<16xf32>,
        %get3A_1062 = arith.index_cast %add3A_1045 : i32 to index
        %get3A_1063 = arith.constant 32 : index
        %get3A_1064 = tpu.vector_load %arg14[%get3A_1062, %get3A_1063] {strides = array<i32>} : memref<128x128xf32, #tpu.memory_space<vmem>>, vector<16xf32>,
        %mul3A_1065 = vector.broadcast %squeeze3A_1039 : f32 to vector<16xf32>
        %mul3A_1066 = arith.mulf %get3A_1064, %mul3A_1065 : vector<16xf32>
        %swap3A_1067 = arith.index_cast %add3A_1045 : i32 to index
        %swap3A_1068 = arith.constant 32 : index
        %swap3A_1069 = tpu.vector_load %arg14[%swap3A_1067, %swap3A_1068] {strides = array<i32>} : memref<128x128xf32, #tpu.memory_space<vmem>>, vector<16xf32>,
        tpu.vector_store %arg14[%swap3A_1067, %swap3A_1068], %mul3A_1066 {strides = array<i32>} : memref<128x128xf32, #tpu.memory_space<vmem>>, vector<16xf32>,
        %get3A_1070 = arith.index_cast %add3A_1045 : i32 to index
        %get3A_1071 = arith.constant 48 : index
        %get3A_1072 = tpu.vector_load %arg14[%get3A_1070, %get3A_1071] {strides = array<i32>} : memref<128x128xf32, #tpu.memory_space<vmem>>, vector<16xf32>,
        %mul3A_1073 = vector.broadcast %squeeze3A_1039 : f32 to vector<16xf32>
        %mul3A_1074 = arith.mulf %get3A_1072, %mul3A_1073 : vector<16xf32>
        %swap3A_1075 = arith.index_cast %add3A_1045 : i32 to index
        %swap3A_1076 = arith.constant 48 : index
        %swap3A_1077 = tpu.vector_load %arg14[%swap3A_1075, %swap3A_1076] {strides = array<i32>} : memref<128x128xf32, #tpu.memory_space<vmem>>, vector<16xf32>,
        tpu.vector_store %arg14[%swap3A_1075, %swap3A_1076], %mul3A_1074 {strides = array<i32>} : memref<128x128xf32, #tpu.memory_space<vmem>>, vector<16xf32>,
        %get3A_1078 = arith.index_cast %add3A_1045 : i32 to index
        %get3A_1079 = arith.constant 64 : index
        %get3A_1080 = tpu.vector_load %arg14[%get3A_1078, %get3A_1079] {strides = array<i32>} : memref<128x128xf32, #tpu.memory_space<vmem>>, vector<16xf32>,
        %mul3A_1081 = vector.broadcast %squeeze3A_1039 : f32 to vector<16xf32>
        %mul3A_1082 = arith.mulf %get3A_1080, %mul3A_1081 : vector<16xf32>
        %swap3A_1083 = arith.index_cast %add3A_1045 : i32 to index
        %swap3A_1084 = arith.constant 64 : index
        %swap3A_1085 = tpu.vector_load %arg14[%swap3A_1083, %swap3A_1084] {strides = array<i32>} : memref<128x128xf32, #tpu.memory_space<vmem>>, vector<16xf32>,
        tpu.vector_store %arg14[%swap3A_1083, %swap3A_1084], %mul3A_1082 {strides = array<i32>} : memref<128x128xf32, #tpu.memory_space<vmem>>, vector<16xf32>,
        %get3A_1086 = arith.index_cast %add3A_1045 : i32 to index
        %get3A_1087 = arith.constant 80 : index
        %get3A_1088 = tpu.vector_load %arg14[%get3A_1086, %get3A_1087] {strides = array<i32>} : memref<128x128xf32, #tpu.memory_space<vmem>>, vector<16xf32>,
        %mul3A_1089 = vector.broadcast %squeeze3A_1039 : f32 to vector<16xf32>
        %mul3A_1090 = arith.mulf %get3A_1088, %mul3A_1089 : vector<16xf32>
        %swap3A_1091 = arith.index_cast %add3A_1045 : i32 to index
        %swap3A_1092 = arith.constant 80 : index
        %swap3A_1093 = tpu.vector_load %arg14[%swap3A_1091, %swap3A_1092] {strides = array<i32>} : memref<128x128xf32, #tpu.memory_space<vmem>>, vector<16xf32>,
        tpu.vector_store %arg14[%swap3A_1091, %swap3A_1092], %mul3A_1090 {strides = array<i32>} : memref<128x128xf32, #tpu.memory_space<vmem>>, vector<16xf32>,
        %get3A_1094 = arith.index_cast %add3A_1045 : i32 to index
        %get3A_1095 = arith.constant 96 : index
        %get3A_1096 = tpu.vector_load %arg14[%get3A_1094, %get3A_1095] {strides = array<i32>} : memref<128x128xf32, #tpu.memory_space<vmem>>, vector<16xf32>,
        %mul3A_1097 = vector.broadcast %squeeze3A_1039 : f32 to vector<16xf32>
        %mul3A_1098 = arith.mulf %get3A_1096, %mul3A_1097 : vector<16xf32>
        %swap3A_1099 = arith.index_cast %add3A_1045 : i32 to index
        %swap3A_1100 = arith.constant 96 : index
        %swap3A_1101 = tpu.vector_load %arg14[%swap3A_1099, %swap3A_1100] {strides = array<i32>} : memref<128x128xf32, #tpu.memory_space<vmem>>, vector<16xf32>,
        tpu.vector_store %arg14[%swap3A_1099, %swap3A_1100], %mul3A_1098 {strides = array<i32>} : memref<128x128xf32, #tpu.memory_space<vmem>>, vector<16xf32>,
        %get3A_1102 = arith.index_cast %add3A_1045 : i32 to index
        %get3A_1103 = arith.constant 112 : index
        %get3A_1104 = tpu.vector_load %arg14[%get3A_1102, %get3A_1103] {strides = array<i32>} : memref<128x128xf32, #tpu.memory_space<vmem>>, vector<16xf32>,
        %mul3A_1105 = vector.broadcast %squeeze3A_1039 : f32 to vector<16xf32>
        %mul3A_1106 = arith.mulf %get3A_1104, %mul3A_1105 : vector<16xf32>
        %swap3A_1107 = arith.index_cast %add3A_1045 : i32 to index
        %swap3A_1108 = arith.constant 112 : index
        %swap3A_1109 = tpu.vector_load %arg14[%swap3A_1107, %swap3A_1108] {strides = array<i32>} : memref<128x128xf32, #tpu.memory_space<vmem>>, vector<16xf32>,
        tpu.vector_store %arg14[%swap3A_1107, %swap3A_1108], %mul3A_1106 {strides = array<i32>} : memref<128x128xf32, #tpu.memory_space<vmem>>, vector<16xf32>,
        %slice3A_1110 = vector.extract_strided_slice %get3A_461 {offsets = [9], sizes = [1], strides = [1]} : vector<16xf32> to vector<1xf32>
        %squeeze3A_1111 = vector.extract %slice3A_1110[0] : f32 from vector<1xf32>
        %mul3A_1112 = arith.constant 16 : i32
        %mul3A_1113 = arith.muli %add3A_457, %mul3A_1112 : i32
        %add3A_1114 = arith.constant 0 : i32
        %add3A_1115 = arith.addi %add3A_1114, %mul3A_1113 : i32
        %add3A_1116 = arith.constant 9 : i32
        %add3A_1117 = arith.addi %add3A_1115, %add3A_1116 : i32
        %get3A_1118 = arith.index_cast %add3A_1117 : i32 to index
        %get3A_1119 = arith.constant 0 : index
        %get3A_1120 = tpu.vector_load %arg14[%get3A_1118, %get3A_1119] {strides = array<i32>} : memref<128x128xf32, #tpu.memory_space<vmem>>, vector<16xf32>,
        %mul3A_1121 = vector.broadcast %squeeze3A_1111 : f32 to vector<16xf32>
        %mul3A_1122 = arith.mulf %get3A_1120, %mul3A_1121 : vector<16xf32>
        %swap3A_1123 = arith.index_cast %add3A_1117 : i32 to index
        %swap3A_1124 = arith.constant 0 : index
        %swap3A_1125 = tpu.vector_load %arg14[%swap3A_1123, %swap3A_1124] {strides = array<i32>} : memref<128x128xf32, #tpu.memory_space<vmem>>, vector<16xf32>,
        tpu.vector_store %arg14[%swap3A_1123, %swap3A_1124], %mul3A_1122 {strides = array<i32>} : memref<128x128xf32, #tpu.memory_space<vmem>>, vector<16xf32>,
        %get3A_1126 = arith.index_cast %add3A_1117 : i32 to index
        %get3A_1127 = arith.constant 16 : index
        %get3A_1128 = tpu.vector_load %arg14[%get3A_1126, %get3A_1127] {strides = array<i32>} : memref<128x128xf32, #tpu.memory_space<vmem>>, vector<16xf32>,
        %mul3A_1129 = vector.broadcast %squeeze3A_1111 : f32 to vector<16xf32>
        %mul3A_1130 = arith.mulf %get3A_1128, %mul3A_1129 : vector<16xf32>
        %swap3A_1131 = arith.index_cast %add3A_1117 : i32 to index
        %swap3A_1132 = arith.constant 16 : index
        %swap3A_1133 = tpu.vector_load %arg14[%swap3A_1131, %swap3A_1132] {strides = array<i32>} : memref<128x128xf32, #tpu.memory_space<vmem>>, vector<16xf32>,
        tpu.vector_store %arg14[%swap3A_1131, %swap3A_1132], %mul3A_1130 {strides = array<i32>} : memref<128x128xf32, #tpu.memory_space<vmem>>, vector<16xf32>,
        %get3A_1134 = arith.index_cast %add3A_1117 : i32 to index
        %get3A_1135 = arith.constant 32 : index
        %get3A_1136 = tpu.vector_load %arg14[%get3A_1134, %get3A_1135] {strides = array<i32>} : memref<128x128xf32, #tpu.memory_space<vmem>>, vector<16xf32>,
        %mul3A_1137 = vector.broadcast %squeeze3A_1111 : f32 to vector<16xf32>
        %mul3A_1138 = arith.mulf %get3A_1136, %mul3A_1137 : vector<16xf32>
        %swap3A_1139 = arith.index_cast %add3A_1117 : i32 to index
        %swap3A_1140 = arith.constant 32 : index
        %swap3A_1141 = tpu.vector_load %arg14[%swap3A_1139, %swap3A_1140] {strides = array<i32>} : memref<128x128xf32, #tpu.memory_space<vmem>>, vector<16xf32>,
        tpu.vector_store %arg14[%swap3A_1139, %swap3A_1140], %mul3A_1138 {strides = array<i32>} : memref<128x128xf32, #tpu.memory_space<vmem>>, vector<16xf32>,
        %get3A_1142 = arith.index_cast %add3A_1117 : i32 to index
        %get3A_1143 = arith.constant 48 : index
        %get3A_1144 = tpu.vector_load %arg14[%get3A_1142, %get3A_1143] {strides = array<i32>} : memref<128x128xf32, #tpu.memory_space<vmem>>, vector<16xf32>,
        %mul3A_1145 = vector.broadcast %squeeze3A_1111 : f32 to vector<16xf32>
        %mul3A_1146 = arith.mulf %get3A_1144, %mul3A_1145 : vector<16xf32>
        %swap3A_1147 = arith.index_cast %add3A_1117 : i32 to index
        %swap3A_1148 = arith.constant 48 : index
        %swap3A_1149 = tpu.vector_load %arg14[%swap3A_1147, %swap3A_1148] {strides = array<i32>} : memref<128x128xf32, #tpu.memory_space<vmem>>, vector<16xf32>,
        tpu.vector_store %arg14[%swap3A_1147, %swap3A_1148], %mul3A_1146 {strides = array<i32>} : memref<128x128xf32, #tpu.memory_space<vmem>>, vector<16xf32>,
        %get3A_1150 = arith.index_cast %add3A_1117 : i32 to index
        %get3A_1151 = arith.constant 64 : index
        %get3A_1152 = tpu.vector_load %arg14[%get3A_1150, %get3A_1151] {strides = array<i32>} : memref<128x128xf32, #tpu.memory_space<vmem>>, vector<16xf32>,
        %mul3A_1153 = vector.broadcast %squeeze3A_1111 : f32 to vector<16xf32>
        %mul3A_1154 = arith.mulf %get3A_1152, %mul3A_1153 : vector<16xf32>
        %swap3A_1155 = arith.index_cast %add3A_1117 : i32 to index
        %swap3A_1156 = arith.constant 64 : index
        %swap3A_1157 = tpu.vector_load %arg14[%swap3A_1155, %swap3A_1156] {strides = array<i32>} : memref<128x128xf32, #tpu.memory_space<vmem>>, vector<16xf32>,
        tpu.vector_store %arg14[%swap3A_1155, %swap3A_1156], %mul3A_1154 {strides = array<i32>} : memref<128x128xf32, #tpu.memory_space<vmem>>, vector<16xf32>,
        %get3A_1158 = arith.index_cast %add3A_1117 : i32 to index
        %get3A_1159 = arith.constant 80 : index
        %get3A_1160 = tpu.vector_load %arg14[%get3A_1158, %get3A_1159] {strides = array<i32>} : memref<128x128xf32, #tpu.memory_space<vmem>>, vector<16xf32>,
        %mul3A_1161 = vector.broadcast %squeeze3A_1111 : f32 to vector<16xf32>
        %mul3A_1162 = arith.mulf %get3A_1160, %mul3A_1161 : vector<16xf32>
        %swap3A_1163 = arith.index_cast %add3A_1117 : i32 to index
        %swap3A_1164 = arith.constant 80 : index
        %swap3A_1165 = tpu.vector_load %arg14[%swap3A_1163, %swap3A_1164] {strides = array<i32>} : memref<128x128xf32, #tpu.memory_space<vmem>>, vector<16xf32>,
        tpu.vector_store %arg14[%swap3A_1163, %swap3A_1164], %mul3A_1162 {strides = array<i32>} : memref<128x128xf32, #tpu.memory_space<vmem>>, vector<16xf32>,
        %get3A_1166 = arith.index_cast %add3A_1117 : i32 to index
        %get3A_1167 = arith.constant 96 : index
        %get3A_1168 = tpu.vector_load %arg14[%get3A_1166, %get3A_1167] {strides = array<i32>} : memref<128x128xf32, #tpu.memory_space<vmem>>, vector<16xf32>,
        %mul3A_1169 = vector.broadcast %squeeze3A_1111 : f32 to vector<16xf32>
        %mul3A_1170 = arith.mulf %get3A_1168, %mul3A_1169 : vector<16xf32>
        %swap3A_1171 = arith.index_cast %add3A_1117 : i32 to index
        %swap3A_1172 = arith.constant 96 : index
        %swap3A_1173 = tpu.vector_load %arg14[%swap3A_1171, %swap3A_1172] {strides = array<i32>} : memref<128x128xf32, #tpu.memory_space<vmem>>, vector<16xf32>,
        tpu.vector_store %arg14[%swap3A_1171, %swap3A_1172], %mul3A_1170 {strides = array<i32>} : memref<128x128xf32, #tpu.memory_space<vmem>>, vector<16xf32>,
        %get3A_1174 = arith.index_cast %add3A_1117 : i32 to index
        %get3A_1175 = arith.constant 112 : index
        %get3A_1176 = tpu.vector_load %arg14[%get3A_1174, %get3A_1175] {strides = array<i32>} : memref<128x128xf32, #tpu.memory_space<vmem>>, vector<16xf32>,
        %mul3A_1177 = vector.broadcast %squeeze3A_1111 : f32 to vector<16xf32>
        %mul3A_1178 = arith.mulf %get3A_1176, %mul3A_1177 : vector<16xf32>
        %swap3A_1179 = arith.index_cast %add3A_1117 : i32 to index
        %swap3A_1180 = arith.constant 112 : index
        %swap3A_1181 = tpu.vector_load %arg14[%swap3A_1179, %swap3A_1180] {strides = array<i32>} : memref<128x128xf32, #tpu.memory_space<vmem>>, vector<16xf32>,
        tpu.vector_store %arg14[%swap3A_1179, %swap3A_1180], %mul3A_1178 {strides = array<i32>} : memref<128x128xf32, #tpu.memory_space<vmem>>, vector<16xf32>,
        %slice3A_1182 = vector.extract_strided_slice %get3A_461 {offsets = [10], sizes = [1], strides = [1]} : vector<16xf32> to vector<1xf32>
        %squeeze3A_1183 = vector.extract %slice3A_1182[0] : f32 from vector<1xf32>
        %mul3A_1184 = arith.constant 16 : i32
        %mul3A_1185 = arith.muli %add3A_457, %mul3A_1184 : i32
        %add3A_1186 = arith.constant 0 : i32
        %add3A_1187 = arith.addi %add3A_1186, %mul3A_1185 : i32
        %add3A_1188 = arith.constant 10 : i32
        %add3A_1189 = arith.addi %add3A_1187, %add3A_1188 : i32
        %get3A_1190 = arith.index_cast %add3A_1189 : i32 to index
        %get3A_1191 = arith.constant 0 : index
        %get3A_1192 = tpu.vector_load %arg14[%get3A_1190, %get3A_1191] {strides = array<i32>} : memref<128x128xf32, #tpu.memory_space<vmem>>, vector<16xf32>,
        %mul3A_1193 = vector.broadcast %squeeze3A_1183 : f32 to vector<16xf32>
        %mul3A_1194 = arith.mulf %get3A_1192, %mul3A_1193 : vector<16xf32>
        %swap3A_1195 = arith.index_cast %add3A_1189 : i32 to index
        %swap3A_1196 = arith.constant 0 : index
        %swap3A_1197 = tpu.vector_load %arg14[%swap3A_1195, %swap3A_1196] {strides = array<i32>} : memref<128x128xf32, #tpu.memory_space<vmem>>, vector<16xf32>,
        tpu.vector_store %arg14[%swap3A_1195, %swap3A_1196], %mul3A_1194 {strides = array<i32>} : memref<128x128xf32, #tpu.memory_space<vmem>>, vector<16xf32>,
        %get3A_1198 = arith.index_cast %add3A_1189 : i32 to index
        %get3A_1199 = arith.constant 16 : index
        %get3A_1200 = tpu.vector_load %arg14[%get3A_1198, %get3A_1199] {strides = array<i32>} : memref<128x128xf32, #tpu.memory_space<vmem>>, vector<16xf32>,
        %mul3A_1201 = vector.broadcast %squeeze3A_1183 : f32 to vector<16xf32>
        %mul3A_1202 = arith.mulf %get3A_1200, %mul3A_1201 : vector<16xf32>
        %swap3A_1203 = arith.index_cast %add3A_1189 : i32 to index
        %swap3A_1204 = arith.constant 16 : index
        %swap3A_1205 = tpu.vector_load %arg14[%swap3A_1203, %swap3A_1204] {strides = array<i32>} : memref<128x128xf32, #tpu.memory_space<vmem>>, vector<16xf32>,
        tpu.vector_store %arg14[%swap3A_1203, %swap3A_1204], %mul3A_1202 {strides = array<i32>} : memref<128x128xf32, #tpu.memory_space<vmem>>, vector<16xf32>,
        %get3A_1206 = arith.index_cast %add3A_1189 : i32 to index
        %get3A_1207 = arith.constant 32 : index
        %get3A_1208 = tpu.vector_load %arg14[%get3A_1206, %get3A_1207] {strides = array<i32>} : memref<128x128xf32, #tpu.memory_space<vmem>>, vector<16xf32>,
        %mul3A_1209 = vector.broadcast %squeeze3A_1183 : f32 to vector<16xf32>
        %mul3A_1210 = arith.mulf %get3A_1208, %mul3A_1209 : vector<16xf32>
        %swap3A_1211 = arith.index_cast %add3A_1189 : i32 to index
        %swap3A_1212 = arith.constant 32 : index
        %swap3A_1213 = tpu.vector_load %arg14[%swap3A_1211, %swap3A_1212] {strides = array<i32>} : memref<128x128xf32, #tpu.memory_space<vmem>>, vector<16xf32>,
        tpu.vector_store %arg14[%swap3A_1211, %swap3A_1212], %mul3A_1210 {strides = array<i32>} : memref<128x128xf32, #tpu.memory_space<vmem>>, vector<16xf32>,
        %get3A_1214 = arith.index_cast %add3A_1189 : i32 to index
        %get3A_1215 = arith.constant 48 : index
        %get3A_1216 = tpu.vector_load %arg14[%get3A_1214, %get3A_1215] {strides = array<i32>} : memref<128x128xf32, #tpu.memory_space<vmem>>, vector<16xf32>,
        %mul3A_1217 = vector.broadcast %squeeze3A_1183 : f32 to vector<16xf32>
        %mul3A_1218 = arith.mulf %get3A_1216, %mul3A_1217 : vector<16xf32>
        %swap3A_1219 = arith.index_cast %add3A_1189 : i32 to index
        %swap3A_1220 = arith.constant 48 : index
        %swap3A_1221 = tpu.vector_load %arg14[%swap3A_1219, %swap3A_1220] {strides = array<i32>} : memref<128x128xf32, #tpu.memory_space<vmem>>, vector<16xf32>,
        tpu.vector_store %arg14[%swap3A_1219, %swap3A_1220], %mul3A_1218 {strides = array<i32>} : memref<128x128xf32, #tpu.memory_space<vmem>>, vector<16xf32>,
        %get3A_1222 = arith.index_cast %add3A_1189 : i32 to index
        %get3A_1223 = arith.constant 64 : index
        %get3A_1224 = tpu.vector_load %arg14[%get3A_1222, %get3A_1223] {strides = array<i32>} : memref<128x128xf32, #tpu.memory_space<vmem>>, vector<16xf32>,
        %mul3A_1225 = vector.broadcast %squeeze3A_1183 : f32 to vector<16xf32>
        %mul3A_1226 = arith.mulf %get3A_1224, %mul3A_1225 : vector<16xf32>
        %swap3A_1227 = arith.index_cast %add3A_1189 : i32 to index
        %swap3A_1228 = arith.constant 64 : index
        %swap3A_1229 = tpu.vector_load %arg14[%swap3A_1227, %swap3A_1228] {strides = array<i32>} : memref<128x128xf32, #tpu.memory_space<vmem>>, vector<16xf32>,
        tpu.vector_store %arg14[%swap3A_1227, %swap3A_1228], %mul3A_1226 {strides = array<i32>} : memref<128x128xf32, #tpu.memory_space<vmem>>, vector<16xf32>,
        %get3A_1230 = arith.index_cast %add3A_1189 : i32 to index
        %get3A_1231 = arith.constant 80 : index
        %get3A_1232 = tpu.vector_load %arg14[%get3A_1230, %get3A_1231] {strides = array<i32>} : memref<128x128xf32, #tpu.memory_space<vmem>>, vector<16xf32>,
        %mul3A_1233 = vector.broadcast %squeeze3A_1183 : f32 to vector<16xf32>
        %mul3A_1234 = arith.mulf %get3A_1232, %mul3A_1233 : vector<16xf32>
        %swap3A_1235 = arith.index_cast %add3A_1189 : i32 to index
        %swap3A_1236 = arith.constant 80 : index
        %swap3A_1237 = tpu.vector_load %arg14[%swap3A_1235, %swap3A_1236] {strides = array<i32>} : memref<128x128xf32, #tpu.memory_space<vmem>>, vector<16xf32>,
        tpu.vector_store %arg14[%swap3A_1235, %swap3A_1236], %mul3A_1234 {strides = array<i32>} : memref<128x128xf32, #tpu.memory_space<vmem>>, vector<16xf32>,
        %get3A_1238 = arith.index_cast %add3A_1189 : i32 to index
        %get3A_1239 = arith.constant 96 : index
        %get3A_1240 = tpu.vector_load %arg14[%get3A_1238, %get3A_1239] {strides = array<i32>} : memref<128x128xf32, #tpu.memory_space<vmem>>, vector<16xf32>,
        %mul3A_1241 = vector.broadcast %squeeze3A_1183 : f32 to vector<16xf32>
        %mul3A_1242 = arith.mulf %get3A_1240, %mul3A_1241 : vector<16xf32>
        %swap3A_1243 = arith.index_cast %add3A_1189 : i32 to index
        %swap3A_1244 = arith.constant 96 : index
        %swap3A_1245 = tpu.vector_load %arg14[%swap3A_1243, %swap3A_1244] {strides = array<i32>} : memref<128x128xf32, #tpu.memory_space<vmem>>, vector<16xf32>,
        tpu.vector_store %arg14[%swap3A_1243, %swap3A_1244], %mul3A_1242 {strides = array<i32>} : memref<128x128xf32, #tpu.memory_space<vmem>>, vector<16xf32>,
        %get3A_1246 = arith.index_cast %add3A_1189 : i32 to index
        %get3A_1247 = arith.constant 112 : index
        %get3A_1248 = tpu.vector_load %arg14[%get3A_1246, %get3A_1247] {strides = array<i32>} : memref<128x128xf32, #tpu.memory_space<vmem>>, vector<16xf32>,
        %mul3A_1249 = vector.broadcast %squeeze3A_1183 : f32 to vector<16xf32>
        %mul3A_1250 = arith.mulf %get3A_1248, %mul3A_1249 : vector<16xf32>
        %swap3A_1251 = arith.index_cast %add3A_1189 : i32 to index
        %swap3A_1252 = arith.constant 112 : index
        %swap3A_1253 = tpu.vector_load %arg14[%swap3A_1251, %swap3A_1252] {strides = array<i32>} : memref<128x128xf32, #tpu.memory_space<vmem>>, vector<16xf32>,
        tpu.vector_store %arg14[%swap3A_1251, %swap3A_1252], %mul3A_1250 {strides = array<i32>} : memref<128x128xf32, #tpu.memory_space<vmem>>, vector<16xf32>,
        %slice3A_1254 = vector.extract_strided_slice %get3A_461 {offsets = [11], sizes = [1], strides = [1]} : vector<16xf32> to vector<1xf32>
        %squeeze3A_1255 = vector.extract %slice3A_1254[0] : f32 from vector<1xf32>
        %mul3A_1256 = arith.constant 16 : i32
        %mul3A_1257 = arith.muli %add3A_457, %mul3A_1256 : i32
        %add3A_1258 = arith.constant 0 : i32
        %add3A_1259 = arith.addi %add3A_1258, %mul3A_1257 : i32
        %add3A_1260 = arith.constant 11 : i32
        %add3A_1261 = arith.addi %add3A_1259, %add3A_1260 : i32
        %get3A_1262 = arith.index_cast %add3A_1261 : i32 to index
        %get3A_1263 = arith.constant 0 : index
        %get3A_1264 = tpu.vector_load %arg14[%get3A_1262, %get3A_1263] {strides = array<i32>} : memref<128x128xf32, #tpu.memory_space<vmem>>, vector<16xf32>,
        %mul3A_1265 = vector.broadcast %squeeze3A_1255 : f32 to vector<16xf32>
        %mul3A_1266 = arith.mulf %get3A_1264, %mul3A_1265 : vector<16xf32>
        %swap3A_1267 = arith.index_cast %add3A_1261 : i32 to index
        %swap3A_1268 = arith.constant 0 : index
        %swap3A_1269 = tpu.vector_load %arg14[%swap3A_1267, %swap3A_1268] {strides = array<i32>} : memref<128x128xf32, #tpu.memory_space<vmem>>, vector<16xf32>,
        tpu.vector_store %arg14[%swap3A_1267, %swap3A_1268], %mul3A_1266 {strides = array<i32>} : memref<128x128xf32, #tpu.memory_space<vmem>>, vector<16xf32>,
        %get3A_1270 = arith.index_cast %add3A_1261 : i32 to index
        %get3A_1271 = arith.constant 16 : index
        %get3A_1272 = tpu.vector_load %arg14[%get3A_1270, %get3A_1271] {strides = array<i32>} : memref<128x128xf32, #tpu.memory_space<vmem>>, vector<16xf32>,
        %mul3A_1273 = vector.broadcast %squeeze3A_1255 : f32 to vector<16xf32>
        %mul3A_1274 = arith.mulf %get3A_1272, %mul3A_1273 : vector<16xf32>
        %swap3A_1275 = arith.index_cast %add3A_1261 : i32 to index
        %swap3A_1276 = arith.constant 16 : index
        %swap3A_1277 = tpu.vector_load %arg14[%swap3A_1275, %swap3A_1276] {strides = array<i32>} : memref<128x128xf32, #tpu.memory_space<vmem>>, vector<16xf32>,
        tpu.vector_store %arg14[%swap3A_1275, %swap3A_1276], %mul3A_1274 {strides = array<i32>} : memref<128x128xf32, #tpu.memory_space<vmem>>, vector<16xf32>,
        %get3A_1278 = arith.index_cast %add3A_1261 : i32 to index
        %get3A_1279 = arith.constant 32 : index
        %get3A_1280 = tpu.vector_load %arg14[%get3A_1278, %get3A_1279] {strides = array<i32>} : memref<128x128xf32, #tpu.memory_space<vmem>>, vector<16xf32>,
        %mul3A_1281 = vector.broadcast %squeeze3A_1255 : f32 to vector<16xf32>
        %mul3A_1282 = arith.mulf %get3A_1280, %mul3A_1281 : vector<16xf32>
        %swap3A_1283 = arith.index_cast %add3A_1261 : i32 to index
        %swap3A_1284 = arith.constant 32 : index
        %swap3A_1285 = tpu.vector_load %arg14[%swap3A_1283, %swap3A_1284] {strides = array<i32>} : memref<128x128xf32, #tpu.memory_space<vmem>>, vector<16xf32>,
        tpu.vector_store %arg14[%swap3A_1283, %swap3A_1284], %mul3A_1282 {strides = array<i32>} : memref<128x128xf32, #tpu.memory_space<vmem>>, vector<16xf32>,
        %get3A_1286 = arith.index_cast %add3A_1261 : i32 to index
        %get3A_1287 = arith.constant 48 : index
        %get3A_1288 = tpu.vector_load %arg14[%get3A_1286, %get3A_1287] {strides = array<i32>} : memref<128x128xf32, #tpu.memory_space<vmem>>, vector<16xf32>,
        %mul3A_1289 = vector.broadcast %squeeze3A_1255 : f32 to vector<16xf32>
        %mul3A_1290 = arith.mulf %get3A_1288, %mul3A_1289 : vector<16xf32>
        %swap3A_1291 = arith.index_cast %add3A_1261 : i32 to index
        %swap3A_1292 = arith.constant 48 : index
        %swap3A_1293 = tpu.vector_load %arg14[%swap3A_1291, %swap3A_1292] {strides = array<i32>} : memref<128x128xf32, #tpu.memory_space<vmem>>, vector<16xf32>,
        tpu.vector_store %arg14[%swap3A_1291, %swap3A_1292], %mul3A_1290 {strides = array<i32>} : memref<128x128xf32, #tpu.memory_space<vmem>>, vector<16xf32>,
        %get3A_1294 = arith.index_cast %add3A_1261 : i32 to index
        %get3A_1295 = arith.constant 64 : index
        %get3A_1296 = tpu.vector_load %arg14[%get3A_1294, %get3A_1295] {strides = array<i32>} : memref<128x128xf32, #tpu.memory_space<vmem>>, vector<16xf32>,
        %mul3A_1297 = vector.broadcast %squeeze3A_1255 : f32 to vector<16xf32>
        %mul3A_1298 = arith.mulf %get3A_1296, %mul3A_1297 : vector<16xf32>
        %swap3A_1299 = arith.index_cast %add3A_1261 : i32 to index
        %swap3A_1300 = arith.constant 64 : index
        %swap3A_1301 = tpu.vector_load %arg14[%swap3A_1299, %swap3A_1300] {strides = array<i32>} : memref<128x128xf32, #tpu.memory_space<vmem>>, vector<16xf32>,
        tpu.vector_store %arg14[%swap3A_1299, %swap3A_1300], %mul3A_1298 {strides = array<i32>} : memref<128x128xf32, #tpu.memory_space<vmem>>, vector<16xf32>,
        %get3A_1302 = arith.index_cast %add3A_1261 : i32 to index
        %get3A_1303 = arith.constant 80 : index
        %get3A_1304 = tpu.vector_load %arg14[%get3A_1302, %get3A_1303] {strides = array<i32>} : memref<128x128xf32, #tpu.memory_space<vmem>>, vector<16xf32>,
        %mul3A_1305 = vector.broadcast %squeeze3A_1255 : f32 to vector<16xf32>
        %mul3A_1306 = arith.mulf %get3A_1304, %mul3A_1305 : vector<16xf32>
        %swap3A_1307 = arith.index_cast %add3A_1261 : i32 to index
        %swap3A_1308 = arith.constant 80 : index
        %swap3A_1309 = tpu.vector_load %arg14[%swap3A_1307, %swap3A_1308] {strides = array<i32>} : memref<128x128xf32, #tpu.memory_space<vmem>>, vector<16xf32>,
        tpu.vector_store %arg14[%swap3A_1307, %swap3A_1308], %mul3A_1306 {strides = array<i32>} : memref<128x128xf32, #tpu.memory_space<vmem>>, vector<16xf32>,
        %get3A_1310 = arith.index_cast %add3A_1261 : i32 to index
        %get3A_1311 = arith.constant 96 : index
        %get3A_1312 = tpu.vector_load %arg14[%get3A_1310, %get3A_1311] {strides = array<i32>} : memref<128x128xf32, #tpu.memory_space<vmem>>, vector<16xf32>,
        %mul3A_1313 = vector.broadcast %squeeze3A_1255 : f32 to vector<16xf32>
        %mul3A_1314 = arith.mulf %get3A_1312, %mul3A_1313 : vector<16xf32>
        %swap3A_1315 = arith.index_cast %add3A_1261 : i32 to index
        %swap3A_1316 = arith.constant 96 : index
        %swap3A_1317 = tpu.vector_load %arg14[%swap3A_1315, %swap3A_1316] {strides = array<i32>} : memref<128x128xf32, #tpu.memory_space<vmem>>, vector<16xf32>,
        tpu.vector_store %arg14[%swap3A_1315, %swap3A_1316], %mul3A_1314 {strides = array<i32>} : memref<128x128xf32, #tpu.memory_space<vmem>>, vector<16xf32>,
        %get3A_1318 = arith.index_cast %add3A_1261 : i32 to index
        %get3A_1319 = arith.constant 112 : index
        %get3A_1320 = tpu.vector_load %arg14[%get3A_1318, %get3A_1319] {strides = array<i32>} : memref<128x128xf32, #tpu.memory_space<vmem>>, vector<16xf32>,
        %mul3A_1321 = vector.broadcast %squeeze3A_1255 : f32 to vector<16xf32>
        %mul3A_1322 = arith.mulf %get3A_1320, %mul3A_1321 : vector<16xf32>
        %swap3A_1323 = arith.index_cast %add3A_1261 : i32 to index
        %swap3A_1324 = arith.constant 112 : index
        %swap3A_1325 = tpu.vector_load %arg14[%swap3A_1323, %swap3A_1324] {strides = array<i32>} : memref<128x128xf32, #tpu.memory_space<vmem>>, vector<16xf32>,
        tpu.vector_store %arg14[%swap3A_1323, %swap3A_1324], %mul3A_1322 {strides = array<i32>} : memref<128x128xf32, #tpu.memory_space<vmem>>, vector<16xf32>,
        %slice3A_1326 = vector.extract_strided_slice %get3A_461 {offsets = [12], sizes = [1], strides = [1]} : vector<16xf32> to vector<1xf32>
        %squeeze3A_1327 = vector.extract %slice3A_1326[0] : f32 from vector<1xf32>
        %mul3A_1328 = arith.constant 16 : i32
        %mul3A_1329 = arith.muli %add3A_457, %mul3A_1328 : i32
        %add3A_1330 = arith.constant 0 : i32
        %add3A_1331 = arith.addi %add3A_1330, %mul3A_1329 : i32
        %add3A_1332 = arith.constant 12 : i32
        %add3A_1333 = arith.addi %add3A_1331, %add3A_1332 : i32
        %get3A_1334 = arith.index_cast %add3A_1333 : i32 to index
        %get3A_1335 = arith.constant 0 : index
        %get3A_1336 = tpu.vector_load %arg14[%get3A_1334, %get3A_1335] {strides = array<i32>} : memref<128x128xf32, #tpu.memory_space<vmem>>, vector<16xf32>,
        %mul3A_1337 = vector.broadcast %squeeze3A_1327 : f32 to vector<16xf32>
        %mul3A_1338 = arith.mulf %get3A_1336, %mul3A_1337 : vector<16xf32>
        %swap3A_1339 = arith.index_cast %add3A_1333 : i32 to index
        %swap3A_1340 = arith.constant 0 : index
        %swap3A_1341 = tpu.vector_load %arg14[%swap3A_1339, %swap3A_1340] {strides = array<i32>} : memref<128x128xf32, #tpu.memory_space<vmem>>, vector<16xf32>,
        tpu.vector_store %arg14[%swap3A_1339, %swap3A_1340], %mul3A_1338 {strides = array<i32>} : memref<128x128xf32, #tpu.memory_space<vmem>>, vector<16xf32>,
        %get3A_1342 = arith.index_cast %add3A_1333 : i32 to index
        %get3A_1343 = arith.constant 16 : index
        %get3A_1344 = tpu.vector_load %arg14[%get3A_1342, %get3A_1343] {strides = array<i32>} : memref<128x128xf32, #tpu.memory_space<vmem>>, vector<16xf32>,
        %mul3A_1345 = vector.broadcast %squeeze3A_1327 : f32 to vector<16xf32>
        %mul3A_1346 = arith.mulf %get3A_1344, %mul3A_1345 : vector<16xf32>
        %swap3A_1347 = arith.index_cast %add3A_1333 : i32 to index
        %swap3A_1348 = arith.constant 16 : index
        %swap3A_1349 = tpu.vector_load %arg14[%swap3A_1347, %swap3A_1348] {strides = array<i32>} : memref<128x128xf32, #tpu.memory_space<vmem>>, vector<16xf32>,
        tpu.vector_store %arg14[%swap3A_1347, %swap3A_1348], %mul3A_1346 {strides = array<i32>} : memref<128x128xf32, #tpu.memory_space<vmem>>, vector<16xf32>,
        %get3A_1350 = arith.index_cast %add3A_1333 : i32 to index
        %get3A_1351 = arith.constant 32 : index
        %get3A_1352 = tpu.vector_load %arg14[%get3A_1350, %get3A_1351] {strides = array<i32>} : memref<128x128xf32, #tpu.memory_space<vmem>>, vector<16xf32>,
        %mul3A_1353 = vector.broadcast %squeeze3A_1327 : f32 to vector<16xf32>
        %mul3A_1354 = arith.mulf %get3A_1352, %mul3A_1353 : vector<16xf32>
        %swap3A_1355 = arith.index_cast %add3A_1333 : i32 to index
        %swap3A_1356 = arith.constant 32 : index
        %swap3A_1357 = tpu.vector_load %arg14[%swap3A_1355, %swap3A_1356] {strides = array<i32>} : memref<128x128xf32, #tpu.memory_space<vmem>>, vector<16xf32>,
        tpu.vector_store %arg14[%swap3A_1355, %swap3A_1356], %mul3A_1354 {strides = array<i32>} : memref<128x128xf32, #tpu.memory_space<vmem>>, vector<16xf32>,
        %get3A_1358 = arith.index_cast %add3A_1333 : i32 to index
        %get3A_1359 = arith.constant 48 : index
        %get3A_1360 = tpu.vector_load %arg14[%get3A_1358, %get3A_1359] {strides = array<i32>} : memref<128x128xf32, #tpu.memory_space<vmem>>, vector<16xf32>,
        %mul3A_1361 = vector.broadcast %squeeze3A_1327 : f32 to vector<16xf32>
        %mul3A_1362 = arith.mulf %get3A_1360, %mul3A_1361 : vector<16xf32>
        %swap3A_1363 = arith.index_cast %add3A_1333 : i32 to index
        %swap3A_1364 = arith.constant 48 : index
        %swap3A_1365 = tpu.vector_load %arg14[%swap3A_1363, %swap3A_1364] {strides = array<i32>} : memref<128x128xf32, #tpu.memory_space<vmem>>, vector<16xf32>,
        tpu.vector_store %arg14[%swap3A_1363, %swap3A_1364], %mul3A_1362 {strides = array<i32>} : memref<128x128xf32, #tpu.memory_space<vmem>>, vector<16xf32>,
        %get3A_1366 = arith.index_cast %add3A_1333 : i32 to index
        %get3A_1367 = arith.constant 64 : index
        %get3A_1368 = tpu.vector_load %arg14[%get3A_1366, %get3A_1367] {strides = array<i32>} : memref<128x128xf32, #tpu.memory_space<vmem>>, vector<16xf32>,
        %mul3A_1369 = vector.broadcast %squeeze3A_1327 : f32 to vector<16xf32>
        %mul3A_1370 = arith.mulf %get3A_1368, %mul3A_1369 : vector<16xf32>
        %swap3A_1371 = arith.index_cast %add3A_1333 : i32 to index
        %swap3A_1372 = arith.constant 64 : index
        %swap3A_1373 = tpu.vector_load %arg14[%swap3A_1371, %swap3A_1372] {strides = array<i32>} : memref<128x128xf32, #tpu.memory_space<vmem>>, vector<16xf32>,
        tpu.vector_store %arg14[%swap3A_1371, %swap3A_1372], %mul3A_1370 {strides = array<i32>} : memref<128x128xf32, #tpu.memory_space<vmem>>, vector<16xf32>,
        %get3A_1374 = arith.index_cast %add3A_1333 : i32 to index
        %get3A_1375 = arith.constant 80 : index
        %get3A_1376 = tpu.vector_load %arg14[%get3A_1374, %get3A_1375] {strides = array<i32>} : memref<128x128xf32, #tpu.memory_space<vmem>>, vector<16xf32>,
        %mul3A_1377 = vector.broadcast %squeeze3A_1327 : f32 to vector<16xf32>
        %mul3A_1378 = arith.mulf %get3A_1376, %mul3A_1377 : vector<16xf32>
        %swap3A_1379 = arith.index_cast %add3A_1333 : i32 to index
        %swap3A_1380 = arith.constant 80 : index
        %swap3A_1381 = tpu.vector_load %arg14[%swap3A_1379, %swap3A_1380] {strides = array<i32>} : memref<128x128xf32, #tpu.memory_space<vmem>>, vector<16xf32>,
        tpu.vector_store %arg14[%swap3A_1379, %swap3A_1380], %mul3A_1378 {strides = array<i32>} : memref<128x128xf32, #tpu.memory_space<vmem>>, vector<16xf32>,
        %get3A_1382 = arith.index_cast %add3A_1333 : i32 to index
        %get3A_1383 = arith.constant 96 : index
        %get3A_1384 = tpu.vector_load %arg14[%get3A_1382, %get3A_1383] {strides = array<i32>} : memref<128x128xf32, #tpu.memory_space<vmem>>, vector<16xf32>,
        %mul3A_1385 = vector.broadcast %squeeze3A_1327 : f32 to vector<16xf32>
        %mul3A_1386 = arith.mulf %get3A_1384, %mul3A_1385 : vector<16xf32>
        %swap3A_1387 = arith.index_cast %add3A_1333 : i32 to index
        %swap3A_1388 = arith.constant 96 : index
        %swap3A_1389 = tpu.vector_load %arg14[%swap3A_1387, %swap3A_1388] {strides = array<i32>} : memref<128x128xf32, #tpu.memory_space<vmem>>, vector<16xf32>,
        tpu.vector_store %arg14[%swap3A_1387, %swap3A_1388], %mul3A_1386 {strides = array<i32>} : memref<128x128xf32, #tpu.memory_space<vmem>>, vector<16xf32>,
        %get3A_1390 = arith.index_cast %add3A_1333 : i32 to index
        %get3A_1391 = arith.constant 112 : index
        %get3A_1392 = tpu.vector_load %arg14[%get3A_1390, %get3A_1391] {strides = array<i32>} : memref<128x128xf32, #tpu.memory_space<vmem>>, vector<16xf32>,
        %mul3A_1393 = vector.broadcast %squeeze3A_1327 : f32 to vector<16xf32>
        %mul3A_1394 = arith.mulf %get3A_1392, %mul3A_1393 : vector<16xf32>
        %swap3A_1395 = arith.index_cast %add3A_1333 : i32 to index
        %swap3A_1396 = arith.constant 112 : index
        %swap3A_1397 = tpu.vector_load %arg14[%swap3A_1395, %swap3A_1396] {strides = array<i32>} : memref<128x128xf32, #tpu.memory_space<vmem>>, vector<16xf32>,
        tpu.vector_store %arg14[%swap3A_1395, %swap3A_1396], %mul3A_1394 {strides = array<i32>} : memref<128x128xf32, #tpu.memory_space<vmem>>, vector<16xf32>,
        %slice3A_1398 = vector.extract_strided_slice %get3A_461 {offsets = [13], sizes = [1], strides = [1]} : vector<16xf32> to vector<1xf32>
        %squeeze3A_1399 = vector.extract %slice3A_1398[0] : f32 from vector<1xf32>
        %mul3A_1400 = arith.constant 16 : i32
        %mul3A_1401 = arith.muli %add3A_457, %mul3A_1400 : i32
        %add3A_1402 = arith.constant 0 : i32
        %add3A_1403 = arith.addi %add3A_1402, %mul3A_1401 : i32
        %add3A_1404 = arith.constant 13 : i32
        %add3A_1405 = arith.addi %add3A_1403, %add3A_1404 : i32
        %get3A_1406 = arith.index_cast %add3A_1405 : i32 to index
        %get3A_1407 = arith.constant 0 : index
        %get3A_1408 = tpu.vector_load %arg14[%get3A_1406, %get3A_1407] {strides = array<i32>} : memref<128x128xf32, #tpu.memory_space<vmem>>, vector<16xf32>,
        %mul3A_1409 = vector.broadcast %squeeze3A_1399 : f32 to vector<16xf32>
        %mul3A_1410 = arith.mulf %get3A_1408, %mul3A_1409 : vector<16xf32>
        %swap3A_1411 = arith.index_cast %add3A_1405 : i32 to index
        %swap3A_1412 = arith.constant 0 : index
        %swap3A_1413 = tpu.vector_load %arg14[%swap3A_1411, %swap3A_1412] {strides = array<i32>} : memref<128x128xf32, #tpu.memory_space<vmem>>, vector<16xf32>,
        tpu.vector_store %arg14[%swap3A_1411, %swap3A_1412], %mul3A_1410 {strides = array<i32>} : memref<128x128xf32, #tpu.memory_space<vmem>>, vector<16xf32>,
        %get3A_1414 = arith.index_cast %add3A_1405 : i32 to index
        %get3A_1415 = arith.constant 16 : index
        %get3A_1416 = tpu.vector_load %arg14[%get3A_1414, %get3A_1415] {strides = array<i32>} : memref<128x128xf32, #tpu.memory_space<vmem>>, vector<16xf32>,
        %mul3A_1417 = vector.broadcast %squeeze3A_1399 : f32 to vector<16xf32>
        %mul3A_1418 = arith.mulf %get3A_1416, %mul3A_1417 : vector<16xf32>
        %swap3A_1419 = arith.index_cast %add3A_1405 : i32 to index
        %swap3A_1420 = arith.constant 16 : index
        %swap3A_1421 = tpu.vector_load %arg14[%swap3A_1419, %swap3A_1420] {strides = array<i32>} : memref<128x128xf32, #tpu.memory_space<vmem>>, vector<16xf32>,
        tpu.vector_store %arg14[%swap3A_1419, %swap3A_1420], %mul3A_1418 {strides = array<i32>} : memref<128x128xf32, #tpu.memory_space<vmem>>, vector<16xf32>,
        %get3A_1422 = arith.index_cast %add3A_1405 : i32 to index
        %get3A_1423 = arith.constant 32 : index
        %get3A_1424 = tpu.vector_load %arg14[%get3A_1422, %get3A_1423] {strides = array<i32>} : memref<128x128xf32, #tpu.memory_space<vmem>>, vector<16xf32>,
        %mul3A_1425 = vector.broadcast %squeeze3A_1399 : f32 to vector<16xf32>
        %mul3A_1426 = arith.mulf %get3A_1424, %mul3A_1425 : vector<16xf32>
        %swap3A_1427 = arith.index_cast %add3A_1405 : i32 to index
        %swap3A_1428 = arith.constant 32 : index
        %swap3A_1429 = tpu.vector_load %arg14[%swap3A_1427, %swap3A_1428] {strides = array<i32>} : memref<128x128xf32, #tpu.memory_space<vmem>>, vector<16xf32>,
        tpu.vector_store %arg14[%swap3A_1427, %swap3A_1428], %mul3A_1426 {strides = array<i32>} : memref<128x128xf32, #tpu.memory_space<vmem>>, vector<16xf32>,
        %get3A_1430 = arith.index_cast %add3A_1405 : i32 to index
        %get3A_1431 = arith.constant 48 : index
        %get3A_1432 = tpu.vector_load %arg14[%get3A_1430, %get3A_1431] {strides = array<i32>} : memref<128x128xf32, #tpu.memory_space<vmem>>, vector<16xf32>,
        %mul3A_1433 = vector.broadcast %squeeze3A_1399 : f32 to vector<16xf32>
        %mul3A_1434 = arith.mulf %get3A_1432, %mul3A_1433 : vector<16xf32>
        %swap3A_1435 = arith.index_cast %add3A_1405 : i32 to index
        %swap3A_1436 = arith.constant 48 : index
        %swap3A_1437 = tpu.vector_load %arg14[%swap3A_1435, %swap3A_1436] {strides = array<i32>} : memref<128x128xf32, #tpu.memory_space<vmem>>, vector<16xf32>,
        tpu.vector_store %arg14[%swap3A_1435, %swap3A_1436], %mul3A_1434 {strides = array<i32>} : memref<128x128xf32, #tpu.memory_space<vmem>>, vector<16xf32>,
        %get3A_1438 = arith.index_cast %add3A_1405 : i32 to index
        %get3A_1439 = arith.constant 64 : index
        %get3A_1440 = tpu.vector_load %arg14[%get3A_1438, %get3A_1439] {strides = array<i32>} : memref<128x128xf32, #tpu.memory_space<vmem>>, vector<16xf32>,
        %mul3A_1441 = vector.broadcast %squeeze3A_1399 : f32 to vector<16xf32>
        %mul3A_1442 = arith.mulf %get3A_1440, %mul3A_1441 : vector<16xf32>
        %swap3A_1443 = arith.index_cast %add3A_1405 : i32 to index
        %swap3A_1444 = arith.constant 64 : index
        %swap3A_1445 = tpu.vector_load %arg14[%swap3A_1443, %swap3A_1444] {strides = array<i32>} : memref<128x128xf32, #tpu.memory_space<vmem>>, vector<16xf32>,
        tpu.vector_store %arg14[%swap3A_1443, %swap3A_1444], %mul3A_1442 {strides = array<i32>} : memref<128x128xf32, #tpu.memory_space<vmem>>, vector<16xf32>,
        %get3A_1446 = arith.index_cast %add3A_1405 : i32 to index
        %get3A_1447 = arith.constant 80 : index
        %get3A_1448 = tpu.vector_load %arg14[%get3A_1446, %get3A_1447] {strides = array<i32>} : memref<128x128xf32, #tpu.memory_space<vmem>>, vector<16xf32>,
        %mul3A_1449 = vector.broadcast %squeeze3A_1399 : f32 to vector<16xf32>
        %mul3A_1450 = arith.mulf %get3A_1448, %mul3A_1449 : vector<16xf32>
        %swap3A_1451 = arith.index_cast %add3A_1405 : i32 to index
        %swap3A_1452 = arith.constant 80 : index
        %swap3A_1453 = tpu.vector_load %arg14[%swap3A_1451, %swap3A_1452] {strides = array<i32>} : memref<128x128xf32, #tpu.memory_space<vmem>>, vector<16xf32>,
        tpu.vector_store %arg14[%swap3A_1451, %swap3A_1452], %mul3A_1450 {strides = array<i32>} : memref<128x128xf32, #tpu.memory_space<vmem>>, vector<16xf32>,
        %get3A_1454 = arith.index_cast %add3A_1405 : i32 to index
        %get3A_1455 = arith.constant 96 : index
        %get3A_1456 = tpu.vector_load %arg14[%get3A_1454, %get3A_1455] {strides = array<i32>} : memref<128x128xf32, #tpu.memory_space<vmem>>, vector<16xf32>,
        %mul3A_1457 = vector.broadcast %squeeze3A_1399 : f32 to vector<16xf32>
        %mul3A_1458 = arith.mulf %get3A_1456, %mul3A_1457 : vector<16xf32>
        %swap3A_1459 = arith.index_cast %add3A_1405 : i32 to index
        %swap3A_1460 = arith.constant 96 : index
        %swap3A_1461 = tpu.vector_load %arg14[%swap3A_1459, %swap3A_1460] {strides = array<i32>} : memref<128x128xf32, #tpu.memory_space<vmem>>, vector<16xf32>,
        tpu.vector_store %arg14[%swap3A_1459, %swap3A_1460], %mul3A_1458 {strides = array<i32>} : memref<128x128xf32, #tpu.memory_space<vmem>>, vector<16xf32>,
        %get3A_1462 = arith.index_cast %add3A_1405 : i32 to index
        %get3A_1463 = arith.constant 112 : index
        %get3A_1464 = tpu.vector_load %arg14[%get3A_1462, %get3A_1463] {strides = array<i32>} : memref<128x128xf32, #tpu.memory_space<vmem>>, vector<16xf32>,
        %mul3A_1465 = vector.broadcast %squeeze3A_1399 : f32 to vector<16xf32>
        %mul3A_1466 = arith.mulf %get3A_1464, %mul3A_1465 : vector<16xf32>
        %swap3A_1467 = arith.index_cast %add3A_1405 : i32 to index
        %swap3A_1468 = arith.constant 112 : index
        %swap3A_1469 = tpu.vector_load %arg14[%swap3A_1467, %swap3A_1468] {strides = array<i32>} : memref<128x128xf32, #tpu.memory_space<vmem>>, vector<16xf32>,
        tpu.vector_store %arg14[%swap3A_1467, %swap3A_1468], %mul3A_1466 {strides = array<i32>} : memref<128x128xf32, #tpu.memory_space<vmem>>, vector<16xf32>,
        %slice3A_1470 = vector.extract_strided_slice %get3A_461 {offsets = [14], sizes = [1], strides = [1]} : vector<16xf32> to vector<1xf32>
        %squeeze3A_1471 = vector.extract %slice3A_1470[0] : f32 from vector<1xf32>
        %mul3A_1472 = arith.constant 16 : i32
        %mul3A_1473 = arith.muli %add3A_457, %mul3A_1472 : i32
        %add3A_1474 = arith.constant 0 : i32
        %add3A_1475 = arith.addi %add3A_1474, %mul3A_1473 : i32
        %add3A_1476 = arith.constant 14 : i32
        %add3A_1477 = arith.addi %add3A_1475, %add3A_1476 : i32
        %get3A_1478 = arith.index_cast %add3A_1477 : i32 to index
        %get3A_1479 = arith.constant 0 : index
        %get3A_1480 = tpu.vector_load %arg14[%get3A_1478, %get3A_1479] {strides = array<i32>} : memref<128x128xf32, #tpu.memory_space<vmem>>, vector<16xf32>,
        %mul3A_1481 = vector.broadcast %squeeze3A_1471 : f32 to vector<16xf32>
        %mul3A_1482 = arith.mulf %get3A_1480, %mul3A_1481 : vector<16xf32>
        %swap3A_1483 = arith.index_cast %add3A_1477 : i32 to index
        %swap3A_1484 = arith.constant 0 : index
        %swap3A_1485 = tpu.vector_load %arg14[%swap3A_1483, %swap3A_1484] {strides = array<i32>} : memref<128x128xf32, #tpu.memory_space<vmem>>, vector<16xf32>,
        tpu.vector_store %arg14[%swap3A_1483, %swap3A_1484], %mul3A_1482 {strides = array<i32>} : memref<128x128xf32, #tpu.memory_space<vmem>>, vector<16xf32>,
        %get3A_1486 = arith.index_cast %add3A_1477 : i32 to index
        %get3A_1487 = arith.constant 16 : index
        %get3A_1488 = tpu.vector_load %arg14[%get3A_1486, %get3A_1487] {strides = array<i32>} : memref<128x128xf32, #tpu.memory_space<vmem>>, vector<16xf32>,
        %mul3A_1489 = vector.broadcast %squeeze3A_1471 : f32 to vector<16xf32>
        %mul3A_1490 = arith.mulf %get3A_1488, %mul3A_1489 : vector<16xf32>
        %swap3A_1491 = arith.index_cast %add3A_1477 : i32 to index
        %swap3A_1492 = arith.constant 16 : index
        %swap3A_1493 = tpu.vector_load %arg14[%swap3A_1491, %swap3A_1492] {strides = array<i32>} : memref<128x128xf32, #tpu.memory_space<vmem>>, vector<16xf32>,
        tpu.vector_store %arg14[%swap3A_1491, %swap3A_1492], %mul3A_1490 {strides = array<i32>} : memref<128x128xf32, #tpu.memory_space<vmem>>, vector<16xf32>,
        %get3A_1494 = arith.index_cast %add3A_1477 : i32 to index
        %get3A_1495 = arith.constant 32 : index
        %get3A_1496 = tpu.vector_load %arg14[%get3A_1494, %get3A_1495] {strides = array<i32>} : memref<128x128xf32, #tpu.memory_space<vmem>>, vector<16xf32>,
        %mul3A_1497 = vector.broadcast %squeeze3A_1471 : f32 to vector<16xf32>
        %mul3A_1498 = arith.mulf %get3A_1496, %mul3A_1497 : vector<16xf32>
        %swap3A_1499 = arith.index_cast %add3A_1477 : i32 to index
        %swap3A_1500 = arith.constant 32 : index
        %swap3A_1501 = tpu.vector_load %arg14[%swap3A_1499, %swap3A_1500] {strides = array<i32>} : memref<128x128xf32, #tpu.memory_space<vmem>>, vector<16xf32>,
        tpu.vector_store %arg14[%swap3A_1499, %swap3A_1500], %mul3A_1498 {strides = array<i32>} : memref<128x128xf32, #tpu.memory_space<vmem>>, vector<16xf32>,
        %get3A_1502 = arith.index_cast %add3A_1477 : i32 to index
        %get3A_1503 = arith.constant 48 : index
        %get3A_1504 = tpu.vector_load %arg14[%get3A_1502, %get3A_1503] {strides = array<i32>} : memref<128x128xf32, #tpu.memory_space<vmem>>, vector<16xf32>,
        %mul3A_1505 = vector.broadcast %squeeze3A_1471 : f32 to vector<16xf32>
        %mul3A_1506 = arith.mulf %get3A_1504, %mul3A_1505 : vector<16xf32>
        %swap3A_1507 = arith.index_cast %add3A_1477 : i32 to index
        %swap3A_1508 = arith.constant 48 : index
        %swap3A_1509 = tpu.vector_load %arg14[%swap3A_1507, %swap3A_1508] {strides = array<i32>} : memref<128x128xf32, #tpu.memory_space<vmem>>, vector<16xf32>,
        tpu.vector_store %arg14[%swap3A_1507, %swap3A_1508], %mul3A_1506 {strides = array<i32>} : memref<128x128xf32, #tpu.memory_space<vmem>>, vector<16xf32>,
        %get3A_1510 = arith.index_cast %add3A_1477 : i32 to index
        %get3A_1511 = arith.constant 64 : index
        %get3A_1512 = tpu.vector_load %arg14[%get3A_1510, %get3A_1511] {strides = array<i32>} : memref<128x128xf32, #tpu.memory_space<vmem>>, vector<16xf32>,
        %mul3A_1513 = vector.broadcast %squeeze3A_1471 : f32 to vector<16xf32>
        %mul3A_1514 = arith.mulf %get3A_1512, %mul3A_1513 : vector<16xf32>
        %swap3A_1515 = arith.index_cast %add3A_1477 : i32 to index
        %swap3A_1516 = arith.constant 64 : index
        %swap3A_1517 = tpu.vector_load %arg14[%swap3A_1515, %swap3A_1516] {strides = array<i32>} : memref<128x128xf32, #tpu.memory_space<vmem>>, vector<16xf32>,
        tpu.vector_store %arg14[%swap3A_1515, %swap3A_1516], %mul3A_1514 {strides = array<i32>} : memref<128x128xf32, #tpu.memory_space<vmem>>, vector<16xf32>,
        %get3A_1518 = arith.index_cast %add3A_1477 : i32 to index
        %get3A_1519 = arith.constant 80 : index
        %get3A_1520 = tpu.vector_load %arg14[%get3A_1518, %get3A_1519] {strides = array<i32>} : memref<128x128xf32, #tpu.memory_space<vmem>>, vector<16xf32>,
        %mul3A_1521 = vector.broadcast %squeeze3A_1471 : f32 to vector<16xf32>
        %mul3A_1522 = arith.mulf %get3A_1520, %mul3A_1521 : vector<16xf32>
        %swap3A_1523 = arith.index_cast %add3A_1477 : i32 to index
        %swap3A_1524 = arith.constant 80 : index
        %swap3A_1525 = tpu.vector_load %arg14[%swap3A_1523, %swap3A_1524] {strides = array<i32>} : memref<128x128xf32, #tpu.memory_space<vmem>>, vector<16xf32>,
        tpu.vector_store %arg14[%swap3A_1523, %swap3A_1524], %mul3A_1522 {strides = array<i32>} : memref<128x128xf32, #tpu.memory_space<vmem>>, vector<16xf32>,
        %get3A_1526 = arith.index_cast %add3A_1477 : i32 to index
        %get3A_1527 = arith.constant 96 : index
        %get3A_1528 = tpu.vector_load %arg14[%get3A_1526, %get3A_1527] {strides = array<i32>} : memref<128x128xf32, #tpu.memory_space<vmem>>, vector<16xf32>,
        %mul3A_1529 = vector.broadcast %squeeze3A_1471 : f32 to vector<16xf32>
        %mul3A_1530 = arith.mulf %get3A_1528, %mul3A_1529 : vector<16xf32>
        %swap3A_1531 = arith.index_cast %add3A_1477 : i32 to index
        %swap3A_1532 = arith.constant 96 : index
        %swap3A_1533 = tpu.vector_load %arg14[%swap3A_1531, %swap3A_1532] {strides = array<i32>} : memref<128x128xf32, #tpu.memory_space<vmem>>, vector<16xf32>,
        tpu.vector_store %arg14[%swap3A_1531, %swap3A_1532], %mul3A_1530 {strides = array<i32>} : memref<128x128xf32, #tpu.memory_space<vmem>>, vector<16xf32>,
        %get3A_1534 = arith.index_cast %add3A_1477 : i32 to index
        %get3A_1535 = arith.constant 112 : index
        %get3A_1536 = tpu.vector_load %arg14[%get3A_1534, %get3A_1535] {strides = array<i32>} : memref<128x128xf32, #tpu.memory_space<vmem>>, vector<16xf32>,
        %mul3A_1537 = vector.broadcast %squeeze3A_1471 : f32 to vector<16xf32>
        %mul3A_1538 = arith.mulf %get3A_1536, %mul3A_1537 : vector<16xf32>
        %swap3A_1539 = arith.index_cast %add3A_1477 : i32 to index
        %swap3A_1540 = arith.constant 112 : index
        %swap3A_1541 = tpu.vector_load %arg14[%swap3A_1539, %swap3A_1540] {strides = array<i32>} : memref<128x128xf32, #tpu.memory_space<vmem>>, vector<16xf32>,
        tpu.vector_store %arg14[%swap3A_1539, %swap3A_1540], %mul3A_1538 {strides = array<i32>} : memref<128x128xf32, #tpu.memory_space<vmem>>, vector<16xf32>,
        %slice3A_1542 = vector.extract_strided_slice %get3A_461 {offsets = [15], sizes = [1], strides = [1]} : vector<16xf32> to vector<1xf32>
        %squeeze3A_1543 = vector.extract %slice3A_1542[0] : f32 from vector<1xf32>
        %mul3A_1544 = arith.constant 16 : i32
        %mul3A_1545 = arith.muli %add3A_457, %mul3A_1544 : i32
        %add3A_1546 = arith.constant 0 : i32
        %add3A_1547 = arith.addi %add3A_1546, %mul3A_1545 : i32
        %add3A_1548 = arith.constant 15 : i32
        %add3A_1549 = arith.addi %add3A_1547, %add3A_1548 : i32
        %get3A_1550 = arith.index_cast %add3A_1549 : i32 to index
        %get3A_1551 = arith.constant 0 : index
        %get3A_1552 = tpu.vector_load %arg14[%get3A_1550, %get3A_1551] {strides = array<i32>} : memref<128x128xf32, #tpu.memory_space<vmem>>, vector<16xf32>,
        %mul3A_1553 = vector.broadcast %squeeze3A_1543 : f32 to vector<16xf32>
        %mul3A_1554 = arith.mulf %get3A_1552, %mul3A_1553 : vector<16xf32>
        %swap3A_1555 = arith.index_cast %add3A_1549 : i32 to index
        %swap3A_1556 = arith.constant 0 : index
        %swap3A_1557 = tpu.vector_load %arg14[%swap3A_1555, %swap3A_1556] {strides = array<i32>} : memref<128x128xf32, #tpu.memory_space<vmem>>, vector<16xf32>,
        tpu.vector_store %arg14[%swap3A_1555, %swap3A_1556], %mul3A_1554 {strides = array<i32>} : memref<128x128xf32, #tpu.memory_space<vmem>>, vector<16xf32>,
        %get3A_1558 = arith.index_cast %add3A_1549 : i32 to index
        %get3A_1559 = arith.constant 16 : index
        %get3A_1560 = tpu.vector_load %arg14[%get3A_1558, %get3A_1559] {strides = array<i32>} : memref<128x128xf32, #tpu.memory_space<vmem>>, vector<16xf32>,
        %mul3A_1561 = vector.broadcast %squeeze3A_1543 : f32 to vector<16xf32>
        %mul3A_1562 = arith.mulf %get3A_1560, %mul3A_1561 : vector<16xf32>
        %swap3A_1563 = arith.index_cast %add3A_1549 : i32 to index
        %swap3A_1564 = arith.constant 16 : index
        %swap3A_1565 = tpu.vector_load %arg14[%swap3A_1563, %swap3A_1564] {strides = array<i32>} : memref<128x128xf32, #tpu.memory_space<vmem>>, vector<16xf32>,
        tpu.vector_store %arg14[%swap3A_1563, %swap3A_1564], %mul3A_1562 {strides = array<i32>} : memref<128x128xf32, #tpu.memory_space<vmem>>, vector<16xf32>,
        %get3A_1566 = arith.index_cast %add3A_1549 : i32 to index
        %get3A_1567 = arith.constant 32 : index
        %get3A_1568 = tpu.vector_load %arg14[%get3A_1566, %get3A_1567] {strides = array<i32>} : memref<128x128xf32, #tpu.memory_space<vmem>>, vector<16xf32>,
        %mul3A_1569 = vector.broadcast %squeeze3A_1543 : f32 to vector<16xf32>
        %mul3A_1570 = arith.mulf %get3A_1568, %mul3A_1569 : vector<16xf32>
        %swap3A_1571 = arith.index_cast %add3A_1549 : i32 to index
        %swap3A_1572 = arith.constant 32 : index
        %swap3A_1573 = tpu.vector_load %arg14[%swap3A_1571, %swap3A_1572] {strides = array<i32>} : memref<128x128xf32, #tpu.memory_space<vmem>>, vector<16xf32>,
        tpu.vector_store %arg14[%swap3A_1571, %swap3A_1572], %mul3A_1570 {strides = array<i32>} : memref<128x128xf32, #tpu.memory_space<vmem>>, vector<16xf32>,
        %get3A_1574 = arith.index_cast %add3A_1549 : i32 to index
        %get3A_1575 = arith.constant 48 : index
        %get3A_1576 = tpu.vector_load %arg14[%get3A_1574, %get3A_1575] {strides = array<i32>} : memref<128x128xf32, #tpu.memory_space<vmem>>, vector<16xf32>,
        %mul3A_1577 = vector.broadcast %squeeze3A_1543 : f32 to vector<16xf32>
        %mul3A_1578 = arith.mulf %get3A_1576, %mul3A_1577 : vector<16xf32>
        %swap3A_1579 = arith.index_cast %add3A_1549 : i32 to index
        %swap3A_1580 = arith.constant 48 : index
        %swap3A_1581 = tpu.vector_load %arg14[%swap3A_1579, %swap3A_1580] {strides = array<i32>} : memref<128x128xf32, #tpu.memory_space<vmem>>, vector<16xf32>,
        tpu.vector_store %arg14[%swap3A_1579, %swap3A_1580], %mul3A_1578 {strides = array<i32>} : memref<128x128xf32, #tpu.memory_space<vmem>>, vector<16xf32>,
        %get3A_1582 = arith.index_cast %add3A_1549 : i32 to index
        %get3A_1583 = arith.constant 64 : index
        %get3A_1584 = tpu.vector_load %arg14[%get3A_1582, %get3A_1583] {strides = array<i32>} : memref<128x128xf32, #tpu.memory_space<vmem>>, vector<16xf32>,
        %mul3A_1585 = vector.broadcast %squeeze3A_1543 : f32 to vector<16xf32>
        %mul3A_1586 = arith.mulf %get3A_1584, %mul3A_1585 : vector<16xf32>
        %swap3A_1587 = arith.index_cast %add3A_1549 : i32 to index
        %swap3A_1588 = arith.constant 64 : index
        %swap3A_1589 = tpu.vector_load %arg14[%swap3A_1587, %swap3A_1588] {strides = array<i32>} : memref<128x128xf32, #tpu.memory_space<vmem>>, vector<16xf32>,
        tpu.vector_store %arg14[%swap3A_1587, %swap3A_1588], %mul3A_1586 {strides = array<i32>} : memref<128x128xf32, #tpu.memory_space<vmem>>, vector<16xf32>,
        %get3A_1590 = arith.index_cast %add3A_1549 : i32 to index
        %get3A_1591 = arith.constant 80 : index
        %get3A_1592 = tpu.vector_load %arg14[%get3A_1590, %get3A_1591] {strides = array<i32>} : memref<128x128xf32, #tpu.memory_space<vmem>>, vector<16xf32>,
        %mul3A_1593 = vector.broadcast %squeeze3A_1543 : f32 to vector<16xf32>
        %mul3A_1594 = arith.mulf %get3A_1592, %mul3A_1593 : vector<16xf32>
        %swap3A_1595 = arith.index_cast %add3A_1549 : i32 to index
        %swap3A_1596 = arith.constant 80 : index
        %swap3A_1597 = tpu.vector_load %arg14[%swap3A_1595, %swap3A_1596] {strides = array<i32>} : memref<128x128xf32, #tpu.memory_space<vmem>>, vector<16xf32>,
        tpu.vector_store %arg14[%swap3A_1595, %swap3A_1596], %mul3A_1594 {strides = array<i32>} : memref<128x128xf32, #tpu.memory_space<vmem>>, vector<16xf32>,
        %get3A_1598 = arith.index_cast %add3A_1549 : i32 to index
        %get3A_1599 = arith.constant 96 : index
        %get3A_1600 = tpu.vector_load %arg14[%get3A_1598, %get3A_1599] {strides = array<i32>} : memref<128x128xf32, #tpu.memory_space<vmem>>, vector<16xf32>,
        %mul3A_1601 = vector.broadcast %squeeze3A_1543 : f32 to vector<16xf32>
        %mul3A_1602 = arith.mulf %get3A_1600, %mul3A_1601 : vector<16xf32>
        %swap3A_1603 = arith.index_cast %add3A_1549 : i32 to index
        %swap3A_1604 = arith.constant 96 : index
        %swap3A_1605 = tpu.vector_load %arg14[%swap3A_1603, %swap3A_1604] {strides = array<i32>} : memref<128x128xf32, #tpu.memory_space<vmem>>, vector<16xf32>,
        tpu.vector_store %arg14[%swap3A_1603, %swap3A_1604], %mul3A_1602 {strides = array<i32>} : memref<128x128xf32, #tpu.memory_space<vmem>>, vector<16xf32>,
        %get3A_1606 = arith.index_cast %add3A_1549 : i32 to index
        %get3A_1607 = arith.constant 112 : index
        %get3A_1608 = tpu.vector_load %arg14[%get3A_1606, %get3A_1607] {strides = array<i32>} : memref<128x128xf32, #tpu.memory_space<vmem>>, vector<16xf32>,
        %mul3A_1609 = vector.broadcast %squeeze3A_1543 : f32 to vector<16xf32>
        %mul3A_1610 = arith.mulf %get3A_1608, %mul3A_1609 : vector<16xf32>
        %swap3A_1611 = arith.index_cast %add3A_1549 : i32 to index
        %swap3A_1612 = arith.constant 112 : index
        %swap3A_1613 = tpu.vector_load %arg14[%swap3A_1611, %swap3A_1612] {strides = array<i32>} : memref<128x128xf32, #tpu.memory_space<vmem>>, vector<16xf32>,
        tpu.vector_store %arg14[%swap3A_1611, %swap3A_1612], %mul3A_1610 {strides = array<i32>} : memref<128x128xf32, #tpu.memory_space<vmem>>, vector<16xf32>,
      }
      %scan3A_293 = arith.constant 4 : i32
      %dma_start3A_294 = arith.constant 0 : i32
      %dma_start3A_295 = arith.constant 0 : i32
      %dma_start3A_296 = tpu.memref_slice %arg14[%dma_start3A_294, %dma_start3A_295] : memref<128x128xf32, #tpu.memory_space<vmem>> -> memref<64x128xf32, #tpu.memory_space<vmem>>
      %dma_start3A_297 = arith.constant 0 : i32
      %dma_start3A_298 = tpu.memref_slice %arg12[%select_n3A_160, %dma_start3A_297] : memref<8x128xi32, #tpu.memory_space<vmem>> -> memref<1x64xi32, #tpu.memory_space<vmem>>
      %dma_start3A_299 = tpu.memref_squeeze %dma_start3A_298 : memref<1x64xi32, #tpu.memory_space<vmem>> -> memref<64xi32, #tpu.memory_space<vmem>>
      %dma_start3A_300 = arith.constant 0 : i32
      %dma_start3A_301 = arith.constant 0 : i32
      %dma_start3A_302 = tpu.memref_slice %arg17[%dma_start3A_300, %dma_start3A_301] : memref<10240x128xf32, #tpu.memory_space<vmem_shared>> -> memref<10240x128xf32, #tpu.memory_space<vmem_shared>>
      tpu.enqueue_indirect_dma source(%dma_start3A_296 : memref<64x128xf32, #tpu.memory_space<vmem>>) target(%dma_start3A_302 : memref<10240x128xf32, #tpu.memory_space<vmem_shared>>) offsets(%dma_start3A_299 : memref<64xi32, #tpu.memory_space<vmem>>) semaphore(%arg20 : memref<!tpu.dma_semaphore, #tpu.memory_space<semaphore_mem>>) {add = true}
      %dma_wait3A_303 = arith.constant 64 : i32
      %dma_wait3A_304 = arith.constant 0 : i32
      %dma_wait3A_305 = tpu.memref_slice %arg14[%dma_wait3A_303, %dma_wait3A_304] : memref<128x128xf32, #tpu.memory_space<vmem>> -> memref<64x128xf32, #tpu.memory_space<vmem>>
      %dma_wait3A_306 = arith.constant 64 : i32
      %dma_wait3A_307 = tpu.memref_slice %arg11[%select_n3A_160, %dma_wait3A_306] : memref<8x128xi32, #tpu.memory_space<vmem>> -> memref<1x64xi32, #tpu.memory_space<vmem>>
      %dma_wait3A_308 = tpu.memref_squeeze %dma_wait3A_307 : memref<1x64xi32, #tpu.memory_space<vmem>> -> memref<64xi32, #tpu.memory_space<vmem>>
      %dma_wait3A_309 = arith.constant 0 : i32
      %dma_wait3A_310 = arith.constant 0 : i32
      %dma_wait3A_311 = tpu.memref_slice %arg4[%dma_wait3A_309, %dma_wait3A_310] : memref<10016x128xf32, #tpu.memory_space<hbm>> -> memref<10016x128xf32, #tpu.memory_space<hbm>>
      tpu.wait_indirect_dma semaphore(%arg19 : memref<!tpu.dma_semaphore, #tpu.memory_space<semaphore_mem>>) src(%dma_wait3A_311 : memref<10016x128xf32, #tpu.memory_space<hbm>>) dst(%dma_wait3A_305 : memref<64x128xf32, #tpu.memory_space<vmem>>)
      %get3A_312 = arith.index_cast %select_n3A_160 : i32 to index
      %get3A_313 = arith.constant 64 : index
      %get3A_314 = tpu.vector_load %arg11[%get3A_312, %get3A_313] {strides = array<i32>} : memref<8x128xi32, #tpu.memory_space<vmem>>, vector<16xi32>,
      %get3A_315 = arith.index_cast %select_n3A_160 : i32 to index
      %get3A_316 = arith.constant 64 : index
      %get3A_317 = tpu.vector_load %arg12[%get3A_315, %get3A_316] {strides = array<i32>} : memref<8x128xi32, #tpu.memory_space<vmem>>, vector<16xi32>,
      %gather3A_318 = tpu.vector_load_idx %arg9[%get3A_317] : memref<10016xf32, #tpu.memory_space<vmem>>[vector<16xi32>], vector<16xf32>,
      %gather3A_319 = tpu.vector_load_idx %arg10[%get3A_314] : memref<10016xf32, #tpu.memory_space<vmem>>[vector<16xi32>], vector<16xf32>,
      %add3A_320 = arith.addf %gather3A_318, %gather3A_319 : vector<16xf32>
      %add3A_321 = vector.broadcast %squeeze3A : f32 to vector<16xf32>
      %add3A_322 = arith.addf %add3A_320, %add3A_321 : vector<16xf32>
      %mul3A_323 = arith.constant 0.00999999977 : f32
      %mul3A_324 = vector.broadcast %mul3A_323 : f32 to vector<16xf32>
      %mul3A_325 = arith.mulf %mul3A_324, %add3A_322 : vector<16xf32>
      %max3A_326 = arith.maximumf %add3A_322, %mul3A_325 : vector<16xf32>
      %sub3A_327 = vector.broadcast %max3A : f32 to vector<16xf32>
      %sub3A_328 = arith.subf %max3A_326, %sub3A_327 : vector<16xf32>
      %exp3A_329 = math.exp %sub3A_328 : vector<16xf32>
      %shift_right_logical3A_330 = arith.constant 7 : i32
      %shift_right_logical3A_331 = vector.broadcast %shift_right_logical3A_330 : i32 to vector<16xi32>
      %shift_right_logical3A_332 = arith.shrui %get3A_317, %shift_right_logical3A_331 : vector<16xi32>
      %and3A_333 = arith.constant 127 : i32
      %and3A_334 = vector.broadcast %and3A_333 : i32 to vector<16xi32>
      %and3A_335 = arith.andi %get3A_317, %and3A_334 : vector<16xi32>
      %gather3A_336 = tpu.vector_load_idx %arg13[%shift_right_logical3A_332, %and3A_335] : memref<80x128xf32, #tpu.memory_space<vmem>>[vector<16xi32>, vector<16xi32>], vector<16xf32>,
      %div3A_337 = arith.divf %exp3A_329, %gather3A_336 : vector<16xf32>
      %add3A_338 = arith.constant 1.000000e+00 : f32
      %add3A_339 = vector.broadcast %add3A_338 : f32 to vector<16xf32>
      %add3A_340 = arith.addf %div3A_337, %add3A_339 : vector<16xf32>
      %swap3A_341 = arith.constant 0 : index
      %swap3A_342 = tpu.vector_load %arg15[%swap3A_341] {strides = array<i32>} : memref<128xf32, #tpu.memory_space<vmem>>, vector<16xf32>,
      tpu.vector_store %arg15[%swap3A_341], %add3A_340 {strides = array<i32>} : memref<128xf32, #tpu.memory_space<vmem>>, vector<16xf32>,
      %get3A_343 = arith.index_cast %select_n3A_160 : i32 to index
      %get3A_344 = arith.constant 80 : index
      %get3A_345 = tpu.vector_load %arg11[%get3A_343, %get3A_344] {strides = array<i32>} : memref<8x128xi32, #tpu.memory_space<vmem>>, vector<16xi32>,
      %get3A_346 = arith.index_cast %select_n3A_160 : i32 to index
      %get3A_347 = arith.constant 80 : index
      %get3A_348 = tpu.vector_load %arg12[%get3A_346, %get3A_347] {strides = array<i32>} : memref<8x128xi32, #tpu.memory_space<vmem>>, vector<16xi32>,
      %gather3A_349 = tpu.vector_load_idx %arg9[%get3A_348] : memref<10016xf32, #tpu.memory_space<vmem>>[vector<16xi32>], vector<16xf32>,
      %gather3A_350 = tpu.vector_load_idx %arg10[%get3A_345] : memref<10016xf32, #tpu.memory_space<vmem>>[vector<16xi32>], vector<16xf32>,
      %add3A_351 = arith.addf %gather3A_349, %gather3A_350 : vector<16xf32>
      %add3A_352 = vector.broadcast %squeeze3A : f32 to vector<16xf32>
      %add3A_353 = arith.addf %add3A_351, %add3A_352 : vector<16xf32>
      %mul3A_354 = arith.constant 0.00999999977 : f32
      %mul3A_355 = vector.broadcast %mul3A_354 : f32 to vector<16xf32>
      %mul3A_356 = arith.mulf %mul3A_355, %add3A_353 : vector<16xf32>
      %max3A_357 = arith.maximumf %add3A_353, %mul3A_356 : vector<16xf32>
      %sub3A_358 = vector.broadcast %max3A : f32 to vector<16xf32>
      %sub3A_359 = arith.subf %max3A_357, %sub3A_358 : vector<16xf32>
      %exp3A_360 = math.exp %sub3A_359 : vector<16xf32>
      %shift_right_logical3A_361 = arith.constant 7 : i32
      %shift_right_logical3A_362 = vector.broadcast %shift_right_logical3A_361 : i32 to vector<16xi32>
      %shift_right_logical3A_363 = arith.shrui %get3A_348, %shift_right_logical3A_362 : vector<16xi32>
      %and3A_364 = arith.constant 127 : i32
      %and3A_365 = vector.broadcast %and3A_364 : i32 to vector<16xi32>
      %and3A_366 = arith.andi %get3A_348, %and3A_365 : vector<16xi32>
      %gather3A_367 = tpu.vector_load_idx %arg13[%shift_right_logical3A_363, %and3A_366] : memref<80x128xf32, #tpu.memory_space<vmem>>[vector<16xi32>, vector<16xi32>], vector<16xf32>,
      %div3A_368 = arith.divf %exp3A_360, %gather3A_367 : vector<16xf32>
      %add3A_369 = arith.constant 1.000000e+00 : f32
      %add3A_370 = vector.broadcast %add3A_369 : f32 to vector<16xf32>
      %add3A_371 = arith.addf %div3A_368, %add3A_370 : vector<16xf32>
      %swap3A_372 = arith.constant 16 : index
      %swap3A_373 = tpu.vector_load %arg15[%swap3A_372] {strides = array<i32>} : memref<128xf32, #tpu.memory_space<vmem>>, vector<16xf32>,
      tpu.vector_store %arg15[%swap3A_372], %add3A_371 {strides = array<i32>} : memref<128xf32, #tpu.memory_space<vmem>>, vector<16xf32>,
      %get3A_374 = arith.index_cast %select_n3A_160 : i32 to index
      %get3A_375 = arith.constant 96 : index
      %get3A_376 = tpu.vector_load %arg11[%get3A_374, %get3A_375] {strides = array<i32>} : memref<8x128xi32, #tpu.memory_space<vmem>>, vector<16xi32>,
      %get3A_377 = arith.index_cast %select_n3A_160 : i32 to index
      %get3A_378 = arith.constant 96 : index
      %get3A_379 = tpu.vector_load %arg12[%get3A_377, %get3A_378] {strides = array<i32>} : memref<8x128xi32, #tpu.memory_space<vmem>>, vector<16xi32>,
      %gather3A_380 = tpu.vector_load_idx %arg9[%get3A_379] : memref<10016xf32, #tpu.memory_space<vmem>>[vector<16xi32>], vector<16xf32>,
      %gather3A_381 = tpu.vector_load_idx %arg10[%get3A_376] : memref<10016xf32, #tpu.memory_space<vmem>>[vector<16xi32>], vector<16xf32>,
      %add3A_382 = arith.addf %gather3A_380, %gather3A_381 : vector<16xf32>
      %add3A_383 = vector.broadcast %squeeze3A : f32 to vector<16xf32>
      %add3A_384 = arith.addf %add3A_382, %add3A_383 : vector<16xf32>
      %mul3A_385 = arith.constant 0.00999999977 : f32
      %mul3A_386 = vector.broadcast %mul3A_385 : f32 to vector<16xf32>
      %mul3A_387 = arith.mulf %mul3A_386, %add3A_384 : vector<16xf32>
      %max3A_388 = arith.maximumf %add3A_384, %mul3A_387 : vector<16xf32>
      %sub3A_389 = vector.broadcast %max3A : f32 to vector<16xf32>
      %sub3A_390 = arith.subf %max3A_388, %sub3A_389 : vector<16xf32>
      %exp3A_391 = math.exp %sub3A_390 : vector<16xf32>
      %shift_right_logical3A_392 = arith.constant 7 : i32
      %shift_right_logical3A_393 = vector.broadcast %shift_right_logical3A_392 : i32 to vector<16xi32>
      %shift_right_logical3A_394 = arith.shrui %get3A_379, %shift_right_logical3A_393 : vector<16xi32>
      %and3A_395 = arith.constant 127 : i32
      %and3A_396 = vector.broadcast %and3A_395 : i32 to vector<16xi32>
      %and3A_397 = arith.andi %get3A_379, %and3A_396 : vector<16xi32>
      %gather3A_398 = tpu.vector_load_idx %arg13[%shift_right_logical3A_394, %and3A_397] : memref<80x128xf32, #tpu.memory_space<vmem>>[vector<16xi32>, vector<16xi32>], vector<16xf32>,
      %div3A_399 = arith.divf %exp3A_391, %gather3A_398 : vector<16xf32>
      %add3A_400 = arith.constant 1.000000e+00 : f32
      %add3A_401 = vector.broadcast %add3A_400 : f32 to vector<16xf32>
      %add3A_402 = arith.addf %div3A_399, %add3A_401 : vector<16xf32>
      %swap3A_403 = arith.constant 32 : index
      %swap3A_404 = tpu.vector_load %arg15[%swap3A_403] {strides = array<i32>} : memref<128xf32, #tpu.memory_space<vmem>>, vector<16xf32>,
      tpu.vector_store %arg15[%swap3A_403], %add3A_402 {strides = array<i32>} : memref<128xf32, #tpu.memory_space<vmem>>, vector<16xf32>,
      %get3A_405 = arith.index_cast %select_n3A_160 : i32 to index
      %get3A_406 = arith.constant 112 : index
      %get3A_407 = tpu.vector_load %arg11[%get3A_405, %get3A_406] {strides = array<i32>} : memref<8x128xi32, #tpu.memory_space<vmem>>, vector<16xi32>,
      %get3A_408 = arith.index_cast %select_n3A_160 : i32 to index
      %get3A_409 = arith.constant 112 : index
      %get3A_410 = tpu.vector_load %arg12[%get3A_408, %get3A_409] {strides = array<i32>} : memref<8x128xi32, #tpu.memory_space<vmem>>, vector<16xi32>,
      %gather3A_411 = tpu.vector_load_idx %arg9[%get3A_410] : memref<10016xf32, #tpu.memory_space<vmem>>[vector<16xi32>], vector<16xf32>,
      %gather3A_412 = tpu.vector_load_idx %arg10[%get3A_407] : memref<10016xf32, #tpu.memory_space<vmem>>[vector<16xi32>], vector<16xf32>,
      %add3A_413 = arith.addf %gather3A_411, %gather3A_412 : vector<16xf32>
      %add3A_414 = vector.broadcast %squeeze3A : f32 to vector<16xf32>
      %add3A_415 = arith.addf %add3A_413, %add3A_414 : vector<16xf32>
      %mul3A_416 = arith.constant 0.00999999977 : f32
      %mul3A_417 = vector.broadcast %mul3A_416 : f32 to vector<16xf32>
      %mul3A_418 = arith.mulf %mul3A_417, %add3A_415 : vector<16xf32>
      %max3A_419 = arith.maximumf %add3A_415, %mul3A_418 : vector<16xf32>
      %sub3A_420 = vector.broadcast %max3A : f32 to vector<16xf32>
      %sub3A_421 = arith.subf %max3A_419, %sub3A_420 : vector<16xf32>
      %exp3A_422 = math.exp %sub3A_421 : vector<16xf32>
      %shift_right_logical3A_423 = arith.constant 7 : i32
      %shift_right_logical3A_424 = vector.broadcast %shift_right_logical3A_423 : i32 to vector<16xi32>
      %shift_right_logical3A_425 = arith.shrui %get3A_410, %shift_right_logical3A_424 : vector<16xi32>
      %and3A_426 = arith.constant 127 : i32
      %and3A_427 = vector.broadcast %and3A_426 : i32 to vector<16xi32>
      %and3A_428 = arith.andi %get3A_410, %and3A_427 : vector<16xi32>
      %gather3A_429 = tpu.vector_load_idx %arg13[%shift_right_logical3A_425, %and3A_428] : memref<80x128xf32, #tpu.memory_space<vmem>>[vector<16xi32>, vector<16xi32>], vector<16xf32>,
      %div3A_430 = arith.divf %exp3A_422, %gather3A_429 : vector<16xf32>
      %add3A_431 = arith.constant 1.000000e+00 : f32
      %add3A_432 = vector.broadcast %add3A_431 : f32 to vector<16xf32>
      %add3A_433 = arith.addf %div3A_430, %add3A_432 : vector<16xf32>
      %swap3A_434 = arith.constant 48 : index
      %swap3A_435 = tpu.vector_load %arg15[%swap3A_434] {strides = array<i32>} : memref<128xf32, #tpu.memory_space<vmem>>, vector<16xf32>,
      tpu.vector_store %arg15[%swap3A_434], %add3A_433 {strides = array<i32>} : memref<128xf32, #tpu.memory_space<vmem>>, vector<16xf32>,
      %scan3A_436 = arith.constant 0 : i32
      %scan3A_437 = arith.constant 4 : i32
      %scan3A_438 = arith.addi %scan3A_436, %scan3A_437 : i32
      %scan3A_439 = arith.constant 1 : i32
      scf.for %scan3A_453 = %scan3A_436 to %scan3A_438 step %scan3A_439  : i32 {
        %mul3A_454 = arith.constant 1 : i32
        %mul3A_455 = arith.muli %scan3A_453, %mul3A_454 : i32
        %add3A_456 = arith.constant 0 : i32
        %add3A_457 = arith.addi %add3A_456, %mul3A_455 : i32
        %mul3A_458 = arith.constant 16 : i32
        %mul3A_459 = arith.muli %add3A_457, %mul3A_458 : i32
        %get3A_460 = arith.index_cast %mul3A_459 : i32 to index
        %get3A_461 = tpu.vector_load %arg15[%get3A_460] {strides = array<i32>} : memref<128xf32, #tpu.memory_space<vmem>>, vector<16xf32>,
        %slice3A_462 = vector.extract_strided_slice %get3A_461 {offsets = [0], sizes = [1], strides = [1]} : vector<16xf32> to vector<1xf32>
        %squeeze3A_463 = vector.extract %slice3A_462[0] : f32 from vector<1xf32>
        %mul3A_464 = arith.constant 16 : i32
        %mul3A_465 = arith.muli %add3A_457, %mul3A_464 : i32
        %add3A_466 = arith.constant 64 : i32
        %add3A_467 = arith.addi %add3A_466, %mul3A_465 : i32
        %add3A_468 = arith.constant 0 : i32
        %add3A_469 = arith.addi %add3A_467, %add3A_468 : i32
        %get3A_470 = arith.index_cast %add3A_469 : i32 to index
        %get3A_471 = arith.constant 0 : index
        %get3A_472 = tpu.vector_load %arg14[%get3A_470, %get3A_471] {strides = array<i32>} : memref<128x128xf32, #tpu.memory_space<vmem>>, vector<16xf32>,
        %mul3A_473 = vector.broadcast %squeeze3A_463 : f32 to vector<16xf32>
        %mul3A_474 = arith.mulf %get3A_472, %mul3A_473 : vector<16xf32>
        %swap3A_475 = arith.index_cast %add3A_469 : i32 to index
        %swap3A_476 = arith.constant 0 : index
        %swap3A_477 = tpu.vector_load %arg14[%swap3A_475, %swap3A_476] {strides = array<i32>} : memref<128x128xf32, #tpu.memory_space<vmem>>, vector<16xf32>,
        tpu.vector_store %arg14[%swap3A_475, %swap3A_476], %mul3A_474 {strides = array<i32>} : memref<128x128xf32, #tpu.memory_space<vmem>>, vector<16xf32>,
        %get3A_478 = arith.index_cast %add3A_469 : i32 to index
        %get3A_479 = arith.constant 16 : index
        %get3A_480 = tpu.vector_load %arg14[%get3A_478, %get3A_479] {strides = array<i32>} : memref<128x128xf32, #tpu.memory_space<vmem>>, vector<16xf32>,
        %mul3A_481 = vector.broadcast %squeeze3A_463 : f32 to vector<16xf32>
        %mul3A_482 = arith.mulf %get3A_480, %mul3A_481 : vector<16xf32>
        %swap3A_483 = arith.index_cast %add3A_469 : i32 to index
        %swap3A_484 = arith.constant 16 : index
        %swap3A_485 = tpu.vector_load %arg14[%swap3A_483, %swap3A_484] {strides = array<i32>} : memref<128x128xf32, #tpu.memory_space<vmem>>, vector<16xf32>,
        tpu.vector_store %arg14[%swap3A_483, %swap3A_484], %mul3A_482 {strides = array<i32>} : memref<128x128xf32, #tpu.memory_space<vmem>>, vector<16xf32>,
        %get3A_486 = arith.index_cast %add3A_469 : i32 to index
        %get3A_487 = arith.constant 32 : index
        %get3A_488 = tpu.vector_load %arg14[%get3A_486, %get3A_487] {strides = array<i32>} : memref<128x128xf32, #tpu.memory_space<vmem>>, vector<16xf32>,
        %mul3A_489 = vector.broadcast %squeeze3A_463 : f32 to vector<16xf32>
        %mul3A_490 = arith.mulf %get3A_488, %mul3A_489 : vector<16xf32>
        %swap3A_491 = arith.index_cast %add3A_469 : i32 to index
        %swap3A_492 = arith.constant 32 : index
        %swap3A_493 = tpu.vector_load %arg14[%swap3A_491, %swap3A_492] {strides = array<i32>} : memref<128x128xf32, #tpu.memory_space<vmem>>, vector<16xf32>,
        tpu.vector_store %arg14[%swap3A_491, %swap3A_492], %mul3A_490 {strides = array<i32>} : memref<128x128xf32, #tpu.memory_space<vmem>>, vector<16xf32>,
        %get3A_494 = arith.index_cast %add3A_469 : i32 to index
        %get3A_495 = arith.constant 48 : index
        %get3A_496 = tpu.vector_load %arg14[%get3A_494, %get3A_495] {strides = array<i32>} : memref<128x128xf32, #tpu.memory_space<vmem>>, vector<16xf32>,
        %mul3A_497 = vector.broadcast %squeeze3A_463 : f32 to vector<16xf32>
        %mul3A_498 = arith.mulf %get3A_496, %mul3A_497 : vector<16xf32>
        %swap3A_499 = arith.index_cast %add3A_469 : i32 to index
        %swap3A_500 = arith.constant 48 : index
        %swap3A_501 = tpu.vector_load %arg14[%swap3A_499, %swap3A_500] {strides = array<i32>} : memref<128x128xf32, #tpu.memory_space<vmem>>, vector<16xf32>,
        tpu.vector_store %arg14[%swap3A_499, %swap3A_500], %mul3A_498 {strides = array<i32>} : memref<128x128xf32, #tpu.memory_space<vmem>>, vector<16xf32>,
        %get3A_502 = arith.index_cast %add3A_469 : i32 to index
        %get3A_503 = arith.constant 64 : index
        %get3A_504 = tpu.vector_load %arg14[%get3A_502, %get3A_503] {strides = array<i32>} : memref<128x128xf32, #tpu.memory_space<vmem>>, vector<16xf32>,
        %mul3A_505 = vector.broadcast %squeeze3A_463 : f32 to vector<16xf32>
        %mul3A_506 = arith.mulf %get3A_504, %mul3A_505 : vector<16xf32>
        %swap3A_507 = arith.index_cast %add3A_469 : i32 to index
        %swap3A_508 = arith.constant 64 : index
        %swap3A_509 = tpu.vector_load %arg14[%swap3A_507, %swap3A_508] {strides = array<i32>} : memref<128x128xf32, #tpu.memory_space<vmem>>, vector<16xf32>,
        tpu.vector_store %arg14[%swap3A_507, %swap3A_508], %mul3A_506 {strides = array<i32>} : memref<128x128xf32, #tpu.memory_space<vmem>>, vector<16xf32>,
        %get3A_510 = arith.index_cast %add3A_469 : i32 to index
        %get3A_511 = arith.constant 80 : index
        %get3A_512 = tpu.vector_load %arg14[%get3A_510, %get3A_511] {strides = array<i32>} : memref<128x128xf32, #tpu.memory_space<vmem>>, vector<16xf32>,
        %mul3A_513 = vector.broadcast %squeeze3A_463 : f32 to vector<16xf32>
        %mul3A_514 = arith.mulf %get3A_512, %mul3A_513 : vector<16xf32>
        %swap3A_515 = arith.index_cast %add3A_469 : i32 to index
        %swap3A_516 = arith.constant 80 : index
        %swap3A_517 = tpu.vector_load %arg14[%swap3A_515, %swap3A_516] {strides = array<i32>} : memref<128x128xf32, #tpu.memory_space<vmem>>, vector<16xf32>,
        tpu.vector_store %arg14[%swap3A_515, %swap3A_516], %mul3A_514 {strides = array<i32>} : memref<128x128xf32, #tpu.memory_space<vmem>>, vector<16xf32>,
        %get3A_518 = arith.index_cast %add3A_469 : i32 to index
        %get3A_519 = arith.constant 96 : index
        %get3A_520 = tpu.vector_load %arg14[%get3A_518, %get3A_519] {strides = array<i32>} : memref<128x128xf32, #tpu.memory_space<vmem>>, vector<16xf32>,
        %mul3A_521 = vector.broadcast %squeeze3A_463 : f32 to vector<16xf32>
        %mul3A_522 = arith.mulf %get3A_520, %mul3A_521 : vector<16xf32>
        %swap3A_523 = arith.index_cast %add3A_469 : i32 to index
        %swap3A_524 = arith.constant 96 : index
        %swap3A_525 = tpu.vector_load %arg14[%swap3A_523, %swap3A_524] {strides = array<i32>} : memref<128x128xf32, #tpu.memory_space<vmem>>, vector<16xf32>,
        tpu.vector_store %arg14[%swap3A_523, %swap3A_524], %mul3A_522 {strides = array<i32>} : memref<128x128xf32, #tpu.memory_space<vmem>>, vector<16xf32>,
        %get3A_526 = arith.index_cast %add3A_469 : i32 to index
        %get3A_527 = arith.constant 112 : index
        %get3A_528 = tpu.vector_load %arg14[%get3A_526, %get3A_527] {strides = array<i32>} : memref<128x128xf32, #tpu.memory_space<vmem>>, vector<16xf32>,
        %mul3A_529 = vector.broadcast %squeeze3A_463 : f32 to vector<16xf32>
        %mul3A_530 = arith.mulf %get3A_528, %mul3A_529 : vector<16xf32>
        %swap3A_531 = arith.index_cast %add3A_469 : i32 to index
        %swap3A_532 = arith.constant 112 : index
        %swap3A_533 = tpu.vector_load %arg14[%swap3A_531, %swap3A_532] {strides = array<i32>} : memref<128x128xf32, #tpu.memory_space<vmem>>, vector<16xf32>,
        tpu.vector_store %arg14[%swap3A_531, %swap3A_532], %mul3A_530 {strides = array<i32>} : memref<128x128xf32, #tpu.memory_space<vmem>>, vector<16xf32>,
        %slice3A_534 = vector.extract_strided_slice %get3A_461 {offsets = [1], sizes = [1], strides = [1]} : vector<16xf32> to vector<1xf32>
        %squeeze3A_535 = vector.extract %slice3A_534[0] : f32 from vector<1xf32>
        %mul3A_536 = arith.constant 16 : i32
        %mul3A_537 = arith.muli %add3A_457, %mul3A_536 : i32
        %add3A_538 = arith.constant 64 : i32
        %add3A_539 = arith.addi %add3A_538, %mul3A_537 : i32
        %add3A_540 = arith.constant 1 : i32
        %add3A_541 = arith.addi %add3A_539, %add3A_540 : i32
        %get3A_542 = arith.index_cast %add3A_541 : i32 to index
        %get3A_543 = arith.constant 0 : index
        %get3A_544 = tpu.vector_load %arg14[%get3A_542, %get3A_543] {strides = array<i32>} : memref<128x128xf32, #tpu.memory_space<vmem>>, vector<16xf32>,
        %mul3A_545 = vector.broadcast %squeeze3A_535 : f32 to vector<16xf32>
        %mul3A_546 = arith.mulf %get3A_544, %mul3A_545 : vector<16xf32>
        %swap3A_547 = arith.index_cast %add3A_541 : i32 to index
        %swap3A_548 = arith.constant 0 : index
        %swap3A_549 = tpu.vector_load %arg14[%swap3A_547, %swap3A_548] {strides = array<i32>} : memref<128x128xf32, #tpu.memory_space<vmem>>, vector<16xf32>,
        tpu.vector_store %arg14[%swap3A_547, %swap3A_548], %mul3A_546 {strides = array<i32>} : memref<128x128xf32, #tpu.memory_space<vmem>>, vector<16xf32>,
        %get3A_550 = arith.index_cast %add3A_541 : i32 to index
        %get3A_551 = arith.constant 16 : index
        %get3A_552 = tpu.vector_load %arg14[%get3A_550, %get3A_551] {strides = array<i32>} : memref<128x128xf32, #tpu.memory_space<vmem>>, vector<16xf32>,
        %mul3A_553 = vector.broadcast %squeeze3A_535 : f32 to vector<16xf32>
        %mul3A_554 = arith.mulf %get3A_552, %mul3A_553 : vector<16xf32>
        %swap3A_555 = arith.index_cast %add3A_541 : i32 to index
        %swap3A_556 = arith.constant 16 : index
        %swap3A_557 = tpu.vector_load %arg14[%swap3A_555, %swap3A_556] {strides = array<i32>} : memref<128x128xf32, #tpu.memory_space<vmem>>, vector<16xf32>,
        tpu.vector_store %arg14[%swap3A_555, %swap3A_556], %mul3A_554 {strides = array<i32>} : memref<128x128xf32, #tpu.memory_space<vmem>>, vector<16xf32>,
        %get3A_558 = arith.index_cast %add3A_541 : i32 to index
        %get3A_559 = arith.constant 32 : index
        %get3A_560 = tpu.vector_load %arg14[%get3A_558, %get3A_559] {strides = array<i32>} : memref<128x128xf32, #tpu.memory_space<vmem>>, vector<16xf32>,
        %mul3A_561 = vector.broadcast %squeeze3A_535 : f32 to vector<16xf32>
        %mul3A_562 = arith.mulf %get3A_560, %mul3A_561 : vector<16xf32>
        %swap3A_563 = arith.index_cast %add3A_541 : i32 to index
        %swap3A_564 = arith.constant 32 : index
        %swap3A_565 = tpu.vector_load %arg14[%swap3A_563, %swap3A_564] {strides = array<i32>} : memref<128x128xf32, #tpu.memory_space<vmem>>, vector<16xf32>,
        tpu.vector_store %arg14[%swap3A_563, %swap3A_564], %mul3A_562 {strides = array<i32>} : memref<128x128xf32, #tpu.memory_space<vmem>>, vector<16xf32>,
        %get3A_566 = arith.index_cast %add3A_541 : i32 to index
        %get3A_567 = arith.constant 48 : index
        %get3A_568 = tpu.vector_load %arg14[%get3A_566, %get3A_567] {strides = array<i32>} : memref<128x128xf32, #tpu.memory_space<vmem>>, vector<16xf32>,
        %mul3A_569 = vector.broadcast %squeeze3A_535 : f32 to vector<16xf32>
        %mul3A_570 = arith.mulf %get3A_568, %mul3A_569 : vector<16xf32>
        %swap3A_571 = arith.index_cast %add3A_541 : i32 to index
        %swap3A_572 = arith.constant 48 : index
        %swap3A_573 = tpu.vector_load %arg14[%swap3A_571, %swap3A_572] {strides = array<i32>} : memref<128x128xf32, #tpu.memory_space<vmem>>, vector<16xf32>,
        tpu.vector_store %arg14[%swap3A_571, %swap3A_572], %mul3A_570 {strides = array<i32>} : memref<128x128xf32, #tpu.memory_space<vmem>>, vector<16xf32>,
        %get3A_574 = arith.index_cast %add3A_541 : i32 to index
        %get3A_575 = arith.constant 64 : index
        %get3A_576 = tpu.vector_load %arg14[%get3A_574, %get3A_575] {strides = array<i32>} : memref<128x128xf32, #tpu.memory_space<vmem>>, vector<16xf32>,
        %mul3A_577 = vector.broadcast %squeeze3A_535 : f32 to vector<16xf32>
        %mul3A_578 = arith.mulf %get3A_576, %mul3A_577 : vector<16xf32>
        %swap3A_579 = arith.index_cast %add3A_541 : i32 to index
        %swap3A_580 = arith.constant 64 : index
        %swap3A_581 = tpu.vector_load %arg14[%swap3A_579, %swap3A_580] {strides = array<i32>} : memref<128x128xf32, #tpu.memory_space<vmem>>, vector<16xf32>,
        tpu.vector_store %arg14[%swap3A_579, %swap3A_580], %mul3A_578 {strides = array<i32>} : memref<128x128xf32, #tpu.memory_space<vmem>>, vector<16xf32>,
        %get3A_582 = arith.index_cast %add3A_541 : i32 to index
        %get3A_583 = arith.constant 80 : index
        %get3A_584 = tpu.vector_load %arg14[%get3A_582, %get3A_583] {strides = array<i32>} : memref<128x128xf32, #tpu.memory_space<vmem>>, vector<16xf32>,
        %mul3A_585 = vector.broadcast %squeeze3A_535 : f32 to vector<16xf32>
        %mul3A_586 = arith.mulf %get3A_584, %mul3A_585 : vector<16xf32>
        %swap3A_587 = arith.index_cast %add3A_541 : i32 to index
        %swap3A_588 = arith.constant 80 : index
        %swap3A_589 = tpu.vector_load %arg14[%swap3A_587, %swap3A_588] {strides = array<i32>} : memref<128x128xf32, #tpu.memory_space<vmem>>, vector<16xf32>,
        tpu.vector_store %arg14[%swap3A_587, %swap3A_588], %mul3A_586 {strides = array<i32>} : memref<128x128xf32, #tpu.memory_space<vmem>>, vector<16xf32>,
        %get3A_590 = arith.index_cast %add3A_541 : i32 to index
        %get3A_591 = arith.constant 96 : index
        %get3A_592 = tpu.vector_load %arg14[%get3A_590, %get3A_591] {strides = array<i32>} : memref<128x128xf32, #tpu.memory_space<vmem>>, vector<16xf32>,
        %mul3A_593 = vector.broadcast %squeeze3A_535 : f32 to vector<16xf32>
        %mul3A_594 = arith.mulf %get3A_592, %mul3A_593 : vector<16xf32>
        %swap3A_595 = arith.index_cast %add3A_541 : i32 to index
        %swap3A_596 = arith.constant 96 : index
        %swap3A_597 = tpu.vector_load %arg14[%swap3A_595, %swap3A_596] {strides = array<i32>} : memref<128x128xf32, #tpu.memory_space<vmem>>, vector<16xf32>,
        tpu.vector_store %arg14[%swap3A_595, %swap3A_596], %mul3A_594 {strides = array<i32>} : memref<128x128xf32, #tpu.memory_space<vmem>>, vector<16xf32>,
        %get3A_598 = arith.index_cast %add3A_541 : i32 to index
        %get3A_599 = arith.constant 112 : index
        %get3A_600 = tpu.vector_load %arg14[%get3A_598, %get3A_599] {strides = array<i32>} : memref<128x128xf32, #tpu.memory_space<vmem>>, vector<16xf32>,
        %mul3A_601 = vector.broadcast %squeeze3A_535 : f32 to vector<16xf32>
        %mul3A_602 = arith.mulf %get3A_600, %mul3A_601 : vector<16xf32>
        %swap3A_603 = arith.index_cast %add3A_541 : i32 to index
        %swap3A_604 = arith.constant 112 : index
        %swap3A_605 = tpu.vector_load %arg14[%swap3A_603, %swap3A_604] {strides = array<i32>} : memref<128x128xf32, #tpu.memory_space<vmem>>, vector<16xf32>,
        tpu.vector_store %arg14[%swap3A_603, %swap3A_604], %mul3A_602 {strides = array<i32>} : memref<128x128xf32, #tpu.memory_space<vmem>>, vector<16xf32>,
        %slice3A_606 = vector.extract_strided_slice %get3A_461 {offsets = [2], sizes = [1], strides = [1]} : vector<16xf32> to vector<1xf32>
        %squeeze3A_607 = vector.extract %slice3A_606[0] : f32 from vector<1xf32>
        %mul3A_608 = arith.constant 16 : i32
        %mul3A_609 = arith.muli %add3A_457, %mul3A_608 : i32
        %add3A_610 = arith.constant 64 : i32
        %add3A_611 = arith.addi %add3A_610, %mul3A_609 : i32
        %add3A_612 = arith.constant 2 : i32
        %add3A_613 = arith.addi %add3A_611, %add3A_612 : i32
        %get3A_614 = arith.index_cast %add3A_613 : i32 to index
        %get3A_615 = arith.constant 0 : index
        %get3A_616 = tpu.vector_load %arg14[%get3A_614, %get3A_615] {strides = array<i32>} : memref<128x128xf32, #tpu.memory_space<vmem>>, vector<16xf32>,
        %mul3A_617 = vector.broadcast %squeeze3A_607 : f32 to vector<16xf32>
        %mul3A_618 = arith.mulf %get3A_616, %mul3A_617 : vector<16xf32>
        %swap3A_619 = arith.index_cast %add3A_613 : i32 to index
        %swap3A_620 = arith.constant 0 : index
        %swap3A_621 = tpu.vector_load %arg14[%swap3A_619, %swap3A_620] {strides = array<i32>} : memref<128x128xf32, #tpu.memory_space<vmem>>, vector<16xf32>,
        tpu.vector_store %arg14[%swap3A_619, %swap3A_620], %mul3A_618 {strides = array<i32>} : memref<128x128xf32, #tpu.memory_space<vmem>>, vector<16xf32>,
        %get3A_622 = arith.index_cast %add3A_613 : i32 to index
        %get3A_623 = arith.constant 16 : index
        %get3A_624 = tpu.vector_load %arg14[%get3A_622, %get3A_623] {strides = array<i32>} : memref<128x128xf32, #tpu.memory_space<vmem>>, vector<16xf32>,
        %mul3A_625 = vector.broadcast %squeeze3A_607 : f32 to vector<16xf32>
        %mul3A_626 = arith.mulf %get3A_624, %mul3A_625 : vector<16xf32>
        %swap3A_627 = arith.index_cast %add3A_613 : i32 to index
        %swap3A_628 = arith.constant 16 : index
        %swap3A_629 = tpu.vector_load %arg14[%swap3A_627, %swap3A_628] {strides = array<i32>} : memref<128x128xf32, #tpu.memory_space<vmem>>, vector<16xf32>,
        tpu.vector_store %arg14[%swap3A_627, %swap3A_628], %mul3A_626 {strides = array<i32>} : memref<128x128xf32, #tpu.memory_space<vmem>>, vector<16xf32>,
        %get3A_630 = arith.index_cast %add3A_613 : i32 to index
        %get3A_631 = arith.constant 32 : index
        %get3A_632 = tpu.vector_load %arg14[%get3A_630, %get3A_631] {strides = array<i32>} : memref<128x128xf32, #tpu.memory_space<vmem>>, vector<16xf32>,
        %mul3A_633 = vector.broadcast %squeeze3A_607 : f32 to vector<16xf32>
        %mul3A_634 = arith.mulf %get3A_632, %mul3A_633 : vector<16xf32>
        %swap3A_635 = arith.index_cast %add3A_613 : i32 to index
        %swap3A_636 = arith.constant 32 : index
        %swap3A_637 = tpu.vector_load %arg14[%swap3A_635, %swap3A_636] {strides = array<i32>} : memref<128x128xf32, #tpu.memory_space<vmem>>, vector<16xf32>,
        tpu.vector_store %arg14[%swap3A_635, %swap3A_636], %mul3A_634 {strides = array<i32>} : memref<128x128xf32, #tpu.memory_space<vmem>>, vector<16xf32>,
        %get3A_638 = arith.index_cast %add3A_613 : i32 to index
        %get3A_639 = arith.constant 48 : index
        %get3A_640 = tpu.vector_load %arg14[%get3A_638, %get3A_639] {strides = array<i32>} : memref<128x128xf32, #tpu.memory_space<vmem>>, vector<16xf32>,
        %mul3A_641 = vector.broadcast %squeeze3A_607 : f32 to vector<16xf32>
        %mul3A_642 = arith.mulf %get3A_640, %mul3A_641 : vector<16xf32>
        %swap3A_643 = arith.index_cast %add3A_613 : i32 to index
        %swap3A_644 = arith.constant 48 : index
        %swap3A_645 = tpu.vector_load %arg14[%swap3A_643, %swap3A_644] {strides = array<i32>} : memref<128x128xf32, #tpu.memory_space<vmem>>, vector<16xf32>,
        tpu.vector_store %arg14[%swap3A_643, %swap3A_644], %mul3A_642 {strides = array<i32>} : memref<128x128xf32, #tpu.memory_space<vmem>>, vector<16xf32>,
        %get3A_646 = arith.index_cast %add3A_613 : i32 to index
        %get3A_647 = arith.constant 64 : index
        %get3A_648 = tpu.vector_load %arg14[%get3A_646, %get3A_647] {strides = array<i32>} : memref<128x128xf32, #tpu.memory_space<vmem>>, vector<16xf32>,
        %mul3A_649 = vector.broadcast %squeeze3A_607 : f32 to vector<16xf32>
        %mul3A_650 = arith.mulf %get3A_648, %mul3A_649 : vector<16xf32>
        %swap3A_651 = arith.index_cast %add3A_613 : i32 to index
        %swap3A_652 = arith.constant 64 : index
        %swap3A_653 = tpu.vector_load %arg14[%swap3A_651, %swap3A_652] {strides = array<i32>} : memref<128x128xf32, #tpu.memory_space<vmem>>, vector<16xf32>,
        tpu.vector_store %arg14[%swap3A_651, %swap3A_652], %mul3A_650 {strides = array<i32>} : memref<128x128xf32, #tpu.memory_space<vmem>>, vector<16xf32>,
        %get3A_654 = arith.index_cast %add3A_613 : i32 to index
        %get3A_655 = arith.constant 80 : index
        %get3A_656 = tpu.vector_load %arg14[%get3A_654, %get3A_655] {strides = array<i32>} : memref<128x128xf32, #tpu.memory_space<vmem>>, vector<16xf32>,
        %mul3A_657 = vector.broadcast %squeeze3A_607 : f32 to vector<16xf32>
        %mul3A_658 = arith.mulf %get3A_656, %mul3A_657 : vector<16xf32>
        %swap3A_659 = arith.index_cast %add3A_613 : i32 to index
        %swap3A_660 = arith.constant 80 : index
        %swap3A_661 = tpu.vector_load %arg14[%swap3A_659, %swap3A_660] {strides = array<i32>} : memref<128x128xf32, #tpu.memory_space<vmem>>, vector<16xf32>,
        tpu.vector_store %arg14[%swap3A_659, %swap3A_660], %mul3A_658 {strides = array<i32>} : memref<128x128xf32, #tpu.memory_space<vmem>>, vector<16xf32>,
        %get3A_662 = arith.index_cast %add3A_613 : i32 to index
        %get3A_663 = arith.constant 96 : index
        %get3A_664 = tpu.vector_load %arg14[%get3A_662, %get3A_663] {strides = array<i32>} : memref<128x128xf32, #tpu.memory_space<vmem>>, vector<16xf32>,
        %mul3A_665 = vector.broadcast %squeeze3A_607 : f32 to vector<16xf32>
        %mul3A_666 = arith.mulf %get3A_664, %mul3A_665 : vector<16xf32>
        %swap3A_667 = arith.index_cast %add3A_613 : i32 to index
        %swap3A_668 = arith.constant 96 : index
        %swap3A_669 = tpu.vector_load %arg14[%swap3A_667, %swap3A_668] {strides = array<i32>} : memref<128x128xf32, #tpu.memory_space<vmem>>, vector<16xf32>,
        tpu.vector_store %arg14[%swap3A_667, %swap3A_668], %mul3A_666 {strides = array<i32>} : memref<128x128xf32, #tpu.memory_space<vmem>>, vector<16xf32>,
        %get3A_670 = arith.index_cast %add3A_613 : i32 to index
        %get3A_671 = arith.constant 112 : index
        %get3A_672 = tpu.vector_load %arg14[%get3A_670, %get3A_671] {strides = array<i32>} : memref<128x128xf32, #tpu.memory_space<vmem>>, vector<16xf32>,
        %mul3A_673 = vector.broadcast %squeeze3A_607 : f32 to vector<16xf32>
        %mul3A_674 = arith.mulf %get3A_672, %mul3A_673 : vector<16xf32>
        %swap3A_675 = arith.index_cast %add3A_613 : i32 to index
        %swap3A_676 = arith.constant 112 : index
        %swap3A_677 = tpu.vector_load %arg14[%swap3A_675, %swap3A_676] {strides = array<i32>} : memref<128x128xf32, #tpu.memory_space<vmem>>, vector<16xf32>,
        tpu.vector_store %arg14[%swap3A_675, %swap3A_676], %mul3A_674 {strides = array<i32>} : memref<128x128xf32, #tpu.memory_space<vmem>>, vector<16xf32>,
        %slice3A_678 = vector.extract_strided_slice %get3A_461 {offsets = [3], sizes = [1], strides = [1]} : vector<16xf32> to vector<1xf32>
        %squeeze3A_679 = vector.extract %slice3A_678[0] : f32 from vector<1xf32>
        %mul3A_680 = arith.constant 16 : i32
        %mul3A_681 = arith.muli %add3A_457, %mul3A_680 : i32
        %add3A_682 = arith.constant 64 : i32
        %add3A_683 = arith.addi %add3A_682, %mul3A_681 : i32
        %add3A_684 = arith.constant 3 : i32
        %add3A_685 = arith.addi %add3A_683, %add3A_684 : i32
        %get3A_686 = arith.index_cast %add3A_685 : i32 to index
        %get3A_687 = arith.constant 0 : index
        %get3A_688 = tpu.vector_load %arg14[%get3A_686, %get3A_687] {strides = array<i32>} : memref<128x128xf32, #tpu.memory_space<vmem>>, vector<16xf32>,
        %mul3A_689 = vector.broadcast %squeeze3A_679 : f32 to vector<16xf32>
        %mul3A_690 = arith.mulf %get3A_688, %mul3A_689 : vector<16xf32>
        %swap3A_691 = arith.index_cast %add3A_685 : i32 to index
        %swap3A_692 = arith.constant 0 : index
        %swap3A_693 = tpu.vector_load %arg14[%swap3A_691, %swap3A_692] {strides = array<i32>} : memref<128x128xf32, #tpu.memory_space<vmem>>, vector<16xf32>,
        tpu.vector_store %arg14[%swap3A_691, %swap3A_692], %mul3A_690 {strides = array<i32>} : memref<128x128xf32, #tpu.memory_space<vmem>>, vector<16xf32>,
        %get3A_694 = arith.index_cast %add3A_685 : i32 to index
        %get3A_695 = arith.constant 16 : index
        %get3A_696 = tpu.vector_load %arg14[%get3A_694, %get3A_695] {strides = array<i32>} : memref<128x128xf32, #tpu.memory_space<vmem>>, vector<16xf32>,
        %mul3A_697 = vector.broadcast %squeeze3A_679 : f32 to vector<16xf32>
        %mul3A_698 = arith.mulf %get3A_696, %mul3A_697 : vector<16xf32>
        %swap3A_699 = arith.index_cast %add3A_685 : i32 to index
        %swap3A_700 = arith.constant 16 : index
        %swap3A_701 = tpu.vector_load %arg14[%swap3A_699, %swap3A_700] {strides = array<i32>} : memref<128x128xf32, #tpu.memory_space<vmem>>, vector<16xf32>,
        tpu.vector_store %arg14[%swap3A_699, %swap3A_700], %mul3A_698 {strides = array<i32>} : memref<128x128xf32, #tpu.memory_space<vmem>>, vector<16xf32>,
        %get3A_702 = arith.index_cast %add3A_685 : i32 to index
        %get3A_703 = arith.constant 32 : index
        %get3A_704 = tpu.vector_load %arg14[%get3A_702, %get3A_703] {strides = array<i32>} : memref<128x128xf32, #tpu.memory_space<vmem>>, vector<16xf32>,
        %mul3A_705 = vector.broadcast %squeeze3A_679 : f32 to vector<16xf32>
        %mul3A_706 = arith.mulf %get3A_704, %mul3A_705 : vector<16xf32>
        %swap3A_707 = arith.index_cast %add3A_685 : i32 to index
        %swap3A_708 = arith.constant 32 : index
        %swap3A_709 = tpu.vector_load %arg14[%swap3A_707, %swap3A_708] {strides = array<i32>} : memref<128x128xf32, #tpu.memory_space<vmem>>, vector<16xf32>,
        tpu.vector_store %arg14[%swap3A_707, %swap3A_708], %mul3A_706 {strides = array<i32>} : memref<128x128xf32, #tpu.memory_space<vmem>>, vector<16xf32>,
        %get3A_710 = arith.index_cast %add3A_685 : i32 to index
        %get3A_711 = arith.constant 48 : index
        %get3A_712 = tpu.vector_load %arg14[%get3A_710, %get3A_711] {strides = array<i32>} : memref<128x128xf32, #tpu.memory_space<vmem>>, vector<16xf32>,
        %mul3A_713 = vector.broadcast %squeeze3A_679 : f32 to vector<16xf32>
        %mul3A_714 = arith.mulf %get3A_712, %mul3A_713 : vector<16xf32>
        %swap3A_715 = arith.index_cast %add3A_685 : i32 to index
        %swap3A_716 = arith.constant 48 : index
        %swap3A_717 = tpu.vector_load %arg14[%swap3A_715, %swap3A_716] {strides = array<i32>} : memref<128x128xf32, #tpu.memory_space<vmem>>, vector<16xf32>,
        tpu.vector_store %arg14[%swap3A_715, %swap3A_716], %mul3A_714 {strides = array<i32>} : memref<128x128xf32, #tpu.memory_space<vmem>>, vector<16xf32>,
        %get3A_718 = arith.index_cast %add3A_685 : i32 to index
        %get3A_719 = arith.constant 64 : index
        %get3A_720 = tpu.vector_load %arg14[%get3A_718, %get3A_719] {strides = array<i32>} : memref<128x128xf32, #tpu.memory_space<vmem>>, vector<16xf32>,
        %mul3A_721 = vector.broadcast %squeeze3A_679 : f32 to vector<16xf32>
        %mul3A_722 = arith.mulf %get3A_720, %mul3A_721 : vector<16xf32>
        %swap3A_723 = arith.index_cast %add3A_685 : i32 to index
        %swap3A_724 = arith.constant 64 : index
        %swap3A_725 = tpu.vector_load %arg14[%swap3A_723, %swap3A_724] {strides = array<i32>} : memref<128x128xf32, #tpu.memory_space<vmem>>, vector<16xf32>,
        tpu.vector_store %arg14[%swap3A_723, %swap3A_724], %mul3A_722 {strides = array<i32>} : memref<128x128xf32, #tpu.memory_space<vmem>>, vector<16xf32>,
        %get3A_726 = arith.index_cast %add3A_685 : i32 to index
        %get3A_727 = arith.constant 80 : index
        %get3A_728 = tpu.vector_load %arg14[%get3A_726, %get3A_727] {strides = array<i32>} : memref<128x128xf32, #tpu.memory_space<vmem>>, vector<16xf32>,
        %mul3A_729 = vector.broadcast %squeeze3A_679 : f32 to vector<16xf32>
        %mul3A_730 = arith.mulf %get3A_728, %mul3A_729 : vector<16xf32>
        %swap3A_731 = arith.index_cast %add3A_685 : i32 to index
        %swap3A_732 = arith.constant 80 : index
        %swap3A_733 = tpu.vector_load %arg14[%swap3A_731, %swap3A_732] {strides = array<i32>} : memref<128x128xf32, #tpu.memory_space<vmem>>, vector<16xf32>,
        tpu.vector_store %arg14[%swap3A_731, %swap3A_732], %mul3A_730 {strides = array<i32>} : memref<128x128xf32, #tpu.memory_space<vmem>>, vector<16xf32>,
        %get3A_734 = arith.index_cast %add3A_685 : i32 to index
        %get3A_735 = arith.constant 96 : index
        %get3A_736 = tpu.vector_load %arg14[%get3A_734, %get3A_735] {strides = array<i32>} : memref<128x128xf32, #tpu.memory_space<vmem>>, vector<16xf32>,
        %mul3A_737 = vector.broadcast %squeeze3A_679 : f32 to vector<16xf32>
        %mul3A_738 = arith.mulf %get3A_736, %mul3A_737 : vector<16xf32>
        %swap3A_739 = arith.index_cast %add3A_685 : i32 to index
        %swap3A_740 = arith.constant 96 : index
        %swap3A_741 = tpu.vector_load %arg14[%swap3A_739, %swap3A_740] {strides = array<i32>} : memref<128x128xf32, #tpu.memory_space<vmem>>, vector<16xf32>,
        tpu.vector_store %arg14[%swap3A_739, %swap3A_740], %mul3A_738 {strides = array<i32>} : memref<128x128xf32, #tpu.memory_space<vmem>>, vector<16xf32>,
        %get3A_742 = arith.index_cast %add3A_685 : i32 to index
        %get3A_743 = arith.constant 112 : index
        %get3A_744 = tpu.vector_load %arg14[%get3A_742, %get3A_743] {strides = array<i32>} : memref<128x128xf32, #tpu.memory_space<vmem>>, vector<16xf32>,
        %mul3A_745 = vector.broadcast %squeeze3A_679 : f32 to vector<16xf32>
        %mul3A_746 = arith.mulf %get3A_744, %mul3A_745 : vector<16xf32>
        %swap3A_747 = arith.index_cast %add3A_685 : i32 to index
        %swap3A_748 = arith.constant 112 : index
        %swap3A_749 = tpu.vector_load %arg14[%swap3A_747, %swap3A_748] {strides = array<i32>} : memref<128x128xf32, #tpu.memory_space<vmem>>, vector<16xf32>,
        tpu.vector_store %arg14[%swap3A_747, %swap3A_748], %mul3A_746 {strides = array<i32>} : memref<128x128xf32, #tpu.memory_space<vmem>>, vector<16xf32>,
        %slice3A_750 = vector.extract_strided_slice %get3A_461 {offsets = [4], sizes = [1], strides = [1]} : vector<16xf32> to vector<1xf32>
        %squeeze3A_751 = vector.extract %slice3A_750[0] : f32 from vector<1xf32>
        %mul3A_752 = arith.constant 16 : i32
        %mul3A_753 = arith.muli %add3A_457, %mul3A_752 : i32
        %add3A_754 = arith.constant 64 : i32
        %add3A_755 = arith.addi %add3A_754, %mul3A_753 : i32
        %add3A_756 = arith.constant 4 : i32
        %add3A_757 = arith.addi %add3A_755, %add3A_756 : i32
        %get3A_758 = arith.index_cast %add3A_757 : i32 to index
        %get3A_759 = arith.constant 0 : index
        %get3A_760 = tpu.vector_load %arg14[%get3A_758, %get3A_759] {strides = array<i32>} : memref<128x128xf32, #tpu.memory_space<vmem>>, vector<16xf32>,
        %mul3A_761 = vector.broadcast %squeeze3A_751 : f32 to vector<16xf32>
        %mul3A_762 = arith.mulf %get3A_760, %mul3A_761 : vector<16xf32>
        %swap3A_763 = arith.index_cast %add3A_757 : i32 to index
        %swap3A_764 = arith.constant 0 : index
        %swap3A_765 = tpu.vector_load %arg14[%swap3A_763, %swap3A_764] {strides = array<i32>} : memref<128x128xf32, #tpu.memory_space<vmem>>, vector<16xf32>,
        tpu.vector_store %arg14[%swap3A_763, %swap3A_764], %mul3A_762 {strides = array<i32>} : memref<128x128xf32, #tpu.memory_space<vmem>>, vector<16xf32>,
        %get3A_766 = arith.index_cast %add3A_757 : i32 to index
        %get3A_767 = arith.constant 16 : index
        %get3A_768 = tpu.vector_load %arg14[%get3A_766, %get3A_767] {strides = array<i32>} : memref<128x128xf32, #tpu.memory_space<vmem>>, vector<16xf32>,
        %mul3A_769 = vector.broadcast %squeeze3A_751 : f32 to vector<16xf32>
        %mul3A_770 = arith.mulf %get3A_768, %mul3A_769 : vector<16xf32>
        %swap3A_771 = arith.index_cast %add3A_757 : i32 to index
        %swap3A_772 = arith.constant 16 : index
        %swap3A_773 = tpu.vector_load %arg14[%swap3A_771, %swap3A_772] {strides = array<i32>} : memref<128x128xf32, #tpu.memory_space<vmem>>, vector<16xf32>,
        tpu.vector_store %arg14[%swap3A_771, %swap3A_772], %mul3A_770 {strides = array<i32>} : memref<128x128xf32, #tpu.memory_space<vmem>>, vector<16xf32>,
        %get3A_774 = arith.index_cast %add3A_757 : i32 to index
        %get3A_775 = arith.constant 32 : index
        %get3A_776 = tpu.vector_load %arg14[%get3A_774, %get3A_775] {strides = array<i32>} : memref<128x128xf32, #tpu.memory_space<vmem>>, vector<16xf32>,
        %mul3A_777 = vector.broadcast %squeeze3A_751 : f32 to vector<16xf32>
        %mul3A_778 = arith.mulf %get3A_776, %mul3A_777 : vector<16xf32>
        %swap3A_779 = arith.index_cast %add3A_757 : i32 to index
        %swap3A_780 = arith.constant 32 : index
        %swap3A_781 = tpu.vector_load %arg14[%swap3A_779, %swap3A_780] {strides = array<i32>} : memref<128x128xf32, #tpu.memory_space<vmem>>, vector<16xf32>,
        tpu.vector_store %arg14[%swap3A_779, %swap3A_780], %mul3A_778 {strides = array<i32>} : memref<128x128xf32, #tpu.memory_space<vmem>>, vector<16xf32>,
        %get3A_782 = arith.index_cast %add3A_757 : i32 to index
        %get3A_783 = arith.constant 48 : index
        %get3A_784 = tpu.vector_load %arg14[%get3A_782, %get3A_783] {strides = array<i32>} : memref<128x128xf32, #tpu.memory_space<vmem>>, vector<16xf32>,
        %mul3A_785 = vector.broadcast %squeeze3A_751 : f32 to vector<16xf32>
        %mul3A_786 = arith.mulf %get3A_784, %mul3A_785 : vector<16xf32>
        %swap3A_787 = arith.index_cast %add3A_757 : i32 to index
        %swap3A_788 = arith.constant 48 : index
        %swap3A_789 = tpu.vector_load %arg14[%swap3A_787, %swap3A_788] {strides = array<i32>} : memref<128x128xf32, #tpu.memory_space<vmem>>, vector<16xf32>,
        tpu.vector_store %arg14[%swap3A_787, %swap3A_788], %mul3A_786 {strides = array<i32>} : memref<128x128xf32, #tpu.memory_space<vmem>>, vector<16xf32>,
        %get3A_790 = arith.index_cast %add3A_757 : i32 to index
        %get3A_791 = arith.constant 64 : index
        %get3A_792 = tpu.vector_load %arg14[%get3A_790, %get3A_791] {strides = array<i32>} : memref<128x128xf32, #tpu.memory_space<vmem>>, vector<16xf32>,
        %mul3A_793 = vector.broadcast %squeeze3A_751 : f32 to vector<16xf32>
        %mul3A_794 = arith.mulf %get3A_792, %mul3A_793 : vector<16xf32>
        %swap3A_795 = arith.index_cast %add3A_757 : i32 to index
        %swap3A_796 = arith.constant 64 : index
        %swap3A_797 = tpu.vector_load %arg14[%swap3A_795, %swap3A_796] {strides = array<i32>} : memref<128x128xf32, #tpu.memory_space<vmem>>, vector<16xf32>,
        tpu.vector_store %arg14[%swap3A_795, %swap3A_796], %mul3A_794 {strides = array<i32>} : memref<128x128xf32, #tpu.memory_space<vmem>>, vector<16xf32>,
        %get3A_798 = arith.index_cast %add3A_757 : i32 to index
        %get3A_799 = arith.constant 80 : index
        %get3A_800 = tpu.vector_load %arg14[%get3A_798, %get3A_799] {strides = array<i32>} : memref<128x128xf32, #tpu.memory_space<vmem>>, vector<16xf32>,
        %mul3A_801 = vector.broadcast %squeeze3A_751 : f32 to vector<16xf32>
        %mul3A_802 = arith.mulf %get3A_800, %mul3A_801 : vector<16xf32>
        %swap3A_803 = arith.index_cast %add3A_757 : i32 to index
        %swap3A_804 = arith.constant 80 : index
        %swap3A_805 = tpu.vector_load %arg14[%swap3A_803, %swap3A_804] {strides = array<i32>} : memref<128x128xf32, #tpu.memory_space<vmem>>, vector<16xf32>,
        tpu.vector_store %arg14[%swap3A_803, %swap3A_804], %mul3A_802 {strides = array<i32>} : memref<128x128xf32, #tpu.memory_space<vmem>>, vector<16xf32>,
        %get3A_806 = arith.index_cast %add3A_757 : i32 to index
        %get3A_807 = arith.constant 96 : index
        %get3A_808 = tpu.vector_load %arg14[%get3A_806, %get3A_807] {strides = array<i32>} : memref<128x128xf32, #tpu.memory_space<vmem>>, vector<16xf32>,
        %mul3A_809 = vector.broadcast %squeeze3A_751 : f32 to vector<16xf32>
        %mul3A_810 = arith.mulf %get3A_808, %mul3A_809 : vector<16xf32>
        %swap3A_811 = arith.index_cast %add3A_757 : i32 to index
        %swap3A_812 = arith.constant 96 : index
        %swap3A_813 = tpu.vector_load %arg14[%swap3A_811, %swap3A_812] {strides = array<i32>} : memref<128x128xf32, #tpu.memory_space<vmem>>, vector<16xf32>,
        tpu.vector_store %arg14[%swap3A_811, %swap3A_812], %mul3A_810 {strides = array<i32>} : memref<128x128xf32, #tpu.memory_space<vmem>>, vector<16xf32>,
        %get3A_814 = arith.index_cast %add3A_757 : i32 to index
        %get3A_815 = arith.constant 112 : index
        %get3A_816 = tpu.vector_load %arg14[%get3A_814, %get3A_815] {strides = array<i32>} : memref<128x128xf32, #tpu.memory_space<vmem>>, vector<16xf32>,
        %mul3A_817 = vector.broadcast %squeeze3A_751 : f32 to vector<16xf32>
        %mul3A_818 = arith.mulf %get3A_816, %mul3A_817 : vector<16xf32>
        %swap3A_819 = arith.index_cast %add3A_757 : i32 to index
        %swap3A_820 = arith.constant 112 : index
        %swap3A_821 = tpu.vector_load %arg14[%swap3A_819, %swap3A_820] {strides = array<i32>} : memref<128x128xf32, #tpu.memory_space<vmem>>, vector<16xf32>,
        tpu.vector_store %arg14[%swap3A_819, %swap3A_820], %mul3A_818 {strides = array<i32>} : memref<128x128xf32, #tpu.memory_space<vmem>>, vector<16xf32>,
        %slice3A_822 = vector.extract_strided_slice %get3A_461 {offsets = [5], sizes = [1], strides = [1]} : vector<16xf32> to vector<1xf32>
        %squeeze3A_823 = vector.extract %slice3A_822[0] : f32 from vector<1xf32>
        %mul3A_824 = arith.constant 16 : i32
        %mul3A_825 = arith.muli %add3A_457, %mul3A_824 : i32
        %add3A_826 = arith.constant 64 : i32
        %add3A_827 = arith.addi %add3A_826, %mul3A_825 : i32
        %add3A_828 = arith.constant 5 : i32
        %add3A_829 = arith.addi %add3A_827, %add3A_828 : i32
        %get3A_830 = arith.index_cast %add3A_829 : i32 to index
        %get3A_831 = arith.constant 0 : index
        %get3A_832 = tpu.vector_load %arg14[%get3A_830, %get3A_831] {strides = array<i32>} : memref<128x128xf32, #tpu.memory_space<vmem>>, vector<16xf32>,
        %mul3A_833 = vector.broadcast %squeeze3A_823 : f32 to vector<16xf32>
        %mul3A_834 = arith.mulf %get3A_832, %mul3A_833 : vector<16xf32>
        %swap3A_835 = arith.index_cast %add3A_829 : i32 to index
        %swap3A_836 = arith.constant 0 : index
        %swap3A_837 = tpu.vector_load %arg14[%swap3A_835, %swap3A_836] {strides = array<i32>} : memref<128x128xf32, #tpu.memory_space<vmem>>, vector<16xf32>,
        tpu.vector_store %arg14[%swap3A_835, %swap3A_836], %mul3A_834 {strides = array<i32>} : memref<128x128xf32, #tpu.memory_space<vmem>>, vector<16xf32>,
        %get3A_838 = arith.index_cast %add3A_829 : i32 to index
        %get3A_839 = arith.constant 16 : index
        %get3A_840 = tpu.vector_load %arg14[%get3A_838, %get3A_839] {strides = array<i32>} : memref<128x128xf32, #tpu.memory_space<vmem>>, vector<16xf32>,
        %mul3A_841 = vector.broadcast %squeeze3A_823 : f32 to vector<16xf32>
        %mul3A_842 = arith.mulf %get3A_840, %mul3A_841 : vector<16xf32>
        %swap3A_843 = arith.index_cast %add3A_829 : i32 to index
        %swap3A_844 = arith.constant 16 : index
        %swap3A_845 = tpu.vector_load %arg14[%swap3A_843, %swap3A_844] {strides = array<i32>} : memref<128x128xf32, #tpu.memory_space<vmem>>, vector<16xf32>,
        tpu.vector_store %arg14[%swap3A_843, %swap3A_844], %mul3A_842 {strides = array<i32>} : memref<128x128xf32, #tpu.memory_space<vmem>>, vector<16xf32>,
        %get3A_846 = arith.index_cast %add3A_829 : i32 to index
        %get3A_847 = arith.constant 32 : index
        %get3A_848 = tpu.vector_load %arg14[%get3A_846, %get3A_847] {strides = array<i32>} : memref<128x128xf32, #tpu.memory_space<vmem>>, vector<16xf32>,
        %mul3A_849 = vector.broadcast %squeeze3A_823 : f32 to vector<16xf32>
        %mul3A_850 = arith.mulf %get3A_848, %mul3A_849 : vector<16xf32>
        %swap3A_851 = arith.index_cast %add3A_829 : i32 to index
        %swap3A_852 = arith.constant 32 : index
        %swap3A_853 = tpu.vector_load %arg14[%swap3A_851, %swap3A_852] {strides = array<i32>} : memref<128x128xf32, #tpu.memory_space<vmem>>, vector<16xf32>,
        tpu.vector_store %arg14[%swap3A_851, %swap3A_852], %mul3A_850 {strides = array<i32>} : memref<128x128xf32, #tpu.memory_space<vmem>>, vector<16xf32>,
        %get3A_854 = arith.index_cast %add3A_829 : i32 to index
        %get3A_855 = arith.constant 48 : index
        %get3A_856 = tpu.vector_load %arg14[%get3A_854, %get3A_855] {strides = array<i32>} : memref<128x128xf32, #tpu.memory_space<vmem>>, vector<16xf32>,
        %mul3A_857 = vector.broadcast %squeeze3A_823 : f32 to vector<16xf32>
        %mul3A_858 = arith.mulf %get3A_856, %mul3A_857 : vector<16xf32>
        %swap3A_859 = arith.index_cast %add3A_829 : i32 to index
        %swap3A_860 = arith.constant 48 : index
        %swap3A_861 = tpu.vector_load %arg14[%swap3A_859, %swap3A_860] {strides = array<i32>} : memref<128x128xf32, #tpu.memory_space<vmem>>, vector<16xf32>,
        tpu.vector_store %arg14[%swap3A_859, %swap3A_860], %mul3A_858 {strides = array<i32>} : memref<128x128xf32, #tpu.memory_space<vmem>>, vector<16xf32>,
        %get3A_862 = arith.index_cast %add3A_829 : i32 to index
        %get3A_863 = arith.constant 64 : index
        %get3A_864 = tpu.vector_load %arg14[%get3A_862, %get3A_863] {strides = array<i32>} : memref<128x128xf32, #tpu.memory_space<vmem>>, vector<16xf32>,
        %mul3A_865 = vector.broadcast %squeeze3A_823 : f32 to vector<16xf32>
        %mul3A_866 = arith.mulf %get3A_864, %mul3A_865 : vector<16xf32>
        %swap3A_867 = arith.index_cast %add3A_829 : i32 to index
        %swap3A_868 = arith.constant 64 : index
        %swap3A_869 = tpu.vector_load %arg14[%swap3A_867, %swap3A_868] {strides = array<i32>} : memref<128x128xf32, #tpu.memory_space<vmem>>, vector<16xf32>,
        tpu.vector_store %arg14[%swap3A_867, %swap3A_868], %mul3A_866 {strides = array<i32>} : memref<128x128xf32, #tpu.memory_space<vmem>>, vector<16xf32>,
        %get3A_870 = arith.index_cast %add3A_829 : i32 to index
        %get3A_871 = arith.constant 80 : index
        %get3A_872 = tpu.vector_load %arg14[%get3A_870, %get3A_871] {strides = array<i32>} : memref<128x128xf32, #tpu.memory_space<vmem>>, vector<16xf32>,
        %mul3A_873 = vector.broadcast %squeeze3A_823 : f32 to vector<16xf32>
        %mul3A_874 = arith.mulf %get3A_872, %mul3A_873 : vector<16xf32>
        %swap3A_875 = arith.index_cast %add3A_829 : i32 to index
        %swap3A_876 = arith.constant 80 : index
        %swap3A_877 = tpu.vector_load %arg14[%swap3A_875, %swap3A_876] {strides = array<i32>} : memref<128x128xf32, #tpu.memory_space<vmem>>, vector<16xf32>,
        tpu.vector_store %arg14[%swap3A_875, %swap3A_876], %mul3A_874 {strides = array<i32>} : memref<128x128xf32, #tpu.memory_space<vmem>>, vector<16xf32>,
        %get3A_878 = arith.index_cast %add3A_829 : i32 to index
        %get3A_879 = arith.constant 96 : index
        %get3A_880 = tpu.vector_load %arg14[%get3A_878, %get3A_879] {strides = array<i32>} : memref<128x128xf32, #tpu.memory_space<vmem>>, vector<16xf32>,
        %mul3A_881 = vector.broadcast %squeeze3A_823 : f32 to vector<16xf32>
        %mul3A_882 = arith.mulf %get3A_880, %mul3A_881 : vector<16xf32>
        %swap3A_883 = arith.index_cast %add3A_829 : i32 to index
        %swap3A_884 = arith.constant 96 : index
        %swap3A_885 = tpu.vector_load %arg14[%swap3A_883, %swap3A_884] {strides = array<i32>} : memref<128x128xf32, #tpu.memory_space<vmem>>, vector<16xf32>,
        tpu.vector_store %arg14[%swap3A_883, %swap3A_884], %mul3A_882 {strides = array<i32>} : memref<128x128xf32, #tpu.memory_space<vmem>>, vector<16xf32>,
        %get3A_886 = arith.index_cast %add3A_829 : i32 to index
        %get3A_887 = arith.constant 112 : index
        %get3A_888 = tpu.vector_load %arg14[%get3A_886, %get3A_887] {strides = array<i32>} : memref<128x128xf32, #tpu.memory_space<vmem>>, vector<16xf32>,
        %mul3A_889 = vector.broadcast %squeeze3A_823 : f32 to vector<16xf32>
        %mul3A_890 = arith.mulf %get3A_888, %mul3A_889 : vector<16xf32>
        %swap3A_891 = arith.index_cast %add3A_829 : i32 to index
        %swap3A_892 = arith.constant 112 : index
        %swap3A_893 = tpu.vector_load %arg14[%swap3A_891, %swap3A_892] {strides = array<i32>} : memref<128x128xf32, #tpu.memory_space<vmem>>, vector<16xf32>,
        tpu.vector_store %arg14[%swap3A_891, %swap3A_892], %mul3A_890 {strides = array<i32>} : memref<128x128xf32, #tpu.memory_space<vmem>>, vector<16xf32>,
        %slice3A_894 = vector.extract_strided_slice %get3A_461 {offsets = [6], sizes = [1], strides = [1]} : vector<16xf32> to vector<1xf32>
        %squeeze3A_895 = vector.extract %slice3A_894[0] : f32 from vector<1xf32>
        %mul3A_896 = arith.constant 16 : i32
        %mul3A_897 = arith.muli %add3A_457, %mul3A_896 : i32
        %add3A_898 = arith.constant 64 : i32
        %add3A_899 = arith.addi %add3A_898, %mul3A_897 : i32
        %add3A_900 = arith.constant 6 : i32
        %add3A_901 = arith.addi %add3A_899, %add3A_900 : i32
        %get3A_902 = arith.index_cast %add3A_901 : i32 to index
        %get3A_903 = arith.constant 0 : index
        %get3A_904 = tpu.vector_load %arg14[%get3A_902, %get3A_903] {strides = array<i32>} : memref<128x128xf32, #tpu.memory_space<vmem>>, vector<16xf32>,
        %mul3A_905 = vector.broadcast %squeeze3A_895 : f32 to vector<16xf32>
        %mul3A_906 = arith.mulf %get3A_904, %mul3A_905 : vector<16xf32>
        %swap3A_907 = arith.index_cast %add3A_901 : i32 to index
        %swap3A_908 = arith.constant 0 : index
        %swap3A_909 = tpu.vector_load %arg14[%swap3A_907, %swap3A_908] {strides = array<i32>} : memref<128x128xf32, #tpu.memory_space<vmem>>, vector<16xf32>,
        tpu.vector_store %arg14[%swap3A_907, %swap3A_908], %mul3A_906 {strides = array<i32>} : memref<128x128xf32, #tpu.memory_space<vmem>>, vector<16xf32>,
        %get3A_910 = arith.index_cast %add3A_901 : i32 to index
        %get3A_911 = arith.constant 16 : index
        %get3A_912 = tpu.vector_load %arg14[%get3A_910, %get3A_911] {strides = array<i32>} : memref<128x128xf32, #tpu.memory_space<vmem>>, vector<16xf32>,
        %mul3A_913 = vector.broadcast %squeeze3A_895 : f32 to vector<16xf32>
        %mul3A_914 = arith.mulf %get3A_912, %mul3A_913 : vector<16xf32>
        %swap3A_915 = arith.index_cast %add3A_901 : i32 to index
        %swap3A_916 = arith.constant 16 : index
        %swap3A_917 = tpu.vector_load %arg14[%swap3A_915, %swap3A_916] {strides = array<i32>} : memref<128x128xf32, #tpu.memory_space<vmem>>, vector<16xf32>,
        tpu.vector_store %arg14[%swap3A_915, %swap3A_916], %mul3A_914 {strides = array<i32>} : memref<128x128xf32, #tpu.memory_space<vmem>>, vector<16xf32>,
        %get3A_918 = arith.index_cast %add3A_901 : i32 to index
        %get3A_919 = arith.constant 32 : index
        %get3A_920 = tpu.vector_load %arg14[%get3A_918, %get3A_919] {strides = array<i32>} : memref<128x128xf32, #tpu.memory_space<vmem>>, vector<16xf32>,
        %mul3A_921 = vector.broadcast %squeeze3A_895 : f32 to vector<16xf32>
        %mul3A_922 = arith.mulf %get3A_920, %mul3A_921 : vector<16xf32>
        %swap3A_923 = arith.index_cast %add3A_901 : i32 to index
        %swap3A_924 = arith.constant 32 : index
        %swap3A_925 = tpu.vector_load %arg14[%swap3A_923, %swap3A_924] {strides = array<i32>} : memref<128x128xf32, #tpu.memory_space<vmem>>, vector<16xf32>,
        tpu.vector_store %arg14[%swap3A_923, %swap3A_924], %mul3A_922 {strides = array<i32>} : memref<128x128xf32, #tpu.memory_space<vmem>>, vector<16xf32>,
        %get3A_926 = arith.index_cast %add3A_901 : i32 to index
        %get3A_927 = arith.constant 48 : index
        %get3A_928 = tpu.vector_load %arg14[%get3A_926, %get3A_927] {strides = array<i32>} : memref<128x128xf32, #tpu.memory_space<vmem>>, vector<16xf32>,
        %mul3A_929 = vector.broadcast %squeeze3A_895 : f32 to vector<16xf32>
        %mul3A_930 = arith.mulf %get3A_928, %mul3A_929 : vector<16xf32>
        %swap3A_931 = arith.index_cast %add3A_901 : i32 to index
        %swap3A_932 = arith.constant 48 : index
        %swap3A_933 = tpu.vector_load %arg14[%swap3A_931, %swap3A_932] {strides = array<i32>} : memref<128x128xf32, #tpu.memory_space<vmem>>, vector<16xf32>,
        tpu.vector_store %arg14[%swap3A_931, %swap3A_932], %mul3A_930 {strides = array<i32>} : memref<128x128xf32, #tpu.memory_space<vmem>>, vector<16xf32>,
        %get3A_934 = arith.index_cast %add3A_901 : i32 to index
        %get3A_935 = arith.constant 64 : index
        %get3A_936 = tpu.vector_load %arg14[%get3A_934, %get3A_935] {strides = array<i32>} : memref<128x128xf32, #tpu.memory_space<vmem>>, vector<16xf32>,
        %mul3A_937 = vector.broadcast %squeeze3A_895 : f32 to vector<16xf32>
        %mul3A_938 = arith.mulf %get3A_936, %mul3A_937 : vector<16xf32>
        %swap3A_939 = arith.index_cast %add3A_901 : i32 to index
        %swap3A_940 = arith.constant 64 : index
        %swap3A_941 = tpu.vector_load %arg14[%swap3A_939, %swap3A_940] {strides = array<i32>} : memref<128x128xf32, #tpu.memory_space<vmem>>, vector<16xf32>,
        tpu.vector_store %arg14[%swap3A_939, %swap3A_940], %mul3A_938 {strides = array<i32>} : memref<128x128xf32, #tpu.memory_space<vmem>>, vector<16xf32>,
        %get3A_942 = arith.index_cast %add3A_901 : i32 to index
        %get3A_943 = arith.constant 80 : index
        %get3A_944 = tpu.vector_load %arg14[%get3A_942, %get3A_943] {strides = array<i32>} : memref<128x128xf32, #tpu.memory_space<vmem>>, vector<16xf32>,
        %mul3A_945 = vector.broadcast %squeeze3A_895 : f32 to vector<16xf32>
        %mul3A_946 = arith.mulf %get3A_944, %mul3A_945 : vector<16xf32>
        %swap3A_947 = arith.index_cast %add3A_901 : i32 to index
        %swap3A_948 = arith.constant 80 : index
        %swap3A_949 = tpu.vector_load %arg14[%swap3A_947, %swap3A_948] {strides = array<i32>} : memref<128x128xf32, #tpu.memory_space<vmem>>, vector<16xf32>,
        tpu.vector_store %arg14[%swap3A_947, %swap3A_948], %mul3A_946 {strides = array<i32>} : memref<128x128xf32, #tpu.memory_space<vmem>>, vector<16xf32>,
        %get3A_950 = arith.index_cast %add3A_901 : i32 to index
        %get3A_951 = arith.constant 96 : index
        %get3A_952 = tpu.vector_load %arg14[%get3A_950, %get3A_951] {strides = array<i32>} : memref<128x128xf32, #tpu.memory_space<vmem>>, vector<16xf32>,
        %mul3A_953 = vector.broadcast %squeeze3A_895 : f32 to vector<16xf32>
        %mul3A_954 = arith.mulf %get3A_952, %mul3A_953 : vector<16xf32>
        %swap3A_955 = arith.index_cast %add3A_901 : i32 to index
        %swap3A_956 = arith.constant 96 : index
        %swap3A_957 = tpu.vector_load %arg14[%swap3A_955, %swap3A_956] {strides = array<i32>} : memref<128x128xf32, #tpu.memory_space<vmem>>, vector<16xf32>,
        tpu.vector_store %arg14[%swap3A_955, %swap3A_956], %mul3A_954 {strides = array<i32>} : memref<128x128xf32, #tpu.memory_space<vmem>>, vector<16xf32>,
        %get3A_958 = arith.index_cast %add3A_901 : i32 to index
        %get3A_959 = arith.constant 112 : index
        %get3A_960 = tpu.vector_load %arg14[%get3A_958, %get3A_959] {strides = array<i32>} : memref<128x128xf32, #tpu.memory_space<vmem>>, vector<16xf32>,
        %mul3A_961 = vector.broadcast %squeeze3A_895 : f32 to vector<16xf32>
        %mul3A_962 = arith.mulf %get3A_960, %mul3A_961 : vector<16xf32>
        %swap3A_963 = arith.index_cast %add3A_901 : i32 to index
        %swap3A_964 = arith.constant 112 : index
        %swap3A_965 = tpu.vector_load %arg14[%swap3A_963, %swap3A_964] {strides = array<i32>} : memref<128x128xf32, #tpu.memory_space<vmem>>, vector<16xf32>,
        tpu.vector_store %arg14[%swap3A_963, %swap3A_964], %mul3A_962 {strides = array<i32>} : memref<128x128xf32, #tpu.memory_space<vmem>>, vector<16xf32>,
        %slice3A_966 = vector.extract_strided_slice %get3A_461 {offsets = [7], sizes = [1], strides = [1]} : vector<16xf32> to vector<1xf32>
        %squeeze3A_967 = vector.extract %slice3A_966[0] : f32 from vector<1xf32>
        %mul3A_968 = arith.constant 16 : i32
        %mul3A_969 = arith.muli %add3A_457, %mul3A_968 : i32
        %add3A_970 = arith.constant 64 : i32
        %add3A_971 = arith.addi %add3A_970, %mul3A_969 : i32
        %add3A_972 = arith.constant 7 : i32
        %add3A_973 = arith.addi %add3A_971, %add3A_972 : i32
        %get3A_974 = arith.index_cast %add3A_973 : i32 to index
        %get3A_975 = arith.constant 0 : index
        %get3A_976 = tpu.vector_load %arg14[%get3A_974, %get3A_975] {strides = array<i32>} : memref<128x128xf32, #tpu.memory_space<vmem>>, vector<16xf32>,
        %mul3A_977 = vector.broadcast %squeeze3A_967 : f32 to vector<16xf32>
        %mul3A_978 = arith.mulf %get3A_976, %mul3A_977 : vector<16xf32>
        %swap3A_979 = arith.index_cast %add3A_973 : i32 to index
        %swap3A_980 = arith.constant 0 : index
        %swap3A_981 = tpu.vector_load %arg14[%swap3A_979, %swap3A_980] {strides = array<i32>} : memref<128x128xf32, #tpu.memory_space<vmem>>, vector<16xf32>,
        tpu.vector_store %arg14[%swap3A_979, %swap3A_980], %mul3A_978 {strides = array<i32>} : memref<128x128xf32, #tpu.memory_space<vmem>>, vector<16xf32>,
        %get3A_982 = arith.index_cast %add3A_973 : i32 to index
        %get3A_983 = arith.constant 16 : index
        %get3A_984 = tpu.vector_load %arg14[%get3A_982, %get3A_983] {strides = array<i32>} : memref<128x128xf32, #tpu.memory_space<vmem>>, vector<16xf32>,
        %mul3A_985 = vector.broadcast %squeeze3A_967 : f32 to vector<16xf32>
        %mul3A_986 = arith.mulf %get3A_984, %mul3A_985 : vector<16xf32>
        %swap3A_987 = arith.index_cast %add3A_973 : i32 to index
        %swap3A_988 = arith.constant 16 : index
        %swap3A_989 = tpu.vector_load %arg14[%swap3A_987, %swap3A_988] {strides = array<i32>} : memref<128x128xf32, #tpu.memory_space<vmem>>, vector<16xf32>,
        tpu.vector_store %arg14[%swap3A_987, %swap3A_988], %mul3A_986 {strides = array<i32>} : memref<128x128xf32, #tpu.memory_space<vmem>>, vector<16xf32>,
        %get3A_990 = arith.index_cast %add3A_973 : i32 to index
        %get3A_991 = arith.constant 32 : index
        %get3A_992 = tpu.vector_load %arg14[%get3A_990, %get3A_991] {strides = array<i32>} : memref<128x128xf32, #tpu.memory_space<vmem>>, vector<16xf32>,
        %mul3A_993 = vector.broadcast %squeeze3A_967 : f32 to vector<16xf32>
        %mul3A_994 = arith.mulf %get3A_992, %mul3A_993 : vector<16xf32>
        %swap3A_995 = arith.index_cast %add3A_973 : i32 to index
        %swap3A_996 = arith.constant 32 : index
        %swap3A_997 = tpu.vector_load %arg14[%swap3A_995, %swap3A_996] {strides = array<i32>} : memref<128x128xf32, #tpu.memory_space<vmem>>, vector<16xf32>,
        tpu.vector_store %arg14[%swap3A_995, %swap3A_996], %mul3A_994 {strides = array<i32>} : memref<128x128xf32, #tpu.memory_space<vmem>>, vector<16xf32>,
        %get3A_998 = arith.index_cast %add3A_973 : i32 to index
        %get3A_999 = arith.constant 48 : index
        %get3A_1000 = tpu.vector_load %arg14[%get3A_998, %get3A_999] {strides = array<i32>} : memref<128x128xf32, #tpu.memory_space<vmem>>, vector<16xf32>,
        %mul3A_1001 = vector.broadcast %squeeze3A_967 : f32 to vector<16xf32>
        %mul3A_1002 = arith.mulf %get3A_1000, %mul3A_1001 : vector<16xf32>
        %swap3A_1003 = arith.index_cast %add3A_973 : i32 to index
        %swap3A_1004 = arith.constant 48 : index
        %swap3A_1005 = tpu.vector_load %arg14[%swap3A_1003, %swap3A_1004] {strides = array<i32>} : memref<128x128xf32, #tpu.memory_space<vmem>>, vector<16xf32>,
        tpu.vector_store %arg14[%swap3A_1003, %swap3A_1004], %mul3A_1002 {strides = array<i32>} : memref<128x128xf32, #tpu.memory_space<vmem>>, vector<16xf32>,
        %get3A_1006 = arith.index_cast %add3A_973 : i32 to index
        %get3A_1007 = arith.constant 64 : index
        %get3A_1008 = tpu.vector_load %arg14[%get3A_1006, %get3A_1007] {strides = array<i32>} : memref<128x128xf32, #tpu.memory_space<vmem>>, vector<16xf32>,
        %mul3A_1009 = vector.broadcast %squeeze3A_967 : f32 to vector<16xf32>
        %mul3A_1010 = arith.mulf %get3A_1008, %mul3A_1009 : vector<16xf32>
        %swap3A_1011 = arith.index_cast %add3A_973 : i32 to index
        %swap3A_1012 = arith.constant 64 : index
        %swap3A_1013 = tpu.vector_load %arg14[%swap3A_1011, %swap3A_1012] {strides = array<i32>} : memref<128x128xf32, #tpu.memory_space<vmem>>, vector<16xf32>,
        tpu.vector_store %arg14[%swap3A_1011, %swap3A_1012], %mul3A_1010 {strides = array<i32>} : memref<128x128xf32, #tpu.memory_space<vmem>>, vector<16xf32>,
        %get3A_1014 = arith.index_cast %add3A_973 : i32 to index
        %get3A_1015 = arith.constant 80 : index
        %get3A_1016 = tpu.vector_load %arg14[%get3A_1014, %get3A_1015] {strides = array<i32>} : memref<128x128xf32, #tpu.memory_space<vmem>>, vector<16xf32>,
        %mul3A_1017 = vector.broadcast %squeeze3A_967 : f32 to vector<16xf32>
        %mul3A_1018 = arith.mulf %get3A_1016, %mul3A_1017 : vector<16xf32>
        %swap3A_1019 = arith.index_cast %add3A_973 : i32 to index
        %swap3A_1020 = arith.constant 80 : index
        %swap3A_1021 = tpu.vector_load %arg14[%swap3A_1019, %swap3A_1020] {strides = array<i32>} : memref<128x128xf32, #tpu.memory_space<vmem>>, vector<16xf32>,
        tpu.vector_store %arg14[%swap3A_1019, %swap3A_1020], %mul3A_1018 {strides = array<i32>} : memref<128x128xf32, #tpu.memory_space<vmem>>, vector<16xf32>,
        %get3A_1022 = arith.index_cast %add3A_973 : i32 to index
        %get3A_1023 = arith.constant 96 : index
        %get3A_1024 = tpu.vector_load %arg14[%get3A_1022, %get3A_1023] {strides = array<i32>} : memref<128x128xf32, #tpu.memory_space<vmem>>, vector<16xf32>,
        %mul3A_1025 = vector.broadcast %squeeze3A_967 : f32 to vector<16xf32>
        %mul3A_1026 = arith.mulf %get3A_1024, %mul3A_1025 : vector<16xf32>
        %swap3A_1027 = arith.index_cast %add3A_973 : i32 to index
        %swap3A_1028 = arith.constant 96 : index
        %swap3A_1029 = tpu.vector_load %arg14[%swap3A_1027, %swap3A_1028] {strides = array<i32>} : memref<128x128xf32, #tpu.memory_space<vmem>>, vector<16xf32>,
        tpu.vector_store %arg14[%swap3A_1027, %swap3A_1028], %mul3A_1026 {strides = array<i32>} : memref<128x128xf32, #tpu.memory_space<vmem>>, vector<16xf32>,
        %get3A_1030 = arith.index_cast %add3A_973 : i32 to index
        %get3A_1031 = arith.constant 112 : index
        %get3A_1032 = tpu.vector_load %arg14[%get3A_1030, %get3A_1031] {strides = array<i32>} : memref<128x128xf32, #tpu.memory_space<vmem>>, vector<16xf32>,
        %mul3A_1033 = vector.broadcast %squeeze3A_967 : f32 to vector<16xf32>
        %mul3A_1034 = arith.mulf %get3A_1032, %mul3A_1033 : vector<16xf32>
        %swap3A_1035 = arith.index_cast %add3A_973 : i32 to index
        %swap3A_1036 = arith.constant 112 : index
        %swap3A_1037 = tpu.vector_load %arg14[%swap3A_1035, %swap3A_1036] {strides = array<i32>} : memref<128x128xf32, #tpu.memory_space<vmem>>, vector<16xf32>,
        tpu.vector_store %arg14[%swap3A_1035, %swap3A_1036], %mul3A_1034 {strides = array<i32>} : memref<128x128xf32, #tpu.memory_space<vmem>>, vector<16xf32>,
        %slice3A_1038 = vector.extract_strided_slice %get3A_461 {offsets = [8], sizes = [1], strides = [1]} : vector<16xf32> to vector<1xf32>
        %squeeze3A_1039 = vector.extract %slice3A_1038[0] : f32 from vector<1xf32>
        %mul3A_1040 = arith.constant 16 : i32
        %mul3A_1041 = arith.muli %add3A_457, %mul3A_1040 : i32
        %add3A_1042 = arith.constant 64 : i32
        %add3A_1043 = arith.addi %add3A_1042, %mul3A_1041 : i32
        %add3A_1044 = arith.constant 8 : i32
        %add3A_1045 = arith.addi %add3A_1043, %add3A_1044 : i32
        %get3A_1046 = arith.index_cast %add3A_1045 : i32 to index
        %get3A_1047 = arith.constant 0 : index
        %get3A_1048 = tpu.vector_load %arg14[%get3A_1046, %get3A_1047] {strides = array<i32>} : memref<128x128xf32, #tpu.memory_space<vmem>>, vector<16xf32>,
        %mul3A_1049 = vector.broadcast %squeeze3A_1039 : f32 to vector<16xf32>
        %mul3A_1050 = arith.mulf %get3A_1048, %mul3A_1049 : vector<16xf32>
        %swap3A_1051 = arith.index_cast %add3A_1045 : i32 to index
        %swap3A_1052 = arith.constant 0 : index
        %swap3A_1053 = tpu.vector_load %arg14[%swap3A_1051, %swap3A_1052] {strides = array<i32>} : memref<128x128xf32, #tpu.memory_space<vmem>>, vector<16xf32>,
        tpu.vector_store %arg14[%swap3A_1051, %swap3A_1052], %mul3A_1050 {strides = array<i32>} : memref<128x128xf32, #tpu.memory_space<vmem>>, vector<16xf32>,
        %get3A_1054 = arith.index_cast %add3A_1045 : i32 to index
        %get3A_1055 = arith.constant 16 : index
        %get3A_1056 = tpu.vector_load %arg14[%get3A_1054, %get3A_1055] {strides = array<i32>} : memref<128x128xf32, #tpu.memory_space<vmem>>, vector<16xf32>,
        %mul3A_1057 = vector.broadcast %squeeze3A_1039 : f32 to vector<16xf32>
        %mul3A_1058 = arith.mulf %get3A_1056, %mul3A_1057 : vector<16xf32>
        %swap3A_1059 = arith.index_cast %add3A_1045 : i32 to index
        %swap3A_1060 = arith.constant 16 : index
        %swap3A_1061 = tpu.vector_load %arg14[%swap3A_1059, %swap3A_1060] {strides = array<i32>} : memref<128x128xf32, #tpu.memory_space<vmem>>, vector<16xf32>,
        tpu.vector_store %arg14[%swap3A_1059, %swap3A_1060], %mul3A_1058 {strides = array<i32>} : memref<128x128xf32, #tpu.memory_space<vmem>>, vector<16xf32>,
        %get3A_1062 = arith.index_cast %add3A_1045 : i32 to index
        %get3A_1063 = arith.constant 32 : index
        %get3A_1064 = tpu.vector_load %arg14[%get3A_1062, %get3A_1063] {strides = array<i32>} : memref<128x128xf32, #tpu.memory_space<vmem>>, vector<16xf32>,
        %mul3A_1065 = vector.broadcast %squeeze3A_1039 : f32 to vector<16xf32>
        %mul3A_1066 = arith.mulf %get3A_1064, %mul3A_1065 : vector<16xf32>
        %swap3A_1067 = arith.index_cast %add3A_1045 : i32 to index
        %swap3A_1068 = arith.constant 32 : index
        %swap3A_1069 = tpu.vector_load %arg14[%swap3A_1067, %swap3A_1068] {strides = array<i32>} : memref<128x128xf32, #tpu.memory_space<vmem>>, vector<16xf32>,
        tpu.vector_store %arg14[%swap3A_1067, %swap3A_1068], %mul3A_1066 {strides = array<i32>} : memref<128x128xf32, #tpu.memory_space<vmem>>, vector<16xf32>,
        %get3A_1070 = arith.index_cast %add3A_1045 : i32 to index
        %get3A_1071 = arith.constant 48 : index
        %get3A_1072 = tpu.vector_load %arg14[%get3A_1070, %get3A_1071] {strides = array<i32>} : memref<128x128xf32, #tpu.memory_space<vmem>>, vector<16xf32>,
        %mul3A_1073 = vector.broadcast %squeeze3A_1039 : f32 to vector<16xf32>
        %mul3A_1074 = arith.mulf %get3A_1072, %mul3A_1073 : vector<16xf32>
        %swap3A_1075 = arith.index_cast %add3A_1045 : i32 to index
        %swap3A_1076 = arith.constant 48 : index
        %swap3A_1077 = tpu.vector_load %arg14[%swap3A_1075, %swap3A_1076] {strides = array<i32>} : memref<128x128xf32, #tpu.memory_space<vmem>>, vector<16xf32>,
        tpu.vector_store %arg14[%swap3A_1075, %swap3A_1076], %mul3A_1074 {strides = array<i32>} : memref<128x128xf32, #tpu.memory_space<vmem>>, vector<16xf32>,
        %get3A_1078 = arith.index_cast %add3A_1045 : i32 to index
        %get3A_1079 = arith.constant 64 : index
        %get3A_1080 = tpu.vector_load %arg14[%get3A_1078, %get3A_1079] {strides = array<i32>} : memref<128x128xf32, #tpu.memory_space<vmem>>, vector<16xf32>,
        %mul3A_1081 = vector.broadcast %squeeze3A_1039 : f32 to vector<16xf32>
        %mul3A_1082 = arith.mulf %get3A_1080, %mul3A_1081 : vector<16xf32>
        %swap3A_1083 = arith.index_cast %add3A_1045 : i32 to index
        %swap3A_1084 = arith.constant 64 : index
        %swap3A_1085 = tpu.vector_load %arg14[%swap3A_1083, %swap3A_1084] {strides = array<i32>} : memref<128x128xf32, #tpu.memory_space<vmem>>, vector<16xf32>,
        tpu.vector_store %arg14[%swap3A_1083, %swap3A_1084], %mul3A_1082 {strides = array<i32>} : memref<128x128xf32, #tpu.memory_space<vmem>>, vector<16xf32>,
        %get3A_1086 = arith.index_cast %add3A_1045 : i32 to index
        %get3A_1087 = arith.constant 80 : index
        %get3A_1088 = tpu.vector_load %arg14[%get3A_1086, %get3A_1087] {strides = array<i32>} : memref<128x128xf32, #tpu.memory_space<vmem>>, vector<16xf32>,
        %mul3A_1089 = vector.broadcast %squeeze3A_1039 : f32 to vector<16xf32>
        %mul3A_1090 = arith.mulf %get3A_1088, %mul3A_1089 : vector<16xf32>
        %swap3A_1091 = arith.index_cast %add3A_1045 : i32 to index
        %swap3A_1092 = arith.constant 80 : index
        %swap3A_1093 = tpu.vector_load %arg14[%swap3A_1091, %swap3A_1092] {strides = array<i32>} : memref<128x128xf32, #tpu.memory_space<vmem>>, vector<16xf32>,
        tpu.vector_store %arg14[%swap3A_1091, %swap3A_1092], %mul3A_1090 {strides = array<i32>} : memref<128x128xf32, #tpu.memory_space<vmem>>, vector<16xf32>,
        %get3A_1094 = arith.index_cast %add3A_1045 : i32 to index
        %get3A_1095 = arith.constant 96 : index
        %get3A_1096 = tpu.vector_load %arg14[%get3A_1094, %get3A_1095] {strides = array<i32>} : memref<128x128xf32, #tpu.memory_space<vmem>>, vector<16xf32>,
        %mul3A_1097 = vector.broadcast %squeeze3A_1039 : f32 to vector<16xf32>
        %mul3A_1098 = arith.mulf %get3A_1096, %mul3A_1097 : vector<16xf32>
        %swap3A_1099 = arith.index_cast %add3A_1045 : i32 to index
        %swap3A_1100 = arith.constant 96 : index
        %swap3A_1101 = tpu.vector_load %arg14[%swap3A_1099, %swap3A_1100] {strides = array<i32>} : memref<128x128xf32, #tpu.memory_space<vmem>>, vector<16xf32>,
        tpu.vector_store %arg14[%swap3A_1099, %swap3A_1100], %mul3A_1098 {strides = array<i32>} : memref<128x128xf32, #tpu.memory_space<vmem>>, vector<16xf32>,
        %get3A_1102 = arith.index_cast %add3A_1045 : i32 to index
        %get3A_1103 = arith.constant 112 : index
        %get3A_1104 = tpu.vector_load %arg14[%get3A_1102, %get3A_1103] {strides = array<i32>} : memref<128x128xf32, #tpu.memory_space<vmem>>, vector<16xf32>,
        %mul3A_1105 = vector.broadcast %squeeze3A_1039 : f32 to vector<16xf32>
        %mul3A_1106 = arith.mulf %get3A_1104, %mul3A_1105 : vector<16xf32>
        %swap3A_1107 = arith.index_cast %add3A_1045 : i32 to index
        %swap3A_1108 = arith.constant 112 : index
        %swap3A_1109 = tpu.vector_load %arg14[%swap3A_1107, %swap3A_1108] {strides = array<i32>} : memref<128x128xf32, #tpu.memory_space<vmem>>, vector<16xf32>,
        tpu.vector_store %arg14[%swap3A_1107, %swap3A_1108], %mul3A_1106 {strides = array<i32>} : memref<128x128xf32, #tpu.memory_space<vmem>>, vector<16xf32>,
        %slice3A_1110 = vector.extract_strided_slice %get3A_461 {offsets = [9], sizes = [1], strides = [1]} : vector<16xf32> to vector<1xf32>
        %squeeze3A_1111 = vector.extract %slice3A_1110[0] : f32 from vector<1xf32>
        %mul3A_1112 = arith.constant 16 : i32
        %mul3A_1113 = arith.muli %add3A_457, %mul3A_1112 : i32
        %add3A_1114 = arith.constant 64 : i32
        %add3A_1115 = arith.addi %add3A_1114, %mul3A_1113 : i32
        %add3A_1116 = arith.constant 9 : i32
        %add3A_1117 = arith.addi %add3A_1115, %add3A_1116 : i32
        %get3A_1118 = arith.index_cast %add3A_1117 : i32 to index
        %get3A_1119 = arith.constant 0 : index
        %get3A_1120 = tpu.vector_load %arg14[%get3A_1118, %get3A_1119] {strides = array<i32>} : memref<128x128xf32, #tpu.memory_space<vmem>>, vector<16xf32>,
        %mul3A_1121 = vector.broadcast %squeeze3A_1111 : f32 to vector<16xf32>
        %mul3A_1122 = arith.mulf %get3A_1120, %mul3A_1121 : vector<16xf32>
        %swap3A_1123 = arith.index_cast %add3A_1117 : i32 to index
        %swap3A_1124 = arith.constant 0 : index
        %swap3A_1125 = tpu.vector_load %arg14[%swap3A_1123, %swap3A_1124] {strides = array<i32>} : memref<128x128xf32, #tpu.memory_space<vmem>>, vector<16xf32>,
        tpu.vector_store %arg14[%swap3A_1123, %swap3A_1124], %mul3A_1122 {strides = array<i32>} : memref<128x128xf32, #tpu.memory_space<vmem>>, vector<16xf32>,
        %get3A_1126 = arith.index_cast %add3A_1117 : i32 to index
        %get3A_1127 = arith.constant 16 : index
        %get3A_1128 = tpu.vector_load %arg14[%get3A_1126, %get3A_1127] {strides = array<i32>} : memref<128x128xf32, #tpu.memory_space<vmem>>, vector<16xf32>,
        %mul3A_1129 = vector.broadcast %squeeze3A_1111 : f32 to vector<16xf32>
        %mul3A_1130 = arith.mulf %get3A_1128, %mul3A_1129 : vector<16xf32>
        %swap3A_1131 = arith.index_cast %add3A_1117 : i32 to index
        %swap3A_1132 = arith.constant 16 : index
        %swap3A_1133 = tpu.vector_load %arg14[%swap3A_1131, %swap3A_1132] {strides = array<i32>} : memref<128x128xf32, #tpu.memory_space<vmem>>, vector<16xf32>,
        tpu.vector_store %arg14[%swap3A_1131, %swap3A_1132], %mul3A_1130 {strides = array<i32>} : memref<128x128xf32, #tpu.memory_space<vmem>>, vector<16xf32>,
        %get3A_1134 = arith.index_cast %add3A_1117 : i32 to index
        %get3A_1135 = arith.constant 32 : index
        %get3A_1136 = tpu.vector_load %arg14[%get3A_1134, %get3A_1135] {strides = array<i32>} : memref<128x128xf32, #tpu.memory_space<vmem>>, vector<16xf32>,
        %mul3A_1137 = vector.broadcast %squeeze3A_1111 : f32 to vector<16xf32>
        %mul3A_1138 = arith.mulf %get3A_1136, %mul3A_1137 : vector<16xf32>
        %swap3A_1139 = arith.index_cast %add3A_1117 : i32 to index
        %swap3A_1140 = arith.constant 32 : index
        %swap3A_1141 = tpu.vector_load %arg14[%swap3A_1139, %swap3A_1140] {strides = array<i32>} : memref<128x128xf32, #tpu.memory_space<vmem>>, vector<16xf32>,
        tpu.vector_store %arg14[%swap3A_1139, %swap3A_1140], %mul3A_1138 {strides = array<i32>} : memref<128x128xf32, #tpu.memory_space<vmem>>, vector<16xf32>,
        %get3A_1142 = arith.index_cast %add3A_1117 : i32 to index
        %get3A_1143 = arith.constant 48 : index
        %get3A_1144 = tpu.vector_load %arg14[%get3A_1142, %get3A_1143] {strides = array<i32>} : memref<128x128xf32, #tpu.memory_space<vmem>>, vector<16xf32>,
        %mul3A_1145 = vector.broadcast %squeeze3A_1111 : f32 to vector<16xf32>
        %mul3A_1146 = arith.mulf %get3A_1144, %mul3A_1145 : vector<16xf32>
        %swap3A_1147 = arith.index_cast %add3A_1117 : i32 to index
        %swap3A_1148 = arith.constant 48 : index
        %swap3A_1149 = tpu.vector_load %arg14[%swap3A_1147, %swap3A_1148] {strides = array<i32>} : memref<128x128xf32, #tpu.memory_space<vmem>>, vector<16xf32>,
        tpu.vector_store %arg14[%swap3A_1147, %swap3A_1148], %mul3A_1146 {strides = array<i32>} : memref<128x128xf32, #tpu.memory_space<vmem>>, vector<16xf32>,
        %get3A_1150 = arith.index_cast %add3A_1117 : i32 to index
        %get3A_1151 = arith.constant 64 : index
        %get3A_1152 = tpu.vector_load %arg14[%get3A_1150, %get3A_1151] {strides = array<i32>} : memref<128x128xf32, #tpu.memory_space<vmem>>, vector<16xf32>,
        %mul3A_1153 = vector.broadcast %squeeze3A_1111 : f32 to vector<16xf32>
        %mul3A_1154 = arith.mulf %get3A_1152, %mul3A_1153 : vector<16xf32>
        %swap3A_1155 = arith.index_cast %add3A_1117 : i32 to index
        %swap3A_1156 = arith.constant 64 : index
        %swap3A_1157 = tpu.vector_load %arg14[%swap3A_1155, %swap3A_1156] {strides = array<i32>} : memref<128x128xf32, #tpu.memory_space<vmem>>, vector<16xf32>,
        tpu.vector_store %arg14[%swap3A_1155, %swap3A_1156], %mul3A_1154 {strides = array<i32>} : memref<128x128xf32, #tpu.memory_space<vmem>>, vector<16xf32>,
        %get3A_1158 = arith.index_cast %add3A_1117 : i32 to index
        %get3A_1159 = arith.constant 80 : index
        %get3A_1160 = tpu.vector_load %arg14[%get3A_1158, %get3A_1159] {strides = array<i32>} : memref<128x128xf32, #tpu.memory_space<vmem>>, vector<16xf32>,
        %mul3A_1161 = vector.broadcast %squeeze3A_1111 : f32 to vector<16xf32>
        %mul3A_1162 = arith.mulf %get3A_1160, %mul3A_1161 : vector<16xf32>
        %swap3A_1163 = arith.index_cast %add3A_1117 : i32 to index
        %swap3A_1164 = arith.constant 80 : index
        %swap3A_1165 = tpu.vector_load %arg14[%swap3A_1163, %swap3A_1164] {strides = array<i32>} : memref<128x128xf32, #tpu.memory_space<vmem>>, vector<16xf32>,
        tpu.vector_store %arg14[%swap3A_1163, %swap3A_1164], %mul3A_1162 {strides = array<i32>} : memref<128x128xf32, #tpu.memory_space<vmem>>, vector<16xf32>,
        %get3A_1166 = arith.index_cast %add3A_1117 : i32 to index
        %get3A_1167 = arith.constant 96 : index
        %get3A_1168 = tpu.vector_load %arg14[%get3A_1166, %get3A_1167] {strides = array<i32>} : memref<128x128xf32, #tpu.memory_space<vmem>>, vector<16xf32>,
        %mul3A_1169 = vector.broadcast %squeeze3A_1111 : f32 to vector<16xf32>
        %mul3A_1170 = arith.mulf %get3A_1168, %mul3A_1169 : vector<16xf32>
        %swap3A_1171 = arith.index_cast %add3A_1117 : i32 to index
        %swap3A_1172 = arith.constant 96 : index
        %swap3A_1173 = tpu.vector_load %arg14[%swap3A_1171, %swap3A_1172] {strides = array<i32>} : memref<128x128xf32, #tpu.memory_space<vmem>>, vector<16xf32>,
        tpu.vector_store %arg14[%swap3A_1171, %swap3A_1172], %mul3A_1170 {strides = array<i32>} : memref<128x128xf32, #tpu.memory_space<vmem>>, vector<16xf32>,
        %get3A_1174 = arith.index_cast %add3A_1117 : i32 to index
        %get3A_1175 = arith.constant 112 : index
        %get3A_1176 = tpu.vector_load %arg14[%get3A_1174, %get3A_1175] {strides = array<i32>} : memref<128x128xf32, #tpu.memory_space<vmem>>, vector<16xf32>,
        %mul3A_1177 = vector.broadcast %squeeze3A_1111 : f32 to vector<16xf32>
        %mul3A_1178 = arith.mulf %get3A_1176, %mul3A_1177 : vector<16xf32>
        %swap3A_1179 = arith.index_cast %add3A_1117 : i32 to index
        %swap3A_1180 = arith.constant 112 : index
        %swap3A_1181 = tpu.vector_load %arg14[%swap3A_1179, %swap3A_1180] {strides = array<i32>} : memref<128x128xf32, #tpu.memory_space<vmem>>, vector<16xf32>,
        tpu.vector_store %arg14[%swap3A_1179, %swap3A_1180], %mul3A_1178 {strides = array<i32>} : memref<128x128xf32, #tpu.memory_space<vmem>>, vector<16xf32>,
        %slice3A_1182 = vector.extract_strided_slice %get3A_461 {offsets = [10], sizes = [1], strides = [1]} : vector<16xf32> to vector<1xf32>
        %squeeze3A_1183 = vector.extract %slice3A_1182[0] : f32 from vector<1xf32>
        %mul3A_1184 = arith.constant 16 : i32
        %mul3A_1185 = arith.muli %add3A_457, %mul3A_1184 : i32
        %add3A_1186 = arith.constant 64 : i32
        %add3A_1187 = arith.addi %add3A_1186, %mul3A_1185 : i32
        %add3A_1188 = arith.constant 10 : i32
        %add3A_1189 = arith.addi %add3A_1187, %add3A_1188 : i32
        %get3A_1190 = arith.index_cast %add3A_1189 : i32 to index
        %get3A_1191 = arith.constant 0 : index
        %get3A_1192 = tpu.vector_load %arg14[%get3A_1190, %get3A_1191] {strides = array<i32>} : memref<128x128xf32, #tpu.memory_space<vmem>>, vector<16xf32>,
        %mul3A_1193 = vector.broadcast %squeeze3A_1183 : f32 to vector<16xf32>
        %mul3A_1194 = arith.mulf %get3A_1192, %mul3A_1193 : vector<16xf32>
        %swap3A_1195 = arith.index_cast %add3A_1189 : i32 to index
        %swap3A_1196 = arith.constant 0 : index
        %swap3A_1197 = tpu.vector_load %arg14[%swap3A_1195, %swap3A_1196] {strides = array<i32>} : memref<128x128xf32, #tpu.memory_space<vmem>>, vector<16xf32>,
        tpu.vector_store %arg14[%swap3A_1195, %swap3A_1196], %mul3A_1194 {strides = array<i32>} : memref<128x128xf32, #tpu.memory_space<vmem>>, vector<16xf32>,
        %get3A_1198 = arith.index_cast %add3A_1189 : i32 to index
        %get3A_1199 = arith.constant 16 : index
        %get3A_1200 = tpu.vector_load %arg14[%get3A_1198, %get3A_1199] {strides = array<i32>} : memref<128x128xf32, #tpu.memory_space<vmem>>, vector<16xf32>,
        %mul3A_1201 = vector.broadcast %squeeze3A_1183 : f32 to vector<16xf32>
        %mul3A_1202 = arith.mulf %get3A_1200, %mul3A_1201 : vector<16xf32>
        %swap3A_1203 = arith.index_cast %add3A_1189 : i32 to index
        %swap3A_1204 = arith.constant 16 : index
        %swap3A_1205 = tpu.vector_load %arg14[%swap3A_1203, %swap3A_1204] {strides = array<i32>} : memref<128x128xf32, #tpu.memory_space<vmem>>, vector<16xf32>,
        tpu.vector_store %arg14[%swap3A_1203, %swap3A_1204], %mul3A_1202 {strides = array<i32>} : memref<128x128xf32, #tpu.memory_space<vmem>>, vector<16xf32>,
        %get3A_1206 = arith.index_cast %add3A_1189 : i32 to index
        %get3A_1207 = arith.constant 32 : index
        %get3A_1208 = tpu.vector_load %arg14[%get3A_1206, %get3A_1207] {strides = array<i32>} : memref<128x128xf32, #tpu.memory_space<vmem>>, vector<16xf32>,
        %mul3A_1209 = vector.broadcast %squeeze3A_1183 : f32 to vector<16xf32>
        %mul3A_1210 = arith.mulf %get3A_1208, %mul3A_1209 : vector<16xf32>
        %swap3A_1211 = arith.index_cast %add3A_1189 : i32 to index
        %swap3A_1212 = arith.constant 32 : index
        %swap3A_1213 = tpu.vector_load %arg14[%swap3A_1211, %swap3A_1212] {strides = array<i32>} : memref<128x128xf32, #tpu.memory_space<vmem>>, vector<16xf32>,
        tpu.vector_store %arg14[%swap3A_1211, %swap3A_1212], %mul3A_1210 {strides = array<i32>} : memref<128x128xf32, #tpu.memory_space<vmem>>, vector<16xf32>,
        %get3A_1214 = arith.index_cast %add3A_1189 : i32 to index
        %get3A_1215 = arith.constant 48 : index
        %get3A_1216 = tpu.vector_load %arg14[%get3A_1214, %get3A_1215] {strides = array<i32>} : memref<128x128xf32, #tpu.memory_space<vmem>>, vector<16xf32>,
        %mul3A_1217 = vector.broadcast %squeeze3A_1183 : f32 to vector<16xf32>
        %mul3A_1218 = arith.mulf %get3A_1216, %mul3A_1217 : vector<16xf32>
        %swap3A_1219 = arith.index_cast %add3A_1189 : i32 to index
        %swap3A_1220 = arith.constant 48 : index
        %swap3A_1221 = tpu.vector_load %arg14[%swap3A_1219, %swap3A_1220] {strides = array<i32>} : memref<128x128xf32, #tpu.memory_space<vmem>>, vector<16xf32>,
        tpu.vector_store %arg14[%swap3A_1219, %swap3A_1220], %mul3A_1218 {strides = array<i32>} : memref<128x128xf32, #tpu.memory_space<vmem>>, vector<16xf32>,
        %get3A_1222 = arith.index_cast %add3A_1189 : i32 to index
        %get3A_1223 = arith.constant 64 : index
        %get3A_1224 = tpu.vector_load %arg14[%get3A_1222, %get3A_1223] {strides = array<i32>} : memref<128x128xf32, #tpu.memory_space<vmem>>, vector<16xf32>,
        %mul3A_1225 = vector.broadcast %squeeze3A_1183 : f32 to vector<16xf32>
        %mul3A_1226 = arith.mulf %get3A_1224, %mul3A_1225 : vector<16xf32>
        %swap3A_1227 = arith.index_cast %add3A_1189 : i32 to index
        %swap3A_1228 = arith.constant 64 : index
        %swap3A_1229 = tpu.vector_load %arg14[%swap3A_1227, %swap3A_1228] {strides = array<i32>} : memref<128x128xf32, #tpu.memory_space<vmem>>, vector<16xf32>,
        tpu.vector_store %arg14[%swap3A_1227, %swap3A_1228], %mul3A_1226 {strides = array<i32>} : memref<128x128xf32, #tpu.memory_space<vmem>>, vector<16xf32>,
        %get3A_1230 = arith.index_cast %add3A_1189 : i32 to index
        %get3A_1231 = arith.constant 80 : index
        %get3A_1232 = tpu.vector_load %arg14[%get3A_1230, %get3A_1231] {strides = array<i32>} : memref<128x128xf32, #tpu.memory_space<vmem>>, vector<16xf32>,
        %mul3A_1233 = vector.broadcast %squeeze3A_1183 : f32 to vector<16xf32>
        %mul3A_1234 = arith.mulf %get3A_1232, %mul3A_1233 : vector<16xf32>
        %swap3A_1235 = arith.index_cast %add3A_1189 : i32 to index
        %swap3A_1236 = arith.constant 80 : index
        %swap3A_1237 = tpu.vector_load %arg14[%swap3A_1235, %swap3A_1236] {strides = array<i32>} : memref<128x128xf32, #tpu.memory_space<vmem>>, vector<16xf32>,
        tpu.vector_store %arg14[%swap3A_1235, %swap3A_1236], %mul3A_1234 {strides = array<i32>} : memref<128x128xf32, #tpu.memory_space<vmem>>, vector<16xf32>,
        %get3A_1238 = arith.index_cast %add3A_1189 : i32 to index
        %get3A_1239 = arith.constant 96 : index
        %get3A_1240 = tpu.vector_load %arg14[%get3A_1238, %get3A_1239] {strides = array<i32>} : memref<128x128xf32, #tpu.memory_space<vmem>>, vector<16xf32>,
        %mul3A_1241 = vector.broadcast %squeeze3A_1183 : f32 to vector<16xf32>
        %mul3A_1242 = arith.mulf %get3A_1240, %mul3A_1241 : vector<16xf32>
        %swap3A_1243 = arith.index_cast %add3A_1189 : i32 to index
        %swap3A_1244 = arith.constant 96 : index
        %swap3A_1245 = tpu.vector_load %arg14[%swap3A_1243, %swap3A_1244] {strides = array<i32>} : memref<128x128xf32, #tpu.memory_space<vmem>>, vector<16xf32>,
        tpu.vector_store %arg14[%swap3A_1243, %swap3A_1244], %mul3A_1242 {strides = array<i32>} : memref<128x128xf32, #tpu.memory_space<vmem>>, vector<16xf32>,
        %get3A_1246 = arith.index_cast %add3A_1189 : i32 to index
        %get3A_1247 = arith.constant 112 : index
        %get3A_1248 = tpu.vector_load %arg14[%get3A_1246, %get3A_1247] {strides = array<i32>} : memref<128x128xf32, #tpu.memory_space<vmem>>, vector<16xf32>,
        %mul3A_1249 = vector.broadcast %squeeze3A_1183 : f32 to vector<16xf32>
        %mul3A_1250 = arith.mulf %get3A_1248, %mul3A_1249 : vector<16xf32>
        %swap3A_1251 = arith.index_cast %add3A_1189 : i32 to index
        %swap3A_1252 = arith.constant 112 : index
        %swap3A_1253 = tpu.vector_load %arg14[%swap3A_1251, %swap3A_1252] {strides = array<i32>} : memref<128x128xf32, #tpu.memory_space<vmem>>, vector<16xf32>,
        tpu.vector_store %arg14[%swap3A_1251, %swap3A_1252], %mul3A_1250 {strides = array<i32>} : memref<128x128xf32, #tpu.memory_space<vmem>>, vector<16xf32>,
        %slice3A_1254 = vector.extract_strided_slice %get3A_461 {offsets = [11], sizes = [1], strides = [1]} : vector<16xf32> to vector<1xf32>
        %squeeze3A_1255 = vector.extract %slice3A_1254[0] : f32 from vector<1xf32>
        %mul3A_1256 = arith.constant 16 : i32
        %mul3A_1257 = arith.muli %add3A_457, %mul3A_1256 : i32
        %add3A_1258 = arith.constant 64 : i32
        %add3A_1259 = arith.addi %add3A_1258, %mul3A_1257 : i32
        %add3A_1260 = arith.constant 11 : i32
        %add3A_1261 = arith.addi %add3A_1259, %add3A_1260 : i32
        %get3A_1262 = arith.index_cast %add3A_1261 : i32 to index
        %get3A_1263 = arith.constant 0 : index
        %get3A_1264 = tpu.vector_load %arg14[%get3A_1262, %get3A_1263] {strides = array<i32>} : memref<128x128xf32, #tpu.memory_space<vmem>>, vector<16xf32>,
        %mul3A_1265 = vector.broadcast %squeeze3A_1255 : f32 to vector<16xf32>
        %mul3A_1266 = arith.mulf %get3A_1264, %mul3A_1265 : vector<16xf32>
        %swap3A_1267 = arith.index_cast %add3A_1261 : i32 to index
        %swap3A_1268 = arith.constant 0 : index
        %swap3A_1269 = tpu.vector_load %arg14[%swap3A_1267, %swap3A_1268] {strides = array<i32>} : memref<128x128xf32, #tpu.memory_space<vmem>>, vector<16xf32>,
        tpu.vector_store %arg14[%swap3A_1267, %swap3A_1268], %mul3A_1266 {strides = array<i32>} : memref<128x128xf32, #tpu.memory_space<vmem>>, vector<16xf32>,
        %get3A_1270 = arith.index_cast %add3A_1261 : i32 to index
        %get3A_1271 = arith.constant 16 : index
        %get3A_1272 = tpu.vector_load %arg14[%get3A_1270, %get3A_1271] {strides = array<i32>} : memref<128x128xf32, #tpu.memory_space<vmem>>, vector<16xf32>,
        %mul3A_1273 = vector.broadcast %squeeze3A_1255 : f32 to vector<16xf32>
        %mul3A_1274 = arith.mulf %get3A_1272, %mul3A_1273 : vector<16xf32>
        %swap3A_1275 = arith.index_cast %add3A_1261 : i32 to index
        %swap3A_1276 = arith.constant 16 : index
        %swap3A_1277 = tpu.vector_load %arg14[%swap3A_1275, %swap3A_1276] {strides = array<i32>} : memref<128x128xf32, #tpu.memory_space<vmem>>, vector<16xf32>,
        tpu.vector_store %arg14[%swap3A_1275, %swap3A_1276], %mul3A_1274 {strides = array<i32>} : memref<128x128xf32, #tpu.memory_space<vmem>>, vector<16xf32>,
        %get3A_1278 = arith.index_cast %add3A_1261 : i32 to index
        %get3A_1279 = arith.constant 32 : index
        %get3A_1280 = tpu.vector_load %arg14[%get3A_1278, %get3A_1279] {strides = array<i32>} : memref<128x128xf32, #tpu.memory_space<vmem>>, vector<16xf32>,
        %mul3A_1281 = vector.broadcast %squeeze3A_1255 : f32 to vector<16xf32>
        %mul3A_1282 = arith.mulf %get3A_1280, %mul3A_1281 : vector<16xf32>
        %swap3A_1283 = arith.index_cast %add3A_1261 : i32 to index
        %swap3A_1284 = arith.constant 32 : index
        %swap3A_1285 = tpu.vector_load %arg14[%swap3A_1283, %swap3A_1284] {strides = array<i32>} : memref<128x128xf32, #tpu.memory_space<vmem>>, vector<16xf32>,
        tpu.vector_store %arg14[%swap3A_1283, %swap3A_1284], %mul3A_1282 {strides = array<i32>} : memref<128x128xf32, #tpu.memory_space<vmem>>, vector<16xf32>,
        %get3A_1286 = arith.index_cast %add3A_1261 : i32 to index
        %get3A_1287 = arith.constant 48 : index
        %get3A_1288 = tpu.vector_load %arg14[%get3A_1286, %get3A_1287] {strides = array<i32>} : memref<128x128xf32, #tpu.memory_space<vmem>>, vector<16xf32>,
        %mul3A_1289 = vector.broadcast %squeeze3A_1255 : f32 to vector<16xf32>
        %mul3A_1290 = arith.mulf %get3A_1288, %mul3A_1289 : vector<16xf32>
        %swap3A_1291 = arith.index_cast %add3A_1261 : i32 to index
        %swap3A_1292 = arith.constant 48 : index
        %swap3A_1293 = tpu.vector_load %arg14[%swap3A_1291, %swap3A_1292] {strides = array<i32>} : memref<128x128xf32, #tpu.memory_space<vmem>>, vector<16xf32>,
        tpu.vector_store %arg14[%swap3A_1291, %swap3A_1292], %mul3A_1290 {strides = array<i32>} : memref<128x128xf32, #tpu.memory_space<vmem>>, vector<16xf32>,
        %get3A_1294 = arith.index_cast %add3A_1261 : i32 to index
        %get3A_1295 = arith.constant 64 : index
        %get3A_1296 = tpu.vector_load %arg14[%get3A_1294, %get3A_1295] {strides = array<i32>} : memref<128x128xf32, #tpu.memory_space<vmem>>, vector<16xf32>,
        %mul3A_1297 = vector.broadcast %squeeze3A_1255 : f32 to vector<16xf32>
        %mul3A_1298 = arith.mulf %get3A_1296, %mul3A_1297 : vector<16xf32>
        %swap3A_1299 = arith.index_cast %add3A_1261 : i32 to index
        %swap3A_1300 = arith.constant 64 : index
        %swap3A_1301 = tpu.vector_load %arg14[%swap3A_1299, %swap3A_1300] {strides = array<i32>} : memref<128x128xf32, #tpu.memory_space<vmem>>, vector<16xf32>,
        tpu.vector_store %arg14[%swap3A_1299, %swap3A_1300], %mul3A_1298 {strides = array<i32>} : memref<128x128xf32, #tpu.memory_space<vmem>>, vector<16xf32>,
        %get3A_1302 = arith.index_cast %add3A_1261 : i32 to index
        %get3A_1303 = arith.constant 80 : index
        %get3A_1304 = tpu.vector_load %arg14[%get3A_1302, %get3A_1303] {strides = array<i32>} : memref<128x128xf32, #tpu.memory_space<vmem>>, vector<16xf32>,
        %mul3A_1305 = vector.broadcast %squeeze3A_1255 : f32 to vector<16xf32>
        %mul3A_1306 = arith.mulf %get3A_1304, %mul3A_1305 : vector<16xf32>
        %swap3A_1307 = arith.index_cast %add3A_1261 : i32 to index
        %swap3A_1308 = arith.constant 80 : index
        %swap3A_1309 = tpu.vector_load %arg14[%swap3A_1307, %swap3A_1308] {strides = array<i32>} : memref<128x128xf32, #tpu.memory_space<vmem>>, vector<16xf32>,
        tpu.vector_store %arg14[%swap3A_1307, %swap3A_1308], %mul3A_1306 {strides = array<i32>} : memref<128x128xf32, #tpu.memory_space<vmem>>, vector<16xf32>,
        %get3A_1310 = arith.index_cast %add3A_1261 : i32 to index
        %get3A_1311 = arith.constant 96 : index
        %get3A_1312 = tpu.vector_load %arg14[%get3A_1310, %get3A_1311] {strides = array<i32>} : memref<128x128xf32, #tpu.memory_space<vmem>>, vector<16xf32>,
        %mul3A_1313 = vector.broadcast %squeeze3A_1255 : f32 to vector<16xf32>
        %mul3A_1314 = arith.mulf %get3A_1312, %mul3A_1313 : vector<16xf32>
        %swap3A_1315 = arith.index_cast %add3A_1261 : i32 to index
        %swap3A_1316 = arith.constant 96 : index
        %swap3A_1317 = tpu.vector_load %arg14[%swap3A_1315, %swap3A_1316] {strides = array<i32>} : memref<128x128xf32, #tpu.memory_space<vmem>>, vector<16xf32>,
        tpu.vector_store %arg14[%swap3A_1315, %swap3A_1316], %mul3A_1314 {strides = array<i32>} : memref<128x128xf32, #tpu.memory_space<vmem>>, vector<16xf32>,
        %get3A_1318 = arith.index_cast %add3A_1261 : i32 to index
        %get3A_1319 = arith.constant 112 : index
        %get3A_1320 = tpu.vector_load %arg14[%get3A_1318, %get3A_1319] {strides = array<i32>} : memref<128x128xf32, #tpu.memory_space<vmem>>, vector<16xf32>,
        %mul3A_1321 = vector.broadcast %squeeze3A_1255 : f32 to vector<16xf32>
        %mul3A_1322 = arith.mulf %get3A_1320, %mul3A_1321 : vector<16xf32>
        %swap3A_1323 = arith.index_cast %add3A_1261 : i32 to index
        %swap3A_1324 = arith.constant 112 : index
        %swap3A_1325 = tpu.vector_load %arg14[%swap3A_1323, %swap3A_1324] {strides = array<i32>} : memref<128x128xf32, #tpu.memory_space<vmem>>, vector<16xf32>,
        tpu.vector_store %arg14[%swap3A_1323, %swap3A_1324], %mul3A_1322 {strides = array<i32>} : memref<128x128xf32, #tpu.memory_space<vmem>>, vector<16xf32>,
        %slice3A_1326 = vector.extract_strided_slice %get3A_461 {offsets = [12], sizes = [1], strides = [1]} : vector<16xf32> to vector<1xf32>
        %squeeze3A_1327 = vector.extract %slice3A_1326[0] : f32 from vector<1xf32>
        %mul3A_1328 = arith.constant 16 : i32
        %mul3A_1329 = arith.muli %add3A_457, %mul3A_1328 : i32
        %add3A_1330 = arith.constant 64 : i32
        %add3A_1331 = arith.addi %add3A_1330, %mul3A_1329 : i32
        %add3A_1332 = arith.constant 12 : i32
        %add3A_1333 = arith.addi %add3A_1331, %add3A_1332 : i32
        %get3A_1334 = arith.index_cast %add3A_1333 : i32 to index
        %get3A_1335 = arith.constant 0 : index
        %get3A_1336 = tpu.vector_load %arg14[%get3A_1334, %get3A_1335] {strides = array<i32>} : memref<128x128xf32, #tpu.memory_space<vmem>>, vector<16xf32>,
        %mul3A_1337 = vector.broadcast %squeeze3A_1327 : f32 to vector<16xf32>
        %mul3A_1338 = arith.mulf %get3A_1336, %mul3A_1337 : vector<16xf32>
        %swap3A_1339 = arith.index_cast %add3A_1333 : i32 to index
        %swap3A_1340 = arith.constant 0 : index
        %swap3A_1341 = tpu.vector_load %arg14[%swap3A_1339, %swap3A_1340] {strides = array<i32>} : memref<128x128xf32, #tpu.memory_space<vmem>>, vector<16xf32>,
        tpu.vector_store %arg14[%swap3A_1339, %swap3A_1340], %mul3A_1338 {strides = array<i32>} : memref<128x128xf32, #tpu.memory_space<vmem>>, vector<16xf32>,
        %get3A_1342 = arith.index_cast %add3A_1333 : i32 to index
        %get3A_1343 = arith.constant 16 : index
        %get3A_1344 = tpu.vector_load %arg14[%get3A_1342, %get3A_1343] {strides = array<i32>} : memref<128x128xf32, #tpu.memory_space<vmem>>, vector<16xf32>,
        %mul3A_1345 = vector.broadcast %squeeze3A_1327 : f32 to vector<16xf32>
        %mul3A_1346 = arith.mulf %get3A_1344, %mul3A_1345 : vector<16xf32>
        %swap3A_1347 = arith.index_cast %add3A_1333 : i32 to index
        %swap3A_1348 = arith.constant 16 : index
        %swap3A_1349 = tpu.vector_load %arg14[%swap3A_1347, %swap3A_1348] {strides = array<i32>} : memref<128x128xf32, #tpu.memory_space<vmem>>, vector<16xf32>,
        tpu.vector_store %arg14[%swap3A_1347, %swap3A_1348], %mul3A_1346 {strides = array<i32>} : memref<128x128xf32, #tpu.memory_space<vmem>>, vector<16xf32>,
        %get3A_1350 = arith.index_cast %add3A_1333 : i32 to index
        %get3A_1351 = arith.constant 32 : index
        %get3A_1352 = tpu.vector_load %arg14[%get3A_1350, %get3A_1351] {strides = array<i32>} : memref<128x128xf32, #tpu.memory_space<vmem>>, vector<16xf32>,
        %mul3A_1353 = vector.broadcast %squeeze3A_1327 : f32 to vector<16xf32>
        %mul3A_1354 = arith.mulf %get3A_1352, %mul3A_1353 : vector<16xf32>
        %swap3A_1355 = arith.index_cast %add3A_1333 : i32 to index
        %swap3A_1356 = arith.constant 32 : index
        %swap3A_1357 = tpu.vector_load %arg14[%swap3A_1355, %swap3A_1356] {strides = array<i32>} : memref<128x128xf32, #tpu.memory_space<vmem>>, vector<16xf32>,
        tpu.vector_store %arg14[%swap3A_1355, %swap3A_1356], %mul3A_1354 {strides = array<i32>} : memref<128x128xf32, #tpu.memory_space<vmem>>, vector<16xf32>,
        %get3A_1358 = arith.index_cast %add3A_1333 : i32 to index
        %get3A_1359 = arith.constant 48 : index
        %get3A_1360 = tpu.vector_load %arg14[%get3A_1358, %get3A_1359] {strides = array<i32>} : memref<128x128xf32, #tpu.memory_space<vmem>>, vector<16xf32>,
        %mul3A_1361 = vector.broadcast %squeeze3A_1327 : f32 to vector<16xf32>
        %mul3A_1362 = arith.mulf %get3A_1360, %mul3A_1361 : vector<16xf32>
        %swap3A_1363 = arith.index_cast %add3A_1333 : i32 to index
        %swap3A_1364 = arith.constant 48 : index
        %swap3A_1365 = tpu.vector_load %arg14[%swap3A_1363, %swap3A_1364] {strides = array<i32>} : memref<128x128xf32, #tpu.memory_space<vmem>>, vector<16xf32>,
        tpu.vector_store %arg14[%swap3A_1363, %swap3A_1364], %mul3A_1362 {strides = array<i32>} : memref<128x128xf32, #tpu.memory_space<vmem>>, vector<16xf32>,
        %get3A_1366 = arith.index_cast %add3A_1333 : i32 to index
        %get3A_1367 = arith.constant 64 : index
        %get3A_1368 = tpu.vector_load %arg14[%get3A_1366, %get3A_1367] {strides = array<i32>} : memref<128x128xf32, #tpu.memory_space<vmem>>, vector<16xf32>,
        %mul3A_1369 = vector.broadcast %squeeze3A_1327 : f32 to vector<16xf32>
        %mul3A_1370 = arith.mulf %get3A_1368, %mul3A_1369 : vector<16xf32>
        %swap3A_1371 = arith.index_cast %add3A_1333 : i32 to index
        %swap3A_1372 = arith.constant 64 : index
        %swap3A_1373 = tpu.vector_load %arg14[%swap3A_1371, %swap3A_1372] {strides = array<i32>} : memref<128x128xf32, #tpu.memory_space<vmem>>, vector<16xf32>,
        tpu.vector_store %arg14[%swap3A_1371, %swap3A_1372], %mul3A_1370 {strides = array<i32>} : memref<128x128xf32, #tpu.memory_space<vmem>>, vector<16xf32>,
        %get3A_1374 = arith.index_cast %add3A_1333 : i32 to index
        %get3A_1375 = arith.constant 80 : index
        %get3A_1376 = tpu.vector_load %arg14[%get3A_1374, %get3A_1375] {strides = array<i32>} : memref<128x128xf32, #tpu.memory_space<vmem>>, vector<16xf32>,
        %mul3A_1377 = vector.broadcast %squeeze3A_1327 : f32 to vector<16xf32>
        %mul3A_1378 = arith.mulf %get3A_1376, %mul3A_1377 : vector<16xf32>
        %swap3A_1379 = arith.index_cast %add3A_1333 : i32 to index
        %swap3A_1380 = arith.constant 80 : index
        %swap3A_1381 = tpu.vector_load %arg14[%swap3A_1379, %swap3A_1380] {strides = array<i32>} : memref<128x128xf32, #tpu.memory_space<vmem>>, vector<16xf32>,
        tpu.vector_store %arg14[%swap3A_1379, %swap3A_1380], %mul3A_1378 {strides = array<i32>} : memref<128x128xf32, #tpu.memory_space<vmem>>, vector<16xf32>,
        %get3A_1382 = arith.index_cast %add3A_1333 : i32 to index
        %get3A_1383 = arith.constant 96 : index
        %get3A_1384 = tpu.vector_load %arg14[%get3A_1382, %get3A_1383] {strides = array<i32>} : memref<128x128xf32, #tpu.memory_space<vmem>>, vector<16xf32>,
        %mul3A_1385 = vector.broadcast %squeeze3A_1327 : f32 to vector<16xf32>
        %mul3A_1386 = arith.mulf %get3A_1384, %mul3A_1385 : vector<16xf32>
        %swap3A_1387 = arith.index_cast %add3A_1333 : i32 to index
        %swap3A_1388 = arith.constant 96 : index
        %swap3A_1389 = tpu.vector_load %arg14[%swap3A_1387, %swap3A_1388] {strides = array<i32>} : memref<128x128xf32, #tpu.memory_space<vmem>>, vector<16xf32>,
        tpu.vector_store %arg14[%swap3A_1387, %swap3A_1388], %mul3A_1386 {strides = array<i32>} : memref<128x128xf32, #tpu.memory_space<vmem>>, vector<16xf32>,
        %get3A_1390 = arith.index_cast %add3A_1333 : i32 to index
        %get3A_1391 = arith.constant 112 : index
        %get3A_1392 = tpu.vector_load %arg14[%get3A_1390, %get3A_1391] {strides = array<i32>} : memref<128x128xf32, #tpu.memory_space<vmem>>, vector<16xf32>,
        %mul3A_1393 = vector.broadcast %squeeze3A_1327 : f32 to vector<16xf32>
        %mul3A_1394 = arith.mulf %get3A_1392, %mul3A_1393 : vector<16xf32>
        %swap3A_1395 = arith.index_cast %add3A_1333 : i32 to index
        %swap3A_1396 = arith.constant 112 : index
        %swap3A_1397 = tpu.vector_load %arg14[%swap3A_1395, %swap3A_1396] {strides = array<i32>} : memref<128x128xf32, #tpu.memory_space<vmem>>, vector<16xf32>,
        tpu.vector_store %arg14[%swap3A_1395, %swap3A_1396], %mul3A_1394 {strides = array<i32>} : memref<128x128xf32, #tpu.memory_space<vmem>>, vector<16xf32>,
        %slice3A_1398 = vector.extract_strided_slice %get3A_461 {offsets = [13], sizes = [1], strides = [1]} : vector<16xf32> to vector<1xf32>
        %squeeze3A_1399 = vector.extract %slice3A_1398[0] : f32 from vector<1xf32>
        %mul3A_1400 = arith.constant 16 : i32
        %mul3A_1401 = arith.muli %add3A_457, %mul3A_1400 : i32
        %add3A_1402 = arith.constant 64 : i32
        %add3A_1403 = arith.addi %add3A_1402, %mul3A_1401 : i32
        %add3A_1404 = arith.constant 13 : i32
        %add3A_1405 = arith.addi %add3A_1403, %add3A_1404 : i32
        %get3A_1406 = arith.index_cast %add3A_1405 : i32 to index
        %get3A_1407 = arith.constant 0 : index
        %get3A_1408 = tpu.vector_load %arg14[%get3A_1406, %get3A_1407] {strides = array<i32>} : memref<128x128xf32, #tpu.memory_space<vmem>>, vector<16xf32>,
        %mul3A_1409 = vector.broadcast %squeeze3A_1399 : f32 to vector<16xf32>
        %mul3A_1410 = arith.mulf %get3A_1408, %mul3A_1409 : vector<16xf32>
        %swap3A_1411 = arith.index_cast %add3A_1405 : i32 to index
        %swap3A_1412 = arith.constant 0 : index
        %swap3A_1413 = tpu.vector_load %arg14[%swap3A_1411, %swap3A_1412] {strides = array<i32>} : memref<128x128xf32, #tpu.memory_space<vmem>>, vector<16xf32>,
        tpu.vector_store %arg14[%swap3A_1411, %swap3A_1412], %mul3A_1410 {strides = array<i32>} : memref<128x128xf32, #tpu.memory_space<vmem>>, vector<16xf32>,
        %get3A_1414 = arith.index_cast %add3A_1405 : i32 to index
        %get3A_1415 = arith.constant 16 : index
        %get3A_1416 = tpu.vector_load %arg14[%get3A_1414, %get3A_1415] {strides = array<i32>} : memref<128x128xf32, #tpu.memory_space<vmem>>, vector<16xf32>,
        %mul3A_1417 = vector.broadcast %squeeze3A_1399 : f32 to vector<16xf32>
        %mul3A_1418 = arith.mulf %get3A_1416, %mul3A_1417 : vector<16xf32>
        %swap3A_1419 = arith.index_cast %add3A_1405 : i32 to index
        %swap3A_1420 = arith.constant 16 : index
        %swap3A_1421 = tpu.vector_load %arg14[%swap3A_1419, %swap3A_1420] {strides = array<i32>} : memref<128x128xf32, #tpu.memory_space<vmem>>, vector<16xf32>,
        tpu.vector_store %arg14[%swap3A_1419, %swap3A_1420], %mul3A_1418 {strides = array<i32>} : memref<128x128xf32, #tpu.memory_space<vmem>>, vector<16xf32>,
        %get3A_1422 = arith.index_cast %add3A_1405 : i32 to index
        %get3A_1423 = arith.constant 32 : index
        %get3A_1424 = tpu.vector_load %arg14[%get3A_1422, %get3A_1423] {strides = array<i32>} : memref<128x128xf32, #tpu.memory_space<vmem>>, vector<16xf32>,
        %mul3A_1425 = vector.broadcast %squeeze3A_1399 : f32 to vector<16xf32>
        %mul3A_1426 = arith.mulf %get3A_1424, %mul3A_1425 : vector<16xf32>
        %swap3A_1427 = arith.index_cast %add3A_1405 : i32 to index
        %swap3A_1428 = arith.constant 32 : index
        %swap3A_1429 = tpu.vector_load %arg14[%swap3A_1427, %swap3A_1428] {strides = array<i32>} : memref<128x128xf32, #tpu.memory_space<vmem>>, vector<16xf32>,
        tpu.vector_store %arg14[%swap3A_1427, %swap3A_1428], %mul3A_1426 {strides = array<i32>} : memref<128x128xf32, #tpu.memory_space<vmem>>, vector<16xf32>,
        %get3A_1430 = arith.index_cast %add3A_1405 : i32 to index
        %get3A_1431 = arith.constant 48 : index
        %get3A_1432 = tpu.vector_load %arg14[%get3A_1430, %get3A_1431] {strides = array<i32>} : memref<128x128xf32, #tpu.memory_space<vmem>>, vector<16xf32>,
        %mul3A_1433 = vector.broadcast %squeeze3A_1399 : f32 to vector<16xf32>
        %mul3A_1434 = arith.mulf %get3A_1432, %mul3A_1433 : vector<16xf32>
        %swap3A_1435 = arith.index_cast %add3A_1405 : i32 to index
        %swap3A_1436 = arith.constant 48 : index
        %swap3A_1437 = tpu.vector_load %arg14[%swap3A_1435, %swap3A_1436] {strides = array<i32>} : memref<128x128xf32, #tpu.memory_space<vmem>>, vector<16xf32>,
        tpu.vector_store %arg14[%swap3A_1435, %swap3A_1436], %mul3A_1434 {strides = array<i32>} : memref<128x128xf32, #tpu.memory_space<vmem>>, vector<16xf32>,
        %get3A_1438 = arith.index_cast %add3A_1405 : i32 to index
        %get3A_1439 = arith.constant 64 : index
        %get3A_1440 = tpu.vector_load %arg14[%get3A_1438, %get3A_1439] {strides = array<i32>} : memref<128x128xf32, #tpu.memory_space<vmem>>, vector<16xf32>,
        %mul3A_1441 = vector.broadcast %squeeze3A_1399 : f32 to vector<16xf32>
        %mul3A_1442 = arith.mulf %get3A_1440, %mul3A_1441 : vector<16xf32>
        %swap3A_1443 = arith.index_cast %add3A_1405 : i32 to index
        %swap3A_1444 = arith.constant 64 : index
        %swap3A_1445 = tpu.vector_load %arg14[%swap3A_1443, %swap3A_1444] {strides = array<i32>} : memref<128x128xf32, #tpu.memory_space<vmem>>, vector<16xf32>,
        tpu.vector_store %arg14[%swap3A_1443, %swap3A_1444], %mul3A_1442 {strides = array<i32>} : memref<128x128xf32, #tpu.memory_space<vmem>>, vector<16xf32>,
        %get3A_1446 = arith.index_cast %add3A_1405 : i32 to index
        %get3A_1447 = arith.constant 80 : index
        %get3A_1448 = tpu.vector_load %arg14[%get3A_1446, %get3A_1447] {strides = array<i32>} : memref<128x128xf32, #tpu.memory_space<vmem>>, vector<16xf32>,
        %mul3A_1449 = vector.broadcast %squeeze3A_1399 : f32 to vector<16xf32>
        %mul3A_1450 = arith.mulf %get3A_1448, %mul3A_1449 : vector<16xf32>
        %swap3A_1451 = arith.index_cast %add3A_1405 : i32 to index
        %swap3A_1452 = arith.constant 80 : index
        %swap3A_1453 = tpu.vector_load %arg14[%swap3A_1451, %swap3A_1452] {strides = array<i32>} : memref<128x128xf32, #tpu.memory_space<vmem>>, vector<16xf32>,
        tpu.vector_store %arg14[%swap3A_1451, %swap3A_1452], %mul3A_1450 {strides = array<i32>} : memref<128x128xf32, #tpu.memory_space<vmem>>, vector<16xf32>,
        %get3A_1454 = arith.index_cast %add3A_1405 : i32 to index
        %get3A_1455 = arith.constant 96 : index
        %get3A_1456 = tpu.vector_load %arg14[%get3A_1454, %get3A_1455] {strides = array<i32>} : memref<128x128xf32, #tpu.memory_space<vmem>>, vector<16xf32>,
        %mul3A_1457 = vector.broadcast %squeeze3A_1399 : f32 to vector<16xf32>
        %mul3A_1458 = arith.mulf %get3A_1456, %mul3A_1457 : vector<16xf32>
        %swap3A_1459 = arith.index_cast %add3A_1405 : i32 to index
        %swap3A_1460 = arith.constant 96 : index
        %swap3A_1461 = tpu.vector_load %arg14[%swap3A_1459, %swap3A_1460] {strides = array<i32>} : memref<128x128xf32, #tpu.memory_space<vmem>>, vector<16xf32>,
        tpu.vector_store %arg14[%swap3A_1459, %swap3A_1460], %mul3A_1458 {strides = array<i32>} : memref<128x128xf32, #tpu.memory_space<vmem>>, vector<16xf32>,
        %get3A_1462 = arith.index_cast %add3A_1405 : i32 to index
        %get3A_1463 = arith.constant 112 : index
        %get3A_1464 = tpu.vector_load %arg14[%get3A_1462, %get3A_1463] {strides = array<i32>} : memref<128x128xf32, #tpu.memory_space<vmem>>, vector<16xf32>,
        %mul3A_1465 = vector.broadcast %squeeze3A_1399 : f32 to vector<16xf32>
        %mul3A_1466 = arith.mulf %get3A_1464, %mul3A_1465 : vector<16xf32>
        %swap3A_1467 = arith.index_cast %add3A_1405 : i32 to index
        %swap3A_1468 = arith.constant 112 : index
        %swap3A_1469 = tpu.vector_load %arg14[%swap3A_1467, %swap3A_1468] {strides = array<i32>} : memref<128x128xf32, #tpu.memory_space<vmem>>, vector<16xf32>,
        tpu.vector_store %arg14[%swap3A_1467, %swap3A_1468], %mul3A_1466 {strides = array<i32>} : memref<128x128xf32, #tpu.memory_space<vmem>>, vector<16xf32>,
        %slice3A_1470 = vector.extract_strided_slice %get3A_461 {offsets = [14], sizes = [1], strides = [1]} : vector<16xf32> to vector<1xf32>
        %squeeze3A_1471 = vector.extract %slice3A_1470[0] : f32 from vector<1xf32>
        %mul3A_1472 = arith.constant 16 : i32
        %mul3A_1473 = arith.muli %add3A_457, %mul3A_1472 : i32
        %add3A_1474 = arith.constant 64 : i32
        %add3A_1475 = arith.addi %add3A_1474, %mul3A_1473 : i32
        %add3A_1476 = arith.constant 14 : i32
        %add3A_1477 = arith.addi %add3A_1475, %add3A_1476 : i32
        %get3A_1478 = arith.index_cast %add3A_1477 : i32 to index
        %get3A_1479 = arith.constant 0 : index
        %get3A_1480 = tpu.vector_load %arg14[%get3A_1478, %get3A_1479] {strides = array<i32>} : memref<128x128xf32, #tpu.memory_space<vmem>>, vector<16xf32>,
        %mul3A_1481 = vector.broadcast %squeeze3A_1471 : f32 to vector<16xf32>
        %mul3A_1482 = arith.mulf %get3A_1480, %mul3A_1481 : vector<16xf32>
        %swap3A_1483 = arith.index_cast %add3A_1477 : i32 to index
        %swap3A_1484 = arith.constant 0 : index
        %swap3A_1485 = tpu.vector_load %arg14[%swap3A_1483, %swap3A_1484] {strides = array<i32>} : memref<128x128xf32, #tpu.memory_space<vmem>>, vector<16xf32>,
        tpu.vector_store %arg14[%swap3A_1483, %swap3A_1484], %mul3A_1482 {strides = array<i32>} : memref<128x128xf32, #tpu.memory_space<vmem>>, vector<16xf32>,
        %get3A_1486 = arith.index_cast %add3A_1477 : i32 to index
        %get3A_1487 = arith.constant 16 : index
        %get3A_1488 = tpu.vector_load %arg14[%get3A_1486, %get3A_1487] {strides = array<i32>} : memref<128x128xf32, #tpu.memory_space<vmem>>, vector<16xf32>,
        %mul3A_1489 = vector.broadcast %squeeze3A_1471 : f32 to vector<16xf32>
        %mul3A_1490 = arith.mulf %get3A_1488, %mul3A_1489 : vector<16xf32>
        %swap3A_1491 = arith.index_cast %add3A_1477 : i32 to index
        %swap3A_1492 = arith.constant 16 : index
        %swap3A_1493 = tpu.vector_load %arg14[%swap3A_1491, %swap3A_1492] {strides = array<i32>} : memref<128x128xf32, #tpu.memory_space<vmem>>, vector<16xf32>,
        tpu.vector_store %arg14[%swap3A_1491, %swap3A_1492], %mul3A_1490 {strides = array<i32>} : memref<128x128xf32, #tpu.memory_space<vmem>>, vector<16xf32>,
        %get3A_1494 = arith.index_cast %add3A_1477 : i32 to index
        %get3A_1495 = arith.constant 32 : index
        %get3A_1496 = tpu.vector_load %arg14[%get3A_1494, %get3A_1495] {strides = array<i32>} : memref<128x128xf32, #tpu.memory_space<vmem>>, vector<16xf32>,
        %mul3A_1497 = vector.broadcast %squeeze3A_1471 : f32 to vector<16xf32>
        %mul3A_1498 = arith.mulf %get3A_1496, %mul3A_1497 : vector<16xf32>
        %swap3A_1499 = arith.index_cast %add3A_1477 : i32 to index
        %swap3A_1500 = arith.constant 32 : index
        %swap3A_1501 = tpu.vector_load %arg14[%swap3A_1499, %swap3A_1500] {strides = array<i32>} : memref<128x128xf32, #tpu.memory_space<vmem>>, vector<16xf32>,
        tpu.vector_store %arg14[%swap3A_1499, %swap3A_1500], %mul3A_1498 {strides = array<i32>} : memref<128x128xf32, #tpu.memory_space<vmem>>, vector<16xf32>,
        %get3A_1502 = arith.index_cast %add3A_1477 : i32 to index
        %get3A_1503 = arith.constant 48 : index
        %get3A_1504 = tpu.vector_load %arg14[%get3A_1502, %get3A_1503] {strides = array<i32>} : memref<128x128xf32, #tpu.memory_space<vmem>>, vector<16xf32>,
        %mul3A_1505 = vector.broadcast %squeeze3A_1471 : f32 to vector<16xf32>
        %mul3A_1506 = arith.mulf %get3A_1504, %mul3A_1505 : vector<16xf32>
        %swap3A_1507 = arith.index_cast %add3A_1477 : i32 to index
        %swap3A_1508 = arith.constant 48 : index
        %swap3A_1509 = tpu.vector_load %arg14[%swap3A_1507, %swap3A_1508] {strides = array<i32>} : memref<128x128xf32, #tpu.memory_space<vmem>>, vector<16xf32>,
        tpu.vector_store %arg14[%swap3A_1507, %swap3A_1508], %mul3A_1506 {strides = array<i32>} : memref<128x128xf32, #tpu.memory_space<vmem>>, vector<16xf32>,
        %get3A_1510 = arith.index_cast %add3A_1477 : i32 to index
        %get3A_1511 = arith.constant 64 : index
        %get3A_1512 = tpu.vector_load %arg14[%get3A_1510, %get3A_1511] {strides = array<i32>} : memref<128x128xf32, #tpu.memory_space<vmem>>, vector<16xf32>,
        %mul3A_1513 = vector.broadcast %squeeze3A_1471 : f32 to vector<16xf32>
        %mul3A_1514 = arith.mulf %get3A_1512, %mul3A_1513 : vector<16xf32>
        %swap3A_1515 = arith.index_cast %add3A_1477 : i32 to index
        %swap3A_1516 = arith.constant 64 : index
        %swap3A_1517 = tpu.vector_load %arg14[%swap3A_1515, %swap3A_1516] {strides = array<i32>} : memref<128x128xf32, #tpu.memory_space<vmem>>, vector<16xf32>,
        tpu.vector_store %arg14[%swap3A_1515, %swap3A_1516], %mul3A_1514 {strides = array<i32>} : memref<128x128xf32, #tpu.memory_space<vmem>>, vector<16xf32>,
        %get3A_1518 = arith.index_cast %add3A_1477 : i32 to index
        %get3A_1519 = arith.constant 80 : index
        %get3A_1520 = tpu.vector_load %arg14[%get3A_1518, %get3A_1519] {strides = array<i32>} : memref<128x128xf32, #tpu.memory_space<vmem>>, vector<16xf32>,
        %mul3A_1521 = vector.broadcast %squeeze3A_1471 : f32 to vector<16xf32>
        %mul3A_1522 = arith.mulf %get3A_1520, %mul3A_1521 : vector<16xf32>
        %swap3A_1523 = arith.index_cast %add3A_1477 : i32 to index
        %swap3A_1524 = arith.constant 80 : index
        %swap3A_1525 = tpu.vector_load %arg14[%swap3A_1523, %swap3A_1524] {strides = array<i32>} : memref<128x128xf32, #tpu.memory_space<vmem>>, vector<16xf32>,
        tpu.vector_store %arg14[%swap3A_1523, %swap3A_1524], %mul3A_1522 {strides = array<i32>} : memref<128x128xf32, #tpu.memory_space<vmem>>, vector<16xf32>,
        %get3A_1526 = arith.index_cast %add3A_1477 : i32 to index
        %get3A_1527 = arith.constant 96 : index
        %get3A_1528 = tpu.vector_load %arg14[%get3A_1526, %get3A_1527] {strides = array<i32>} : memref<128x128xf32, #tpu.memory_space<vmem>>, vector<16xf32>,
        %mul3A_1529 = vector.broadcast %squeeze3A_1471 : f32 to vector<16xf32>
        %mul3A_1530 = arith.mulf %get3A_1528, %mul3A_1529 : vector<16xf32>
        %swap3A_1531 = arith.index_cast %add3A_1477 : i32 to index
        %swap3A_1532 = arith.constant 96 : index
        %swap3A_1533 = tpu.vector_load %arg14[%swap3A_1531, %swap3A_1532] {strides = array<i32>} : memref<128x128xf32, #tpu.memory_space<vmem>>, vector<16xf32>,
        tpu.vector_store %arg14[%swap3A_1531, %swap3A_1532], %mul3A_1530 {strides = array<i32>} : memref<128x128xf32, #tpu.memory_space<vmem>>, vector<16xf32>,
        %get3A_1534 = arith.index_cast %add3A_1477 : i32 to index
        %get3A_1535 = arith.constant 112 : index
        %get3A_1536 = tpu.vector_load %arg14[%get3A_1534, %get3A_1535] {strides = array<i32>} : memref<128x128xf32, #tpu.memory_space<vmem>>, vector<16xf32>,
        %mul3A_1537 = vector.broadcast %squeeze3A_1471 : f32 to vector<16xf32>
        %mul3A_1538 = arith.mulf %get3A_1536, %mul3A_1537 : vector<16xf32>
        %swap3A_1539 = arith.index_cast %add3A_1477 : i32 to index
        %swap3A_1540 = arith.constant 112 : index
        %swap3A_1541 = tpu.vector_load %arg14[%swap3A_1539, %swap3A_1540] {strides = array<i32>} : memref<128x128xf32, #tpu.memory_space<vmem>>, vector<16xf32>,
        tpu.vector_store %arg14[%swap3A_1539, %swap3A_1540], %mul3A_1538 {strides = array<i32>} : memref<128x128xf32, #tpu.memory_space<vmem>>, vector<16xf32>,
        %slice3A_1542 = vector.extract_strided_slice %get3A_461 {offsets = [15], sizes = [1], strides = [1]} : vector<16xf32> to vector<1xf32>
        %squeeze3A_1543 = vector.extract %slice3A_1542[0] : f32 from vector<1xf32>
        %mul3A_1544 = arith.constant 16 : i32
        %mul3A_1545 = arith.muli %add3A_457, %mul3A_1544 : i32
        %add3A_1546 = arith.constant 64 : i32
        %add3A_1547 = arith.addi %add3A_1546, %mul3A_1545 : i32
        %add3A_1548 = arith.constant 15 : i32
        %add3A_1549 = arith.addi %add3A_1547, %add3A_1548 : i32
        %get3A_1550 = arith.index_cast %add3A_1549 : i32 to index
        %get3A_1551 = arith.constant 0 : index
        %get3A_1552 = tpu.vector_load %arg14[%get3A_1550, %get3A_1551] {strides = array<i32>} : memref<128x128xf32, #tpu.memory_space<vmem>>, vector<16xf32>,
        %mul3A_1553 = vector.broadcast %squeeze3A_1543 : f32 to vector<16xf32>
        %mul3A_1554 = arith.mulf %get3A_1552, %mul3A_1553 : vector<16xf32>
        %swap3A_1555 = arith.index_cast %add3A_1549 : i32 to index
        %swap3A_1556 = arith.constant 0 : index
        %swap3A_1557 = tpu.vector_load %arg14[%swap3A_1555, %swap3A_1556] {strides = array<i32>} : memref<128x128xf32, #tpu.memory_space<vmem>>, vector<16xf32>,
        tpu.vector_store %arg14[%swap3A_1555, %swap3A_1556], %mul3A_1554 {strides = array<i32>} : memref<128x128xf32, #tpu.memory_space<vmem>>, vector<16xf32>,
        %get3A_1558 = arith.index_cast %add3A_1549 : i32 to index
        %get3A_1559 = arith.constant 16 : index
        %get3A_1560 = tpu.vector_load %arg14[%get3A_1558, %get3A_1559] {strides = array<i32>} : memref<128x128xf32, #tpu.memory_space<vmem>>, vector<16xf32>,
        %mul3A_1561 = vector.broadcast %squeeze3A_1543 : f32 to vector<16xf32>
        %mul3A_1562 = arith.mulf %get3A_1560, %mul3A_1561 : vector<16xf32>
        %swap3A_1563 = arith.index_cast %add3A_1549 : i32 to index
        %swap3A_1564 = arith.constant 16 : index
        %swap3A_1565 = tpu.vector_load %arg14[%swap3A_1563, %swap3A_1564] {strides = array<i32>} : memref<128x128xf32, #tpu.memory_space<vmem>>, vector<16xf32>,
        tpu.vector_store %arg14[%swap3A_1563, %swap3A_1564], %mul3A_1562 {strides = array<i32>} : memref<128x128xf32, #tpu.memory_space<vmem>>, vector<16xf32>,
        %get3A_1566 = arith.index_cast %add3A_1549 : i32 to index
        %get3A_1567 = arith.constant 32 : index
        %get3A_1568 = tpu.vector_load %arg14[%get3A_1566, %get3A_1567] {strides = array<i32>} : memref<128x128xf32, #tpu.memory_space<vmem>>, vector<16xf32>,
        %mul3A_1569 = vector.broadcast %squeeze3A_1543 : f32 to vector<16xf32>
        %mul3A_1570 = arith.mulf %get3A_1568, %mul3A_1569 : vector<16xf32>
        %swap3A_1571 = arith.index_cast %add3A_1549 : i32 to index
        %swap3A_1572 = arith.constant 32 : index
        %swap3A_1573 = tpu.vector_load %arg14[%swap3A_1571, %swap3A_1572] {strides = array<i32>} : memref<128x128xf32, #tpu.memory_space<vmem>>, vector<16xf32>,
        tpu.vector_store %arg14[%swap3A_1571, %swap3A_1572], %mul3A_1570 {strides = array<i32>} : memref<128x128xf32, #tpu.memory_space<vmem>>, vector<16xf32>,
        %get3A_1574 = arith.index_cast %add3A_1549 : i32 to index
        %get3A_1575 = arith.constant 48 : index
        %get3A_1576 = tpu.vector_load %arg14[%get3A_1574, %get3A_1575] {strides = array<i32>} : memref<128x128xf32, #tpu.memory_space<vmem>>, vector<16xf32>,
        %mul3A_1577 = vector.broadcast %squeeze3A_1543 : f32 to vector<16xf32>
        %mul3A_1578 = arith.mulf %get3A_1576, %mul3A_1577 : vector<16xf32>
        %swap3A_1579 = arith.index_cast %add3A_1549 : i32 to index
        %swap3A_1580 = arith.constant 48 : index
        %swap3A_1581 = tpu.vector_load %arg14[%swap3A_1579, %swap3A_1580] {strides = array<i32>} : memref<128x128xf32, #tpu.memory_space<vmem>>, vector<16xf32>,
        tpu.vector_store %arg14[%swap3A_1579, %swap3A_1580], %mul3A_1578 {strides = array<i32>} : memref<128x128xf32, #tpu.memory_space<vmem>>, vector<16xf32>,
        %get3A_1582 = arith.index_cast %add3A_1549 : i32 to index
        %get3A_1583 = arith.constant 64 : index
        %get3A_1584 = tpu.vector_load %arg14[%get3A_1582, %get3A_1583] {strides = array<i32>} : memref<128x128xf32, #tpu.memory_space<vmem>>, vector<16xf32>,
        %mul3A_1585 = vector.broadcast %squeeze3A_1543 : f32 to vector<16xf32>
        %mul3A_1586 = arith.mulf %get3A_1584, %mul3A_1585 : vector<16xf32>
        %swap3A_1587 = arith.index_cast %add3A_1549 : i32 to index
        %swap3A_1588 = arith.constant 64 : index
        %swap3A_1589 = tpu.vector_load %arg14[%swap3A_1587, %swap3A_1588] {strides = array<i32>} : memref<128x128xf32, #tpu.memory_space<vmem>>, vector<16xf32>,
        tpu.vector_store %arg14[%swap3A_1587, %swap3A_1588], %mul3A_1586 {strides = array<i32>} : memref<128x128xf32, #tpu.memory_space<vmem>>, vector<16xf32>,
        %get3A_1590 = arith.index_cast %add3A_1549 : i32 to index
        %get3A_1591 = arith.constant 80 : index
        %get3A_1592 = tpu.vector_load %arg14[%get3A_1590, %get3A_1591] {strides = array<i32>} : memref<128x128xf32, #tpu.memory_space<vmem>>, vector<16xf32>,
        %mul3A_1593 = vector.broadcast %squeeze3A_1543 : f32 to vector<16xf32>
        %mul3A_1594 = arith.mulf %get3A_1592, %mul3A_1593 : vector<16xf32>
        %swap3A_1595 = arith.index_cast %add3A_1549 : i32 to index
        %swap3A_1596 = arith.constant 80 : index
        %swap3A_1597 = tpu.vector_load %arg14[%swap3A_1595, %swap3A_1596] {strides = array<i32>} : memref<128x128xf32, #tpu.memory_space<vmem>>, vector<16xf32>,
        tpu.vector_store %arg14[%swap3A_1595, %swap3A_1596], %mul3A_1594 {strides = array<i32>} : memref<128x128xf32, #tpu.memory_space<vmem>>, vector<16xf32>,
        %get3A_1598 = arith.index_cast %add3A_1549 : i32 to index
        %get3A_1599 = arith.constant 96 : index
        %get3A_1600 = tpu.vector_load %arg14[%get3A_1598, %get3A_1599] {strides = array<i32>} : memref<128x128xf32, #tpu.memory_space<vmem>>, vector<16xf32>,
        %mul3A_1601 = vector.broadcast %squeeze3A_1543 : f32 to vector<16xf32>
        %mul3A_1602 = arith.mulf %get3A_1600, %mul3A_1601 : vector<16xf32>
        %swap3A_1603 = arith.index_cast %add3A_1549 : i32 to index
        %swap3A_1604 = arith.constant 96 : index
        %swap3A_1605 = tpu.vector_load %arg14[%swap3A_1603, %swap3A_1604] {strides = array<i32>} : memref<128x128xf32, #tpu.memory_space<vmem>>, vector<16xf32>,
        tpu.vector_store %arg14[%swap3A_1603, %swap3A_1604], %mul3A_1602 {strides = array<i32>} : memref<128x128xf32, #tpu.memory_space<vmem>>, vector<16xf32>,
        %get3A_1606 = arith.index_cast %add3A_1549 : i32 to index
        %get3A_1607 = arith.constant 112 : index
        %get3A_1608 = tpu.vector_load %arg14[%get3A_1606, %get3A_1607] {strides = array<i32>} : memref<128x128xf32, #tpu.memory_space<vmem>>, vector<16xf32>,
        %mul3A_1609 = vector.broadcast %squeeze3A_1543 : f32 to vector<16xf32>
        %mul3A_1610 = arith.mulf %get3A_1608, %mul3A_1609 : vector<16xf32>
        %swap3A_1611 = arith.index_cast %add3A_1549 : i32 to index
        %swap3A_1612 = arith.constant 112 : index
        %swap3A_1613 = tpu.vector_load %arg14[%swap3A_1611, %swap3A_1612] {strides = array<i32>} : memref<128x128xf32, #tpu.memory_space<vmem>>, vector<16xf32>,
        tpu.vector_store %arg14[%swap3A_1611, %swap3A_1612], %mul3A_1610 {strides = array<i32>} : memref<128x128xf32, #tpu.memory_space<vmem>>, vector<16xf32>,
      }
      %scan3A_440 = arith.constant 4 : i32
      %dma_start3A_441 = arith.constant 64 : i32
      %dma_start3A_442 = arith.constant 0 : i32
      %dma_start3A_443 = tpu.memref_slice %arg14[%dma_start3A_441, %dma_start3A_442] : memref<128x128xf32, #tpu.memory_space<vmem>> -> memref<64x128xf32, #tpu.memory_space<vmem>>
      %dma_start3A_444 = arith.constant 64 : i32
      %dma_start3A_445 = tpu.memref_slice %arg12[%select_n3A_160, %dma_start3A_444] : memref<8x128xi32, #tpu.memory_space<vmem>> -> memref<1x64xi32, #tpu.memory_space<vmem>>
      %dma_start3A_446 = tpu.memref_squeeze %dma_start3A_445 : memref<1x64xi32, #tpu.memory_space<vmem>> -> memref<64xi32, #tpu.memory_space<vmem>>
      %dma_start3A_447 = arith.constant 0 : i32
      %dma_start3A_448 = arith.constant 0 : i32
      %dma_start3A_449 = tpu.memref_slice %arg17[%dma_start3A_447, %dma_start3A_448] : memref<10240x128xf32, #tpu.memory_space<vmem_shared>> -> memref<10240x128xf32, #tpu.memory_space<vmem_shared>>
      tpu.enqueue_indirect_dma source(%dma_start3A_443 : memref<64x128xf32, #tpu.memory_space<vmem>>) target(%dma_start3A_449 : memref<10240x128xf32, #tpu.memory_space<vmem_shared>>) offsets(%dma_start3A_446 : memref<64xi32, #tpu.memory_space<vmem>>) semaphore(%arg21 : memref<!tpu.dma_semaphore, #tpu.memory_space<semaphore_mem>>) {add = true}
      %lt3A_450 = arith.constant 79 : i32
      %lt3A_451 = arith.cmpi slt, %add3A_151, %lt3A_450 : i32
      %convert_element_type3A = arith.extui %lt3A_451 : i1 to i32
      %cond3A = arith.constant 0 : i32
      %cond3A_452 = arith.cmpi ne, %convert_element_type3A, %cond3A : i32
      scf.if %cond3A_452 {
        %eq3A_453 = arith.constant 7 : i32
        %eq3A_454 = arith.cmpi eq, %select_n3A_160, %eq3A_453 : i32
        %convert_element_type3A_455 = arith.extui %eq3A_454 : i1 to i32
        %cond3A_456 = arith.constant 0 : i32
        %cond3A_457 = arith.cmpi ne, %convert_element_type3A_455, %cond3A_456 : i32
        scf.if %cond3A_457 {
          %dma_wait3A_463 = arith.constant 7 : i32
          %dma_wait3A_464 = arith.constant 0 : i32
          %dma_wait3A_465 = arith.constant 0 : i32
          %dma_wait3A_466 = tpu.memref_slice %arg14[%dma_wait3A_464, %dma_wait3A_465] : memref<128x128xf32, #tpu.memory_space<vmem>> -> memref<64x128xf32, #tpu.memory_space<vmem>>
          %dma_wait3A_467 = arith.constant 0 : i32
          %dma_wait3A_468 = tpu.memref_slice %arg12[%dma_wait3A_463, %dma_wait3A_467] : memref<8x128xi32, #tpu.memory_space<vmem>> -> memref<1x64xi32, #tpu.memory_space<vmem>>
          %dma_wait3A_469 = tpu.memref_squeeze %dma_wait3A_468 : memref<1x64xi32, #tpu.memory_space<vmem>> -> memref<64xi32, #tpu.memory_space<vmem>>
          %dma_wait3A_470 = arith.constant 0 : i32
          %dma_wait3A_471 = arith.constant 0 : i32
          %dma_wait3A_472 = tpu.memref_slice %arg17[%dma_wait3A_470, %dma_wait3A_471] : memref<10240x128xf32, #tpu.memory_space<vmem_shared>> -> memref<10240x128xf32, #tpu.memory_space<vmem_shared>>
          tpu.wait_indirect_dma semaphore(%arg20 : memref<!tpu.dma_semaphore, #tpu.memory_space<semaphore_mem>>) src(%dma_wait3A_466 : memref<64x128xf32, #tpu.memory_space<vmem>>) dst(%dma_wait3A_472 : memref<10240x128xf32, #tpu.memory_space<vmem_shared>>)
          %dma_wait3A_473 = arith.constant 7 : i32
          %dma_wait3A_474 = arith.constant 64 : i32
          %dma_wait3A_475 = arith.constant 0 : i32
          %dma_wait3A_476 = tpu.memref_slice %arg14[%dma_wait3A_474, %dma_wait3A_475] : memref<128x128xf32, #tpu.memory_space<vmem>> -> memref<64x128xf32, #tpu.memory_space<vmem>>
          %dma_wait3A_477 = arith.constant 64 : i32
          %dma_wait3A_478 = tpu.memref_slice %arg12[%dma_wait3A_473, %dma_wait3A_477] : memref<8x128xi32, #tpu.memory_space<vmem>> -> memref<1x64xi32, #tpu.memory_space<vmem>>
          %dma_wait3A_479 = tpu.memref_squeeze %dma_wait3A_478 : memref<1x64xi32, #tpu.memory_space<vmem>> -> memref<64xi32, #tpu.memory_space<vmem>>
          %dma_wait3A_480 = arith.constant 0 : i32
          %dma_wait3A_481 = arith.constant 0 : i32
          %dma_wait3A_482 = tpu.memref_slice %arg17[%dma_wait3A_480, %dma_wait3A_481] : memref<10240x128xf32, #tpu.memory_space<vmem_shared>> -> memref<10240x128xf32, #tpu.memory_space<vmem_shared>>
          tpu.wait_indirect_dma semaphore(%arg21 : memref<!tpu.dma_semaphore, #tpu.memory_space<semaphore_mem>>) src(%dma_wait3A_476 : memref<64x128xf32, #tpu.memory_space<vmem>>) dst(%dma_wait3A_482 : memref<10240x128xf32, #tpu.memory_space<vmem_shared>>)
          %jit3A_483 = arith.constant 8 : i32
          %div3A_484 = arith.divsi %add3A_151, %jit3A_483 : i32
          %sign3A = arith.constant 0 : i32
          %sign3A_485 = arith.cmpi sgt, %add3A_151, %sign3A : i32
          %sign3A_486 = arith.extui %sign3A_485 : i1 to i32
          %sign3A_487 = arith.constant 0 : i32
          %sign3A_488 = arith.cmpi slt, %add3A_151, %sign3A_487 : i32
          %sign3A_489 = arith.extui %sign3A_488 : i1 to i32
          %sign3A_490 = arith.subi %sign3A_486, %sign3A_489 : i32
          %sign3A_491 = arith.constant 0 : i32
          %sign3A_492 = arith.cmpi sgt, %jit3A_483, %sign3A_491 : i32
          %sign3A_493 = arith.extui %sign3A_492 : i1 to i32
          %sign3A_494 = arith.constant 0 : i32
          %sign3A_495 = arith.cmpi slt, %jit3A_483, %sign3A_494 : i32
          %sign3A_496 = arith.extui %sign3A_495 : i1 to i32
          %sign3A_497 = arith.subi %sign3A_493, %sign3A_496 : i32
          %ne3A_498 = arith.cmpi ne, %sign3A_490, %sign3A_497 : i32
          %rem3A_499 = arith.remsi %add3A_151, %jit3A_483 : i32
          %ne3A_500 = arith.constant 0 : i32
          %ne3A_501 = arith.cmpi ne, %rem3A_499, %ne3A_500 : i32
          %and3A_502 = arith.andi %ne3A_498, %ne3A_501 : i1
          %sub3A_503 = arith.constant 1 : i32
          %sub3A_504 = arith.subi %div3A_484, %sub3A_503 : i32
          %select_n3A_505 = arith.select %and3A_502, %sub3A_504, %div3A_484 : i32
          %add3A_506 = arith.constant 1 : i32
          %add3A_507 = arith.addi %select_n3A_505, %add3A_506 : i32
          %mul3A_508 = arith.constant 8 : i32
          %mul3A_509 = arith.muli %add3A_507, %mul3A_508 : i32
          %add3A_510 = arith.addi %mul3A_97, %mul3A_509 : i32
          %dma_start3A_511 = arith.constant 0 : i32
          %dma_start3A_512 = tpu.memref_slice %arg5[%add3A_510, %dma_start3A_511] : memref<2560x128xi32, #tpu.memory_space<hbm>> -> memref<8x128xi32, #tpu.memory_space<hbm>>
          %dma_start3A_513 = arith.constant 0 : i32
          %dma_start3A_514 = tpu.memref_slice %arg5[%add3A_510, %dma_start3A_513] : memref<2560x128xi32, #tpu.memory_space<hbm>> -> memref<8x128xi32, #tpu.memory_space<hbm>>
          tpu.enqueue_dma source(%dma_start3A_514 : memref<8x128xi32, #tpu.memory_space<hbm>>) target(%arg11 : memref<8x128xi32, #tpu.memory_space<vmem>>) target_semaphore(%arg18 : memref<!tpu.dma_semaphore, #tpu.memory_space<semaphore_mem>>)
          %dma_start3A_515 = arith.constant 0 : i32
          %dma_start3A_516 = tpu.memref_slice %arg6[%add3A_510, %dma_start3A_515] : memref<2560x128xi32, #tpu.memory_space<hbm>> -> memref<8x128xi32, #tpu.memory_space<hbm>>
          %dma_start3A_517 = arith.constant 0 : i32
          %dma_start3A_518 = tpu.memref_slice %arg6[%add3A_510, %dma_start3A_517] : memref<2560x128xi32, #tpu.memory_space<hbm>> -> memref<8x128xi32, #tpu.memory_space<hbm>>
          tpu.enqueue_dma source(%dma_start3A_518 : memref<8x128xi32, #tpu.memory_space<hbm>>) target(%arg12 : memref<8x128xi32, #tpu.memory_space<vmem>>) target_semaphore(%arg19 : memref<!tpu.dma_semaphore, #tpu.memory_space<semaphore_mem>>)
          %dma_wait3A_519 = arith.constant 0 : i32
          %dma_wait3A_520 = tpu.memref_slice %arg5[%add3A_510, %dma_wait3A_519] : memref<2560x128xi32, #tpu.memory_space<hbm>> -> memref<8x128xi32, #tpu.memory_space<hbm>>
          %dma_wait3A_521 = arith.constant 0 : i32
          %dma_wait3A_522 = tpu.memref_slice %arg5[%add3A_510, %dma_wait3A_521] : memref<2560x128xi32, #tpu.memory_space<hbm>> -> memref<8x128xi32, #tpu.memory_space<hbm>>
          tpu.wait_dma2 semaphore(%arg18 : memref<!tpu.dma_semaphore, #tpu.memory_space<semaphore_mem>>) src(%dma_wait3A_522 : memref<8x128xi32, #tpu.memory_space<hbm>>) dst(%arg11 : memref<8x128xi32, #tpu.memory_space<vmem>>)
          %dma_wait3A_523 = arith.constant 0 : i32
          %dma_wait3A_524 = tpu.memref_slice %arg6[%add3A_510, %dma_wait3A_523] : memref<2560x128xi32, #tpu.memory_space<hbm>> -> memref<8x128xi32, #tpu.memory_space<hbm>>
          %dma_wait3A_525 = arith.constant 0 : i32
          %dma_wait3A_526 = tpu.memref_slice %arg6[%add3A_510, %dma_wait3A_525] : memref<2560x128xi32, #tpu.memory_space<hbm>> -> memref<8x128xi32, #tpu.memory_space<hbm>>
          tpu.wait_dma2 semaphore(%arg19 : memref<!tpu.dma_semaphore, #tpu.memory_space<semaphore_mem>>) src(%dma_wait3A_526 : memref<8x128xi32, #tpu.memory_space<hbm>>) dst(%arg12 : memref<8x128xi32, #tpu.memory_space<vmem>>)
          %dma_start3A_527 = arith.constant 0 : i32
          %dma_start3A_528 = arith.constant 0 : i32
          %dma_start3A_529 = arith.constant 0 : i32
          %dma_start3A_530 = tpu.memref_slice %arg14[%dma_start3A_528, %dma_start3A_529] : memref<128x128xf32, #tpu.memory_space<vmem>> -> memref<64x128xf32, #tpu.memory_space<vmem>>
          %dma_start3A_531 = arith.constant 0 : i32
          %dma_start3A_532 = tpu.memref_slice %arg11[%dma_start3A_527, %dma_start3A_531] : memref<8x128xi32, #tpu.memory_space<vmem>> -> memref<1x64xi32, #tpu.memory_space<vmem>>
          %dma_start3A_533 = tpu.memref_squeeze %dma_start3A_532 : memref<1x64xi32, #tpu.memory_space<vmem>> -> memref<64xi32, #tpu.memory_space<vmem>>
          %dma_start3A_534 = arith.constant 0 : i32
          %dma_start3A_535 = arith.constant 0 : i32
          %dma_start3A_536 = tpu.memref_slice %arg4[%dma_start3A_534, %dma_start3A_535] : memref<10016x128xf32, #tpu.memory_space<hbm>> -> memref<10016x128xf32, #tpu.memory_space<hbm>>
          tpu.enqueue_indirect_dma source(%dma_start3A_536 : memref<10016x128xf32, #tpu.memory_space<hbm>>) target(%dma_start3A_530 : memref<64x128xf32, #tpu.memory_space<vmem>>) offsets(%dma_start3A_533 : memref<64xi32, #tpu.memory_space<vmem>>) semaphore(%arg18 : memref<!tpu.dma_semaphore, #tpu.memory_space<semaphore_mem>>)
          %dma_start3A_537 = arith.constant 0 : i32
          %dma_start3A_538 = arith.constant 64 : i32
          %dma_start3A_539 = arith.constant 0 : i32
          %dma_start3A_540 = tpu.memref_slice %arg14[%dma_start3A_538, %dma_start3A_539] : memref<128x128xf32, #tpu.memory_space<vmem>> -> memref<64x128xf32, #tpu.memory_space<vmem>>
          %dma_start3A_541 = arith.constant 64 : i32
          %dma_start3A_542 = tpu.memref_slice %arg11[%dma_start3A_537, %dma_start3A_541] : memref<8x128xi32, #tpu.memory_space<vmem>> -> memref<1x64xi32, #tpu.memory_space<vmem>>
          %dma_start3A_543 = tpu.memref_squeeze %dma_start3A_542 : memref<1x64xi32, #tpu.memory_space<vmem>> -> memref<64xi32, #tpu.memory_space<vmem>>
          %dma_start3A_544 = arith.constant 0 : i32
          %dma_start3A_545 = arith.constant 0 : i32
          %dma_start3A_546 = tpu.memref_slice %arg4[%dma_start3A_544, %dma_start3A_545] : memref<10016x128xf32, #tpu.memory_space<hbm>> -> memref<10016x128xf32, #tpu.memory_space<hbm>>
          tpu.enqueue_indirect_dma source(%dma_start3A_546 : memref<10016x128xf32, #tpu.memory_space<hbm>>) target(%dma_start3A_540 : memref<64x128xf32, #tpu.memory_space<vmem>>) offsets(%dma_start3A_543 : memref<64xi32, #tpu.memory_space<vmem>>) semaphore(%arg19 : memref<!tpu.dma_semaphore, #tpu.memory_space<semaphore_mem>>)
        } else {
        }
        %lt3A_458 = arith.constant 7 : i32
        %lt3A_459 = arith.cmpi slt, %select_n3A_160, %lt3A_458 : i32
        %convert_element_type3A_460 = arith.extui %lt3A_459 : i1 to i32
        %cond3A_461 = arith.constant 0 : i32
        %cond3A_462 = arith.cmpi ne, %convert_element_type3A_460, %cond3A_461 : i32
        scf.if %cond3A_462 {
          %dma_wait3A_463 = arith.constant 0 : i32
          %dma_wait3A_464 = arith.constant 0 : i32
          %dma_wait3A_465 = tpu.memref_slice %arg14[%dma_wait3A_463, %dma_wait3A_464] : memref<128x128xf32, #tpu.memory_space<vmem>> -> memref<64x128xf32, #tpu.memory_space<vmem>>
          %dma_wait3A_466 = arith.constant 0 : i32
          %dma_wait3A_467 = tpu.memref_slice %arg12[%select_n3A_160, %dma_wait3A_466] : memref<8x128xi32, #tpu.memory_space<vmem>> -> memref<1x64xi32, #tpu.memory_space<vmem>>
          %dma_wait3A_468 = tpu.memref_squeeze %dma_wait3A_467 : memref<1x64xi32, #tpu.memory_space<vmem>> -> memref<64xi32, #tpu.memory_space<vmem>>
          %dma_wait3A_469 = arith.constant 0 : i32
          %dma_wait3A_470 = arith.constant 0 : i32
          %dma_wait3A_471 = tpu.memref_slice %arg17[%dma_wait3A_469, %dma_wait3A_470] : memref<10240x128xf32, #tpu.memory_space<vmem_shared>> -> memref<10240x128xf32, #tpu.memory_space<vmem_shared>>
          tpu.wait_indirect_dma semaphore(%arg20 : memref<!tpu.dma_semaphore, #tpu.memory_space<semaphore_mem>>) src(%dma_wait3A_465 : memref<64x128xf32, #tpu.memory_space<vmem>>) dst(%dma_wait3A_471 : memref<10240x128xf32, #tpu.memory_space<vmem_shared>>)
          %add3A_472 = arith.constant 1 : i32
          %add3A_473 = arith.addi %select_n3A_160, %add3A_472 : i32
          %dma_start3A_474 = arith.constant 0 : i32
          %dma_start3A_475 = arith.constant 0 : i32
          %dma_start3A_476 = tpu.memref_slice %arg14[%dma_start3A_474, %dma_start3A_475] : memref<128x128xf32, #tpu.memory_space<vmem>> -> memref<64x128xf32, #tpu.memory_space<vmem>>
          %dma_start3A_477 = arith.constant 0 : i32
          %dma_start3A_478 = tpu.memref_slice %arg11[%add3A_473, %dma_start3A_477] : memref<8x128xi32, #tpu.memory_space<vmem>> -> memref<1x64xi32, #tpu.memory_space<vmem>>
          %dma_start3A_479 = tpu.memref_squeeze %dma_start3A_478 : memref<1x64xi32, #tpu.memory_space<vmem>> -> memref<64xi32, #tpu.memory_space<vmem>>
          %dma_start3A_480 = arith.constant 0 : i32
          %dma_start3A_481 = arith.constant 0 : i32
          %dma_start3A_482 = tpu.memref_slice %arg4[%dma_start3A_480, %dma_start3A_481] : memref<10016x128xf32, #tpu.memory_space<hbm>> -> memref<10016x128xf32, #tpu.memory_space<hbm>>
          tpu.enqueue_indirect_dma source(%dma_start3A_482 : memref<10016x128xf32, #tpu.memory_space<hbm>>) target(%dma_start3A_476 : memref<64x128xf32, #tpu.memory_space<vmem>>) offsets(%dma_start3A_479 : memref<64xi32, #tpu.memory_space<vmem>>) semaphore(%arg18 : memref<!tpu.dma_semaphore, #tpu.memory_space<semaphore_mem>>)
          %dma_wait3A_483 = arith.constant 64 : i32
          %dma_wait3A_484 = arith.constant 0 : i32
          %dma_wait3A_485 = tpu.memref_slice %arg14[%dma_wait3A_483, %dma_wait3A_484] : memref<128x128xf32, #tpu.memory_space<vmem>> -> memref<64x128xf32, #tpu.memory_space<vmem>>
          %dma_wait3A_486 = arith.constant 64 : i32
          %dma_wait3A_487 = tpu.memref_slice %arg12[%select_n3A_160, %dma_wait3A_486] : memref<8x128xi32, #tpu.memory_space<vmem>> -> memref<1x64xi32, #tpu.memory_space<vmem>>
          %dma_wait3A_488 = tpu.memref_squeeze %dma_wait3A_487 : memref<1x64xi32, #tpu.memory_space<vmem>> -> memref<64xi32, #tpu.memory_space<vmem>>
          %dma_wait3A_489 = arith.constant 0 : i32
          %dma_wait3A_490 = arith.constant 0 : i32
          %dma_wait3A_491 = tpu.memref_slice %arg17[%dma_wait3A_489, %dma_wait3A_490] : memref<10240x128xf32, #tpu.memory_space<vmem_shared>> -> memref<10240x128xf32, #tpu.memory_space<vmem_shared>>
          tpu.wait_indirect_dma semaphore(%arg21 : memref<!tpu.dma_semaphore, #tpu.memory_space<semaphore_mem>>) src(%dma_wait3A_485 : memref<64x128xf32, #tpu.memory_space<vmem>>) dst(%dma_wait3A_491 : memref<10240x128xf32, #tpu.memory_space<vmem_shared>>)
          %add3A_492 = arith.constant 1 : i32
          %add3A_493 = arith.addi %select_n3A_160, %add3A_492 : i32
          %dma_start3A_494 = arith.constant 64 : i32
          %dma_start3A_495 = arith.constant 0 : i32
          %dma_start3A_496 = tpu.memref_slice %arg14[%dma_start3A_494, %dma_start3A_495] : memref<128x128xf32, #tpu.memory_space<vmem>> -> memref<64x128xf32, #tpu.memory_space<vmem>>
          %dma_start3A_497 = arith.constant 64 : i32
          %dma_start3A_498 = tpu.memref_slice %arg11[%add3A_493, %dma_start3A_497] : memref<8x128xi32, #tpu.memory_space<vmem>> -> memref<1x64xi32, #tpu.memory_space<vmem>>
          %dma_start3A_499 = tpu.memref_squeeze %dma_start3A_498 : memref<1x64xi32, #tpu.memory_space<vmem>> -> memref<64xi32, #tpu.memory_space<vmem>>
          %dma_start3A_500 = arith.constant 0 : i32
          %dma_start3A_501 = arith.constant 0 : i32
          %dma_start3A_502 = tpu.memref_slice %arg4[%dma_start3A_500, %dma_start3A_501] : memref<10016x128xf32, #tpu.memory_space<hbm>> -> memref<10016x128xf32, #tpu.memory_space<hbm>>
          tpu.enqueue_indirect_dma source(%dma_start3A_502 : memref<10016x128xf32, #tpu.memory_space<hbm>>) target(%dma_start3A_496 : memref<64x128xf32, #tpu.memory_space<vmem>>) offsets(%dma_start3A_499 : memref<64xi32, #tpu.memory_space<vmem>>) semaphore(%arg19 : memref<!tpu.dma_semaphore, #tpu.memory_space<semaphore_mem>>)
        } else {
        }
      } else {
      }
    }
    %scan3A_121 = arith.constant 80 : i32
    %dma_wait3A = arith.constant 7 : i32
    %dma_wait3A_122 = arith.constant 0 : i32
    %dma_wait3A_123 = arith.constant 0 : i32
    %dma_wait3A_124 = tpu.memref_slice %arg14[%dma_wait3A_122, %dma_wait3A_123] : memref<128x128xf32, #tpu.memory_space<vmem>> -> memref<64x128xf32, #tpu.memory_space<vmem>>
    %dma_wait3A_125 = arith.constant 0 : i32
    %dma_wait3A_126 = tpu.memref_slice %arg12[%dma_wait3A, %dma_wait3A_125] : memref<8x128xi32, #tpu.memory_space<vmem>> -> memref<1x64xi32, #tpu.memory_space<vmem>>
    %dma_wait3A_127 = tpu.memref_squeeze %dma_wait3A_126 : memref<1x64xi32, #tpu.memory_space<vmem>> -> memref<64xi32, #tpu.memory_space<vmem>>
    %dma_wait3A_128 = arith.constant 0 : i32
    %dma_wait3A_129 = arith.constant 0 : i32
    %dma_wait3A_130 = tpu.memref_slice %arg17[%dma_wait3A_128, %dma_wait3A_129] : memref<10240x128xf32, #tpu.memory_space<vmem_shared>> -> memref<10240x128xf32, #tpu.memory_space<vmem_shared>>
    tpu.wait_indirect_dma semaphore(%arg20 : memref<!tpu.dma_semaphore, #tpu.memory_space<semaphore_mem>>) src(%dma_wait3A_124 : memref<64x128xf32, #tpu.memory_space<vmem>>) dst(%dma_wait3A_130 : memref<10240x128xf32, #tpu.memory_space<vmem_shared>>)
    %dma_wait3A_131 = arith.constant 7 : i32
    %dma_wait3A_132 = arith.constant 64 : i32
    %dma_wait3A_133 = arith.constant 0 : i32
    %dma_wait3A_134 = tpu.memref_slice %arg14[%dma_wait3A_132, %dma_wait3A_133] : memref<128x128xf32, #tpu.memory_space<vmem>> -> memref<64x128xf32, #tpu.memory_space<vmem>>
    %dma_wait3A_135 = arith.constant 64 : i32
    %dma_wait3A_136 = tpu.memref_slice %arg12[%dma_wait3A_131, %dma_wait3A_135] : memref<8x128xi32, #tpu.memory_space<vmem>> -> memref<1x64xi32, #tpu.memory_space<vmem>>
    %dma_wait3A_137 = tpu.memref_squeeze %dma_wait3A_136 : memref<1x64xi32, #tpu.memory_space<vmem>> -> memref<64xi32, #tpu.memory_space<vmem>>
    %dma_wait3A_138 = arith.constant 0 : i32
    %dma_wait3A_139 = arith.constant 0 : i32
    %dma_wait3A_140 = tpu.memref_slice %arg17[%dma_wait3A_138, %dma_wait3A_139] : memref<10240x128xf32, #tpu.memory_space<vmem_shared>> -> memref<10240x128xf32, #tpu.memory_space<vmem_shared>>
    tpu.wait_indirect_dma semaphore(%arg21 : memref<!tpu.dma_semaphore, #tpu.memory_space<semaphore_mem>>) src(%dma_wait3A_134 : memref<64x128xf32, #tpu.memory_space<vmem>>) dst(%dma_wait3A_140 : memref<10240x128xf32, #tpu.memory_space<vmem_shared>>)
    "tpu.trace_stop"() : () -> ()
    "tpu.trace_start"() <{level = 10 : i32, message = "sc_copyout"}> : () -> ()
    %barrier3A_141 = arith.constant 0 : index
    tpu.barrier barrier_id(%barrier3A_141)
    %scan3A_142 = arith.constant 0 : i32
    %scan3A_143 = arith.constant 5 : i32
    %scan3A_144 = arith.addi %scan3A_142, %scan3A_143 : i32
    %scan3A_145 = arith.constant 1 : i32
    scf.for %scan3A_147 = %scan3A_142 to %scan3A_144 step %scan3A_145  : i32 {
      %mul3A_148 = arith.constant 1 : i32
      %mul3A_149 = arith.muli %scan3A_147, %mul3A_148 : i32
      %add3A_150 = arith.constant 0 : i32
      %add3A_151 = arith.addi %add3A_150, %mul3A_149 : i32
      %mul3A_152 = arith.constant 640 : i32
      %mul3A_153 = arith.muli %arg1, %mul3A_152 : i32
      %mul3A_154 = arith.constant 128 : i32
      %mul3A_155 = arith.muli %add3A_151, %mul3A_154 : i32
      %add3A_156 = arith.addi %mul3A_153, %mul3A_155 : i32
      "tpu.region"() ({
        %run_scoped3A_165 = tpu.sem_alloc : memref<!tpu.dma_semaphore, #tpu.memory_space<semaphore_mem>>
        %dma_start3A_166 = arith.constant 0 : i32
        %dma_start3A_167 = tpu.memref_slice %arg17[%add3A_156, %dma_start3A_166] : memref<10240x128xf32, #tpu.memory_space<vmem_shared>> -> memref<128x128xf32, #tpu.memory_space<vmem_shared>>
        %dma_start3A_168 = arith.constant 0 : i32
        %dma_start3A_169 = tpu.memref_slice %arg17[%add3A_156, %dma_start3A_168] : memref<10240x128xf32, #tpu.memory_space<vmem_shared>> -> memref<128x128xf32, #tpu.memory_space<vmem_shared>>
        tpu.enqueue_dma source(%dma_start3A_169 : memref<128x128xf32, #tpu.memory_space<vmem_shared>>) target(%arg14 : memref<128x128xf32, #tpu.memory_space<vmem>>) target_semaphore(%run_scoped3A_165 : memref<!tpu.dma_semaphore, #tpu.memory_space<semaphore_mem>>)
        %dma_wait3A_170 = arith.constant 0 : i32
        %dma_wait3A_171 = tpu.memref_slice %arg17[%add3A_156, %dma_wait3A_170] : memref<10240x128xf32, #tpu.memory_space<vmem_shared>> -> memref<128x128xf32, #tpu.memory_space<vmem_shared>>
        %dma_wait3A_172 = arith.constant 0 : i32
        %dma_wait3A_173 = tpu.memref_slice %arg17[%add3A_156, %dma_wait3A_172] : memref<10240x128xf32, #tpu.memory_space<vmem_shared>> -> memref<128x128xf32, #tpu.memory_space<vmem_shared>>
        tpu.wait_dma2 semaphore(%run_scoped3A_165 : memref<!tpu.dma_semaphore, #tpu.memory_space<semaphore_mem>>) src(%dma_wait3A_173 : memref<128x128xf32, #tpu.memory_space<vmem_shared>>) dst(%arg14 : memref<128x128xf32, #tpu.memory_space<vmem>>)
        tpu.yield
      }) : () -> ()
      %mul3A_157 = arith.constant 10240 : i32
      %mul3A_158 = arith.muli %arg0, %mul3A_157 : i32
      %mul3A_159 = arith.constant 640 : i32
      %mul3A_160 = arith.muli %arg1, %mul3A_159 : i32
      %add3A_161 = arith.addi %mul3A_158, %mul3A_160 : i32
      %mul3A_162 = arith.constant 128 : i32
      %mul3A_163 = arith.muli %add3A_151, %mul3A_162 : i32
      %add3A_164 = arith.addi %add3A_161, %mul3A_163 : i32
      "tpu.region"() ({
        %run_scoped3A_165 = tpu.sem_alloc : memref<!tpu.dma_semaphore, #tpu.memory_space<semaphore_mem>>
        %dma_start3A_166 = arith.constant 0 : i32
        %dma_start3A_167 = tpu.memref_slice %arg8[%add3A_164, %dma_start3A_166] : memref<20480x128xf32, #tpu.memory_space<hbm>> -> memref<128x128xf32, #tpu.memory_space<hbm>>
        %dma_start3A_168 = arith.constant 0 : i32
        %dma_start3A_169 = tpu.memref_slice %arg8[%add3A_164, %dma_start3A_168] : memref<20480x128xf32, #tpu.memory_space<hbm>> -> memref<128x128xf32, #tpu.memory_space<hbm>>
        tpu.enqueue_dma source(%arg14 : memref<128x128xf32, #tpu.memory_space<vmem>>) target(%dma_start3A_169 : memref<128x128xf32, #tpu.memory_space<hbm>>) target_semaphore(%run_scoped3A_165 : memref<!tpu.dma_semaphore, #tpu.memory_space<semaphore_mem>>)
        %dma_wait3A_170 = arith.constant 0 : i32
        %dma_wait3A_171 = tpu.memref_slice %arg8[%add3A_164, %dma_wait3A_170] : memref<20480x128xf32, #tpu.memory_space<hbm>> -> memref<128x128xf32, #tpu.memory_space<hbm>>
        %dma_wait3A_172 = arith.constant 0 : i32
        %dma_wait3A_173 = tpu.memref_slice %arg8[%add3A_164, %dma_wait3A_172] : memref<20480x128xf32, #tpu.memory_space<hbm>> -> memref<128x128xf32, #tpu.memory_space<hbm>>
        tpu.wait_dma2 semaphore(%run_scoped3A_165 : memref<!tpu.dma_semaphore, #tpu.memory_space<semaphore_mem>>) src(%arg14 : memref<128x128xf32, #tpu.memory_space<vmem>>) dst(%dma_wait3A_173 : memref<128x128xf32, #tpu.memory_space<hbm>>)
        tpu.yield
      }) : () -> ()
    }
    %scan3A_146 = arith.constant 5 : i32
    "tpu.trace_stop"() : () -> ()
    return
  }
}

module attributes {stable_mosaic.version = 14 : i64} {
  func.func @_prep_body(%arg0: i32, %arg1: memref<2000x128xf32, #tpu.memory_space<vmem>>, %arg2: memref<128x256xf32, #tpu.memory_space<vmem>>, %arg3: memref<1x128xf32, #tpu.memory_space<vmem>>, %arg4: memref<2000x128xf32, #tpu.memory_space<vmem>>, %arg5: memref<2000x128xf32, #tpu.memory_space<vmem>>) attributes {dimension_semantics = [#tpu.dimension_semantics<arbitrary>], iteration_bounds = array<i64: 5>, scalar_prefetch = 0 : i64, scratch_operands = 0 : i64, tpu.core_type = #tpu.core_type<tc>, window_params = [{transform_indices = @transform_0, window_bounds = array<i64: 2000, 128>}, {pipeline_mode = #tpu.pipeline_mode<synchronous>, transform_indices = @transform_1, window_bounds = array<i64: 128, 256>}, {pipeline_mode = #tpu.pipeline_mode<synchronous>, transform_indices = @transform_2, window_bounds = array<i64: 1, 128>}, {transform_indices = @transform_3, window_bounds = array<i64: 2000, 128>}, {transform_indices = @transform_4, window_bounds = array<i64: 2000, 128>}]} {
    %get3A = arith.constant 0 : index
    %get3A_0 = arith.constant 0 : index
    %get3A_1 = vector.load %arg1[%get3A, %get3A_0] : memref<2000x128xf32, #tpu.memory_space<vmem>>, vector<2000x128xf32>
    %get3A_2 = arith.constant 0 : index
    %get3A_3 = arith.constant 0 : index
    %get3A_4 = vector.load %arg2[%get3A_2, %get3A_3] : memref<128x256xf32, #tpu.memory_space<vmem>>, vector<128x256xf32>
    %dot_general3A = arith.constant dense<0.000000e+00> : vector<2000x256xf32>
    %dot_general3A_5 = tpu.matmul %get3A_1, %get3A_4, %dot_general3A {dimension_numbers = #tpu.dot_dimension_numbers<[1], [0], [0], [1], [0, 0, 1, 1], [], []>, precision = #tpu.contract_precision<fp32>, transpose_lhs_hint = false} : vector<2000x128xf32>, vector<128x256xf32>, vector<2000x256xf32> -> vector<2000x256xf32>
    %slice3A = vector.extract_strided_slice %dot_general3A_5 {offsets = [0, 0], sizes = [2000, 128], strides = [1, 1]} : vector<2000x256xf32> to vector<2000x128xf32>
    %get3A_6 = arith.constant 0 : index
    %get3A_7 = arith.constant 0 : index
    %get3A_8 = vector.load %arg3[%get3A_6, %get3A_7] : memref<1x128xf32, #tpu.memory_space<vmem>>, vector<1x128xf32>
    %add3A = vector.broadcast %get3A_8 : vector<1x128xf32> to vector<2000x128xf32>
    %add3A_9 = arith.addf %slice3A, %add3A : vector<2000x128xf32>
    %swap3A = arith.constant 0 : index
    %swap3A_10 = arith.constant 0 : index
    %swap3A_11 = vector.load %arg4[%swap3A, %swap3A_10] : memref<2000x128xf32, #tpu.memory_space<vmem>>, vector<2000x128xf32>
    tpu.vector_store %arg4[%swap3A, %swap3A_10], %add3A_9 {strides = array<i32>} : memref<2000x128xf32, #tpu.memory_space<vmem>>, vector<2000x128xf32>,
    %slice3A_12 = vector.extract_strided_slice %dot_general3A_5 {offsets = [0, 128], sizes = [2000, 128], strides = [1, 1]} : vector<2000x256xf32> to vector<2000x128xf32>
    %swap3A_13 = arith.constant 0 : index
    %swap3A_14 = arith.constant 0 : index
    %swap3A_15 = vector.load %arg5[%swap3A_13, %swap3A_14] : memref<2000x128xf32, #tpu.memory_space<vmem>>, vector<2000x128xf32>
    tpu.vector_store %arg5[%swap3A_13, %swap3A_14], %slice3A_12 {strides = array<i32>} : memref<2000x128xf32, #tpu.memory_space<vmem>>, vector<2000x128xf32>,
    return
  }
  func.func @transform_0(%arg0: i32) -> (i32, i32) {
    %c0_i32 = arith.constant 0 : i32
    %c0_i32_0 = arith.constant 0 : i32
    return %arg0, %c0_i32 : i32, i32
  }
  func.func @transform_1(%arg0: i32) -> (i32, i32) {
    %c0_i32 = arith.constant 0 : i32
    %c0_i32_0 = arith.constant 0 : i32
    %c0_i32_1 = arith.constant 0 : i32
    return %c0_i32, %c0_i32_0 : i32, i32
  }
  func.func @transform_2(%arg0: i32) -> (i32, i32) {
    %c0_i32 = arith.constant 0 : i32
    %c0_i32_0 = arith.constant 0 : i32
    %c0_i32_1 = arith.constant 0 : i32
    return %c0_i32, %c0_i32_0 : i32, i32
  }
  func.func @transform_3(%arg0: i32) -> (i32, i32) {
    %c0_i32 = arith.constant 0 : i32
    %c0_i32_0 = arith.constant 0 : i32
    return %arg0, %c0_i32 : i32, i32
  }
  func.func @transform_4(%arg0: i32) -> (i32, i32) {
    %c0_i32 = arith.constant 0 : i32
    %c0_i32_0 = arith.constant 0 : i32
    return %arg0, %c0_i32 : i32, i32
  }
}

module attributes {stable_mosaic.version = 14 : i64} {
  func.func @_gru_body(%arg0: i32, %arg1: i32, %arg2: memref<2x1000x128xf32, #tpu.memory_space<vmem>>, %arg3: memref<1000x128xf32, #tpu.memory_space<vmem>>, %arg4: memref<128x384xf32, #tpu.memory_space<vmem>>, %arg5: memref<128x384xf32, #tpu.memory_space<vmem>>, %arg6: memref<1x384xf32, #tpu.memory_space<vmem>>, %arg7: memref<1x384xf32, #tpu.memory_space<vmem>>, %arg8: memref<1x128xf32, #tpu.memory_space<vmem>>, %arg9: memref<1x128xf32, #tpu.memory_space<vmem>>, %arg10: memref<1000x128xf32, #tpu.memory_space<vmem>>, %arg11: memref<10000x128xf32, #tpu.memory_space<vmem>>, %arg12: memref<1x128xf32, #tpu.memory_space<vmem>>, %arg13: memref<1x128xf32, #tpu.memory_space<vmem>>) attributes {dimension_semantics = [#tpu.dimension_semantics<arbitrary>, #tpu.dimension_semantics<arbitrary>], iteration_bounds = array<i64: 2, 10>, scalar_prefetch = 0 : i64, scratch_operands = 3 : i64, tpu.core_type = #tpu.core_type<tc>, window_params = [{transform_indices = @transform_0, window_bounds = array<i64: 2, 1000, 128>}, {transform_indices = @transform_1, window_bounds = array<i64: 1000, 128>}, {pipeline_mode = #tpu.pipeline_mode<synchronous>, transform_indices = @transform_2, window_bounds = array<i64: 128, 384>}, {pipeline_mode = #tpu.pipeline_mode<synchronous>, transform_indices = @transform_3, window_bounds = array<i64: 128, 384>}, {pipeline_mode = #tpu.pipeline_mode<synchronous>, transform_indices = @transform_4, window_bounds = array<i64: 1, 384>}, {pipeline_mode = #tpu.pipeline_mode<synchronous>, transform_indices = @transform_5, window_bounds = array<i64: 1, 384>}, {pipeline_mode = #tpu.pipeline_mode<synchronous>, transform_indices = @transform_6, window_bounds = array<i64: 1, 128>}, {pipeline_mode = #tpu.pipeline_mode<synchronous>, transform_indices = @transform_7, window_bounds = array<i64: 1, 128>}, {transform_indices = @transform_8, window_bounds = array<i64: 1000, 128>}]} {
    %eq3A = arith.constant 0 : i32
    %eq3A_0 = arith.cmpi eq, %arg0, %eq3A : i32
    %convert_element_type3A = arith.extui %eq3A_0 : i1 to i32
    %cond3A = arith.constant 0 : i32
    %cond3A_1 = arith.cmpi ne, %convert_element_type3A, %cond3A : i32
    scf.if %cond3A_1 {
      %get3A = arith.constant 0 : index
      %get3A_7 = arith.constant 0 : index
      %get3A_8 = vector.load %arg3[%get3A, %get3A_7] : memref<1000x128xf32, #tpu.memory_space<vmem>>, vector<1000x128xf32>
      %get3A_9 = arith.constant 0 : index
      %get3A_10 = arith.constant 0 : index
      %get3A_11 = arith.constant 0 : index
      %get3A_12 = vector.load %arg2[%get3A_9, %get3A_10, %get3A_11] : memref<2x1000x128xf32, #tpu.memory_space<vmem>>, vector<1x1000x128xf32>
      %get3A_13 = vector.shape_cast %get3A_12 : vector<1x1000x128xf32> to vector<1000x128xf32>
      %get3A_14 = arith.constant 1 : index
      %get3A_15 = arith.constant 0 : index
      %get3A_16 = arith.constant 0 : index
      %get3A_17 = vector.load %arg2[%get3A_14, %get3A_15, %get3A_16] : memref<2x1000x128xf32, #tpu.memory_space<vmem>>, vector<1x1000x128xf32>
      %get3A_18 = vector.shape_cast %get3A_17 : vector<1x1000x128xf32> to vector<1000x128xf32>
      %add3A = arith.addf %get3A_13, %get3A_18 : vector<1000x128xf32>
      %gt3A = arith.constant 0.000000e+00 : f32
      %gt3A_19 = vector.broadcast %gt3A : f32 to vector<1000x128xf32>
      %gt3A_20 = arith.cmpf ogt, %add3A, %gt3A_19 : vector<1000x128xf32>
      %min3A = arith.constant 0.000000e+00 : f32
      %min3A_21 = vector.broadcast %min3A : f32 to vector<1000x128xf32>
      %min3A_22 = arith.minimumf %add3A, %min3A_21 : vector<1000x128xf32>
      %exp3A = math.exp %min3A_22 : vector<1000x128xf32>
      %sub3A = arith.constant 1.000000e+00 : f32
      %sub3A_23 = vector.broadcast %sub3A : f32 to vector<1000x128xf32>
      %sub3A_24 = arith.subf %exp3A, %sub3A_23 : vector<1000x128xf32>
      %select_n3A = arith.select %gt3A_20, %add3A, %sub3A_24 : vector<1000x128xi1>, vector<1000x128xf32>
      %get3A_25 = arith.constant 0 : index
      %get3A_26 = arith.constant 0 : index
      %get3A_27 = vector.load %arg4[%get3A_25, %get3A_26] : memref<128x384xf32, #tpu.memory_space<vmem>>, vector<128x384xf32>
      %dot_general3A = arith.constant dense<0.000000e+00> : vector<1000x384xf32>
      %dot_general3A_28 = tpu.matmul %select_n3A, %get3A_27, %dot_general3A {dimension_numbers = #tpu.dot_dimension_numbers<[1], [0], [0], [1], [0, 0, 1, 1], [], []>, precision = #tpu.contract_precision<fp32>, transpose_lhs_hint = false} : vector<1000x128xf32>, vector<128x384xf32>, vector<1000x384xf32> -> vector<1000x384xf32>
      %get3A_29 = arith.constant 0 : index
      %get3A_30 = arith.constant 0 : index
      %get3A_31 = vector.load %arg6[%get3A_29, %get3A_30] : memref<1x384xf32, #tpu.memory_space<vmem>>, vector<1x384xf32>
      %add3A_32 = vector.broadcast %get3A_31 : vector<1x384xf32> to vector<1000x384xf32>
      %add3A_33 = arith.addf %dot_general3A_28, %add3A_32 : vector<1000x384xf32>
      %get3A_34 = arith.constant 0 : index
      %get3A_35 = arith.constant 0 : index
      %get3A_36 = vector.load %arg5[%get3A_34, %get3A_35] : memref<128x384xf32, #tpu.memory_space<vmem>>, vector<128x384xf32>
      %dot_general3A_37 = arith.constant dense<0.000000e+00> : vector<1000x384xf32>
      %dot_general3A_38 = tpu.matmul %get3A_8, %get3A_36, %dot_general3A_37 {dimension_numbers = #tpu.dot_dimension_numbers<[1], [0], [0], [1], [0, 0, 1, 1], [], []>, precision = #tpu.contract_precision<fp32>, transpose_lhs_hint = false} : vector<1000x128xf32>, vector<128x384xf32>, vector<1000x384xf32> -> vector<1000x384xf32>
      %get3A_39 = arith.constant 0 : index
      %get3A_40 = arith.constant 0 : index
      %get3A_41 = vector.load %arg7[%get3A_39, %get3A_40] : memref<1x384xf32, #tpu.memory_space<vmem>>, vector<1x384xf32>
      %add3A_42 = vector.broadcast %get3A_41 : vector<1x384xf32> to vector<1000x384xf32>
      %add3A_43 = arith.addf %dot_general3A_38, %add3A_42 : vector<1000x384xf32>
      %slice3A = vector.extract_strided_slice %add3A_33 {offsets = [0, 0], sizes = [1000, 128], strides = [1, 1]} : vector<1000x384xf32> to vector<1000x128xf32>
      %slice3A_44 = vector.extract_strided_slice %add3A_43 {offsets = [0, 0], sizes = [1000, 128], strides = [1, 1]} : vector<1000x384xf32> to vector<1000x128xf32>
      %add3A_45 = arith.addf %slice3A, %slice3A_44 : vector<1000x128xf32>
      %logistic3A = arith.negf %add3A_45 : vector<1000x128xf32>
      %logistic3A_46 = math.exp %logistic3A : vector<1000x128xf32>
      %logistic3A_47 = arith.constant 1.000000e+00 : f32
      %logistic3A_48 = vector.broadcast %logistic3A_47 : f32 to vector<1000x128xf32>
      %logistic3A_49 = arith.addf %logistic3A_48, %logistic3A_46 : vector<1000x128xf32>
      %logistic3A_50 = arith.divf %logistic3A_48, %logistic3A_49 : vector<1000x128xf32>
      %slice3A_51 = vector.extract_strided_slice %add3A_33 {offsets = [0, 128], sizes = [1000, 128], strides = [1, 1]} : vector<1000x384xf32> to vector<1000x128xf32>
      %slice3A_52 = vector.extract_strided_slice %add3A_43 {offsets = [0, 128], sizes = [1000, 128], strides = [1, 1]} : vector<1000x384xf32> to vector<1000x128xf32>
      %add3A_53 = arith.addf %slice3A_51, %slice3A_52 : vector<1000x128xf32>
      %logistic3A_54 = arith.negf %add3A_53 : vector<1000x128xf32>
      %logistic3A_55 = math.exp %logistic3A_54 : vector<1000x128xf32>
      %logistic3A_56 = arith.constant 1.000000e+00 : f32
      %logistic3A_57 = vector.broadcast %logistic3A_56 : f32 to vector<1000x128xf32>
      %logistic3A_58 = arith.addf %logistic3A_57, %logistic3A_55 : vector<1000x128xf32>
      %logistic3A_59 = arith.divf %logistic3A_57, %logistic3A_58 : vector<1000x128xf32>
      %slice3A_60 = vector.extract_strided_slice %add3A_33 {offsets = [0, 256], sizes = [1000, 128], strides = [1, 1]} : vector<1000x384xf32> to vector<1000x128xf32>
      %slice3A_61 = vector.extract_strided_slice %add3A_43 {offsets = [0, 256], sizes = [1000, 128], strides = [1, 1]} : vector<1000x384xf32> to vector<1000x128xf32>
      %mul3A = arith.mulf %logistic3A_50, %slice3A_61 : vector<1000x128xf32>
      %add3A_62 = arith.addf %slice3A_60, %mul3A : vector<1000x128xf32>
      %tanh3A = math.tanh %add3A_62 : vector<1000x128xf32>
      %sub3A_63 = arith.constant 1.000000e+00 : f32
      %sub3A_64 = vector.broadcast %sub3A_63 : f32 to vector<1000x128xf32>
      %sub3A_65 = arith.subf %sub3A_64, %logistic3A_59 : vector<1000x128xf32>
      %mul3A_66 = arith.mulf %sub3A_65, %tanh3A : vector<1000x128xf32>
      %mul3A_67 = arith.mulf %logistic3A_59, %get3A_8 : vector<1000x128xf32>
      %add3A_68 = arith.addf %mul3A_66, %mul3A_67 : vector<1000x128xf32>
      %max3A = arith.constant 0.000000e+00 : f32
      %max3A_69 = vector.broadcast %max3A : f32 to vector<1000x128xf32>
      %max3A_70 = arith.maximumf %add3A_68, %max3A_69 : vector<1000x128xf32>
      %mul3A_71 = arith.constant 1000 : i32
      %mul3A_72 = arith.muli %arg1, %mul3A_71 : i32
      %swap3A = arith.index_cast %mul3A_72 : i32 to index
      %swap3A_73 = arith.constant 0 : index
      %swap3A_74 = vector.load %arg11[%swap3A, %swap3A_73] : memref<10000x128xf32, #tpu.memory_space<vmem>>, vector<1000x128xf32>
      tpu.vector_store %arg11[%swap3A, %swap3A_73], %max3A_70 {strides = array<i32>} : memref<10000x128xf32, #tpu.memory_space<vmem>>, vector<1000x128xf32>,
      %reduce_sum3A = arith.constant dense<0.000000e+00> : vector<128xf32>
      %reduce_sum3A_75 = vector.multi_reduction <add>, %max3A_70, %reduce_sum3A [0] : vector<1000x128xf32> to vector<128xf32>
      %broadcast_in_dim3A = vector.shape_cast %reduce_sum3A_75 : vector<128xf32> to vector<1x128xf32>
      %mul3A_76 = arith.mulf %max3A_70, %max3A_70 : vector<1000x128xf32>
      %reduce_sum3A_77 = arith.constant dense<0.000000e+00> : vector<128xf32>
      %reduce_sum3A_78 = vector.multi_reduction <add>, %mul3A_76, %reduce_sum3A_77 [0] : vector<1000x128xf32> to vector<128xf32>
      %broadcast_in_dim3A_79 = vector.shape_cast %reduce_sum3A_78 : vector<128xf32> to vector<1x128xf32>
      %eq3A_80 = arith.constant 0 : i32
      %eq3A_81 = arith.cmpi eq, %arg1, %eq3A_80 : i32
      %convert_element_type3A_82 = arith.extui %eq3A_81 : i1 to i32
      %cond3A_83 = arith.constant 0 : i32
      %cond3A_84 = arith.cmpi ne, %convert_element_type3A_82, %cond3A_83 : i32
      scf.if %cond3A_84 {
        %swap3A_90 = arith.constant 0 : index
        %swap3A_91 = arith.constant 0 : index
        %swap3A_92 = vector.load %arg12[%swap3A_90, %swap3A_91] : memref<1x128xf32, #tpu.memory_space<vmem>>, vector<1x128xf32>
        tpu.vector_store %arg12[%swap3A_90, %swap3A_91], %broadcast_in_dim3A {strides = array<i32>} : memref<1x128xf32, #tpu.memory_space<vmem>>, vector<1x128xf32>,
        %swap3A_93 = arith.constant 0 : index
        %swap3A_94 = arith.constant 0 : index
        %swap3A_95 = vector.load %arg13[%swap3A_93, %swap3A_94] : memref<1x128xf32, #tpu.memory_space<vmem>>, vector<1x128xf32>
        tpu.vector_store %arg13[%swap3A_93, %swap3A_94], %broadcast_in_dim3A_79 {strides = array<i32>} : memref<1x128xf32, #tpu.memory_space<vmem>>, vector<1x128xf32>,
      } else {
      }
      %gt3A_85 = arith.constant 0 : i32
      %gt3A_86 = arith.cmpi sgt, %arg1, %gt3A_85 : i32
      %convert_element_type3A_87 = arith.extui %gt3A_86 : i1 to i32
      %cond3A_88 = arith.constant 0 : i32
      %cond3A_89 = arith.cmpi ne, %convert_element_type3A_87, %cond3A_88 : i32
      scf.if %cond3A_89 {
        %get3A_90 = arith.constant 0 : index
        %get3A_91 = arith.constant 0 : index
        %get3A_92 = vector.load %arg12[%get3A_90, %get3A_91] : memref<1x128xf32, #tpu.memory_space<vmem>>, vector<1x128xf32>
        %add3A_93 = arith.addf %get3A_92, %broadcast_in_dim3A : vector<1x128xf32>
        %swap3A_94 = arith.constant 0 : index
        %swap3A_95 = arith.constant 0 : index
        %swap3A_96 = vector.load %arg12[%swap3A_94, %swap3A_95] : memref<1x128xf32, #tpu.memory_space<vmem>>, vector<1x128xf32>
        tpu.vector_store %arg12[%swap3A_94, %swap3A_95], %add3A_93 {strides = array<i32>} : memref<1x128xf32, #tpu.memory_space<vmem>>, vector<1x128xf32>,
        %get3A_97 = arith.constant 0 : index
        %get3A_98 = arith.constant 0 : index
        %get3A_99 = vector.load %arg13[%get3A_97, %get3A_98] : memref<1x128xf32, #tpu.memory_space<vmem>>, vector<1x128xf32>
        %add3A_100 = arith.addf %get3A_99, %broadcast_in_dim3A_79 : vector<1x128xf32>
        %swap3A_101 = arith.constant 0 : index
        %swap3A_102 = arith.constant 0 : index
        %swap3A_103 = vector.load %arg13[%swap3A_101, %swap3A_102] : memref<1x128xf32, #tpu.memory_space<vmem>>, vector<1x128xf32>
        tpu.vector_store %arg13[%swap3A_101, %swap3A_102], %add3A_100 {strides = array<i32>} : memref<1x128xf32, #tpu.memory_space<vmem>>, vector<1x128xf32>,
      } else {
      }
    } else {
    }
    %eq3A_2 = arith.constant 1 : i32
    %eq3A_3 = arith.cmpi eq, %arg0, %eq3A_2 : i32
    %convert_element_type3A_4 = arith.extui %eq3A_3 : i1 to i32
    %cond3A_5 = arith.constant 0 : i32
    %cond3A_6 = arith.cmpi ne, %convert_element_type3A_4, %cond3A_5 : i32
    scf.if %cond3A_6 {
      %get3A = arith.constant 0 : index
      %get3A_7 = arith.constant 0 : index
      %get3A_8 = vector.load %arg12[%get3A, %get3A_7] : memref<1x128xf32, #tpu.memory_space<vmem>>, vector<1x128xf32>
      %mul3A = arith.constant 9.99999974E-5 : f32
      %mul3A_9 = vector.broadcast %mul3A : f32 to vector<1x128xf32>
      %mul3A_10 = arith.mulf %get3A_8, %mul3A_9 : vector<1x128xf32>
      %get3A_11 = arith.constant 0 : index
      %get3A_12 = arith.constant 0 : index
      %get3A_13 = vector.load %arg13[%get3A_11, %get3A_12] : memref<1x128xf32, #tpu.memory_space<vmem>>, vector<1x128xf32>
      %mul3A_14 = arith.constant 9.99999974E-5 : f32
      %mul3A_15 = vector.broadcast %mul3A_14 : f32 to vector<1x128xf32>
      %mul3A_16 = arith.mulf %get3A_13, %mul3A_15 : vector<1x128xf32>
      %mul3A_17 = arith.mulf %mul3A_10, %mul3A_10 : vector<1x128xf32>
      %sub3A = arith.subf %mul3A_16, %mul3A_17 : vector<1x128xf32>
      %add3A = arith.constant 9.99999974E-6 : f32
      %add3A_18 = vector.broadcast %add3A : f32 to vector<1x128xf32>
      %add3A_19 = arith.addf %sub3A, %add3A_18 : vector<1x128xf32>
      %rsqrt3A = math.rsqrt %add3A_19 : vector<1x128xf32>
      %mul3A_20 = arith.constant 1000 : i32
      %mul3A_21 = arith.muli %arg1, %mul3A_20 : i32
      %get3A_22 = arith.index_cast %mul3A_21 : i32 to index
      %get3A_23 = arith.constant 0 : index
      %get3A_24 = vector.load %arg11[%get3A_22, %get3A_23] : memref<10000x128xf32, #tpu.memory_space<vmem>>, vector<1000x128xf32>
      %sub3A_25 = vector.broadcast %mul3A_10 : vector<1x128xf32> to vector<1000x128xf32>
      %sub3A_26 = arith.subf %get3A_24, %sub3A_25 : vector<1000x128xf32>
      %mul3A_27 = vector.broadcast %rsqrt3A : vector<1x128xf32> to vector<1000x128xf32>
      %mul3A_28 = arith.mulf %sub3A_26, %mul3A_27 : vector<1000x128xf32>
      %get3A_29 = arith.constant 0 : index
      %get3A_30 = arith.constant 0 : index
      %get3A_31 = vector.load %arg8[%get3A_29, %get3A_30] : memref<1x128xf32, #tpu.memory_space<vmem>>, vector<1x128xf32>
      %mul3A_32 = vector.broadcast %get3A_31 : vector<1x128xf32> to vector<1000x128xf32>
      %mul3A_33 = arith.mulf %mul3A_28, %mul3A_32 : vector<1000x128xf32>
      %get3A_34 = arith.constant 0 : index
      %get3A_35 = arith.constant 0 : index
      %get3A_36 = vector.load %arg9[%get3A_34, %get3A_35] : memref<1x128xf32, #tpu.memory_space<vmem>>, vector<1x128xf32>
      %add3A_37 = vector.broadcast %get3A_36 : vector<1x128xf32> to vector<1000x128xf32>
      %add3A_38 = arith.addf %mul3A_33, %add3A_37 : vector<1000x128xf32>
      %swap3A = arith.constant 0 : index
      %swap3A_39 = arith.constant 0 : index
      %swap3A_40 = vector.load %arg10[%swap3A, %swap3A_39] : memref<1000x128xf32, #tpu.memory_space<vmem>>, vector<1000x128xf32>
      tpu.vector_store %arg10[%swap3A, %swap3A_39], %add3A_38 {strides = array<i32>} : memref<1000x128xf32, #tpu.memory_space<vmem>>, vector<1000x128xf32>,
    } else {
    }
    return
  }
  func.func @transform_0(%arg0: i32, %arg1: i32) -> (i32, i32, i32) {
    %c0_i32 = arith.constant 0 : i32
    %c0_i32_0 = arith.constant 0 : i32
    %c0_i32_1 = arith.constant 0 : i32
    return %c0_i32, %arg1, %c0_i32_0 : i32, i32, i32
  }
  func.func @transform_1(%arg0: i32, %arg1: i32) -> (i32, i32) {
    %c0_i32 = arith.constant 0 : i32
    %c0_i32_0 = arith.constant 0 : i32
    return %arg1, %c0_i32 : i32, i32
  }
  func.func @transform_2(%arg0: i32, %arg1: i32) -> (i32, i32) {
    %c0_i32 = arith.constant 0 : i32
    %c0_i32_0 = arith.constant 0 : i32
    %c0_i32_1 = arith.constant 0 : i32
    return %c0_i32, %c0_i32_0 : i32, i32
  }
  func.func @transform_3(%arg0: i32, %arg1: i32) -> (i32, i32) {
    %c0_i32 = arith.constant 0 : i32
    %c0_i32_0 = arith.constant 0 : i32
    %c0_i32_1 = arith.constant 0 : i32
    return %c0_i32, %c0_i32_0 : i32, i32
  }
  func.func @transform_4(%arg0: i32, %arg1: i32) -> (i32, i32) {
    %c0_i32 = arith.constant 0 : i32
    %c0_i32_0 = arith.constant 0 : i32
    %c0_i32_1 = arith.constant 0 : i32
    return %c0_i32, %c0_i32_0 : i32, i32
  }
  func.func @transform_5(%arg0: i32, %arg1: i32) -> (i32, i32) {
    %c0_i32 = arith.constant 0 : i32
    %c0_i32_0 = arith.constant 0 : i32
    %c0_i32_1 = arith.constant 0 : i32
    return %c0_i32, %c0_i32_0 : i32, i32
  }
  func.func @transform_6(%arg0: i32, %arg1: i32) -> (i32, i32) {
    %c0_i32 = arith.constant 0 : i32
    %c0_i32_0 = arith.constant 0 : i32
    %c0_i32_1 = arith.constant 0 : i32
    return %c0_i32, %c0_i32_0 : i32, i32
  }
  func.func @transform_7(%arg0: i32, %arg1: i32) -> (i32, i32) {
    %c0_i32 = arith.constant 0 : i32
    %c0_i32_0 = arith.constant 0 : i32
    %c0_i32_1 = arith.constant 0 : i32
    return %c0_i32, %c0_i32_0 : i32, i32
  }
  func.func @transform_8(%arg0: i32, %arg1: i32) -> (i32, i32) {
    %c0_i32 = arith.constant 0 : i32
    %c0_i32_0 = arith.constant 0 : i32
    return %arg1, %c0_i32 : i32, i32
  }
}

</mosaic_0001>

<sc_bundles>
// kernel: kernel.5.cloned.1.call-start
scs
__scs_entry_jumppad:
0x0: {  	(pc) =	sbr.rel $0x88, $3  }
0x1: {  	(tag) =	ssettag $0x0;
	lr =	simm.s32 $0x1  }
0x2: {  	[smem:$0x3F95] =	sst lr;
	_ =	strace $0xD0000000  }
0x3: {  	_ = 	snop  }
0x4: {  	_ = 	snop  }
0x5: {  	_ = 	snop  }
0x6: {  	_ = 	snop  }
0x7: {  	_ = 	snop  }
__scs_overlays_trampoline_lowered:
0x8: {  	[smem:$0x3FA4] =	sst s0  }
0x9: {  	[smem:$0x3FA5] =	sst s1  }
0xa: {  	[smem:$0x3FA6] =	sst s2  }
0xb: {  	[smem:$0x3FA7] =	sst s3  }
0xc: {  	[smem:$0x3FA8] =	sst s4  }
0xd: {  	[smem:$0x3FA9] =	sst s5  }
0xe: {  	[smem:$0x3FAA] =	sst s6  }
0xf: {  	[smem:$0x3FAB] =	sst s7  }
0x10: {  	[smem:$0x3FAC] =	sst s8  }
0x11: {  	[smem:$0x3FAD] =	sst s9;
	s0 =	simm.s32 @!p0 $0x0  }
0x12: {  	s1 =	sld [smem:$0x3F93];
	s0 =	simm.s32 @p0 $0x1  }
0x13: {  	[smem:$0x3FAE] =	sst s0;
	s0 =	simm.s32 @!p1 $0x0  }
0x14: {  	s2 =	sld [smem:$0x3F92];
	s0 =	simm.s32 @p1 $0x1  }
0x15: {  	[smem:$0x3FAF] =	sst s0;
	s0 =	simm.s32 @!p2 $0x0  }
0x16: {  	s3 =	sld [smem:$0x3FDB];
	s0 =	simm.s32 @p2 $0x1  }
0x17: {  	s4 =	simm.s32 $0x1BF5;
	[smem:$0x3FB1] =	sst s0  }
0x18: {  	s0 =	sld [smem:$0x3F94];
	_ =	swait.ge [sflag:s4], $0x0  }
0x19: {  	s7 =	sld [smem:$0x3F95]  }
0x1a: {  	s8 =	sadd.s32 $0xFFFFE003, lr  }
0x1b: {  	s9 =	sadd.s32 $0xFFFFFEF7, lr;
	s5 =	simm.s32 $0xFFFFFFFF;
	p2 =	slt.u32 s8, $0xFFFFF086  }
0x1c: {  	p1 =	slt.u32 s9, $0xF7A;
	s5 =	simm.s32 @!p2 $0x0  }
0x1d: {  	s5 =	simm.s32 @p1 $0x1;
	p0 =	seq.s32 s7, s2  }
0x1e: {  	s7 =	smul.u32 @!p0 $0xF7A, s2;
	p2 =	seq.s32 @!p0 s5, $0x0  }
0x1f: {  	s9 =	smul.u32 $0xF7A, s1;
	s8 =	simm.s32 @!p0 $0x1BF5;
	p2 =	por !p2, p0  }
0x20: {  	[sflag:s8] =	ssyncset.s32 @!p0 $0xFFFFF086;
	s6 =	sadd.s32 @!p0 s3, s7;
	s7 =	simm.s32 @!p0 $0x108  }
0x21: {  	s3 =	sadd.s32 s3, s9;
	s6 =	sadd.s32 @!p0 $0x88, s6;
	s7 =	simm.s32 @p2 $0x1082  }
0x22: {  	[simem:s7], [sflag:s8] =	dma.local @!p0 [hbm:s6], $0xF7A  }
0x23: {  	s9 =	sor.u32 $0xD0000000, s2;
	s6 =	simm.s32 $0x108;
	_ =	swait.ge @!p0 [sflag:s8], $0x0  }
0x24: {  	s3 =	sadd.s32 $0x88, s3;
	s6 =	simm.s32 @!p1 $0x1082;
	[sflag:s4] =	ssyncset.s32 $0xFFFFF086  }
0x25: {  	[simem:s6], [sflag:s4] =	dma.local [hbm:s3], $0xF7A  }
0x26: {  	[smem:$0x3F95] =	sst s1;
	(tag) =	ssettag s2;
	_ =	strace s9  }
0x27: {  	s1 =	sld [smem:$0x3FA5]  }
0x28: {  	s2 =	sld [smem:$0x3FA6]  }
0x29: {  	s4 =	sld [smem:$0x3FA8]  }
0x2a: {  	p0 =	seq.s32 s5, $0x0;
	s5 =	sld [smem:$0x3FA9]  }
0x2b: {  	s6 =	sld [smem:$0x3FAA]  }
0x2c: {  	s7 =	sld [smem:$0x3FAB]  }
0x2d: {  	s3 =	simm.s32 $0x108;
	s8 =	sld [smem:$0x3FAC]  }
0x2e: {  	s3 =	simm.s32 @!p0 $0x1082;
	s9 =	sld [smem:$0x3FAD]  }
0x2f: {  	lr =	sadd.s32 s0, s3;
	s0 =	sld [smem:$0x3FA4]  }
0x30: {  	s3 =	sld [smem:$0x3FA7]  }
0x31: {  	[smem:$0x3FB0] =	sst s10  }
0x32: {  	s10 =	sld [smem:$0x3FAE];
	_ =	sdelay $0x3  }
0x33: {  	p0 =	seq.s32 s10, $0x1;
	s10 =	sld [smem:$0x3FB0];
	_ =	sdelay $0x3  }
0x34: {  	[smem:$0x3FB0] =	sst s10  }
0x35: {  	s10 =	sld [smem:$0x3FAF];
	_ =	sdelay $0x3  }
0x36: {  	p1 =	seq.s32 s10, $0x1;
	s10 =	sld [smem:$0x3FB0];
	_ =	sdelay $0x3  }
0x37: {  	[smem:$0x3FB0] =	sst s10  }
0x38: {  	s10 =	sld [smem:$0x3FB1]  }
0x39: {  	_ = 	snop;
	(pc) =	sbr.ind lr, $3  }
0x3a: {  	_ = 	snop  }
0x3b: {  	_ = 	snop  }
0x3c: {  	p2 =	seq.s32 s10, $0x1;
	s10 =	sld [smem:$0x3FB0]  }
0x3d: {  	_ =	shalt  }
0x3e: {  	_ =	shalt  }
0x3f: {  	_ =	shalt  }
0x40: {  	_ =	shalt  }
0x41: {  	_ =	shalt  }
0x42: {  	_ =	shalt  }
0x43: {  	_ =	shalt  }
0x44: {  	_ =	shalt  }
0x45: {  	_ =	shalt  }
0x46: {  	_ =	shalt  }
0x47: {  	_ =	shalt  }
0x48: {  	_ =	shalt  }
0x49: {  	_ =	shalt  }
0x4a: {  	_ =	shalt  }
0x4b: {  	_ =	shalt  }
0x4c: {  	_ =	shalt  }
0x4d: {  	_ =	shalt  }
0x4e: {  	_ =	shalt  }
0x4f: {  	_ =	shalt  }
0x50: {  	_ =	shalt  }
0x51: {  	_ =	shalt  }
0x52: {  	_ =	shalt  }
0x53: {  	_ =	shalt  }
0x54: {  	_ =	shalt  }
0x55: {  	_ =	shalt  }
0x56: {  	_ =	shalt  }
0x57: {  	_ =	shalt  }
0x58: {  	_ =	shalt  }
0x59: {  	_ =	shalt  }
0x5a: {  	_ =	shalt  }
0x5b: {  	_ =	shalt  }
0x5c: {  	_ =	shalt  }
0x5d: {  	_ =	shalt  }
0x5e: {  	_ =	shalt  }
0x5f: {  	_ =	shalt  }
0x60: {  	_ =	shalt  }
0x61: {  	_ =	shalt  }
0x62: {  	_ =	shalt  }
0x63: {  	_ =	shalt  }
0x64: {  	_ =	shalt  }
0x65: {  	_ =	shalt  }
0x66: {  	_ =	shalt  }
0x67: {  	_ =	shalt  }
0x68: {  	_ =	shalt  }
0x69: {  	_ =	shalt  }
0x6a: {  	_ =	shalt  }
0x6b: {  	_ =	shalt  }
0x6c: {  	_ =	shalt  }
0x6d: {  	_ =	shalt  }
0x6e: {  	_ =	shalt  }
0x6f: {  	_ =	shalt  }
0x70: {  	_ =	shalt  }
0x71: {  	_ =	shalt  }
0x72: {  	_ =	shalt  }
0x73: {  	_ =	shalt  }
0x74: {  	_ =	shalt  }
0x75: {  	_ =	shalt  }
0x76: {  	_ =	shalt  }
0x77: {  	_ =	shalt  }
0x78: {  	_ =	shalt  }
0x79: {  	_ =	shalt  }
0x7a: {  	_ =	shalt  }
0x7b: {  	_ =	shalt  }
0x7c: {  	_ =	shalt  }
0x7d: {  	_ =	shalt  }
0x7e: {  	_ =	shalt  }
0x7f: {  	_ =	shalt  }
0x80: {  	_ =	shalt  }
0x81: {  	_ =	shalt  }
0x82: {  	_ =	shalt  }
0x83: {  	_ =	shalt  }
0x84: {  	_ =	shalt  }
0x85: {  	_ =	shalt  }
0x86: {  	_ =	shalt  }
0x87: {  	_ =	shalt  }
.Lfunc_end0:
.L_simem_size_0:
called_computation_lowered:
.L_overlay_start_0:
0x88: {  	s2 =	sld [smem:$0x3FD9]  }
0x89: {  	s3 =	sld [smem:$0x3FFE];
	_ =	sdelay $0x1  }
0x8a: {  	s1 =	srdreg.scid  }
0x8b: {  	s0 =	sand.u32 $0x1, s1  }
0x8c: {  	s17 =	sshll.u32 s0, $0xA;
	s2 =	sadd.s32 s3, s2  }
0x8d: {  	s2 =	sadd.s32 s2, s17  }
0x8e: {  	[smem:$0x3FBC] =	sst s2  }
0x8f: {  	_ = 	snop  }
0x90: {  	s2 =	sld [smem:$0x3FD0];
	(tm) =	ssettm $0x1  }
0x91: {  	s18 =	sld [smem:$0x3FFB];
	_ =	sdelay $0x3  }
0x92: {  	_ =	strace s18  }
0x93: {  	s3 =	sld [smem:$0x3FFC];
	_ =	sdelay $0x3  }
0x94: {  	_ =	strace s3  }
0x95: {  	s3 =	sld [smem:$0x3FFD];
	_ =	sdelay $0x3  }
0x96: {  	_ =	strace s3  }
0x97: {  	_ =	strace $0x8FFFFFFF  }
0x98: {  	s19 =	sld [smem:$0x3FDB];
	_ =	sdelay $0x1  }
0x99: {  	s4 =	simm.s32 $_scs_section_size  }
0x9a: {  	s5 =	simm.s32 $_size__tile_overlayer_lowered;
	s6 =	simm.s32 $_tile_overlayer_lowered  }
0x9b: {  	s22 =	simm.s32 $0x1BFF;
	s21 =	sshll.u32 s6, $0x1;
	s3 =	sadd.s32 s4, s19  }
0x9c: {  	s7 =	simm.s32 $0x0;
	s20 =	sshll.u32 s5, $0x1;
	s5 =	sadd.s32 s21, s3  }
0x9d: {  	[timem:s7], [sflag:s22] =	dma.local [hbm:s5], s20  }
0x9e: {  	_ =	swait.ge [sflag:s22], s20  }
0x9f: {  	s4 =	ssub.s32 $0x0, s20;
	[sflag:s22] =	ssyncset.done $0x0  }
0xa0: {  	[sflag:s22] =	ssyncadd.s32 s4;
	_ =	sdelay $0x1  }
0xa1: {  	s23 =	simm.s32 $0x1B8B  }
0xa2: {  	_ =	swait.ge [sflag:s23], $0x1  }
0xa3: {  	[sflag:s23] =	ssyncset.done $0x0  }
0xa4: {  	s25 =	simm.s32 $0x1B8E;
	s24 =	sld [smem:$0x3FFE];
	[sflag:s23] =	ssyncadd.s32 $0xFFFFFFFF  }
0xa5: {  	s26 =	simm.s32 $execute0_lowered;
	[smem:$0x3FD2] =	sst s25  }
0xa6: {  	s5 =	sshll.u32 s26, $0x1;
	_ =	strace $0x80000046;
	[dreg:$0x1] =	wrdreg $0xFFFFFFFF  }
0xa7: {  	s28 =	simm.s32 $_size_execute0_lowered;
	s3 =	sadd.s32 s3, s5;
	[dreg:$0x0] =	wrdreg $0x0  }
0xa8: {  	s5 =	sshll.u32 s28, $0x1;
	[dreg:$0x2] =	wrdreg s3  }
0xa9: {  	[dreg:$0x3] =	wrdreg s5  }
0xaa: {  	[dreg:$0x4] =	wrdreg $0xC0  }
0xab: {  	_ =	task [dreg:s7], $0x5FFFF  }
0xac: {  	[dreg:$0x1] =	wrdreg $0xFFFFFFFF  }
0xad: {  	[dreg:$0x0] =	wrdreg $0x60  }
0xae: {  	[dreg:$0x2] =	wrdreg s24  }
0xaf: {  	[dreg:$0x3] =	wrdreg s2  }
0xb0: {  	[dreg:$0x4] =	wrdreg $0xC0000  }
0xb1: {  	[dreg:$0x5] =	wrdreg $0x9  }
0xb2: {  	_ =	task.clear_ibuf [dreg:s7], $0x6FFFF;
	_ =	strace $0x90000046  }
0xb3: {  	s29 =	simm.s32 $0x9;
	_ =	strace $0x8000004C  }
0xb4: {  	_ =	swait.ge [sflag:s29], $0x1  }
0xb5: {  	[sflag:s29] =	ssyncadd.s32 $0xFFFFFFFF  }
0xb6: {  	_ =	strace $0x9000004C  }
0xb7: {  	_ =	sfence  }
0xb8: {  	s30 =	sld [smem:$0x0];
	_ =	sdelay $0x2  }
0xb9: {  	s31 =	sshll.u32 s1, $0xD;
	s1 =	sshrl.u32 s1, $0x2  }
0xba: {  	s3 =	sand.u32 $0x4000, s31;
	s1 =	sadd.s32 s1, s30  }
0xbb: {  	s0 =	sor.u32 s3, s0;
	s1 =	sshll.u32 s1, $0x11  }
0xbc: {  	s0 =	sor.u32 s1, s0  }
0xbd: {  	s0 =	sadd.s32 $0x8F2B, s0  }
0xbe: {  	[sflag:s0] =	ssyncadd.remote.s32 $0x1  }
0xbf: {  	_ =	sfence.sel $0xFFFF  }
0xc0: {  	[dreg:$0x0] =	wrdreg $0xFFFFFFFF;
	(pc) =	sbr.abs _section_cstart, $3  }
0xc1: {  	[dreg:$0x1] =	wrdreg $0xFFFFFFFF  }
0xc2: {  	_ =	task.clear_ibuf [dreg:s7], $0x2FFFF;
	_ =	strace $0x9FFFFFFF  }
0xc3: {  	(tm) =	ssettm $0x7FFFFFFF  }
tec
execute0_lowered:
.L_overlay_start_1:
0x0: {  	(tag) =	ssettag $0x1  }
0x1: {  	s0 =	rddreg [dreg:$0x0]  }
0x2: {  	s2 =	rddreg [dreg:$0x1]  }
0x3: {  	s3 =	rddreg [dreg:$0x2]  }
0x4: {  	s1 =	srdreg.scid;
	s10 =	stileid.u32  }
0x5: {  	s4 =	simm.s32 $0x0;
	s29 =	simm.s32 $0x0;
	s30 =	simm.s32 $0x0  }
0x6: {  	s1 =	sand.u32 $0x1, s1;
	s5 =	smul.u32 $0x280, s10;
	[smem:$0x7FF] =	sst s4  }
0x7: {  	s7 =	sadd.s32 $0x1200, s0;
	s19 =	sadd.s32 $0x1800, s0;
	s8 =	sadd.s32 $0x29000, s0  }
0x8: {  	s20 =	sadd.s32 $0x33200, s0;
	_ =	strace $0x80000047;
	[dreg:$0x4] =	wrdreg s7  }
0x9: {  	s9 =	smul.u32 $0x50000, s10;
	s28 =	sadd.s32 $0x13B000, s3;
	[dreg:$0x5] =	wrdreg s19  }
0xa: {  	s18 =	sadd.s32 $0x13B400, s3;
	s6 =	smul.u32 $0x2800, s1;
	[dreg:$0x6] =	wrdreg s20  }
0xb: {  	s7 =	sadd.s32 $0x1E00, s0;
	s21 =	sshll.u32 s1, $0x4;
	[dreg:$0x9] =	wrdreg s28  }
0xc: {  	s1 =	ssub.s32 $0x2, s1;
	[dreg:$0xf] =	wrdreg s18;
	s19 =	sadd.s32 $0x13B800, s3  }
0xd: {  	s20 =	sadd.s32 $0x13BC00, s3;
	s28 =	sadd.s32 $0x13D000, s3;
	[dreg:$0x10] =	wrdreg s19  }
0xe: {  	s18 =	simm.s32 $0x4F00;
	s22 =	sshrl.u32 s1, $0x1;
	[dreg:$0x11] =	wrdreg s20  }
0xf: {  	s23 =	sshrl.u32 s9, $0x2;
	[dreg:$0x17] =	wrdreg s28;
	s19 =	simm.s32 $0x5300  }
0x10: {  	s20 =	simm.s32 $0x1;
	s5 =	sadd.s32 s6, s5;
	s6 =	sor.u32 s10, s21  }
0x11: {  	s1 =	ssub.s32 s1, s22;
	s10 =	smul.u32 $0x14, s10;
	s22 =	sadd.s32 $0x13C400, s3  }
0x12: {  	s11 =	sadd.s32 s23, s3;
	s23 =	sadd.s32 $0x13C800, s3;
	s12 =	smul.u32 $0x500, s6  }
0x13: {  	s5 =	sshll.u32 s5, $0x4;
	s24 =	smul.u32 $0x50, s6;
	[dreg:$0x13] =	wrdreg s22  }
0x14: {  	s14 =	sadd.s32 $0x4000, s11;
	s21 =	smax.u32 s1, $0x1;
	[dreg:$0x14] =	wrdreg s23  }
0x15: {  	s15 =	sadd.s32 $0x8000, s11;
	[dreg:$0x12] =	wrdreg s21;
	s25 =	sadd.s32 s2, s12  }
0x16: {  	s0 =	sadd.s32 s5, s0;
	s26 =	sadd.s32 s8, s12;
	[dreg:$0x7] =	wrdreg s25  }
0x17: {  	s16 =	sadd.s32 $0xC000, s11;
	s31 =	sadd.s32 $0x33400, s0;
	[dreg:$0x8] =	wrdreg s26  }
0x18: {  	s17 =	sadd.s32 $0x10000, s11;
	s9 =	sadd.s32 $0x33C00, s0;
	[dreg:$0xa] =	wrdreg s31  }
0x19: {  	s22 =	simm.s32 $0x5700;
	s12 =	sadd.s32 $0x34400, s0;
	[dreg:$0xb] =	wrdreg s9  }
0x1a: {  	s23 =	simm.s32 $0x40;
	s13 =	sadd.s32 $0x34C00, s0;
	[dreg:$0xc] =	wrdreg s12  }
0x1b: {  	s21 =	simm.s32 $0x2;
	s0 =	sadd.s32 $0x35400, s0;
	[dreg:$0xd] =	wrdreg s13  }
0x1c: {  	[dreg:$0xe] =	wrdreg s0;
	s25 =	sor.u32 $0x8, s24;
	s24 =	sadd.s32 $0x13C000, s3  }
0x1d: {  	v5 =	vlaneseq.u32;
	s26 =	sadd.s32 $0x13CC00, s3;
	s31 =	sadd.s32 $0x13D400, s3;
	[dreg:$0x15] =	wrdreg s24  }
0x1e: {  	v0 =	vimm.f32 $0.0e+00;
	v1 =	vor.u32 $0x2760, v5;
	v2 =	vor.u32 $0x2770, v5;
	s9 =	simm.s32 $0x5;
	s12 =	simm.s32 $0x2780;
	[dreg:$0x16] =	wrdreg s26  }
0x1f: {  	v3 =	vor.u32 $0x2780, v5;
	v4 =	vor.u32 $0x2790, v5;
	v5 =	vor.u32 $0x27A0, v5;
	s13 =	simm.s32 $0x7F00;
	[dreg:$0x18] =	wrdreg s31;
	s24 =	simm.s32 $0x9F00  }
.LBB2_1:
0x20: {  	s0 =	rddreg [dreg:$0x4]  }
0x21: {  	[tilespmem:s4], [sflag:$0x5] =	stream.linear.gather [hbm4b:s0+s4], $0x2780, $0x38;
	v63 =	vld [tilespmem:$0x0]  }
0x22: {  	_ =	swait.ge [sflag:s9], $0x2780  }
0x23: {  	[sflag:s9] =	ssyncset.done $0x0  }
0x24: {  	s28 =	rddreg [dreg:$0x5];
	[sflag:s9] =	ssyncadd.s32 $0xFFFFD880  }
0x25: {  	[tilespmem:s12], [sflag:$0x5] =	stream.linear.gather [hbm4b:s28+s4], $0x2780, $0x38;
	v63 =	vld [tilespmem:$0x0]  }
0x26: {  	_ =	swait.ge [sflag:s9], $0x2780  }
0x27: {  	[sflag:s9] =	ssyncset.done $0x0  }
0x28: {  	s1 =	simm.s32 $0xBF70;
	s31 =	rddreg [dreg:$0x6];
	[sflag:s9] =	ssyncadd.s32 $0xFFFFD880  }
0x29: {  	[tilespmem:s1], [sflag:$0x5] =	stream.linear.gather [hbm4b:s31+s4], $0x10, $0x38;
	v63 =	vld [tilespmem:$0x0]  }
0x2a: {  	_ =	swait.ge [sflag:s9], $0x10  }
0x2b: {  	[sflag:s9] =	ssyncset.done $0x0  }
0x2c: {  	s0 =	simm.s32 $0x0;
	s1 =	simm.s32 $0x200;
	[sflag:s9] =	ssyncadd.s32 $0xFFFFFFF0  }
.LBB2_2:
0x2d: {  	p0 =	sne.s32 s1, $0x9E00;
	[tilespmem:s0+$0x5770] =	vst v0  }
0x2e: {  	[tilespmem:s0+$0x5700] =	vst v0  }
0x2f: {  	[tilespmem:s0+$0x5710] =	vst v0  }
.Ltmp0:
0x30: {  	[tilespmem:s0+$0x5720] =	vst v0;
	(pc) =	sbr.rel @p0 .LBB2_2-.Ltmp0, $4  }
0x31: {  	[tilespmem:s0+$0x5730] =	vst v0  }
0x32: {  	[tilespmem:s0+$0x5740] =	vst v0  }
0x33: {  	[tilespmem:s0+$0x5750] =	vst v0  }
0x34: {  	[tilespmem:s0+$0x5760] =	vst v0;
	s0 =	sshra.s32 s1, $0x2;
	s1 =	sadd.s32 $0x200, s1  }
0x35: {  	[tilespmem:s0+$0x5770] =	vst v0  }
0x36: {  	[tilespmem:s0+$0x5700] =	vst v0  }
0x37: {  	[tilespmem:s0+$0x5710] =	vst v0  }
0x38: {  	[tilespmem:s0+$0x5720] =	vst v0  }
0x39: {  	[tilespmem:s0+$0x5730] =	vst v0  }
0x3a: {  	[tilespmem:s0+$0x5740] =	vst v0  }
0x3b: {  	[tilespmem:s0+$0x5750] =	vst v0  }
0x3c: {  	[tilespmem:s0+$0x5760] =	vst v0;
	s0 =	simm.s32 $0x0;
	s1 =	simm.s32 $0x200  }
.LBB2_4:
0x3d: {  	p0 =	sne.s32 s1, $0xFE00;
	[tilespmem:s0+$0x7F70] =	vst v0  }
0x3e: {  	[tilespmem:s0+$0x7F00] =	vst v0  }
0x3f: {  	[tilespmem:s0+$0x7F10] =	vst v0  }
.Ltmp1:
0x40: {  	[tilespmem:s0+$0x7F20] =	vst v0;
	(pc) =	sbr.rel @p0 .LBB2_4-.Ltmp1, $4  }
0x41: {  	[tilespmem:s0+$0x7F30] =	vst v0  }
0x42: {  	[tilespmem:s0+$0x7F40] =	vst v0  }
0x43: {  	[tilespmem:s0+$0x7F50] =	vst v0  }
0x44: {  	[tilespmem:s0+$0x7F60] =	vst v0;
	s0 =	sshra.s32 s1, $0x2;
	s1 =	sadd.s32 $0x200, s1  }
0x45: {  	[tilespmem:s0+$0x7F70] =	vst v0  }
0x46: {  	[tilespmem:s0+$0x7F00] =	vst v0  }
0x47: {  	[tilespmem:s0+$0x7F10] =	vst v0  }
0x48: {  	[tilespmem:s0+$0x7F20] =	vst v0  }
0x49: {  	[tilespmem:s0+$0x7F30] =	vst v0  }
0x4a: {  	[tilespmem:s0+$0x7F40] =	vst v0  }
0x4b: {  	[tilespmem:s0+$0x7F50] =	vst v0  }
0x4c: {  	[tilespmem:s0+$0x7F60] =	vst v0  }
0x4d: {  	[spmem:s11] =	stream.linear.scatter [tilespmem:s13], [sflag:$0x5], $0x4000, $0x38;
	v63 =	vld [tilespmem:$0x0]  }
0x4e: {  	_ =	swait.ge [sflag:s9], $0x4000  }
0x4f: {  	[sflag:s9] =	ssyncset.done $0x0  }
0x50: {  	[sflag:s9] =	ssyncadd.s32 $0xFFFFC000  }
0x51: {  	[spmem:s14] =	stream.linear.scatter [tilespmem:s13], [sflag:$0x5], $0x4000, $0x38;
	v63 =	vld [tilespmem:$0x0]  }
0x52: {  	_ =	swait.ge [sflag:s9], $0x4000  }
0x53: {  	[sflag:s9] =	ssyncset.done $0x0  }
0x54: {  	[sflag:s9] =	ssyncadd.s32 $0xFFFFC000  }
0x55: {  	[spmem:s15] =	stream.linear.scatter [tilespmem:s13], [sflag:$0x5], $0x4000, $0x38;
	v63 =	vld [tilespmem:$0x0]  }
0x56: {  	_ =	swait.ge [sflag:s9], $0x4000  }
0x57: {  	[sflag:s9] =	ssyncset.done $0x0  }
0x58: {  	[sflag:s9] =	ssyncadd.s32 $0xFFFFC000  }
0x59: {  	[spmem:s16] =	stream.linear.scatter [tilespmem:s13], [sflag:$0x5], $0x4000, $0x38;
	v63 =	vld [tilespmem:$0x0]  }
0x5a: {  	_ =	swait.ge [sflag:s9], $0x4000  }
0x5b: {  	[sflag:s9] =	ssyncset.done $0x0  }
0x5c: {  	[sflag:s9] =	ssyncadd.s32 $0xFFFFC000  }
0x5d: {  	[spmem:s17] =	stream.linear.scatter [tilespmem:s13], [sflag:$0x5], $0x4000, $0x38;
	v63 =	vld [tilespmem:$0x0]  }
0x5e: {  	_ =	swait.ge [sflag:s9], $0x4000  }
0x5f: {  	[sflag:s9] =	ssyncset.done $0x0  }
0x60: {  	v6 =	vimm.f32 $-3.000000010e+38;
	[sflag:s9] =	ssyncadd.s32 $0xFFFFC000  }
0x61: {  	[tilespmem:$0xBF00] =	vst v6  }
0x62: {  	s1 =	simm.s32 $0x0;
	s0 =	simm.s32 $0x40;
	v7 =	vimm.f32 $-3.000000010e+38;
	[tilespmem:$0xBF10] =	vst v6  }
.LBB2_6:
0x63: {  	p0 =	sne.s32 s0, $0x9C40;
	v8 =	vld [tilespmem:s1+$0x0];
	_ =	sdelay $0x4  }
0x64: {  	v6 =	vmax.f32 v6, v8  }
0x65: {  	[tilespmem:$0xBF00] =	vst v6  }
0x66: {  	v8 =	vld [tilespmem:s1+$0x2780];
	_ =	sdelay $0x1  }
.Ltmp2:
0x67: {  	(pc) =	sbr.rel @p0 .LBB2_6-.Ltmp2, $3  }
0x68: {  	_ =	sdelay $0x1  }
0x69: {  	v7 =	vmax.f32 v7, v8  }
0x6a: {  	s1 =	sshra.s32 s0, $0x2;
	s0 =	sadd.s32 $0x40, s0;
	[tilespmem:$0xBF10] =	vst v7  }
0x6b: {  	v8 =	vld [tilespmem:s1+$0x0];
	_ =	sdelay $0x4  }
0x6c: {  	v6 =	vmax.f32 v6, v8  }
0x6d: {  	[tilespmem:$0xBF00] =	vst v6  }
0x6e: {  	v8 =	vld [tilespmem:s1+$0x2780];
	_ =	sdelay $0x4  }
0x6f: {  	(xrf0) =	vmax.scan.msk.f32 $0xffff, v6;
	v7 =	vmax.f32 v7, v8  }
0x70: {  	v6 =	vld [tilespmem:$0xBF70];
	(xrf0) =	vmax.scan.msk.f32 $0xffff, v7;
	_ =	sdelay $0x4  }
0x71: {  	(v2sf) =	vpush v6, $0x0;
	v8, _, _ =	vpop (xrf0)  }
0x72: {  	(v2sf) =	vpush v8, $0xF;
	v8, _, _ =	vpop (xrf0)  }
0x73: {  	(v2sf) =	vpush v8, $0xF;
	_ =	sdelay $0xc  }
0x74: {  	s0 =	spop (v2sf)  }
0x75: {  	s31 =	spop (v2sf)  }
0x76: {  	s5 =	spop (v2sf)  }
0x77: {  	s1 =	sadd.f32 s5, s31;
	_ =	sdelay $0x1  }
0x78: {  	s0 =	sadd.f32 s1, s0;
	_ =	sdelay $0x1  }
0x79: {  	s1 =	smul.f32 $9.999999770e-03, s0;
	_ =	sdelay $0x1  }
0x7a: {  	[tilespmem:$0xBF10] =	vst v7;
	s0 =	smax.f32 s0, s1  }
0x7b: {  	v6 =	vbroadcast v6, $0x0;
	_ =	strace $0x80000048;
	s1 =	simm.s32 $0x0;
	v7 =	vmov s0;
	s0 =	simm.s32 $0x0  }
.LBB2_8:
0x7c: {  	s5 =	sadd.s32 s10, s1  }
0x7d: {  	s5 =	sshll.u32 s5, $0x7  }
0x7e: {  	s6 =	sadd.s32 s2, s5  }
0x7f: {  	[tilespmem:s18], [sflag:$0x1] =	stream.linear.gather [hbm4b:s6+s0], $0x400, $0x200038;
	v63 =	vld [tilespmem:$0x0]  }
0x80: {  	s5 =	sadd.s32 s8, s5  }
0x81: {  	[tilespmem:s19], [sflag:$0x2] =	stream.linear.gather [hbm4b:s5+s0], $0x400, $0x200038;
	v63 =	vld [tilespmem:$0x0]  }
0x82: {  	_ =	swait.ge [sflag:s20], $0x400  }
0x83: {  	[sflag:s20] =	ssyncset.done $0x0  }
0x84: {  	[sflag:s20] =	ssyncadd.s32 $0xFFFFFC00  }
0x85: {  	_ =	swait.ge [sflag:s21], $0x400  }
0x86: {  	[sflag:s21] =	ssyncset.done $0x0  }
0x87: {  	s5 =	simm.s32 $0x0;
	[sflag:s21] =	ssyncadd.s32 $0xFFFFFC00  }
.LBB2_9:
0x88: {  	s6 =	sshra.s32 s5, $0x2  }
0x89: {  	v8 =	vld [tilespmem:s6+$0x5300]  }
0x8a: {  	v9 =	vld [tilespmem:s6+$0x4F00];
	_ =	sdelay $0x6  }
0x8b: {  	v10 =	vld.idx.msk [tilespmem:v8+s4+$0x0], $0xffff  }
0x8c: {  	v9 =	vld.idx.msk [tilespmem:v9+s12+$0x0], $0xffff;
	_ =	sdelay $0x4  }
0x8d: {  	v9 =	vadd.f32 v9, v10;
	_ =	sdelay $0x1  }
0x8e: {  	v9 =	vadd.f32 v9, v6;
	_ =	sdelay $0x1  }
0x8f: {  	v48 =	vmul.f32 $9.999999770e-03, v9;
	_ =	sdelay $0x1  }
0x90: {  	v9 =	vmax.f32 v9, v48  }
0x91: {  	v9 =	vsub.f32 v9, v7;
	_ =	sdelay $0x1  }
0x92: {  	v9 =	vmul.f32 $1.442695020e+00, v9;
	_ =	sdelay $0x1  }
0x93: {  	(erf) = vpow2.f32 v9;
	_ =	sdelay $0x8  }
0x94: {  	v9 =	vpop (erf)  }
0x95: {  	[tilespmem:v8+s22+$0x0] =	vst.idx.add.f32.msk $0xffff, v9  }
0x96: {  	v8 =	vld [tilespmem:s6+$0x5310]  }
0x97: {  	v9 =	vld [tilespmem:s6+$0x4F10];
	_ =	sdelay $0x6  }
0x98: {  	v49 =	vld.idx.msk [tilespmem:v8+s4+$0x0], $0xffff  }
0x99: {  	v9 =	vld.idx.msk [tilespmem:v9+s12+$0x0], $0xffff;
	_ =	sdelay $0x4  }
0x9a: {  	v9 =	vadd.f32 v9, v49;
	_ =	sdelay $0x1  }
0x9b: {  	v9 =	vadd.f32 v9, v6;
	_ =	sdelay $0x1  }
0x9c: {  	v50 =	vmul.f32 $9.999999770e-03, v9;
	_ =	sdelay $0x1  }
0x9d: {  	v9 =	vmax.f32 v9, v50  }
0x9e: {  	v9 =	vsub.f32 v9, v7;
	_ =	sdelay $0x1  }
0x9f: {  	v9 =	vmul.f32 $1.442695020e+00, v9;
	_ =	sdelay $0x1  }
0xa0: {  	(erf) = vpow2.f32 v9;
	_ =	sdelay $0x8  }
0xa1: {  	v9 =	vpop (erf)  }
0xa2: {  	[tilespmem:v8+s22+$0x0] =	vst.idx.add.f32.msk $0xffff, v9  }
0xa3: {  	v8 =	vld [tilespmem:s6+$0x5320]  }
0xa4: {  	v9 =	vld [tilespmem:s6+$0x4F20];
	_ =	sdelay $0x6  }
0xa5: {  	v51 =	vld.idx.msk [tilespmem:v8+s4+$0x0], $0xffff  }
0xa6: {  	v9 =	vld.idx.msk [tilespmem:v9+s12+$0x0], $0xffff;
	_ =	sdelay $0x4  }
0xa7: {  	v9 =	vadd.f32 v9, v51;
	_ =	sdelay $0x1  }
0xa8: {  	v9 =	vadd.f32 v9, v6;
	_ =	sdelay $0x1  }
0xa9: {  	v52 =	vmul.f32 $9.999999770e-03, v9;
	_ =	sdelay $0x1  }
0xaa: {  	v9 =	vmax.f32 v9, v52  }
0xab: {  	v9 =	vsub.f32 v9, v7;
	_ =	sdelay $0x1  }
0xac: {  	v9 =	vmul.f32 $1.442695020e+00, v9;
	_ =	sdelay $0x1  }
0xad: {  	(erf) = vpow2.f32 v9;
	_ =	sdelay $0x8  }
0xae: {  	v9 =	vpop (erf)  }
0xaf: {  	[tilespmem:v8+s22+$0x0] =	vst.idx.add.f32.msk $0xffff, v9  }
0xb0: {  	v8 =	vld [tilespmem:s6+$0x5330]  }
0xb1: {  	v9 =	vld [tilespmem:s6+$0x4F30];
	_ =	sdelay $0x6  }
0xb2: {  	v53 =	vld.idx.msk [tilespmem:v8+s4+$0x0], $0xffff  }
0xb3: {  	v9 =	vld.idx.msk [tilespmem:v9+s12+$0x0], $0xffff;
	_ =	sdelay $0x4  }
0xb4: {  	v9 =	vadd.f32 v9, v53;
	_ =	sdelay $0x1  }
0xb5: {  	v9 =	vadd.f32 v9, v6;
	_ =	sdelay $0x1  }
0xb6: {  	v54 =	vmul.f32 $9.999999770e-03, v9;
	_ =	sdelay $0x1  }
0xb7: {  	v9 =	vmax.f32 v9, v54  }
0xb8: {  	v9 =	vsub.f32 v9, v7;
	_ =	sdelay $0x1  }
0xb9: {  	v9 =	vmul.f32 $1.442695020e+00, v9;
	_ =	sdelay $0x1  }
0xba: {  	(erf) = vpow2.f32 v9;
	_ =	sdelay $0x8  }
0xbb: {  	v9 =	vpop (erf)  }
0xbc: {  	[tilespmem:v8+s22+$0x0] =	vst.idx.add.f32.msk $0xffff, v9  }
0xbd: {  	v8 =	vld [tilespmem:s6+$0x5340]  }
0xbe: {  	v9 =	vld [tilespmem:s6+$0x4F40];
	_ =	sdelay $0x6  }
0xbf: {  	v55 =	vld.idx.msk [tilespmem:v8+s4+$0x0], $0xffff  }
0xc0: {  	v9 =	vld.idx.msk [tilespmem:v9+s12+$0x0], $0xffff;
	_ =	sdelay $0x4  }
0xc1: {  	v9 =	vadd.f32 v9, v55;
	_ =	sdelay $0x1  }
0xc2: {  	v9 =	vadd.f32 v9, v6;
	_ =	sdelay $0x1  }
0xc3: {  	v56 =	vmul.f32 $9.999999770e-03, v9;
	_ =	sdelay $0x1  }
0xc4: {  	v9 =	vmax.f32 v9, v56  }
0xc5: {  	v9 =	vsub.f32 v9, v7;
	_ =	sdelay $0x1  }
0xc6: {  	v9 =	vmul.f32 $1.442695020e+00, v9;
	_ =	sdelay $0x1  }
0xc7: {  	(erf) = vpow2.f32 v9;
	_ =	sdelay $0x8  }
0xc8: {  	v9 =	vpop (erf)  }
0xc9: {  	[tilespmem:v8+s22+$0x0] =	vst.idx.add.f32.msk $0xffff, v9  }
0xca: {  	v8 =	vld [tilespmem:s6+$0x5350]  }
0xcb: {  	v9 =	vld [tilespmem:s6+$0x4F50];
	_ =	sdelay $0x6  }
0xcc: {  	v57 =	vld.idx.msk [tilespmem:v8+s4+$0x0], $0xffff  }
0xcd: {  	v9 =	vld.idx.msk [tilespmem:v9+s12+$0x0], $0xffff;
	_ =	sdelay $0x4  }
0xce: {  	v9 =	vadd.f32 v9, v57;
	_ =	sdelay $0x1  }
0xcf: {  	v9 =	vadd.f32 v9, v6;
	_ =	sdelay $0x1  }
0xd0: {  	v58 =	vmul.f32 $9.999999770e-03, v9;
	_ =	sdelay $0x1  }
0xd1: {  	v9 =	vmax.f32 v9, v58  }
0xd2: {  	v9 =	vsub.f32 v9, v7;
	_ =	sdelay $0x1  }
0xd3: {  	v9 =	vmul.f32 $1.442695020e+00, v9;
	_ =	sdelay $0x1  }
0xd4: {  	(erf) = vpow2.f32 v9;
	_ =	sdelay $0x8  }
0xd5: {  	v9 =	vpop (erf)  }
0xd6: {  	[tilespmem:v8+s22+$0x0] =	vst.idx.add.f32.msk $0xffff, v9  }
0xd7: {  	v8 =	vld [tilespmem:s6+$0x5360]  }
0xd8: {  	v9 =	vld [tilespmem:s6+$0x4F60];
	_ =	sdelay $0x6  }
0xd9: {  	v59 =	vld.idx.msk [tilespmem:v8+s4+$0x0], $0xffff  }
0xda: {  	v9 =	vld.idx.msk [tilespmem:v9+s12+$0x0], $0xffff;
	_ =	sdelay $0x4  }
0xdb: {  	v9 =	vadd.f32 v9, v59;
	_ =	sdelay $0x1  }
0xdc: {  	v9 =	vadd.f32 v9, v6;
	_ =	sdelay $0x1  }
0xdd: {  	v60 =	vmul.f32 $9.999999770e-03, v9;
	_ =	sdelay $0x1  }
0xde: {  	v9 =	vmax.f32 v9, v60  }
0xdf: {  	v9 =	vsub.f32 v9, v7;
	_ =	sdelay $0x1  }
0xe0: {  	v9 =	vmul.f32 $1.442695020e+00, v9;
	_ =	sdelay $0x1  }
0xe1: {  	(erf) = vpow2.f32 v9;
	_ =	sdelay $0x8  }
0xe2: {  	v9 =	vpop (erf)  }
0xe3: {  	[tilespmem:v8+s22+$0x0] =	vst.idx.add.f32.msk $0xffff, v9  }
0xe4: {  	v8 =	vld [tilespmem:s6+$0x5370]  }
0xe5: {  	v9 =	vld [tilespmem:s6+$0x4F70];
	_ =	sdelay $0x6  }
0xe6: {  	v61 =	vld.idx.msk [tilespmem:v8+s4+$0x0], $0xffff  }
0xe7: {  	v9 =	vld.idx.msk [tilespmem:v9+s12+$0x0], $0xffff;
	_ =	sdelay $0x4  }
0xe8: {  	v9 =	vadd.f32 v9, v61;
	_ =	sdelay $0x1  }
0xe9: {  	v9 =	vadd.f32 v9, v6;
	_ =	sdelay $0x1  }
0xea: {  	v62 =	vmul.f32 $9.999999770e-03, v9;
	_ =	sdelay $0x1  }
0xeb: {  	v9 =	vmax.f32 v9, v62  }
0xec: {  	v9 =	vsub.f32 v9, v7;
	_ =	sdelay $0x1  }
0xed: {  	v9 =	vmul.f32 $1.442695020e+00, v9;
	_ =	sdelay $0x1  }
0xee: {  	(erf) = vpow2.f32 v9;
	_ =	sdelay $0x4  }
0xef: {  	p0 =	sne.s32 s5, $0xE00  }
.Ltmp3:
0xf0: {  	_ = 	snop;
	(pc) =	sbr.rel @p0 .LBB2_9-.Ltmp3, $3  }
0xf1: {  	_ =	sdelay $0x1  }
0xf2: {  	v9 =	vpop (erf)  }
0xf3: {  	s5 =	sadd.s32 $0x200, s5;
	[tilespmem:v8+s22+$0x0] =	vst.idx.add.f32.msk $0xffff, v9  }
0xf4: {  	s1 =	sadd.s32 $0x1, s1  }
0xf5: {  	p0 =	sne.s32 s1, $0x14  }
.Ltmp4:
0xf6: {  	_ = 	snop;
	(pc) =	sbr.rel @p0 .LBB2_8-.Ltmp4, $1  }
0xf7: {  	_ =	sdelay $0x3  }
0xf8: {  	_ =	strace $0x90000048  }
0xf9: {  	_ =	strace $0x80000049;
	[tilespmem:$0xBF80] =	vst v1  }
0xfa: {  	[tilespmem:$0xBF90] =	vst v2  }
0xfb: {  	[tilespmem:$0xBFA0] =	vst v3  }
0xfc: {  	[tilespmem:$0xBFB0] =	vst v4  }
0xfd: {  	[tilespmem:$0xBFC0] =	vst v5  }
0xfe: {  	s0 =	simm.s32 $0x50;
	s1 =	simm.s32 $0xBF80;
	[bflag:$0x0] =	sbarrier.arrive $0xFFFF  }
0xff: {  	[spmem:s3] =	stream.indirect.scatter.add.f32 [tilespmem:s22], [sflag:$0x5], $0x80, s1, s0, $0x2000b8;
	v63 =	vld [tilespmem:$0x0]  }
0x100: {  	_ =	swait.ge [sflag:s9], $0x2800  }
0x101: {  	[sflag:s9] =	ssyncset.done $0x0  }
0x102: {  	[sflag:s9] =	ssyncadd.s32 $0xFFFFD800  }
0x103: {  	[bflag:$0x0] =	sbarrier.arrive $0xFFFF  }
0x104: {  	s1 =	rddreg [dreg:$0x9]  }
0x105: {  	[tilespmem:s22], [sflag:$0x5] =	stream.linear.gather [spmem:s1], $0x400, $0x200038;
	v63 =	vld [tilespmem:$0x0]  }
0x106: {  	_ =	swait.ge [sflag:s9], $0x400  }
0x107: {  	[sflag:s9] =	ssyncset.done $0x0  }
0x108: {  	s6 =	simm.s32 $0x5B00;
	s5 =	rddreg [dreg:$0xf];
	[sflag:s9] =	ssyncadd.s32 $0xFFFFFC00  }
0x109: {  	[tilespmem:s6], [sflag:$0x5] =	stream.linear.gather [spmem:s5], $0x400, $0x200038;
	v63 =	vld [tilespmem:$0x0]  }
0x10a: {  	_ =	swait.ge [sflag:s9], $0x400  }
0x10b: {  	[sflag:s9] =	ssyncset.done $0x0  }
0x10c: {  	s28 =	simm.s32 $0x5F00;
	s26 =	rddreg [dreg:$0x10];
	[sflag:s9] =	ssyncadd.s32 $0xFFFFFC00  }
0x10d: {  	[tilespmem:s28], [sflag:$0x5] =	stream.linear.gather [spmem:s26], $0x400, $0x200038;
	v63 =	vld [tilespmem:$0x0]  }
0x10e: {  	_ =	swait.ge [sflag:s9], $0x400  }
0x10f: {  	[sflag:s9] =	ssyncset.done $0x0  }
0x110: {  	s6 =	simm.s32 $0x6300;
	s5 =	rddreg [dreg:$0x11];
	[sflag:s9] =	ssyncadd.s32 $0xFFFFFC00  }
0x111: {  	[tilespmem:s6], [sflag:$0x5] =	stream.linear.gather [spmem:s5], $0x400, $0x200038;
	v63 =	vld [tilespmem:$0x0]  }
0x112: {  	_ =	swait.ge [sflag:s9], $0x400  }
0x113: {  	[sflag:s9] =	ssyncset.done $0x0  }
0x114: {  	s28 =	simm.s32 $0x6700;
	s26 =	rddreg [dreg:$0x15];
	[sflag:s9] =	ssyncadd.s32 $0xFFFFFC00  }
0x115: {  	[tilespmem:s28], [sflag:$0x5] =	stream.linear.gather [spmem:s26], $0x400, $0x200038;
	v63 =	vld [tilespmem:$0x0]  }
0x116: {  	_ =	swait.ge [sflag:s9], $0x400  }
0x117: {  	[sflag:s9] =	ssyncset.done $0x0  }
0x118: {  	s6 =	simm.s32 $0x6B00;
	s5 =	rddreg [dreg:$0x13];
	[sflag:s9] =	ssyncadd.s32 $0xFFFFFC00  }
0x119: {  	[tilespmem:s6], [sflag:$0x5] =	stream.linear.gather [spmem:s5], $0x400, $0x200038;
	v63 =	vld [tilespmem:$0x0]  }
0x11a: {  	_ =	swait.ge [sflag:s9], $0x400  }
0x11b: {  	[sflag:s9] =	ssyncset.done $0x0  }
0x11c: {  	s28 =	simm.s32 $0x6F00;
	s26 =	rddreg [dreg:$0x14];
	[sflag:s9] =	ssyncadd.s32 $0xFFFFFC00  }
0x11d: {  	[tilespmem:s28], [sflag:$0x5] =	stream.linear.gather [spmem:s26], $0x400, $0x200038;
	v63 =	vld [tilespmem:$0x0]  }
0x11e: {  	_ =	swait.ge [sflag:s9], $0x400  }
0x11f: {  	[sflag:s9] =	ssyncset.done $0x0  }
0x120: {  	s6 =	simm.s32 $0x7300;
	s5 =	rddreg [dreg:$0x16];
	[sflag:s9] =	ssyncadd.s32 $0xFFFFFC00  }
0x121: {  	[tilespmem:s6], [sflag:$0x5] =	stream.linear.gather [spmem:s5], $0x400, $0x200038;
	v63 =	vld [tilespmem:$0x0]  }
0x122: {  	_ =	swait.ge [sflag:s9], $0x400  }
0x123: {  	[sflag:s9] =	ssyncset.done $0x0  }
0x124: {  	s28 =	simm.s32 $0x7700;
	s26 =	rddreg [dreg:$0x17];
	[sflag:s9] =	ssyncadd.s32 $0xFFFFFC00  }
0x125: {  	[tilespmem:s28], [sflag:$0x5] =	stream.linear.gather [spmem:s26], $0x400, $0x200038;
	v63 =	vld [tilespmem:$0x0]  }
0x126: {  	_ =	swait.ge [sflag:s9], $0x400  }
0x127: {  	[sflag:s9] =	ssyncset.done $0x0  }
0x128: {  	s5 =	simm.s32 $0x7B00;
	s1 =	rddreg [dreg:$0x18];
	[sflag:s9] =	ssyncadd.s32 $0xFFFFFC00  }
0x129: {  	[tilespmem:s5], [sflag:$0x5] =	stream.linear.gather [spmem:s1], $0x400, $0x200038;
	v63 =	vld [tilespmem:$0x0]  }
0x12a: {  	_ =	swait.ge [sflag:s9], $0x400  }
0x12b: {  	[sflag:s9] =	ssyncset.done $0x0  }
0x12c: {  	[sflag:s9] =	ssyncadd.s32 $0xFFFFFC00  }
0x12d: {  	_ =	strace $0x90000049  }
0x12e: {  	_ =	strace $0x8000004A  }
0x12f: {  	s6 =	rddreg [dreg:$0x7]  }
0x130: {  	[tilespmem:s18], [sflag:$0x5] =	stream.linear.gather [hbm4b:s6+s30], $0x400, $0x200038;
	v63 =	vld [tilespmem:$0x0]  }
0x131: {  	_ =	swait.ge [sflag:s9], $0x400  }
0x132: {  	[sflag:s9] =	ssyncset.done $0x0  }
0x133: {  	s26 =	rddreg [dreg:$0x8];
	[sflag:s9] =	ssyncadd.s32 $0xFFFFFC00  }
0x134: {  	[tilespmem:s19], [sflag:$0x5] =	stream.linear.gather [hbm4b:s26+s30], $0x400, $0x200038;
	v63 =	vld [tilespmem:$0x0]  }
0x135: {  	_ =	swait.ge [sflag:s9], $0x400  }
0x136: {  	[sflag:s9] =	ssyncset.done $0x0  }
0x137: {  	[sflag:s9] =	ssyncadd.s32 $0xFFFFFC00  }
0x138: {  	[tilespmem:s13], [sflag:$0x1] =	stream.indirect.gather [hbm4b:s7+s23], $0x80, s18, s23, $0x2000b8;
	v63 =	vld [tilespmem:$0x0]  }
0x139: {  	s31 =	simm.s32 $0x0;
	s28 =	simm.s32 $0x4F40  }
0x13a: {  	[tilespmem:s24], [sflag:$0x2] =	stream.indirect.gather [hbm4b:s7+s23], $0x80, s28, s23, $0x2000b8;
	v63 =	vld [tilespmem:$0x0]  }
.LBB2_12:
0x13b: {  	_ =	swait.ge [sflag:s20], $0x2000  }
0x13c: {  	s1 =	sand.u32 $0x7, s31;
	[sflag:s20] =	ssyncset.done $0x0  }
0x13d: {  	s0 =	sshll.u32 s1, $0x7;
	[sflag:s20] =	ssyncadd.s32 $0xFFFFE000  }
0x13e: {  	v8 =	vld [tilespmem:s0+$0x5300]  }
0x13f: {  	v9 =	vld [tilespmem:s0+$0x4F00];
	_ =	sdelay $0x6  }
0x140: {  	v10 =	vld.idx.msk [tilespmem:v8+s30+$0x0], $0xffff  }
0x141: {  	v9 =	vld.idx.msk [tilespmem:v9+s12+$0x0], $0xffff;
	_ =	sdelay $0x4  }
0x142: {  	v9 =	vadd.f32 v9, v10;
	_ =	sdelay $0x1  }
0x143: {  	v9 =	vadd.f32 v9, v6;
	_ =	sdelay $0x1  }
0x144: {  	v10 =	vmul.f32 $9.999999770e-03, v9;
	_ =	sdelay $0x1  }
0x145: {  	v9 =	vmax.f32 v9, v10  }
0x146: {  	v8 =	vld.idx.msk [tilespmem:v8+s22+$0x0], $0xffff;
	v9 =	vsub.f32 v9, v7;
	_ =	sdelay $0x1  }
0x147: {  	v9 =	vmul.f32 $1.442695020e+00, v9;
	_ =	sdelay $0x1  }
0x148: {  	(erf) = vpow2.f32 v9  }
0x149: {  	(erf) = vrcp.f32 v8;
	_ =	sdelay $0x7  }
0x14a: {  	v8 =	vpop (erf)  }
0x14b: {  	v9 =	vpop (erf)  }
0x14c: {  	v8 =	vmul.f32 v8, v9;
	_ =	sdelay $0x1  }
0x14d: {  	v8 =	vadd.f32 $1.000000000e+00, v8;
	_ =	sdelay $0x1  }
0x14e: {  	[tilespmem:$0xBF00] =	vst v8  }
0x14f: {  	v8 =	vld [tilespmem:s0+$0x5310]  }
0x150: {  	v9 =	vld [tilespmem:s0+$0x4F10];
	_ =	sdelay $0x6  }
0x151: {  	v10 =	vld.idx.msk [tilespmem:v8+s30+$0x0], $0xffff  }
0x152: {  	v9 =	vld.idx.msk [tilespmem:v9+s12+$0x0], $0xffff;
	_ =	sdelay $0x4  }
0x153: {  	v9 =	vadd.f32 v9, v10;
	_ =	sdelay $0x1  }
0x154: {  	v9 =	vadd.f32 v9, v6;
	_ =	sdelay $0x1  }
0x155: {  	v10 =	vmul.f32 $9.999999770e-03, v9;
	_ =	sdelay $0x1  }
0x156: {  	v9 =	vmax.f32 v9, v10  }
0x157: {  	v8 =	vld.idx.msk [tilespmem:v8+s22+$0x0], $0xffff;
	v9 =	vsub.f32 v9, v7;
	_ =	sdelay $0x1  }
0x158: {  	v9 =	vmul.f32 $1.442695020e+00, v9;
	_ =	sdelay $0x1  }
0x159: {  	(erf) = vpow2.f32 v9  }
0x15a: {  	(erf) = vrcp.f32 v8;
	_ =	sdelay $0x7  }
0x15b: {  	v8 =	vpop (erf)  }
0x15c: {  	v9 =	vpop (erf)  }
0x15d: {  	v8 =	vmul.f32 v8, v9;
	_ =	sdelay $0x1  }
0x15e: {  	v8 =	vadd.f32 $1.000000000e+00, v8;
	_ =	sdelay $0x1  }
0x15f: {  	[tilespmem:$0xBF10] =	vst v8  }
0x160: {  	v8 =	vld [tilespmem:s0+$0x5320]  }
0x161: {  	v9 =	vld [tilespmem:s0+$0x4F20];
	_ =	sdelay $0x6  }
0x162: {  	v10 =	vld.idx.msk [tilespmem:v8+s30+$0x0], $0xffff  }
0x163: {  	v9 =	vld.idx.msk [tilespmem:v9+s12+$0x0], $0xffff;
	_ =	sdelay $0x4  }
0x164: {  	v9 =	vadd.f32 v9, v10;
	_ =	sdelay $0x1  }
0x165: {  	v9 =	vadd.f32 v9, v6;
	_ =	sdelay $0x1  }
0x166: {  	v10 =	vmul.f32 $9.999999770e-03, v9;
	_ =	sdelay $0x1  }
0x167: {  	v9 =	vmax.f32 v9, v10  }
0x168: {  	v8 =	vld.idx.msk [tilespmem:v8+s22+$0x0], $0xffff;
	v9 =	vsub.f32 v9, v7;
	_ =	sdelay $0x1  }
0x169: {  	v9 =	vmul.f32 $1.442695020e+00, v9;
	_ =	sdelay $0x1  }
0x16a: {  	(erf) = vpow2.f32 v9  }
0x16b: {  	(erf) = vrcp.f32 v8;
	_ =	sdelay $0x7  }
0x16c: {  	v8 =	vpop (erf)  }
0x16d: {  	v9 =	vpop (erf)  }
0x16e: {  	v8 =	vmul.f32 v8, v9;
	_ =	sdelay $0x1  }
0x16f: {  	v8 =	vadd.f32 $1.000000000e+00, v8;
	_ =	sdelay $0x1  }
0x170: {  	[tilespmem:$0xBF20] =	vst v8  }
0x171: {  	v8 =	vld [tilespmem:s0+$0x5330]  }
0x172: {  	v9 =	vld [tilespmem:s0+$0x4F30];
	_ =	sdelay $0x6  }
0x173: {  	v10 =	vld.idx.msk [tilespmem:v8+s30+$0x0], $0xffff  }
0x174: {  	v9 =	vld.idx.msk [tilespmem:v9+s12+$0x0], $0xffff;
	_ =	sdelay $0x4  }
0x175: {  	v9 =	vadd.f32 v9, v10;
	_ =	sdelay $0x1  }
0x176: {  	v9 =	vadd.f32 v9, v6;
	_ =	sdelay $0x1  }
0x177: {  	v10 =	vmul.f32 $9.999999770e-03, v9;
	_ =	sdelay $0x1  }
0x178: {  	v9 =	vmax.f32 v9, v10  }
0x179: {  	v8 =	vld.idx.msk [tilespmem:v8+s22+$0x0], $0xffff;
	v9 =	vsub.f32 v9, v7;
	_ =	sdelay $0x1  }
0x17a: {  	v9 =	vmul.f32 $1.442695020e+00, v9;
	_ =	sdelay $0x1  }
0x17b: {  	(erf) = vpow2.f32 v9  }
0x17c: {  	(erf) = vrcp.f32 v8;
	_ =	sdelay $0x7  }
0x17d: {  	v8 =	vpop (erf)  }
0x17e: {  	v9 =	vpop (erf)  }
0x17f: {  	v8 =	vmul.f32 v8, v9;
	_ =	sdelay $0x1  }
0x180: {  	v8 =	vadd.f32 $1.000000000e+00, v8  }
0x181: {  	s5 =	simm.s32 $0x0  }
0x182: {  	s6 =	simm.s32 $0x0;
	s5 =	sand.u32 $0x3FFFFFF0, s5;
	[tilespmem:$0xBF30] =	vst v8  }
0x183: {  	v8 =	vld [tilespmem:s5+$0xBF00];
	s5 =	sand.u32 $0x3FFFF800, s6  }
0x184: {  	v14 =	vld [tilespmem:s5+$0x7FC0]  }
0x185: {  	v10 =	vld [tilespmem:s5+$0x7F20]  }
0x186: {  	v11 =	vld [tilespmem:s5+$0x7F30]  }
0x187: {  	v17 =	vld [tilespmem:s5+$0x7F60]  }
0x188: {  	v18 =	vld [tilespmem:s5+$0x7F70];
	v9 =	vbroadcast v8, $0x0  }
0x189: {  	v19 =	vld [tilespmem:s5+$0x7F80]  }
0x18a: {  	v20 =	vld [tilespmem:s5+$0x7F90];
	v10 =	vmul.f32 v10, v9  }
0x18b: {  	v21 =	vld [tilespmem:s5+$0x7FA0];
	v11 =	vmul.f32 v11, v9  }
0x18c: {  	v16 =	vld [tilespmem:s5+$0x7FB0];
	v48 =	vbroadcast v8, $0x1;
	v47 =	vmul.f32 v17, v9;
	[tilespmem:s5+$0x7F20] =	vst v10  }
0x18d: {  	v15 =	vld [tilespmem:s5+$0x7FD0];
	v18 =	vmul.f32 v18, v9;
	[tilespmem:s5+$0x7F30] =	vst v11  }
0x18e: {  	v13 =	vld [tilespmem:s5+$0x8470];
	v19 =	vmul.f32 v19, v48;
	[tilespmem:s5+$0x7F60] =	vst v47  }
0x18f: {  	v50 =	vld [tilespmem:s5+$0x7FF0];
	v20 =	vmul.f32 v20, v48;
	[tilespmem:s5+$0x7F70] =	vst v18  }
0x190: {  	v51 =	vld [tilespmem:s5+$0x8000];
	v21 =	vmul.f32 v21, v48;
	[tilespmem:s5+$0x7F80] =	vst v19  }
0x191: {  	v52 =	vld [tilespmem:s5+$0x8010];
	v16 =	vmul.f32 v16, v48;
	[tilespmem:s5+$0x7F90] =	vst v20  }
0x192: {  	v49 =	vld [tilespmem:s5+$0x7FE0];
	v14 =	vmul.f32 v14, v48;
	[tilespmem:s5+$0x7FA0] =	vst v21  }
0x193: {  	v53 =	vld [tilespmem:s5+$0x8020];
	v22 =	vbroadcast v8, $0x2;
	v15 =	vmul.f32 v15, v48;
	[tilespmem:s5+$0x7FB0] =	vst v16  }
0x194: {  	v54 =	vld [tilespmem:s5+$0x8030];
	v17 =	vmul.f32 v50, v48;
	[tilespmem:s5+$0x7FC0] =	vst v14  }
0x195: {  	v55 =	vld [tilespmem:s5+$0x8040];
	v12 =	vbroadcast v8, $0xA;
	v57 =	vmul.f32 v51, v22;
	[tilespmem:s5+$0x7FD0] =	vst v15  }
0x196: {  	v56 =	vld [tilespmem:s5+$0x8050];
	v59 =	vmul.f32 v52, v22;
	[tilespmem:s5+$0x7FF0] =	vst v17  }
0x197: {  	v58 =	vld [tilespmem:s5+$0x8060];
	v10 =	vmul.f32 v13, v12;
	[tilespmem:s5+$0x8000] =	vst v57  }
0x198: {  	v60 =	vld [tilespmem:s5+$0x8070];
	v18 =	vmul.f32 v49, v48;
	[tilespmem:s5+$0x8010] =	vst v59  }
0x199: {  	v61 =	vld [tilespmem:s5+$0x8080];
	v16 =	vmul.f32 v53, v22;
	[tilespmem:s5+$0x8470] =	vst v10  }
0x19a: {  	v62 =	vld [tilespmem:s5+$0x8090];
	v14 =	vmul.f32 v54, v22;
	[tilespmem:s5+$0x7FE0] =	vst v18  }
0x19b: {  	v24 =	vld [tilespmem:s5+$0x80A0];
	v15 =	vmul.f32 v55, v22;
	[tilespmem:s5+$0x8020] =	vst v16  }
0x19c: {  	v25 =	vld [tilespmem:s5+$0x80B0];
	v27 =	vbroadcast v8, $0x3;
	v17 =	vmul.f32 v58, v22;
	[tilespmem:s5+$0x8030] =	vst v14  }
0x19d: {  	v26 =	vld [tilespmem:s5+$0x80C0];
	v19 =	vmul.f32 v60, v22;
	[tilespmem:s5+$0x8040] =	vst v15  }
0x19e: {  	v28 =	vld [tilespmem:s5+$0x80D0];
	v20 =	vmul.f32 v61, v27;
	[tilespmem:s5+$0x8060] =	vst v17  }
0x19f: {  	v29 =	vld [tilespmem:s5+$0x80E0];
	v18 =	vmul.f32 v56, v22;
	[tilespmem:s5+$0x8070] =	vst v19  }
0x1a0: {  	v30 =	vld [tilespmem:s5+$0x80F0];
	v16 =	vmul.f32 v62, v27;
	[tilespmem:s5+$0x8080] =	vst v20  }
0x1a1: {  	v31 =	vld [tilespmem:s5+$0x8100];
	v14 =	vmul.f32 v24, v27;
	[tilespmem:s5+$0x8050] =	vst v18  }
0x1a2: {  	v32 =	vld [tilespmem:s5+$0x8110];
	v15 =	vmul.f32 v25, v27;
	[tilespmem:s5+$0x8090] =	vst v16  }
0x1a3: {  	v33 =	vld [tilespmem:s5+$0x8120];
	v17 =	vmul.f32 v28, v27;
	[tilespmem:s5+$0x80A0] =	vst v14  }
0x1a4: {  	v34 =	vld [tilespmem:s5+$0x8130];
	v19 =	vmul.f32 v29, v27;
	[tilespmem:s5+$0x80B0] =	vst v15  }
0x1a5: {  	v35 =	vld [tilespmem:s5+$0x8140];
	v36 =	vbroadcast v8, $0x4;
	v20 =	vmul.f32 v30, v27;
	[tilespmem:s5+$0x80D0] =	vst v17  }
0x1a6: {  	v37 =	vld [tilespmem:s5+$0x8150];
	v18 =	vmul.f32 v26, v27;
	[tilespmem:s5+$0x80E0] =	vst v19  }
0x1a7: {  	v38 =	vld [tilespmem:s5+$0x8160];
	v16 =	vmul.f32 v31, v36;
	[tilespmem:s5+$0x80F0] =	vst v20  }
0x1a8: {  	v39 =	vld [tilespmem:s5+$0x8170];
	v14 =	vmul.f32 v32, v36;
	[tilespmem:s5+$0x80C0] =	vst v18  }
0x1a9: {  	v40 =	vld [tilespmem:s5+$0x8180];
	v15 =	vmul.f32 v33, v36;
	[tilespmem:s5+$0x8100] =	vst v16  }
0x1aa: {  	v41 =	vld [tilespmem:s5+$0x8190];
	v17 =	vmul.f32 v35, v36;
	[tilespmem:s5+$0x8110] =	vst v14  }
0x1ab: {  	v42 =	vld [tilespmem:s5+$0x81A0];
	v19 =	vmul.f32 v37, v36;
	[tilespmem:s5+$0x8120] =	vst v15  }
0x1ac: {  	v43 =	vld [tilespmem:s5+$0x81B0];
	v20 =	vmul.f32 v38, v36;
	[tilespmem:s5+$0x8140] =	vst v17  }
0x1ad: {  	v44 =	vld [tilespmem:s5+$0x81C0];
	v45 =	vbroadcast v8, $0x5;
	v18 =	vmul.f32 v34, v36;
	[tilespmem:s5+$0x8150] =	vst v19  }
0x1ae: {  	v46 =	vld [tilespmem:s5+$0x81D0];
	v16 =	vmul.f32 v39, v36;
	[tilespmem:s5+$0x8160] =	vst v20  }
0x1af: {  	v50 =	vld [tilespmem:s5+$0x8210];
	v14 =	vmul.f32 v40, v45;
	[tilespmem:s5+$0x8130] =	vst v18  }
0x1b0: {  	v47 =	vld [tilespmem:s5+$0x81E0];
	v15 =	vmul.f32 v41, v45;
	[tilespmem:s5+$0x8170] =	vst v16  }
0x1b1: {  	v48 =	vld [tilespmem:s5+$0x81F0];
	v17 =	vmul.f32 v43, v45;
	[tilespmem:s5+$0x8180] =	vst v14  }
0x1b2: {  	v49 =	vld [tilespmem:s5+$0x8200];
	v19 =	vmul.f32 v44, v45;
	[tilespmem:s5+$0x8190] =	vst v15  }
0x1b3: {  	v51 =	vld [tilespmem:s5+$0x8220];
	v20 =	vmul.f32 v46, v45;
	[tilespmem:s5+$0x81B0] =	vst v17  }
0x1b4: {  	v52 =	vld [tilespmem:s5+$0x8230];
	v18 =	vmul.f32 v42, v45;
	[tilespmem:s5+$0x81C0] =	vst v19  }
0x1b5: {  	v53 =	vld [tilespmem:s5+$0x8240];
	v54 =	vbroadcast v8, $0x6;
	v16 =	vmul.f32 v47, v45;
	[tilespmem:s5+$0x81D0] =	vst v20  }
0x1b6: {  	v11 =	vld [tilespmem:s5+$0x8480];
	v14 =	vmul.f32 v48, v45;
	[tilespmem:s5+$0x81A0] =	vst v18  }
0x1b7: {  	v55 =	vld [tilespmem:s5+$0x8250];
	v15 =	vmul.f32 v49, v54;
	[tilespmem:s5+$0x81E0] =	vst v16  }
0x1b8: {  	v56 =	vld [tilespmem:s5+$0x8260];
	v17 =	vmul.f32 v51, v54;
	[tilespmem:s5+$0x81F0] =	vst v14  }
0x1b9: {  	v57 =	vld [tilespmem:s5+$0x8270];
	v19 =	vmul.f32 v52, v54;
	[tilespmem:s5+$0x8200] =	vst v15  }
0x1ba: {  	v59 =	vld [tilespmem:s5+$0x8290];
	v20 =	vmul.f32 v53, v54;
	[tilespmem:s5+$0x8220] =	vst v17  }
0x1bb: {  	v60 =	vld [tilespmem:s5+$0x82A0];
	v18 =	vmul.f32 v50, v54;
	[tilespmem:s5+$0x8230] =	vst v19  }
0x1bc: {  	v61 =	vld [tilespmem:s5+$0x82B0];
	v16 =	vmul.f32 v55, v54;
	[tilespmem:s5+$0x8240] =	vst v20  }
0x1bd: {  	v24 =	vbroadcast v8, $0x7;
	v46 =	vld [tilespmem:s5+$0x8400];
	v14 =	vmul.f32 v56, v54;
	[tilespmem:s5+$0x8210] =	vst v18  }
0x1be: {  	v58 =	vld [tilespmem:s5+$0x8280];
	v15 =	vmul.f32 v57, v54;
	[tilespmem:s5+$0x8250] =	vst v16  }
0x1bf: {  	v62 =	vld [tilespmem:s5+$0x82C0];
	v17 =	vmul.f32 v59, v24;
	[tilespmem:s5+$0x8260] =	vst v14  }
0x1c0: {  	v25 =	vld [tilespmem:s5+$0x82D0];
	v19 =	vmul.f32 v60, v24;
	[tilespmem:s5+$0x8270] =	vst v15  }
0x1c1: {  	v26 =	vld [tilespmem:s5+$0x82E0];
	v20 =	vmul.f32 v61, v24;
	[tilespmem:s5+$0x8290] =	vst v17  }
0x1c2: {  	v28 =	vld [tilespmem:s5+$0x8300];
	v52 =	vmul.f32 v46, v12;
	[tilespmem:s5+$0x82A0] =	vst v19  }
0x1c3: {  	v29 =	vld [tilespmem:s5+$0x8310];
	v18 =	vmul.f32 v58, v24;
	[tilespmem:s5+$0x82B0] =	vst v20  }
0x1c4: {  	v30 =	vld [tilespmem:s5+$0x8320];
	v16 =	vmul.f32 v62, v24;
	[tilespmem:s5+$0x8400] =	vst v52  }
0x1c5: {  	v33 =	vbroadcast v8, $0x8;
	v51 =	vld [tilespmem:s5+$0x8450];
	v14 =	vmul.f32 v25, v24;
	[tilespmem:s5+$0x8280] =	vst v18  }
0x1c6: {  	v27 =	vld [tilespmem:s5+$0x82F0];
	v15 =	vmul.f32 v26, v24;
	[tilespmem:s5+$0x82C0] =	vst v16  }
0x1c7: {  	v31 =	vld [tilespmem:s5+$0x8330];
	v17 =	vmul.f32 v28, v33;
	[tilespmem:s5+$0x82D0] =	vst v14  }
0x1c8: {  	v32 =	vld [tilespmem:s5+$0x8340];
	v19 =	vmul.f32 v29, v33;
	[tilespmem:s5+$0x82E0] =	vst v15  }
0x1c9: {  	v34 =	vld [tilespmem:s5+$0x8350];
	v20 =	vmul.f32 v30, v33;
	[tilespmem:s5+$0x8300] =	vst v17  }
0x1ca: {  	v36 =	vld [tilespmem:s5+$0x8370];
	v59 =	vmul.f32 v51, v12;
	[tilespmem:s5+$0x8310] =	vst v19  }
0x1cb: {  	v37 =	vld [tilespmem:s5+$0x8380];
	v18 =	vmul.f32 v27, v24;
	[tilespmem:s5+$0x8320] =	vst v20  }
0x1cc: {  	v38 =	vld [tilespmem:s5+$0x8390];
	v16 =	vmul.f32 v31, v33;
	[tilespmem:s5+$0x8450] =	vst v59  }
0x1cd: {  	v13 =	vld [tilespmem:s5+$0x8490];
	v14 =	vmul.f32 v32, v33;
	[tilespmem:s5+$0x82F0] =	vst v18  }
0x1ce: {  	v10 =	vld [tilespmem:s5+$0x86D0];
	v42 =	vbroadcast v8, $0x9;
	v15 =	vmul.f32 v34, v33;
	[tilespmem:s5+$0x8330] =	vst v16  }
0x1cf: {  	v50 =	vld [tilespmem:s5+$0x8440];
	v17 =	vmul.f32 v36, v33;
	[tilespmem:s5+$0x8340] =	vst v14  }
0x1d0: {  	v54 =	vld [tilespmem:s5+$0x7F00];
	v62 =	vbroadcast v8, $0xB;
	v19 =	vmul.f32 v37, v42;
	[tilespmem:s5+$0x8350] =	vst v15  }
0x1d1: {  	v35 =	vld [tilespmem:s5+$0x8360];
	v20 =	vmul.f32 v38, v42;
	[tilespmem:s5+$0x8370] =	vst v17  }
0x1d2: {  	v39 =	vld [tilespmem:s5+$0x83A0];
	v11 =	vmul.f32 v11, v62;
	[tilespmem:s5+$0x8380] =	vst v19  }
0x1d3: {  	v40 =	vld [tilespmem:s5+$0x83B0];
	v13 =	vmul.f32 v13, v62;
	[tilespmem:s5+$0x8390] =	vst v20  }
0x1d4: {  	v41 =	vld [tilespmem:s5+$0x83C0];
	v57 =	vmul.f32 v50, v12;
	[tilespmem:s5+$0x8480] =	vst v11  }
0x1d5: {  	v44 =	vld [tilespmem:s5+$0x83E0];
	v24 =	vmul.f32 v9, v54;
	[tilespmem:s5+$0x8490] =	vst v13  }
0x1d6: {  	v45 =	vld [tilespmem:s5+$0x83F0];
	v18 =	vmul.f32 v35, v33;
	[tilespmem:s5+$0x8440] =	vst v57  }
0x1d7: {  	v26 =	vld [tilespmem:s5+$0x84D0];
	v16 =	vmul.f32 v39, v42;
	[tilespmem:s5+$0x7F00] =	vst v24  }
0x1d8: {  	v29 =	vld [tilespmem:s5+$0x8500];
	v14 =	vmul.f32 v40, v42;
	[tilespmem:s5+$0x8360] =	vst v18  }
0x1d9: {  	v28 =	vld [tilespmem:s5+$0x84F0];
	v15 =	vmul.f32 v41, v42;
	[tilespmem:s5+$0x83A0] =	vst v16  }
0x1da: {  	v43 =	vld [tilespmem:s5+$0x83D0];
	v17 =	vmul.f32 v44, v42;
	[tilespmem:s5+$0x83B0] =	vst v14  }
0x1db: {  	v47 =	vld [tilespmem:s5+$0x8410];
	v34 =	vbroadcast v8, $0xC;
	v19 =	vmul.f32 v45, v42;
	[tilespmem:s5+$0x83C0] =	vst v15  }
0x1dc: {  	v48 =	vld [tilespmem:s5+$0x8420];
	v31 =	vmul.f32 v26, v62;
	[tilespmem:s5+$0x83E0] =	vst v17  }
0x1dd: {  	v49 =	vld [tilespmem:s5+$0x8430];
	v22 =	vmul.f32 v29, v34;
	[tilespmem:s5+$0x83F0] =	vst v19  }
0x1de: {  	v53 =	vld [tilespmem:s5+$0x8460];
	v13 =	vmul.f32 v28, v62;
	[tilespmem:s5+$0x84D0] =	vst v31  }
0x1df: {  	v18 =	vmul.f32 v43, v42;
	[tilespmem:s5+$0x8500] =	vst v22  }
0x1e0: {  	v55 =	vld [tilespmem:s5+$0x7F10];
	v16 =	vmul.f32 v47, v12;
	[tilespmem:s5+$0x84F0] =	vst v13  }
0x1e1: {  	v27 =	vld [tilespmem:s5+$0x84E0];
	v14 =	vmul.f32 v48, v12;
	[tilespmem:s5+$0x83D0] =	vst v18  }
0x1e2: {  	v37 =	vld [tilespmem:s5+$0x8570];
	v11 =	vbroadcast v8, $0xF;
	v15 =	vmul.f32 v49, v12;
	[tilespmem:s5+$0x8410] =	vst v16  }
0x1e3: {  	v56 =	vld [tilespmem:s5+$0x7F40];
	v12 =	vmul.f32 v53, v12;
	[tilespmem:s5+$0x8420] =	vst v14  }
0x1e4: {  	v60 =	vld [tilespmem:s5+$0x84A0];
	v10 =	vmul.f32 v10, v11;
	[tilespmem:s5+$0x8430] =	vst v15  }
0x1e5: {  	v61 =	vld [tilespmem:s5+$0x84B0];
	v19 =	vmul.f32 v55, v9;
	[tilespmem:s5+$0x8460] =	vst v12  }
0x1e6: {  	v25 =	vld [tilespmem:s5+$0x84C0];
	v39 =	vmul.f32 v27, v62;
	[tilespmem:s5+$0x86D0] =	vst v10  }
0x1e7: {  	v58 =	vld [tilespmem:s5+$0x7F50];
	v22 =	vmul.f32 v37, v34;
	[tilespmem:s5+$0x7F10] =	vst v19  }
0x1e8: {  	v30 =	vld [tilespmem:s5+$0x8510];
	v10 =	vmul.f32 v56, v9;
	[tilespmem:s5+$0x84E0] =	vst v39  }
0x1e9: {  	v32 =	vld [tilespmem:s5+$0x8530];
	v14 =	vmul.f32 v60, v62;
	[tilespmem:s5+$0x8570] =	vst v22  }
0x1ea: {  	v33 =	vld [tilespmem:s5+$0x8540];
	v15 =	vmul.f32 v61, v62;
	[tilespmem:s5+$0x7F40] =	vst v10  }
0x1eb: {  	v40 =	vld [tilespmem:s5+$0x85A0];
	v12 =	vmul.f32 v25, v62;
	[tilespmem:s5+$0x84A0] =	vst v14  }
0x1ec: {  	v45 =	vld [tilespmem:s5+$0x85E0];
	v9 =	vmul.f32 v58, v9;
	[tilespmem:s5+$0x84B0] =	vst v15  }
0x1ed: {  	v35 =	vld [tilespmem:s5+$0x8550];
	v16 =	vmul.f32 v30, v34;
	[tilespmem:s5+$0x84C0] =	vst v12  }
0x1ee: {  	v43 =	vbroadcast v8, $0xD;
	v61 =	vmul.f32 v32, v34;
	[tilespmem:s5+$0x7F50] =	vst v9;
	v9 =	vld [tilespmem:s5+$0x8590]  }
0x1ef: {  	v36 =	vld [tilespmem:s5+$0x8560];
	v19 =	vmul.f32 v33, v34;
	[tilespmem:s5+$0x8510] =	vst v16  }
0x1f0: {  	v38 =	vld [tilespmem:s5+$0x8580];
	v18 =	vmul.f32 v40, v43;
	[tilespmem:s5+$0x8530] =	vst v61  }
0x1f1: {  	v41 =	vld [tilespmem:s5+$0x85B0];
	v50 =	vmul.f32 v45, v43;
	[tilespmem:s5+$0x8540] =	vst v19  }
0x1f2: {  	v47 =	vld [tilespmem:s5+$0x8610];
	v15 =	vmul.f32 v35, v34;
	[tilespmem:s5+$0x85A0] =	vst v18  }
0x1f3: {  	v48 =	vld [tilespmem:s5+$0x8620];
	[tilespmem:s5+$0x85E0] =	vst v50;
	v9 =	vmul.f32 v9, v43  }
0x1f4: {  	v49 =	vld [tilespmem:s5+$0x8630];
	v12 =	vmul.f32 v36, v34;
	[tilespmem:s5+$0x8550] =	vst v15  }
0x1f5: {  	v8 =	vbroadcast v8, $0xE;
	v16 =	vmul.f32 v38, v43;
	[tilespmem:s5+$0x8590] =	vst v9;
	v9 =	vld [tilespmem:s5+$0x8600]  }
0x1f6: {  	v44 =	vld [tilespmem:s5+$0x85D0];
	v19 =	vmul.f32 v41, v43;
	[tilespmem:s5+$0x8560] =	vst v12  }
0x1f7: {  	v46 =	vld [tilespmem:s5+$0x85F0];
	v18 =	vmul.f32 v47, v8;
	[tilespmem:s5+$0x8580] =	vst v16  }
0x1f8: {  	v42 =	vld [tilespmem:s5+$0x85C0];
	v17 =	vmul.f32 v48, v8;
	[tilespmem:s5+$0x85B0] =	vst v19  }
0x1f9: {  	v54 =	vld [tilespmem:s5+$0x8680];
	v13 =	vmul.f32 v49, v8;
	[tilespmem:s5+$0x8610] =	vst v18  }
0x1fa: {  	v56 =	vld [tilespmem:s5+$0x86A0];
	[tilespmem:s5+$0x8620] =	vst v17;
	v9 =	vmul.f32 v9, v8  }
0x1fb: {  	v60 =	vld [tilespmem:s5+$0x86F0];
	v12 =	vmul.f32 v44, v43;
	[tilespmem:s5+$0x8630] =	vst v13  }
0x1fc: {  	v16 =	vmul.f32 v46, v43;
	[tilespmem:s5+$0x8600] =	vst v9;
	v9 =	vld [tilespmem:s5+$0x8670]  }
0x1fd: {  	v51 =	vld [tilespmem:s5+$0x8640];
	v15 =	vmul.f32 v42, v43;
	[tilespmem:s5+$0x85D0] =	vst v12  }
0x1fe: {  	v55 =	vld [tilespmem:s5+$0x8690];
	v18 =	vmul.f32 v54, v11;
	[tilespmem:s5+$0x85F0] =	vst v16  }
0x1ff: {  	v53 =	vld [tilespmem:s5+$0x8660];
	v13 =	vmul.f32 v56, v11;
	[tilespmem:s5+$0x85C0] =	vst v15  }
0x200: {  	v57 =	vld [tilespmem:s5+$0x86B0];
	v62 =	vmul.f32 v60, v11;
	[tilespmem:s5+$0x8680] =	vst v18  }
0x201: {  	v52 =	vld [tilespmem:s5+$0x8650];
	[tilespmem:s5+$0x86A0] =	vst v13;
	v9 =	vmul.f32 v9, v8  }
0x202: {  	v58 =	vld [tilespmem:s5+$0x86C0];
	v12 =	vmul.f32 v51, v8;
	[tilespmem:s5+$0x86F0] =	vst v62  }
0x203: {  	v59 =	vld [tilespmem:s5+$0x86E0];
	[tilespmem:s5+$0x8670] =	vst v9;
	v9 =	vmul.f32 v55, v11  }
0x204: {  	v16 =	vmul.f32 v53, v8;
	[tilespmem:s5+$0x8640] =	vst v12  }
0x205: {  	v10 =	vld [tilespmem:s5+$0x8520];
	[tilespmem:s5+$0x8690] =	vst v9;
	v9 =	vmul.f32 v57, v11  }
0x206: {  	[tilespmem:s5+$0x8660] =	vst v16;
	v8 =	vmul.f32 v52, v8  }
0x207: {  	[tilespmem:s5+$0x86B0] =	vst v9;
	v9 =	vmul.f32 v58, v11  }
0x208: {  	[tilespmem:s5+$0x8650] =	vst v8;
	v11 =	vmul.f32 v59, v11  }
0x209: {  	[tilespmem:s5+$0x86C0] =	vst v9  }
0x20a: {  	s26 =	simm.s32 $0x1;
	s6 =	sadd.s32 $0x5300, s0;
	v9 =	vmul.f32 v10, v34;
	[tilespmem:s5+$0x86E0] =	vst v11  }
.LBB2_13:
0x20b: {  	s28 =	sshll.u32 s26, $0x4  }
0x20c: {  	p0 =	sne.s32 s26, $0x3;
	[tilespmem:s5+$0x8520] =	vst v9;
	s5 =	smov.u32 s26;
	s26 =	sadd.s32 $0x1, s26  }
0x20d: {  	s28 =	sand.u32 $0x3FFFFFF0, s28  }
0x20e: {  	s5 =	sshll.u32 s5, $0xB;
	v8 =	vld [tilespmem:s28+$0xBF00]  }
0x20f: {  	s5 =	sand.u32 $0x3FFFF800, s5  }
0x210: {  	v15 =	vld [tilespmem:s5+$0x7FC0]  }
0x211: {  	v16 =	vld [tilespmem:s5+$0x7FD0]  }
0x212: {  	v17 =	vld [tilespmem:s5+$0x7FB0]  }
0x213: {  	v9 =	vbroadcast v8, $0x0;
	v10 =	vld [tilespmem:s5+$0x7F20];
	v14 =	vbroadcast v8, $0x4  }
0x214: {  	v12 =	vld [tilespmem:s5+$0x7F30]  }
0x215: {  	v13 =	vld [tilespmem:s5+$0x8470]  }
0x216: {  	v18 =	vld [tilespmem:s5+$0x7F60]  }
0x217: {  	v19 =	vld [tilespmem:s5+$0x7F70]  }
0x218: {  	v11 =	vbroadcast v8, $0xA;
	v10 =	vmul.f32 v10, v9;
	v20 =	vld [tilespmem:s5+$0x7F80]  }
0x219: {  	v12 =	vmul.f32 v12, v9;
	v21 =	vld [tilespmem:s5+$0x7F90]  }
0x21a: {  	[tilespmem:s5+$0x7F20] =	vst v10;
	v22 =	vld [tilespmem:s5+$0x7FA0];
	v10 =	vmul.f32 v13, v11  }
0x21b: {  	[tilespmem:s5+$0x7F30] =	vst v12;
	v13 =	vmul.f32 v18, v9;
	v18 =	vbroadcast v8, $0x1;
	v12 =	vld [tilespmem:s5+$0x8480]  }
0x21c: {  	v19 =	vmul.f32 v19, v9;
	[tilespmem:s5+$0x8470] =	vst v10;
	v10 =	vld [tilespmem:s5+$0x86D0]  }
0x21d: {  	[tilespmem:s5+$0x7F60] =	vst v13;
	v20 =	vmul.f32 v20, v18;
	v13 =	vld [tilespmem:s5+$0x8490]  }
0x21e: {  	[tilespmem:s5+$0x7F70] =	vst v19;
	v19 =	vmul.f32 v21, v18;
	v21 =	vld [tilespmem:s5+$0x7FE0]  }
0x21f: {  	[tilespmem:s5+$0x7F80] =	vst v20;
	v20 =	vmul.f32 v22, v18;
	v22 =	vld [tilespmem:s5+$0x7FF0]  }
0x220: {  	v17 =	vmul.f32 v17, v18;
	[tilespmem:s5+$0x7F90] =	vst v19;
	v19 =	vld [tilespmem:s5+$0x8000]  }
0x221: {  	v15 =	vmul.f32 v15, v18;
	[tilespmem:s5+$0x7FA0] =	vst v20;
	v20 =	vld [tilespmem:s5+$0x8010]  }
0x222: {  	v16 =	vmul.f32 v16, v18;
	[tilespmem:s5+$0x7FB0] =	vst v17;
	v17 =	vld [tilespmem:s5+$0x8020]  }
0x223: {  	[tilespmem:s5+$0x7FC0] =	vst v15;
	v15 =	vmul.f32 v21, v18;
	v21 =	vbroadcast v8, $0x2;
	v23 =	vld [tilespmem:s5+$0x8030]  }
0x224: {  	[tilespmem:s5+$0x7FD0] =	vst v16;
	v16 =	vmul.f32 v22, v18;
	v18 =	vld [tilespmem:s5+$0x8040]  }
0x225: {  	[tilespmem:s5+$0x7FE0] =	vst v15;
	v15 =	vmul.f32 v19, v21;
	v19 =	vld [tilespmem:s5+$0x8050]  }
0x226: {  	[tilespmem:s5+$0x7FF0] =	vst v16;
	v16 =	vmul.f32 v20, v21;
	v20 =	vld [tilespmem:s5+$0x8060]  }
0x227: {  	[tilespmem:s5+$0x8000] =	vst v15;
	v15 =	vmul.f32 v17, v21;
	v17 =	vld [tilespmem:s5+$0x8070]  }
0x228: {  	[tilespmem:s5+$0x8010] =	vst v16;
	v16 =	vmul.f32 v23, v21;
	v22 =	vld [tilespmem:s5+$0x8080]  }
0x229: {  	[tilespmem:s5+$0x8020] =	vst v15;
	v15 =	vmul.f32 v18, v21;
	v18 =	vld [tilespmem:s5+$0x8090]  }
0x22a: {  	[tilespmem:s5+$0x8030] =	vst v16;
	v16 =	vmul.f32 v19, v21;
	v19 =	vld [tilespmem:s5+$0x80A0]  }
0x22b: {  	[tilespmem:s5+$0x8040] =	vst v15;
	v15 =	vmul.f32 v20, v21;
	v20 =	vbroadcast v8, $0x3;
	v23 =	vld [tilespmem:s5+$0x80B0]  }
0x22c: {  	[tilespmem:s5+$0x8050] =	vst v16;
	v16 =	vmul.f32 v17, v21;
	v17 =	vld [tilespmem:s5+$0x80C0]  }
0x22d: {  	[tilespmem:s5+$0x8060] =	vst v15;
	v15 =	vmul.f32 v22, v20;
	v21 =	vld [tilespmem:s5+$0x80D0]  }
0x22e: {  	[tilespmem:s5+$0x8070] =	vst v16;
	v16 =	vmul.f32 v18, v20;
	v18 =	vld [tilespmem:s5+$0x80E0]  }
0x22f: {  	[tilespmem:s5+$0x8080] =	vst v15;
	v15 =	vmul.f32 v19, v20;
	v19 =	vld [tilespmem:s5+$0x80F0]  }
0x230: {  	[tilespmem:s5+$0x8090] =	vst v16;
	v16 =	vmul.f32 v23, v20;
	v22 =	vld [tilespmem:s5+$0x8100]  }
0x231: {  	[tilespmem:s5+$0x80A0] =	vst v15;
	v15 =	vmul.f32 v17, v20;
	v17 =	vld [tilespmem:s5+$0x8110]  }
0x232: {  	[tilespmem:s5+$0x80B0] =	vst v16;
	v16 =	vmul.f32 v21, v20;
	v21 =	vld [tilespmem:s5+$0x8120]  }
0x233: {  	[tilespmem:s5+$0x80C0] =	vst v15;
	v15 =	vmul.f32 v18, v20;
	v18 =	vld [tilespmem:s5+$0x8130]  }
0x234: {  	[tilespmem:s5+$0x80D0] =	vst v16;
	v16 =	vmul.f32 v19, v20;
	v19 =	vld [tilespmem:s5+$0x8140]  }
0x235: {  	[tilespmem:s5+$0x80E0] =	vst v15;
	v15 =	vmul.f32 v22, v14;
	v20 =	vld [tilespmem:s5+$0x8150]  }
0x236: {  	[tilespmem:s5+$0x80F0] =	vst v16;
	v16 =	vmul.f32 v17, v14;
	v17 =	vld [tilespmem:s5+$0x8160]  }
0x237: {  	[tilespmem:s5+$0x8100] =	vst v15;
	v15 =	vmul.f32 v21, v14;
	v21 =	vld [tilespmem:s5+$0x8170]  }
0x238: {  	[tilespmem:s5+$0x8110] =	vst v16;
	v16 =	vmul.f32 v18, v14;
	v18 =	vld [tilespmem:s5+$0x8180]  }
0x239: {  	[tilespmem:s5+$0x8120] =	vst v15;
	v15 =	vmul.f32 v19, v14;
	v19 =	vld [tilespmem:s5+$0x8190]  }
0x23a: {  	[tilespmem:s5+$0x8130] =	vst v16;
	v16 =	vmul.f32 v20, v14;
	v20 =	vld [tilespmem:s5+$0x81A0]  }
0x23b: {  	[tilespmem:s5+$0x8140] =	vst v15;
	v15 =	vmul.f32 v17, v14;
	v17 =	vbroadcast v8, $0x5;
	v22 =	vld [tilespmem:s5+$0x81B0]  }
0x23c: {  	[tilespmem:s5+$0x8150] =	vst v16;
	v14 =	vmul.f32 v21, v14;
	v16 =	vld [tilespmem:s5+$0x81C0]  }
0x23d: {  	[tilespmem:s5+$0x8160] =	vst v15;
	v15 =	vmul.f32 v18, v17;
	v18 =	vld [tilespmem:s5+$0x81D0]  }
0x23e: {  	[tilespmem:s5+$0x8170] =	vst v14;
	v14 =	vmul.f32 v19, v17;
	v19 =	vld [tilespmem:s5+$0x81E0]  }
0x23f: {  	[tilespmem:s5+$0x8180] =	vst v15;
	v15 =	vmul.f32 v20, v17;
	v20 =	vld [tilespmem:s5+$0x81F0]  }
0x240: {  	[tilespmem:s5+$0x8190] =	vst v14;
	v14 =	vmul.f32 v22, v17;
	v21 =	vld [tilespmem:s5+$0x8200]  }
0x241: {  	[tilespmem:s5+$0x81A0] =	vst v15;
	v15 =	vmul.f32 v16, v17;
	v16 =	vld [tilespmem:s5+$0x8210]  }
0x242: {  	[tilespmem:s5+$0x81B0] =	vst v14;
	v14 =	vmul.f32 v18, v17;
	v18 =	vld [tilespmem:s5+$0x8220]  }
0x243: {  	[tilespmem:s5+$0x81C0] =	vst v15;
	v15 =	vmul.f32 v19, v17;
	v19 =	vbroadcast v8, $0x6;
	v22 =	vld [tilespmem:s5+$0x8230]  }
0x244: {  	[tilespmem:s5+$0x81D0] =	vst v14;
	v14 =	vmul.f32 v20, v17;
	v17 =	vld [tilespmem:s5+$0x8240]  }
0x245: {  	[tilespmem:s5+$0x81E0] =	vst v15;
	v15 =	vmul.f32 v21, v19;
	v20 =	vld [tilespmem:s5+$0x8250]  }
0x246: {  	[tilespmem:s5+$0x81F0] =	vst v14;
	v14 =	vmul.f32 v16, v19;
	v16 =	vld [tilespmem:s5+$0x8260]  }
0x247: {  	[tilespmem:s5+$0x8200] =	vst v15;
	v15 =	vmul.f32 v18, v19;
	v18 =	vld [tilespmem:s5+$0x8270]  }
0x248: {  	[tilespmem:s5+$0x8210] =	vst v14;
	v14 =	vmul.f32 v22, v19;
	v21 =	vld [tilespmem:s5+$0x8280]  }
0x249: {  	[tilespmem:s5+$0x8220] =	vst v15;
	v15 =	vmul.f32 v17, v19;
	v17 =	vld [tilespmem:s5+$0x8290]  }
0x24a: {  	[tilespmem:s5+$0x8230] =	vst v14;
	v14 =	vmul.f32 v20, v19;
	v20 =	vld [tilespmem:s5+$0x82A0]  }
0x24b: {  	[tilespmem:s5+$0x8240] =	vst v15;
	v15 =	vmul.f32 v16, v19;
	v16 =	vbroadcast v8, $0x7;
	v22 =	vld [tilespmem:s5+$0x82B0]  }
0x24c: {  	[tilespmem:s5+$0x8250] =	vst v14;
	v14 =	vmul.f32 v18, v19;
	v18 =	vld [tilespmem:s5+$0x82C0]  }
0x24d: {  	[tilespmem:s5+$0x8260] =	vst v15;
	v15 =	vmul.f32 v21, v16;
	v19 =	vld [tilespmem:s5+$0x82D0]  }
0x24e: {  	[tilespmem:s5+$0x8270] =	vst v14;
	v14 =	vmul.f32 v17, v16;
	v17 =	vld [tilespmem:s5+$0x82E0]  }
0x24f: {  	[tilespmem:s5+$0x8280] =	vst v15;
	v15 =	vmul.f32 v20, v16;
	v20 =	vld [tilespmem:s5+$0x82F0]  }
0x250: {  	[tilespmem:s5+$0x8290] =	vst v14;
	v14 =	vmul.f32 v22, v16;
	v21 =	vld [tilespmem:s5+$0x8300]  }
0x251: {  	[tilespmem:s5+$0x82A0] =	vst v15;
	v15 =	vmul.f32 v18, v16;
	v18 =	vld [tilespmem:s5+$0x8310]  }
0x252: {  	[tilespmem:s5+$0x82B0] =	vst v14;
	v14 =	vmul.f32 v19, v16;
	v19 =	vld [tilespmem:s5+$0x8320]  }
0x253: {  	[tilespmem:s5+$0x82C0] =	vst v15;
	v15 =	vmul.f32 v17, v16;
	v17 =	vbroadcast v8, $0x8;
	v22 =	vld [tilespmem:s5+$0x8330]  }
0x254: {  	[tilespmem:s5+$0x82D0] =	vst v14;
	v14 =	vmul.f32 v20, v16;
	v16 =	vld [tilespmem:s5+$0x8340]  }
0x255: {  	[tilespmem:s5+$0x82E0] =	vst v15;
	v15 =	vmul.f32 v21, v17;
	v20 =	vld [tilespmem:s5+$0x8350]  }
0x256: {  	[tilespmem:s5+$0x82F0] =	vst v14;
	v14 =	vmul.f32 v18, v17;
	v18 =	vld [tilespmem:s5+$0x8360]  }
0x257: {  	[tilespmem:s5+$0x8300] =	vst v15;
	v15 =	vmul.f32 v19, v17;
	v19 =	vld [tilespmem:s5+$0x8370]  }
0x258: {  	[tilespmem:s5+$0x8310] =	vst v14;
	v14 =	vmul.f32 v22, v17;
	v21 =	vld [tilespmem:s5+$0x8380]  }
0x259: {  	[tilespmem:s5+$0x8320] =	vst v15;
	v15 =	vmul.f32 v16, v17;
	v16 =	vld [tilespmem:s5+$0x8390]  }
0x25a: {  	[tilespmem:s5+$0x8330] =	vst v14;
	v14 =	vmul.f32 v20, v17;
	v20 =	vld [tilespmem:s5+$0x83A0]  }
0x25b: {  	[tilespmem:s5+$0x8340] =	vst v15;
	v15 =	vmul.f32 v18, v17;
	v18 =	vbroadcast v8, $0x9;
	v22 =	vld [tilespmem:s5+$0x83B0]  }
0x25c: {  	[tilespmem:s5+$0x8350] =	vst v14;
	v14 =	vmul.f32 v19, v17;
	v17 =	vld [tilespmem:s5+$0x83C0]  }
0x25d: {  	[tilespmem:s5+$0x8360] =	vst v15;
	v15 =	vmul.f32 v21, v18;
	v19 =	vld [tilespmem:s5+$0x83D0]  }
0x25e: {  	[tilespmem:s5+$0x8370] =	vst v14;
	v14 =	vmul.f32 v16, v18;
	v16 =	vld [tilespmem:s5+$0x83E0]  }
0x25f: {  	[tilespmem:s5+$0x8380] =	vst v15;
	v15 =	vmul.f32 v20, v18;
	v20 =	vld [tilespmem:s5+$0x83F0]  }
0x260: {  	[tilespmem:s5+$0x8390] =	vst v14;
	v14 =	vmul.f32 v22, v18;
	v21 =	vld [tilespmem:s5+$0x8400]  }
0x261: {  	[tilespmem:s5+$0x83A0] =	vst v15;
	v15 =	vmul.f32 v17, v18;
	v17 =	vld [tilespmem:s5+$0x8410]  }
0x262: {  	[tilespmem:s5+$0x83B0] =	vst v14;
	v14 =	vmul.f32 v19, v18;
	v19 =	vld [tilespmem:s5+$0x8420]  }
0x263: {  	[tilespmem:s5+$0x83C0] =	vst v15;
	v15 =	vmul.f32 v16, v18;
	v16 =	vld [tilespmem:s5+$0x8430]  }
0x264: {  	[tilespmem:s5+$0x83D0] =	vst v14;
	v14 =	vmul.f32 v20, v18;
	v18 =	vld [tilespmem:s5+$0x8440]  }
0x265: {  	[tilespmem:s5+$0x83E0] =	vst v15;
	v15 =	vmul.f32 v21, v11;
	v20 =	vld [tilespmem:s5+$0x8450]  }
0x266: {  	[tilespmem:s5+$0x83F0] =	vst v14;
	v14 =	vmul.f32 v17, v11;
	v17 =	vld [tilespmem:s5+$0x8460]  }
0x267: {  	v21 =	vld [tilespmem:s5+$0x7F00];
	[tilespmem:s5+$0x8400] =	vst v15;
	v15 =	vmul.f32 v19, v11  }
0x268: {  	v19 =	vld [tilespmem:s5+$0x7F10];
	[tilespmem:s5+$0x8410] =	vst v14;
	v14 =	vmul.f32 v16, v11  }
0x269: {  	v16 =	vld [tilespmem:s5+$0x7F40];
	[tilespmem:s5+$0x8420] =	vst v15;
	v15 =	vmul.f32 v18, v11  }
0x26a: {  	v18 =	vld [tilespmem:s5+$0x7F50];
	[tilespmem:s5+$0x8430] =	vst v14;
	v14 =	vmul.f32 v20, v11  }
0x26b: {  	[tilespmem:s5+$0x8440] =	vst v15;
	v15 =	vmul.f32 v17, v11;
	v17 =	vbroadcast v8, $0xB;
	v20 =	vld [tilespmem:s5+$0x84A0]  }
0x26c: {  	v11 =	vbroadcast v8, $0xF;
	v21 =	vmul.f32 v9, v21;
	[tilespmem:s5+$0x8450] =	vst v14;
	v14 =	vld [tilespmem:s5+$0x84B0]  }
0x26d: {  	v19 =	vmul.f32 v19, v9;
	[tilespmem:s5+$0x8460] =	vst v15;
	v12 =	vmul.f32 v12, v17;
	v15 =	vld [tilespmem:s5+$0x84C0]  }
0x26e: {  	v13 =	vmul.f32 v13, v17;
	[tilespmem:s5+$0x7F00] =	vst v21;
	v16 =	vmul.f32 v16, v9;
	v21 =	vld [tilespmem:s5+$0x84D0]  }
0x26f: {  	v10 =	vmul.f32 v10, v11;
	v18 =	vmul.f32 v18, v9;
	[tilespmem:s5+$0x8480] =	vst v12;
	v9 =	vld [tilespmem:s5+$0x84E0]  }
0x270: {  	[tilespmem:s5+$0x8490] =	vst v13;
	v12 =	vmul.f32 v20, v17;
	v13 =	vld [tilespmem:s5+$0x84F0]  }
0x271: {  	v14 =	vmul.f32 v14, v17;
	v20 =	vld [tilespmem:s5+$0x8500];
	[tilespmem:s5+$0x86D0] =	vst v10  }
0x272: {  	[tilespmem:s5+$0x7F10] =	vst v19;
	v10 =	vmul.f32 v15, v17;
	v15 =	vld [tilespmem:s5+$0x8510]  }
0x273: {  	[tilespmem:s5+$0x7F40] =	vst v16;
	v16 =	vmul.f32 v21, v17;
	v19 =	vld [tilespmem:s5+$0x8520]  }
0x274: {  	v21 =	vbroadcast v8, $0xC;
	[tilespmem:s5+$0x84A0] =	vst v12;
	v12 =	vmul.f32 v9, v17;
	v22 =	vld [tilespmem:s5+$0x8530]  }
0x275: {  	[tilespmem:s5+$0x84D0] =	vst v16;
	v13 =	vmul.f32 v13, v17;
	v16 =	vld [tilespmem:s5+$0x8540]  }
0x276: {  	[tilespmem:s5+$0x84B0] =	vst v14;
	v9 =	vmul.f32 v20, v21;
	v14 =	vld [tilespmem:s5+$0x8550]  }
0x277: {  	[tilespmem:s5+$0x84C0] =	vst v10;
	v10 =	vmul.f32 v15, v21;
	v15 =	vld [tilespmem:s5+$0x8560]  }
0x278: {  	[tilespmem:s5+$0x8500] =	vst v9;
	v9 =	vmul.f32 v19, v21;
	v17 =	vld [tilespmem:s5+$0x8570]  }
0x279: {  	[tilespmem:s5+$0x8510] =	vst v10;
	v10 =	vld [tilespmem:s5+$0x8580]  }
0x27a: {  	[tilespmem:s5+$0x7F50] =	vst v18;
	v16 =	vmul.f32 v16, v21;
	v18 =	vld [tilespmem:s5+$0x8590]  }
0x27b: {  	[tilespmem:s5+$0x84E0] =	vst v12;
	v12 =	vmul.f32 v14, v21;
	v14 =	vld [tilespmem:s5+$0x85A0]  }
0x27c: {  	[tilespmem:s5+$0x8540] =	vst v16;
	v15 =	vmul.f32 v15, v21;
	v16 =	vbroadcast v8, $0xD;
	v19 =	vld [tilespmem:s5+$0x85B0]  }
0x27d: {  	[tilespmem:s5+$0x8550] =	vst v12;
	v12 =	vmul.f32 v17, v21;
	v17 =	vld [tilespmem:s5+$0x85C0]  }
0x27e: {  	[tilespmem:s5+$0x8560] =	vst v15;
	v10 =	vmul.f32 v10, v16;
	v15 =	vld [tilespmem:s5+$0x85D0]  }
0x27f: {  	[tilespmem:s5+$0x8570] =	vst v12;
	v12 =	vmul.f32 v18, v16;
	v18 =	vld [tilespmem:s5+$0x85E0]  }
0x280: {  	[tilespmem:s5+$0x8580] =	vst v10;
	v10 =	vmul.f32 v14, v16;
	v14 =	vld [tilespmem:s5+$0x85F0]  }
0x281: {  	[tilespmem:s5+$0x8590] =	vst v12;
	v12 =	vmul.f32 v19, v16;
	v19 =	vld [tilespmem:s5+$0x8600]  }
0x282: {  	[tilespmem:s5+$0x85A0] =	vst v10;
	v10 =	vmul.f32 v17, v16;
	v17 =	vld [tilespmem:s5+$0x8610]  }
0x283: {  	[tilespmem:s5+$0x85B0] =	vst v12;
	v12 =	vmul.f32 v15, v16;
	v15 =	vld [tilespmem:s5+$0x8620]  }
0x284: {  	v8 =	vbroadcast v8, $0xE;
	[tilespmem:s5+$0x84F0] =	vst v13;
	v13 =	vmul.f32 v18, v16;
	v18 =	vld [tilespmem:s5+$0x8630]  }
0x285: {  	[tilespmem:s5+$0x85D0] =	vst v12;
	v12 =	vmul.f32 v14, v16;
	v14 =	vld [tilespmem:s5+$0x8640]  }
0x286: {  	[tilespmem:s5+$0x85E0] =	vst v13;
	v13 =	vmul.f32 v19, v8;
	v16 =	vld [tilespmem:s5+$0x8650]  }
0x287: {  	[tilespmem:s5+$0x85F0] =	vst v12;
	v12 =	vmul.f32 v17, v8;
	v17 =	vld [tilespmem:s5+$0x8660]  }
0x288: {  	[tilespmem:s5+$0x8600] =	vst v13;
	v13 =	vmul.f32 v15, v8;
	v15 =	vld [tilespmem:s5+$0x8670]  }
0x289: {  	[tilespmem:s5+$0x8610] =	vst v12;
	v12 =	vmul.f32 v18, v8;
	v18 =	vld [tilespmem:s5+$0x8680]  }
0x28a: {  	[tilespmem:s5+$0x8620] =	vst v13;
	v13 =	vmul.f32 v14, v8;
	v14 =	vld [tilespmem:s5+$0x8690]  }
0x28b: {  	[tilespmem:s5+$0x8630] =	vst v12;
	v12 =	vmul.f32 v16, v8;
	v16 =	vld [tilespmem:s5+$0x86A0]  }
0x28c: {  	[tilespmem:s5+$0x8640] =	vst v13;
	v13 =	vmul.f32 v17, v8;
	v17 =	vld [tilespmem:s5+$0x86B0]  }
0x28d: {  	[tilespmem:s5+$0x85C0] =	vst v10;
	v8 =	vmul.f32 v15, v8;
	v10 =	vld [tilespmem:s5+$0x86C0]  }
0x28e: {  	[tilespmem:s5+$0x8660] =	vst v13;
	v13 =	vmul.f32 v18, v11;
	v15 =	vld [tilespmem:s5+$0x86E0]  }
0x28f: {  	[tilespmem:s5+$0x8670] =	vst v8;
	v8 =	vmul.f32 v14, v11;
	v14 =	vld [tilespmem:s5+$0x86F0]  }
0x290: {  	[tilespmem:s5+$0x8680] =	vst v13;
	v13 =	vmul.f32 v16, v11  }
0x291: {  	[tilespmem:s5+$0x8690] =	vst v8;
	v8 =	vmul.f32 v17, v11  }
0x292: {  	v16 =	vmul.f32 v22, v21;
	[tilespmem:s5+$0x86A0] =	vst v13  }
0x293: {  	[tilespmem:s5+$0x86B0] =	vst v8;
	v8 =	vmul.f32 v10, v11  }
.Ltmp5:
0x294: {  	[tilespmem:s5+$0x8530] =	vst v16;
	v10 =	vmul.f32 v14, v11;
	(pc) =	sbr.rel @p0 .LBB2_13-.Ltmp5, $4  }
0x295: {  	[tilespmem:s5+$0x86C0] =	vst v8  }
0x296: {  	v8 =	vmul.f32 v15, v11;
	[tilespmem:s5+$0x86F0] =	vst v10  }
0x297: {  	[tilespmem:s5+$0x8650] =	vst v12  }
0x298: {  	[tilespmem:s5+$0x86E0] =	vst v8  }
0x299: {  	[tilespmem:s5+$0x8520] =	vst v9  }
0x29a: {  	[spmem:s3] =	stream.indirect.scatter.add.f32 [tilespmem:s13], [sflag:$0x3], $0x80, s6, s23, $0x2000b8;
	v63 =	vld [tilespmem:$0x0]  }
0x29b: {  	_ =	swait.ge [sflag:s21], $0x2000  }
0x29c: {  	[sflag:s21] =	ssyncset.done $0x0  }
0x29d: {  	[sflag:s21] =	ssyncadd.s32 $0xFFFFE000  }
0x29e: {  	v8 =	vld [tilespmem:s0+$0x5340]  }
0x29f: {  	v9 =	vld [tilespmem:s0+$0x4F40];
	_ =	sdelay $0x5  }
0x2a0: {  	s6 =	simm.s32 $0x0  }
0x2a1: {  	v10 =	vld.idx.msk [tilespmem:v8+s6+$0x0], $0xffff  }
0x2a2: {  	v9 =	vld.idx.msk [tilespmem:v9+s12+$0x0], $0xffff;
	_ =	sdelay $0x4  }
0x2a3: {  	v9 =	vadd.f32 v9, v10;
	_ =	sdelay $0x1  }
0x2a4: {  	v9 =	vadd.f32 v9, v6;
	_ =	sdelay $0x1  }
0x2a5: {  	v10 =	vmul.f32 $9.999999770e-03, v9;
	_ =	sdelay $0x1  }
0x2a6: {  	v9 =	vmax.f32 v9, v10  }
0x2a7: {  	v8 =	vld.idx.msk [tilespmem:v8+s22+$0x0], $0xffff;
	v9 =	vsub.f32 v9, v7;
	_ =	sdelay $0x1  }
0x2a8: {  	v9 =	vmul.f32 $1.442695020e+00, v9;
	_ =	sdelay $0x1  }
0x2a9: {  	(erf) = vpow2.f32 v9  }
0x2aa: {  	(erf) = vrcp.f32 v8;
	_ =	sdelay $0x7  }
0x2ab: {  	v8 =	vpop (erf)  }
0x2ac: {  	v9 =	vpop (erf)  }
0x2ad: {  	v8 =	vmul.f32 v8, v9;
	_ =	sdelay $0x1  }
0x2ae: {  	v8 =	vadd.f32 $1.000000000e+00, v8;
	_ =	sdelay $0x1  }
0x2af: {  	[tilespmem:$0xBF00] =	vst v8  }
0x2b0: {  	v8 =	vld [tilespmem:s0+$0x5350]  }
0x2b1: {  	v9 =	vld [tilespmem:s0+$0x4F50];
	_ =	sdelay $0x6  }
0x2b2: {  	v10 =	vld.idx.msk [tilespmem:v8+s6+$0x0], $0xffff  }
0x2b3: {  	v9 =	vld.idx.msk [tilespmem:v9+s12+$0x0], $0xffff;
	_ =	sdelay $0x4  }
0x2b4: {  	v9 =	vadd.f32 v9, v10;
	_ =	sdelay $0x1  }
0x2b5: {  	v9 =	vadd.f32 v9, v6;
	_ =	sdelay $0x1  }
0x2b6: {  	v10 =	vmul.f32 $9.999999770e-03, v9;
	_ =	sdelay $0x1  }
0x2b7: {  	v9 =	vmax.f32 v9, v10  }
0x2b8: {  	v8 =	vld.idx.msk [tilespmem:v8+s22+$0x0], $0xffff;
	v9 =	vsub.f32 v9, v7;
	_ =	sdelay $0x1  }
0x2b9: {  	v9 =	vmul.f32 $1.442695020e+00, v9;
	_ =	sdelay $0x1  }
0x2ba: {  	(erf) = vpow2.f32 v9  }
0x2bb: {  	(erf) = vrcp.f32 v8;
	_ =	sdelay $0x7  }
0x2bc: {  	v8 =	vpop (erf)  }
0x2bd: {  	v9 =	vpop (erf)  }
0x2be: {  	v8 =	vmul.f32 v8, v9;
	_ =	sdelay $0x1  }
0x2bf: {  	v8 =	vadd.f32 $1.000000000e+00, v8;
	_ =	sdelay $0x1  }
0x2c0: {  	[tilespmem:$0xBF10] =	vst v8  }
0x2c1: {  	v8 =	vld [tilespmem:s0+$0x5360]  }
0x2c2: {  	v9 =	vld [tilespmem:s0+$0x4F60];
	_ =	sdelay $0x6  }
0x2c3: {  	v10 =	vld.idx.msk [tilespmem:v8+s6+$0x0], $0xffff  }
0x2c4: {  	v9 =	vld.idx.msk [tilespmem:v9+s12+$0x0], $0xffff;
	_ =	sdelay $0x4  }
0x2c5: {  	v9 =	vadd.f32 v9, v10;
	_ =	sdelay $0x1  }
0x2c6: {  	v9 =	vadd.f32 v9, v6;
	_ =	sdelay $0x1  }
0x2c7: {  	v10 =	vmul.f32 $9.999999770e-03, v9;
	_ =	sdelay $0x1  }
0x2c8: {  	v9 =	vmax.f32 v9, v10  }
0x2c9: {  	v8 =	vld.idx.msk [tilespmem:v8+s22+$0x0], $0xffff;
	v9 =	vsub.f32 v9, v7;
	_ =	sdelay $0x1  }
0x2ca: {  	v9 =	vmul.f32 $1.442695020e+00, v9;
	_ =	sdelay $0x1  }
0x2cb: {  	(erf) = vpow2.f32 v9  }
0x2cc: {  	(erf) = vrcp.f32 v8;
	_ =	sdelay $0x7  }
0x2cd: {  	v8 =	vpop (erf)  }
0x2ce: {  	v9 =	vpop (erf)  }
0x2cf: {  	v8 =	vmul.f32 v8, v9;
	_ =	sdelay $0x1  }
0x2d0: {  	v8 =	vadd.f32 $1.000000000e+00, v8;
	_ =	sdelay $0x1  }
0x2d1: {  	[tilespmem:$0xBF20] =	vst v8  }
0x2d2: {  	v8 =	vld [tilespmem:s0+$0x5370]  }
0x2d3: {  	v9 =	vld [tilespmem:s0+$0x4F70];
	_ =	sdelay $0x6  }
0x2d4: {  	v10 =	vld.idx.msk [tilespmem:v8+s6+$0x0], $0xffff  }
0x2d5: {  	v9 =	vld.idx.msk [tilespmem:v9+s12+$0x0], $0xffff;
	_ =	sdelay $0x4  }
0x2d6: {  	v9 =	vadd.f32 v9, v10;
	_ =	sdelay $0x1  }
0x2d7: {  	v9 =	vadd.f32 v9, v6;
	_ =	sdelay $0x1  }
0x2d8: {  	v10 =	vmul.f32 $9.999999770e-03, v9;
	_ =	sdelay $0x1  }
0x2d9: {  	v9 =	vmax.f32 v9, v10  }
0x2da: {  	v8 =	vld.idx.msk [tilespmem:v8+s22+$0x0], $0xffff;
	v9 =	vsub.f32 v9, v7;
	_ =	sdelay $0x1  }
0x2db: {  	v9 =	vmul.f32 $1.442695020e+00, v9;
	_ =	sdelay $0x1  }
0x2dc: {  	(erf) = vpow2.f32 v9  }
0x2dd: {  	(erf) = vrcp.f32 v8;
	_ =	sdelay $0x7  }
0x2de: {  	v8 =	vpop (erf)  }
0x2df: {  	v9 =	vpop (erf)  }
0x2e0: {  	v8 =	vmul.f32 v8, v9;
	_ =	sdelay $0x1  }
0x2e1: {  	v8 =	vadd.f32 $1.000000000e+00, v8  }
0x2e2: {  	s26 =	simm.s32 $0x0  }
0x2e3: {  	s28 =	simm.s32 $0x0;
	s5 =	sand.u32 $0x3FFFFFF0, s26;
	[tilespmem:$0xBF30] =	vst v8  }
0x2e4: {  	v8 =	vld [tilespmem:s5+$0xBF00];
	s5 =	sand.u32 $0x3FFFF800, s28  }
0x2e5: {  	v14 =	vld [tilespmem:s5+$0x9FC0]  }
0x2e6: {  	v10 =	vld [tilespmem:s5+$0x9F20]  }
0x2e7: {  	v11 =	vld [tilespmem:s5+$0x9F30]  }
0x2e8: {  	v17 =	vld [tilespmem:s5+$0x9F60]  }
0x2e9: {  	v18 =	vld [tilespmem:s5+$0x9F70];
	v9 =	vbroadcast v8, $0x0  }
0x2ea: {  	v19 =	vld [tilespmem:s5+$0x9F80]  }
0x2eb: {  	v20 =	vld [tilespmem:s5+$0x9F90];
	v10 =	vmul.f32 v10, v9  }
0x2ec: {  	v21 =	vld [tilespmem:s5+$0x9FA0];
	v11 =	vmul.f32 v11, v9  }
0x2ed: {  	v16 =	vld [tilespmem:s5+$0x9FB0];
	v48 =	vbroadcast v8, $0x1;
	v47 =	vmul.f32 v17, v9;
	[tilespmem:s5+$0x9F20] =	vst v10  }
0x2ee: {  	v15 =	vld [tilespmem:s5+$0x9FD0];
	v18 =	vmul.f32 v18, v9;
	[tilespmem:s5+$0x9F30] =	vst v11  }
0x2ef: {  	v13 =	vld [tilespmem:s5+$0xA470];
	v19 =	vmul.f32 v19, v48;
	[tilespmem:s5+$0x9F60] =	vst v47  }
0x2f0: {  	v50 =	vld [tilespmem:s5+$0x9FF0];
	v20 =	vmul.f32 v20, v48;
	[tilespmem:s5+$0x9F70] =	vst v18  }
0x2f1: {  	v51 =	vld [tilespmem:s5+$0xA000];
	v21 =	vmul.f32 v21, v48;
	[tilespmem:s5+$0x9F80] =	vst v19  }
0x2f2: {  	v52 =	vld [tilespmem:s5+$0xA010];
	v16 =	vmul.f32 v16, v48;
	[tilespmem:s5+$0x9F90] =	vst v20  }
0x2f3: {  	v49 =	vld [tilespmem:s5+$0x9FE0];
	v14 =	vmul.f32 v14, v48;
	[tilespmem:s5+$0x9FA0] =	vst v21  }
0x2f4: {  	v53 =	vld [tilespmem:s5+$0xA020];
	v22 =	vbroadcast v8, $0x2;
	v15 =	vmul.f32 v15, v48;
	[tilespmem:s5+$0x9FB0] =	vst v16  }
0x2f5: {  	v54 =	vld [tilespmem:s5+$0xA030];
	v17 =	vmul.f32 v50, v48;
	[tilespmem:s5+$0x9FC0] =	vst v14  }
0x2f6: {  	v55 =	vld [tilespmem:s5+$0xA040];
	v12 =	vbroadcast v8, $0xA;
	v57 =	vmul.f32 v51, v22;
	[tilespmem:s5+$0x9FD0] =	vst v15  }
0x2f7: {  	v56 =	vld [tilespmem:s5+$0xA050];
	v59 =	vmul.f32 v52, v22;
	[tilespmem:s5+$0x9FF0] =	vst v17  }
0x2f8: {  	v58 =	vld [tilespmem:s5+$0xA060];
	v10 =	vmul.f32 v13, v12;
	[tilespmem:s5+$0xA000] =	vst v57  }
0x2f9: {  	v60 =	vld [tilespmem:s5+$0xA070];
	v18 =	vmul.f32 v49, v48;
	[tilespmem:s5+$0xA010] =	vst v59  }
0x2fa: {  	v61 =	vld [tilespmem:s5+$0xA080];
	v16 =	vmul.f32 v53, v22;
	[tilespmem:s5+$0xA470] =	vst v10  }
0x2fb: {  	v62 =	vld [tilespmem:s5+$0xA090];
	v14 =	vmul.f32 v54, v22;
	[tilespmem:s5+$0x9FE0] =	vst v18  }
0x2fc: {  	v24 =	vld [tilespmem:s5+$0xA0A0];
	v15 =	vmul.f32 v55, v22;
	[tilespmem:s5+$0xA020] =	vst v16  }
0x2fd: {  	v25 =	vld [tilespmem:s5+$0xA0B0];
	v27 =	vbroadcast v8, $0x3;
	v17 =	vmul.f32 v58, v22;
	[tilespmem:s5+$0xA030] =	vst v14  }
0x2fe: {  	v26 =	vld [tilespmem:s5+$0xA0C0];
	v19 =	vmul.f32 v60, v22;
	[tilespmem:s5+$0xA040] =	vst v15  }
0x2ff: {  	v28 =	vld [tilespmem:s5+$0xA0D0];
	v20 =	vmul.f32 v61, v27;
	[tilespmem:s5+$0xA060] =	vst v17  }
0x300: {  	v29 =	vld [tilespmem:s5+$0xA0E0];
	v18 =	vmul.f32 v56, v22;
	[tilespmem:s5+$0xA070] =	vst v19  }
0x301: {  	v30 =	vld [tilespmem:s5+$0xA0F0];
	v16 =	vmul.f32 v62, v27;
	[tilespmem:s5+$0xA080] =	vst v20  }
0x302: {  	v31 =	vld [tilespmem:s5+$0xA100];
	v14 =	vmul.f32 v24, v27;
	[tilespmem:s5+$0xA050] =	vst v18  }
0x303: {  	v32 =	vld [tilespmem:s5+$0xA110];
	v15 =	vmul.f32 v25, v27;
	[tilespmem:s5+$0xA090] =	vst v16  }
0x304: {  	v33 =	vld [tilespmem:s5+$0xA120];
	v17 =	vmul.f32 v28, v27;
	[tilespmem:s5+$0xA0A0] =	vst v14  }
0x305: {  	v34 =	vld [tilespmem:s5+$0xA130];
	v19 =	vmul.f32 v29, v27;
	[tilespmem:s5+$0xA0B0] =	vst v15  }
0x306: {  	v35 =	vld [tilespmem:s5+$0xA140];
	v36 =	vbroadcast v8, $0x4;
	v20 =	vmul.f32 v30, v27;
	[tilespmem:s5+$0xA0D0] =	vst v17  }
0x307: {  	v37 =	vld [tilespmem:s5+$0xA150];
	v18 =	vmul.f32 v26, v27;
	[tilespmem:s5+$0xA0E0] =	vst v19  }
0x308: {  	v38 =	vld [tilespmem:s5+$0xA160];
	v16 =	vmul.f32 v31, v36;
	[tilespmem:s5+$0xA0F0] =	vst v20  }
0x309: {  	v39 =	vld [tilespmem:s5+$0xA170];
	v14 =	vmul.f32 v32, v36;
	[tilespmem:s5+$0xA0C0] =	vst v18  }
0x30a: {  	v40 =	vld [tilespmem:s5+$0xA180];
	v15 =	vmul.f32 v33, v36;
	[tilespmem:s5+$0xA100] =	vst v16  }
0x30b: {  	v41 =	vld [tilespmem:s5+$0xA190];
	v17 =	vmul.f32 v35, v36;
	[tilespmem:s5+$0xA110] =	vst v14  }
0x30c: {  	v42 =	vld [tilespmem:s5+$0xA1A0];
	v19 =	vmul.f32 v37, v36;
	[tilespmem:s5+$0xA120] =	vst v15  }
0x30d: {  	v43 =	vld [tilespmem:s5+$0xA1B0];
	v20 =	vmul.f32 v38, v36;
	[tilespmem:s5+$0xA140] =	vst v17  }
0x30e: {  	v44 =	vld [tilespmem:s5+$0xA1C0];
	v45 =	vbroadcast v8, $0x5;
	v18 =	vmul.f32 v34, v36;
	[tilespmem:s5+$0xA150] =	vst v19  }
0x30f: {  	v46 =	vld [tilespmem:s5+$0xA1D0];
	v16 =	vmul.f32 v39, v36;
	[tilespmem:s5+$0xA160] =	vst v20  }
0x310: {  	v50 =	vld [tilespmem:s5+$0xA210];
	v14 =	vmul.f32 v40, v45;
	[tilespmem:s5+$0xA130] =	vst v18  }
0x311: {  	v47 =	vld [tilespmem:s5+$0xA1E0];
	v15 =	vmul.f32 v41, v45;
	[tilespmem:s5+$0xA170] =	vst v16  }
0x312: {  	v48 =	vld [tilespmem:s5+$0xA1F0];
	v17 =	vmul.f32 v43, v45;
	[tilespmem:s5+$0xA180] =	vst v14  }
0x313: {  	v49 =	vld [tilespmem:s5+$0xA200];
	v19 =	vmul.f32 v44, v45;
	[tilespmem:s5+$0xA190] =	vst v15  }
0x314: {  	v51 =	vld [tilespmem:s5+$0xA220];
	v20 =	vmul.f32 v46, v45;
	[tilespmem:s5+$0xA1B0] =	vst v17  }
0x315: {  	v52 =	vld [tilespmem:s5+$0xA230];
	v18 =	vmul.f32 v42, v45;
	[tilespmem:s5+$0xA1C0] =	vst v19  }
0x316: {  	v53 =	vld [tilespmem:s5+$0xA240];
	v54 =	vbroadcast v8, $0x6;
	v16 =	vmul.f32 v47, v45;
	[tilespmem:s5+$0xA1D0] =	vst v20  }
0x317: {  	v11 =	vld [tilespmem:s5+$0xA480];
	v14 =	vmul.f32 v48, v45;
	[tilespmem:s5+$0xA1A0] =	vst v18  }
0x318: {  	v55 =	vld [tilespmem:s5+$0xA250];
	v15 =	vmul.f32 v49, v54;
	[tilespmem:s5+$0xA1E0] =	vst v16  }
0x319: {  	v56 =	vld [tilespmem:s5+$0xA260];
	v17 =	vmul.f32 v51, v54;
	[tilespmem:s5+$0xA1F0] =	vst v14  }
0x31a: {  	v57 =	vld [tilespmem:s5+$0xA270];
	v19 =	vmul.f32 v52, v54;
	[tilespmem:s5+$0xA200] =	vst v15  }
0x31b: {  	v59 =	vld [tilespmem:s5+$0xA290];
	v20 =	vmul.f32 v53, v54;
	[tilespmem:s5+$0xA220] =	vst v17  }
0x31c: {  	v60 =	vld [tilespmem:s5+$0xA2A0];
	v18 =	vmul.f32 v50, v54;
	[tilespmem:s5+$0xA230] =	vst v19  }
0x31d: {  	v61 =	vld [tilespmem:s5+$0xA2B0];
	v16 =	vmul.f32 v55, v54;
	[tilespmem:s5+$0xA240] =	vst v20  }
0x31e: {  	v24 =	vbroadcast v8, $0x7;
	v46 =	vld [tilespmem:s5+$0xA400];
	v14 =	vmul.f32 v56, v54;
	[tilespmem:s5+$0xA210] =	vst v18  }
0x31f: {  	v58 =	vld [tilespmem:s5+$0xA280];
	v15 =	vmul.f32 v57, v54;
	[tilespmem:s5+$0xA250] =	vst v16  }
0x320: {  	v62 =	vld [tilespmem:s5+$0xA2C0];
	v17 =	vmul.f32 v59, v24;
	[tilespmem:s5+$0xA260] =	vst v14  }
0x321: {  	v25 =	vld [tilespmem:s5+$0xA2D0];
	v19 =	vmul.f32 v60, v24;
	[tilespmem:s5+$0xA270] =	vst v15  }
0x322: {  	v26 =	vld [tilespmem:s5+$0xA2E0];
	v20 =	vmul.f32 v61, v24;
	[tilespmem:s5+$0xA290] =	vst v17  }
0x323: {  	v28 =	vld [tilespmem:s5+$0xA300];
	v52 =	vmul.f32 v46, v12;
	[tilespmem:s5+$0xA2A0] =	vst v19  }
0x324: {  	v29 =	vld [tilespmem:s5+$0xA310];
	v18 =	vmul.f32 v58, v24;
	[tilespmem:s5+$0xA2B0] =	vst v20  }
0x325: {  	v30 =	vld [tilespmem:s5+$0xA320];
	v16 =	vmul.f32 v62, v24;
	[tilespmem:s5+$0xA400] =	vst v52  }
0x326: {  	v33 =	vbroadcast v8, $0x8;
	v51 =	vld [tilespmem:s5+$0xA450];
	v14 =	vmul.f32 v25, v24;
	[tilespmem:s5+$0xA280] =	vst v18  }
0x327: {  	v27 =	vld [tilespmem:s5+$0xA2F0];
	v15 =	vmul.f32 v26, v24;
	[tilespmem:s5+$0xA2C0] =	vst v16  }
0x328: {  	v31 =	vld [tilespmem:s5+$0xA330];
	v17 =	vmul.f32 v28, v33;
	[tilespmem:s5+$0xA2D0] =	vst v14  }
0x329: {  	v32 =	vld [tilespmem:s5+$0xA340];
	v19 =	vmul.f32 v29, v33;
	[tilespmem:s5+$0xA2E0] =	vst v15  }
0x32a: {  	v34 =	vld [tilespmem:s5+$0xA350];
	v20 =	vmul.f32 v30, v33;
	[tilespmem:s5+$0xA300] =	vst v17  }
0x32b: {  	v36 =	vld [tilespmem:s5+$0xA370];
	v59 =	vmul.f32 v51, v12;
	[tilespmem:s5+$0xA310] =	vst v19  }
0x32c: {  	v37 =	vld [tilespmem:s5+$0xA380];
	v18 =	vmul.f32 v27, v24;
	[tilespmem:s5+$0xA320] =	vst v20  }
0x32d: {  	v38 =	vld [tilespmem:s5+$0xA390];
	v16 =	vmul.f32 v31, v33;
	[tilespmem:s5+$0xA450] =	vst v59  }
0x32e: {  	v13 =	vld [tilespmem:s5+$0xA490];
	v14 =	vmul.f32 v32, v33;
	[tilespmem:s5+$0xA2F0] =	vst v18  }
0x32f: {  	v10 =	vld [tilespmem:s5+$0xA6D0];
	v42 =	vbroadcast v8, $0x9;
	v15 =	vmul.f32 v34, v33;
	[tilespmem:s5+$0xA330] =	vst v16  }
0x330: {  	v50 =	vld [tilespmem:s5+$0xA440];
	v17 =	vmul.f32 v36, v33;
	[tilespmem:s5+$0xA340] =	vst v14  }
0x331: {  	v54 =	vld [tilespmem:s5+$0x9F00];
	v62 =	vbroadcast v8, $0xB;
	v19 =	vmul.f32 v37, v42;
	[tilespmem:s5+$0xA350] =	vst v15  }
0x332: {  	v35 =	vld [tilespmem:s5+$0xA360];
	v20 =	vmul.f32 v38, v42;
	[tilespmem:s5+$0xA370] =	vst v17  }
0x333: {  	v39 =	vld [tilespmem:s5+$0xA3A0];
	v11 =	vmul.f32 v11, v62;
	[tilespmem:s5+$0xA380] =	vst v19  }
0x334: {  	v40 =	vld [tilespmem:s5+$0xA3B0];
	v13 =	vmul.f32 v13, v62;
	[tilespmem:s5+$0xA390] =	vst v20  }
0x335: {  	v41 =	vld [tilespmem:s5+$0xA3C0];
	v57 =	vmul.f32 v50, v12;
	[tilespmem:s5+$0xA480] =	vst v11  }
0x336: {  	v44 =	vld [tilespmem:s5+$0xA3E0];
	v24 =	vmul.f32 v9, v54;
	[tilespmem:s5+$0xA490] =	vst v13  }
0x337: {  	v45 =	vld [tilespmem:s5+$0xA3F0];
	v18 =	vmul.f32 v35, v33;
	[tilespmem:s5+$0xA440] =	vst v57  }
0x338: {  	v26 =	vld [tilespmem:s5+$0xA4D0];
	v16 =	vmul.f32 v39, v42;
	[tilespmem:s5+$0x9F00] =	vst v24  }
0x339: {  	v29 =	vld [tilespmem:s5+$0xA500];
	v14 =	vmul.f32 v40, v42;
	[tilespmem:s5+$0xA360] =	vst v18  }
0x33a: {  	v28 =	vld [tilespmem:s5+$0xA4F0];
	v15 =	vmul.f32 v41, v42;
	[tilespmem:s5+$0xA3A0] =	vst v16  }
0x33b: {  	v43 =	vld [tilespmem:s5+$0xA3D0];
	v17 =	vmul.f32 v44, v42;
	[tilespmem:s5+$0xA3B0] =	vst v14  }
0x33c: {  	v47 =	vld [tilespmem:s5+$0xA410];
	v34 =	vbroadcast v8, $0xC;
	v19 =	vmul.f32 v45, v42;
	[tilespmem:s5+$0xA3C0] =	vst v15  }
0x33d: {  	v48 =	vld [tilespmem:s5+$0xA420];
	v31 =	vmul.f32 v26, v62;
	[tilespmem:s5+$0xA3E0] =	vst v17  }
0x33e: {  	v49 =	vld [tilespmem:s5+$0xA430];
	v22 =	vmul.f32 v29, v34;
	[tilespmem:s5+$0xA3F0] =	vst v19  }
0x33f: {  	v53 =	vld [tilespmem:s5+$0xA460];
	v13 =	vmul.f32 v28, v62;
	[tilespmem:s5+$0xA4D0] =	vst v31  }
0x340: {  	v18 =	vmul.f32 v43, v42;
	[tilespmem:s5+$0xA500] =	vst v22  }
0x341: {  	v55 =	vld [tilespmem:s5+$0x9F10];
	v16 =	vmul.f32 v47, v12;
	[tilespmem:s5+$0xA4F0] =	vst v13  }
0x342: {  	v27 =	vld [tilespmem:s5+$0xA4E0];
	v14 =	vmul.f32 v48, v12;
	[tilespmem:s5+$0xA3D0] =	vst v18  }
0x343: {  	v37 =	vld [tilespmem:s5+$0xA570];
	v11 =	vbroadcast v8, $0xF;
	v15 =	vmul.f32 v49, v12;
	[tilespmem:s5+$0xA410] =	vst v16  }
0x344: {  	v56 =	vld [tilespmem:s5+$0x9F40];
	v12 =	vmul.f32 v53, v12;
	[tilespmem:s5+$0xA420] =	vst v14  }
0x345: {  	v60 =	vld [tilespmem:s5+$0xA4A0];
	v10 =	vmul.f32 v10, v11;
	[tilespmem:s5+$0xA430] =	vst v15  }
0x346: {  	v61 =	vld [tilespmem:s5+$0xA4B0];
	v19 =	vmul.f32 v55, v9;
	[tilespmem:s5+$0xA460] =	vst v12  }
0x347: {  	v25 =	vld [tilespmem:s5+$0xA4C0];
	v39 =	vmul.f32 v27, v62;
	[tilespmem:s5+$0xA6D0] =	vst v10  }
0x348: {  	v58 =	vld [tilespmem:s5+$0x9F50];
	v22 =	vmul.f32 v37, v34;
	[tilespmem:s5+$0x9F10] =	vst v19  }
0x349: {  	v30 =	vld [tilespmem:s5+$0xA510];
	v10 =	vmul.f32 v56, v9;
	[tilespmem:s5+$0xA4E0] =	vst v39  }
0x34a: {  	v32 =	vld [tilespmem:s5+$0xA530];
	v14 =	vmul.f32 v60, v62;
	[tilespmem:s5+$0xA570] =	vst v22  }
0x34b: {  	v33 =	vld [tilespmem:s5+$0xA540];
	v15 =	vmul.f32 v61, v62;
	[tilespmem:s5+$0x9F40] =	vst v10  }
0x34c: {  	v40 =	vld [tilespmem:s5+$0xA5A0];
	v12 =	vmul.f32 v25, v62;
	[tilespmem:s5+$0xA4A0] =	vst v14  }
0x34d: {  	v45 =	vld [tilespmem:s5+$0xA5E0];
	v9 =	vmul.f32 v58, v9;
	[tilespmem:s5+$0xA4B0] =	vst v15  }
0x34e: {  	v35 =	vld [tilespmem:s5+$0xA550];
	v16 =	vmul.f32 v30, v34;
	[tilespmem:s5+$0xA4C0] =	vst v12  }
0x34f: {  	v43 =	vbroadcast v8, $0xD;
	v61 =	vmul.f32 v32, v34;
	[tilespmem:s5+$0x9F50] =	vst v9;
	v9 =	vld [tilespmem:s5+$0xA590]  }
0x350: {  	v36 =	vld [tilespmem:s5+$0xA560];
	v19 =	vmul.f32 v33, v34;
	[tilespmem:s5+$0xA510] =	vst v16  }
0x351: {  	v38 =	vld [tilespmem:s5+$0xA580];
	v18 =	vmul.f32 v40, v43;
	[tilespmem:s5+$0xA530] =	vst v61  }
0x352: {  	v41 =	vld [tilespmem:s5+$0xA5B0];
	v50 =	vmul.f32 v45, v43;
	[tilespmem:s5+$0xA540] =	vst v19  }
0x353: {  	v47 =	vld [tilespmem:s5+$0xA610];
	v15 =	vmul.f32 v35, v34;
	[tilespmem:s5+$0xA5A0] =	vst v18  }
0x354: {  	v48 =	vld [tilespmem:s5+$0xA620];
	[tilespmem:s5+$0xA5E0] =	vst v50;
	v9 =	vmul.f32 v9, v43  }
0x355: {  	v49 =	vld [tilespmem:s5+$0xA630];
	v12 =	vmul.f32 v36, v34;
	[tilespmem:s5+$0xA550] =	vst v15  }
0x356: {  	v8 =	vbroadcast v8, $0xE;
	v16 =	vmul.f32 v38, v43;
	[tilespmem:s5+$0xA590] =	vst v9;
	v9 =	vld [tilespmem:s5+$0xA600]  }
0x357: {  	v44 =	vld [tilespmem:s5+$0xA5D0];
	v19 =	vmul.f32 v41, v43;
	[tilespmem:s5+$0xA560] =	vst v12  }
0x358: {  	v46 =	vld [tilespmem:s5+$0xA5F0];
	v18 =	vmul.f32 v47, v8;
	[tilespmem:s5+$0xA580] =	vst v16  }
0x359: {  	v42 =	vld [tilespmem:s5+$0xA5C0];
	v17 =	vmul.f32 v48, v8;
	[tilespmem:s5+$0xA5B0] =	vst v19  }
0x35a: {  	v54 =	vld [tilespmem:s5+$0xA680];
	v13 =	vmul.f32 v49, v8;
	[tilespmem:s5+$0xA610] =	vst v18  }
0x35b: {  	v56 =	vld [tilespmem:s5+$0xA6A0];
	[tilespmem:s5+$0xA620] =	vst v17;
	v9 =	vmul.f32 v9, v8  }
0x35c: {  	v60 =	vld [tilespmem:s5+$0xA6F0];
	v12 =	vmul.f32 v44, v43;
	[tilespmem:s5+$0xA630] =	vst v13  }
0x35d: {  	v16 =	vmul.f32 v46, v43;
	[tilespmem:s5+$0xA600] =	vst v9;
	v9 =	vld [tilespmem:s5+$0xA670]  }
0x35e: {  	v51 =	vld [tilespmem:s5+$0xA640];
	v15 =	vmul.f32 v42, v43;
	[tilespmem:s5+$0xA5D0] =	vst v12  }
0x35f: {  	v55 =	vld [tilespmem:s5+$0xA690];
	v18 =	vmul.f32 v54, v11;
	[tilespmem:s5+$0xA5F0] =	vst v16  }
0x360: {  	v53 =	vld [tilespmem:s5+$0xA660];
	v13 =	vmul.f32 v56, v11;
	[tilespmem:s5+$0xA5C0] =	vst v15  }
0x361: {  	v57 =	vld [tilespmem:s5+$0xA6B0];
	v62 =	vmul.f32 v60, v11;
	[tilespmem:s5+$0xA680] =	vst v18  }
0x362: {  	v52 =	vld [tilespmem:s5+$0xA650];
	[tilespmem:s5+$0xA6A0] =	vst v13;
	v9 =	vmul.f32 v9, v8  }
0x363: {  	v58 =	vld [tilespmem:s5+$0xA6C0];
	v12 =	vmul.f32 v51, v8;
	[tilespmem:s5+$0xA6F0] =	vst v62  }
0x364: {  	v59 =	vld [tilespmem:s5+$0xA6E0];
	[tilespmem:s5+$0xA670] =	vst v9;
	v9 =	vmul.f32 v55, v11  }
0x365: {  	v16 =	vmul.f32 v53, v8;
	[tilespmem:s5+$0xA640] =	vst v12  }
0x366: {  	v10 =	vld [tilespmem:s5+$0xA520];
	[tilespmem:s5+$0xA690] =	vst v9;
	v9 =	vmul.f32 v57, v11  }
0x367: {  	[tilespmem:s5+$0xA660] =	vst v16;
	v8 =	vmul.f32 v52, v8  }
0x368: {  	[tilespmem:s5+$0xA6B0] =	vst v9;
	v9 =	vmul.f32 v58, v11  }
0x369: {  	[tilespmem:s5+$0xA650] =	vst v8;
	v11 =	vmul.f32 v59, v11  }
0x36a: {  	[tilespmem:s5+$0xA6C0] =	vst v9  }
0x36b: {  	s26 =	simm.s32 $0x1;
	s6 =	sadd.s32 $0x5340, s0;
	v9 =	vmul.f32 v10, v34;
	[tilespmem:s5+$0xA6E0] =	vst v11  }
.LBB2_15:
0x36c: {  	s28 =	sshll.u32 s26, $0x4  }
0x36d: {  	p0 =	sne.s32 s26, $0x3;
	[tilespmem:s5+$0xA520] =	vst v9;
	s5 =	smov.u32 s26;
	s26 =	sadd.s32 $0x1, s26  }
0x36e: {  	s28 =	sand.u32 $0x3FFFFFF0, s28  }
0x36f: {  	s5 =	sshll.u32 s5, $0xB;
	v8 =	vld [tilespmem:s28+$0xBF00]  }
0x370: {  	s5 =	sand.u32 $0x3FFFF800, s5  }
0x371: {  	v15 =	vld [tilespmem:s5+$0x9FC0]  }
0x372: {  	v16 =	vld [tilespmem:s5+$0x9FD0]  }
0x373: {  	v17 =	vld [tilespmem:s5+$0x9FB0]  }
0x374: {  	v9 =	vbroadcast v8, $0x0;
	v10 =	vld [tilespmem:s5+$0x9F20];
	v14 =	vbroadcast v8, $0x4  }
0x375: {  	v12 =	vld [tilespmem:s5+$0x9F30]  }
0x376: {  	v13 =	vld [tilespmem:s5+$0xA470]  }
0x377: {  	v18 =	vld [tilespmem:s5+$0x9F60]  }
0x378: {  	v19 =	vld [tilespmem:s5+$0x9F70]  }
0x379: {  	v11 =	vbroadcast v8, $0xA;
	v10 =	vmul.f32 v10, v9;
	v20 =	vld [tilespmem:s5+$0x9F80]  }
0x37a: {  	v12 =	vmul.f32 v12, v9;
	v21 =	vld [tilespmem:s5+$0x9F90]  }
0x37b: {  	[tilespmem:s5+$0x9F20] =	vst v10;
	v22 =	vld [tilespmem:s5+$0x9FA0];
	v10 =	vmul.f32 v13, v11  }
0x37c: {  	[tilespmem:s5+$0x9F30] =	vst v12;
	v13 =	vmul.f32 v18, v9;
	v18 =	vbroadcast v8, $0x1;
	v12 =	vld [tilespmem:s5+$0xA480]  }
0x37d: {  	v19 =	vmul.f32 v19, v9;
	[tilespmem:s5+$0xA470] =	vst v10;
	v10 =	vld [tilespmem:s5+$0xA6D0]  }
0x37e: {  	[tilespmem:s5+$0x9F60] =	vst v13;
	v20 =	vmul.f32 v20, v18;
	v13 =	vld [tilespmem:s5+$0xA490]  }
0x37f: {  	[tilespmem:s5+$0x9F70] =	vst v19;
	v19 =	vmul.f32 v21, v18;
	v21 =	vld [tilespmem:s5+$0x9FE0]  }
0x380: {  	[tilespmem:s5+$0x9F80] =	vst v20;
	v20 =	vmul.f32 v22, v18;
	v22 =	vld [tilespmem:s5+$0x9FF0]  }
0x381: {  	v17 =	vmul.f32 v17, v18;
	[tilespmem:s5+$0x9F90] =	vst v19;
	v19 =	vld [tilespmem:s5+$0xA000]  }
0x382: {  	v15 =	vmul.f32 v15, v18;
	[tilespmem:s5+$0x9FA0] =	vst v20;
	v20 =	vld [tilespmem:s5+$0xA010]  }
0x383: {  	v16 =	vmul.f32 v16, v18;
	[tilespmem:s5+$0x9FB0] =	vst v17;
	v17 =	vld [tilespmem:s5+$0xA020]  }
0x384: {  	[tilespmem:s5+$0x9FC0] =	vst v15;
	v15 =	vmul.f32 v21, v18;
	v21 =	vbroadcast v8, $0x2;
	v23 =	vld [tilespmem:s5+$0xA030]  }
0x385: {  	[tilespmem:s5+$0x9FD0] =	vst v16;
	v16 =	vmul.f32 v22, v18;
	v18 =	vld [tilespmem:s5+$0xA040]  }
0x386: {  	[tilespmem:s5+$0x9FE0] =	vst v15;
	v15 =	vmul.f32 v19, v21;
	v19 =	vld [tilespmem:s5+$0xA050]  }
0x387: {  	[tilespmem:s5+$0x9FF0] =	vst v16;
	v16 =	vmul.f32 v20, v21;
	v20 =	vld [tilespmem:s5+$0xA060]  }
0x388: {  	[tilespmem:s5+$0xA000] =	vst v15;
	v15 =	vmul.f32 v17, v21;
	v17 =	vld [tilespmem:s5+$0xA070]  }
0x389: {  	[tilespmem:s5+$0xA010] =	vst v16;
	v16 =	vmul.f32 v23, v21;
	v22 =	vld [tilespmem:s5+$0xA080]  }
0x38a: {  	[tilespmem:s5+$0xA020] =	vst v15;
	v15 =	vmul.f32 v18, v21;
	v18 =	vld [tilespmem:s5+$0xA090]  }
0x38b: {  	[tilespmem:s5+$0xA030] =	vst v16;
	v16 =	vmul.f32 v19, v21;
	v19 =	vld [tilespmem:s5+$0xA0A0]  }
0x38c: {  	[tilespmem:s5+$0xA040] =	vst v15;
	v15 =	vmul.f32 v20, v21;
	v20 =	vbroadcast v8, $0x3;
	v23 =	vld [tilespmem:s5+$0xA0B0]  }
0x38d: {  	[tilespmem:s5+$0xA050] =	vst v16;
	v16 =	vmul.f32 v17, v21;
	v17 =	vld [tilespmem:s5+$0xA0C0]  }
0x38e: {  	[tilespmem:s5+$0xA060] =	vst v15;
	v15 =	vmul.f32 v22, v20;
	v21 =	vld [tilespmem:s5+$0xA0D0]  }
0x38f: {  	[tilespmem:s5+$0xA070] =	vst v16;
	v16 =	vmul.f32 v18, v20;
	v18 =	vld [tilespmem:s5+$0xA0E0]  }
0x390: {  	[tilespmem:s5+$0xA080] =	vst v15;
	v15 =	vmul.f32 v19, v20;
	v19 =	vld [tilespmem:s5+$0xA0F0]  }
0x391: {  	[tilespmem:s5+$0xA090] =	vst v16;
	v16 =	vmul.f32 v23, v20;
	v22 =	vld [tilespmem:s5+$0xA100]  }
0x392: {  	[tilespmem:s5+$0xA0A0] =	vst v15;
	v15 =	vmul.f32 v17, v20;
	v17 =	vld [tilespmem:s5+$0xA110]  }
0x393: {  	[tilespmem:s5+$0xA0B0] =	vst v16;
	v16 =	vmul.f32 v21, v20;
	v21 =	vld [tilespmem:s5+$0xA120]  }
0x394: {  	[tilespmem:s5+$0xA0C0] =	vst v15;
	v15 =	vmul.f32 v18, v20;
	v18 =	vld [tilespmem:s5+$0xA130]  }
0x395: {  	[tilespmem:s5+$0xA0D0] =	vst v16;
	v16 =	vmul.f32 v19, v20;
	v19 =	vld [tilespmem:s5+$0xA140]  }
0x396: {  	[tilespmem:s5+$0xA0E0] =	vst v15;
	v15 =	vmul.f32 v22, v14;
	v20 =	vld [tilespmem:s5+$0xA150]  }
0x397: {  	[tilespmem:s5+$0xA0F0] =	vst v16;
	v16 =	vmul.f32 v17, v14;
	v17 =	vld [tilespmem:s5+$0xA160]  }
0x398: {  	[tilespmem:s5+$0xA100] =	vst v15;
	v15 =	vmul.f32 v21, v14;
	v21 =	vld [tilespmem:s5+$0xA170]  }
0x399: {  	[tilespmem:s5+$0xA110] =	vst v16;
	v16 =	vmul.f32 v18, v14;
	v18 =	vld [tilespmem:s5+$0xA180]  }
0x39a: {  	[tilespmem:s5+$0xA120] =	vst v15;
	v15 =	vmul.f32 v19, v14;
	v19 =	vld [tilespmem:s5+$0xA190]  }
0x39b: {  	[tilespmem:s5+$0xA130] =	vst v16;
	v16 =	vmul.f32 v20, v14;
	v20 =	vld [tilespmem:s5+$0xA1A0]  }
0x39c: {  	[tilespmem:s5+$0xA140] =	vst v15;
	v15 =	vmul.f32 v17, v14;
	v17 =	vbroadcast v8, $0x5;
	v22 =	vld [tilespmem:s5+$0xA1B0]  }
0x39d: {  	[tilespmem:s5+$0xA150] =	vst v16;
	v14 =	vmul.f32 v21, v14;
	v16 =	vld [tilespmem:s5+$0xA1C0]  }
0x39e: {  	[tilespmem:s5+$0xA160] =	vst v15;
	v15 =	vmul.f32 v18, v17;
	v18 =	vld [tilespmem:s5+$0xA1D0]  }
0x39f: {  	[tilespmem:s5+$0xA170] =	vst v14;
	v14 =	vmul.f32 v19, v17;
	v19 =	vld [tilespmem:s5+$0xA1E0]  }
0x3a0: {  	[tilespmem:s5+$0xA180] =	vst v15;
	v15 =	vmul.f32 v20, v17;
	v20 =	vld [tilespmem:s5+$0xA1F0]  }
0x3a1: {  	[tilespmem:s5+$0xA190] =	vst v14;
	v14 =	vmul.f32 v22, v17;
	v21 =	vld [tilespmem:s5+$0xA200]  }
0x3a2: {  	[tilespmem:s5+$0xA1A0] =	vst v15;
	v15 =	vmul.f32 v16, v17;
	v16 =	vld [tilespmem:s5+$0xA210]  }
0x3a3: {  	[tilespmem:s5+$0xA1B0] =	vst v14;
	v14 =	vmul.f32 v18, v17;
	v18 =	vld [tilespmem:s5+$0xA220]  }
0x3a4: {  	[tilespmem:s5+$0xA1C0] =	vst v15;
	v15 =	vmul.f32 v19, v17;
	v19 =	vbroadcast v8, $0x6;
	v22 =	vld [tilespmem:s5+$0xA230]  }
0x3a5: {  	[tilespmem:s5+$0xA1D0] =	vst v14;
	v14 =	vmul.f32 v20, v17;
	v17 =	vld [tilespmem:s5+$0xA240]  }
0x3a6: {  	[tilespmem:s5+$0xA1E0] =	vst v15;
	v15 =	vmul.f32 v21, v19;
	v20 =	vld [tilespmem:s5+$0xA250]  }
0x3a7: {  	[tilespmem:s5+$0xA1F0] =	vst v14;
	v14 =	vmul.f32 v16, v19;
	v16 =	vld [tilespmem:s5+$0xA260]  }
0x3a8: {  	[tilespmem:s5+$0xA200] =	vst v15;
	v15 =	vmul.f32 v18, v19;
	v18 =	vld [tilespmem:s5+$0xA270]  }
0x3a9: {  	[tilespmem:s5+$0xA210] =	vst v14;
	v14 =	vmul.f32 v22, v19;
	v21 =	vld [tilespmem:s5+$0xA280]  }
0x3aa: {  	[tilespmem:s5+$0xA220] =	vst v15;
	v15 =	vmul.f32 v17, v19;
	v17 =	vld [tilespmem:s5+$0xA290]  }
0x3ab: {  	[tilespmem:s5+$0xA230] =	vst v14;
	v14 =	vmul.f32 v20, v19;
	v20 =	vld [tilespmem:s5+$0xA2A0]  }
0x3ac: {  	[tilespmem:s5+$0xA240] =	vst v15;
	v15 =	vmul.f32 v16, v19;
	v16 =	vbroadcast v8, $0x7;
	v22 =	vld [tilespmem:s5+$0xA2B0]  }
0x3ad: {  	[tilespmem:s5+$0xA250] =	vst v14;
	v14 =	vmul.f32 v18, v19;
	v18 =	vld [tilespmem:s5+$0xA2C0]  }
0x3ae: {  	[tilespmem:s5+$0xA260] =	vst v15;
	v15 =	vmul.f32 v21, v16;
	v19 =	vld [tilespmem:s5+$0xA2D0]  }
0x3af: {  	[tilespmem:s5+$0xA270] =	vst v14;
	v14 =	vmul.f32 v17, v16;
	v17 =	vld [tilespmem:s5+$0xA2E0]  }
0x3b0: {  	[tilespmem:s5+$0xA280] =	vst v15;
	v15 =	vmul.f32 v20, v16;
	v20 =	vld [tilespmem:s5+$0xA2F0]  }
0x3b1: {  	[tilespmem:s5+$0xA290] =	vst v14;
	v14 =	vmul.f32 v22, v16;
	v21 =	vld [tilespmem:s5+$0xA300]  }
0x3b2: {  	[tilespmem:s5+$0xA2A0] =	vst v15;
	v15 =	vmul.f32 v18, v16;
	v18 =	vld [tilespmem:s5+$0xA310]  }
0x3b3: {  	[tilespmem:s5+$0xA2B0] =	vst v14;
	v14 =	vmul.f32 v19, v16;
	v19 =	vld [tilespmem:s5+$0xA320]  }
0x3b4: {  	[tilespmem:s5+$0xA2C0] =	vst v15;
	v15 =	vmul.f32 v17, v16;
	v17 =	vbroadcast v8, $0x8;
	v22 =	vld [tilespmem:s5+$0xA330]  }
0x3b5: {  	[tilespmem:s5+$0xA2D0] =	vst v14;
	v14 =	vmul.f32 v20, v16;
	v16 =	vld [tilespmem:s5+$0xA340]  }
0x3b6: {  	[tilespmem:s5+$0xA2E0] =	vst v15;
	v15 =	vmul.f32 v21, v17;
	v20 =	vld [tilespmem:s5+$0xA350]  }
0x3b7: {  	[tilespmem:s5+$0xA2F0] =	vst v14;
	v14 =	vmul.f32 v18, v17;
	v18 =	vld [tilespmem:s5+$0xA360]  }
0x3b8: {  	[tilespmem:s5+$0xA300] =	vst v15;
	v15 =	vmul.f32 v19, v17;
	v19 =	vld [tilespmem:s5+$0xA370]  }
0x3b9: {  	[tilespmem:s5+$0xA310] =	vst v14;
	v14 =	vmul.f32 v22, v17;
	v21 =	vld [tilespmem:s5+$0xA380]  }
0x3ba: {  	[tilespmem:s5+$0xA320] =	vst v15;
	v15 =	vmul.f32 v16, v17;
	v16 =	vld [tilespmem:s5+$0xA390]  }
0x3bb: {  	[tilespmem:s5+$0xA330] =	vst v14;
	v14 =	vmul.f32 v20, v17;
	v20 =	vld [tilespmem:s5+$0xA3A0]  }
0x3bc: {  	[tilespmem:s5+$0xA340] =	vst v15;
	v15 =	vmul.f32 v18, v17;
	v18 =	vbroadcast v8, $0x9;
	v22 =	vld [tilespmem:s5+$0xA3B0]  }
0x3bd: {  	[tilespmem:s5+$0xA350] =	vst v14;
	v14 =	vmul.f32 v19, v17;
	v17 =	vld [tilespmem:s5+$0xA3C0]  }
0x3be: {  	[tilespmem:s5+$0xA360] =	vst v15;
	v15 =	vmul.f32 v21, v18;
	v19 =	vld [tilespmem:s5+$0xA3D0]  }
0x3bf: {  	[tilespmem:s5+$0xA370] =	vst v14;
	v14 =	vmul.f32 v16, v18;
	v16 =	vld [tilespmem:s5+$0xA3E0]  }
0x3c0: {  	[tilespmem:s5+$0xA380] =	vst v15;
	v15 =	vmul.f32 v20, v18;
	v20 =	vld [tilespmem:s5+$0xA3F0]  }
0x3c1: {  	[tilespmem:s5+$0xA390] =	vst v14;
	v14 =	vmul.f32 v22, v18;
	v21 =	vld [tilespmem:s5+$0xA400]  }
0x3c2: {  	[tilespmem:s5+$0xA3A0] =	vst v15;
	v15 =	vmul.f32 v17, v18;
	v17 =	vld [tilespmem:s5+$0xA410]  }
0x3c3: {  	[tilespmem:s5+$0xA3B0] =	vst v14;
	v14 =	vmul.f32 v19, v18;
	v19 =	vld [tilespmem:s5+$0xA420]  }
0x3c4: {  	[tilespmem:s5+$0xA3C0] =	vst v15;
	v15 =	vmul.f32 v16, v18;
	v16 =	vld [tilespmem:s5+$0xA430]  }
0x3c5: {  	[tilespmem:s5+$0xA3D0] =	vst v14;
	v14 =	vmul.f32 v20, v18;
	v18 =	vld [tilespmem:s5+$0xA440]  }
0x3c6: {  	[tilespmem:s5+$0xA3E0] =	vst v15;
	v15 =	vmul.f32 v21, v11;
	v20 =	vld [tilespmem:s5+$0xA450]  }
0x3c7: {  	[tilespmem:s5+$0xA3F0] =	vst v14;
	v14 =	vmul.f32 v17, v11;
	v17 =	vld [tilespmem:s5+$0xA460]  }
0x3c8: {  	v21 =	vld [tilespmem:s5+$0x9F00];
	[tilespmem:s5+$0xA400] =	vst v15;
	v15 =	vmul.f32 v19, v11  }
0x3c9: {  	v19 =	vld [tilespmem:s5+$0x9F10];
	[tilespmem:s5+$0xA410] =	vst v14;
	v14 =	vmul.f32 v16, v11  }
0x3ca: {  	v16 =	vld [tilespmem:s5+$0x9F40];
	[tilespmem:s5+$0xA420] =	vst v15;
	v15 =	vmul.f32 v18, v11  }
0x3cb: {  	v18 =	vld [tilespmem:s5+$0x9F50];
	[tilespmem:s5+$0xA430] =	vst v14;
	v14 =	vmul.f32 v20, v11  }
0x3cc: {  	[tilespmem:s5+$0xA440] =	vst v15;
	v15 =	vmul.f32 v17, v11;
	v17 =	vbroadcast v8, $0xB;
	v20 =	vld [tilespmem:s5+$0xA4A0]  }
0x3cd: {  	v11 =	vbroadcast v8, $0xF;
	v21 =	vmul.f32 v9, v21;
	[tilespmem:s5+$0xA450] =	vst v14;
	v14 =	vld [tilespmem:s5+$0xA4B0]  }
0x3ce: {  	v19 =	vmul.f32 v19, v9;
	[tilespmem:s5+$0xA460] =	vst v15;
	v12 =	vmul.f32 v12, v17;
	v15 =	vld [tilespmem:s5+$0xA4C0]  }
0x3cf: {  	v13 =	vmul.f32 v13, v17;
	[tilespmem:s5+$0x9F00] =	vst v21;
	v16 =	vmul.f32 v16, v9;
	v21 =	vld [tilespmem:s5+$0xA4D0]  }
0x3d0: {  	v10 =	vmul.f32 v10, v11;
	v18 =	vmul.f32 v18, v9;
	[tilespmem:s5+$0xA480] =	vst v12;
	v9 =	vld [tilespmem:s5+$0xA4E0]  }
0x3d1: {  	[tilespmem:s5+$0xA490] =	vst v13;
	v12 =	vmul.f32 v20, v17;
	v13 =	vld [tilespmem:s5+$0xA4F0]  }
0x3d2: {  	v14 =	vmul.f32 v14, v17;
	v20 =	vld [tilespmem:s5+$0xA500];
	[tilespmem:s5+$0xA6D0] =	vst v10  }
0x3d3: {  	[tilespmem:s5+$0x9F10] =	vst v19;
	v10 =	vmul.f32 v15, v17;
	v15 =	vld [tilespmem:s5+$0xA510]  }
0x3d4: {  	[tilespmem:s5+$0x9F40] =	vst v16;
	v16 =	vmul.f32 v21, v17;
	v19 =	vld [tilespmem:s5+$0xA520]  }
0x3d5: {  	v21 =	vbroadcast v8, $0xC;
	[tilespmem:s5+$0xA4A0] =	vst v12;
	v12 =	vmul.f32 v9, v17;
	v22 =	vld [tilespmem:s5+$0xA530]  }
0x3d6: {  	[tilespmem:s5+$0xA4D0] =	vst v16;
	v13 =	vmul.f32 v13, v17;
	v16 =	vld [tilespmem:s5+$0xA540]  }
0x3d7: {  	[tilespmem:s5+$0xA4B0] =	vst v14;
	v9 =	vmul.f32 v20, v21;
	v14 =	vld [tilespmem:s5+$0xA550]  }
0x3d8: {  	[tilespmem:s5+$0xA4C0] =	vst v10;
	v10 =	vmul.f32 v15, v21;
	v15 =	vld [tilespmem:s5+$0xA560]  }
0x3d9: {  	[tilespmem:s5+$0xA500] =	vst v9;
	v9 =	vmul.f32 v19, v21;
	v17 =	vld [tilespmem:s5+$0xA570]  }
0x3da: {  	[tilespmem:s5+$0xA510] =	vst v10;
	v10 =	vld [tilespmem:s5+$0xA580]  }
0x3db: {  	[tilespmem:s5+$0x9F50] =	vst v18;
	v16 =	vmul.f32 v16, v21;
	v18 =	vld [tilespmem:s5+$0xA590]  }
0x3dc: {  	[tilespmem:s5+$0xA4E0] =	vst v12;
	v12 =	vmul.f32 v14, v21;
	v14 =	vld [tilespmem:s5+$0xA5A0]  }
0x3dd: {  	[tilespmem:s5+$0xA540] =	vst v16;
	v15 =	vmul.f32 v15, v21;
	v16 =	vbroadcast v8, $0xD;
	v19 =	vld [tilespmem:s5+$0xA5B0]  }
0x3de: {  	[tilespmem:s5+$0xA550] =	vst v12;
	v12 =	vmul.f32 v17, v21;
	v17 =	vld [tilespmem:s5+$0xA5C0]  }
0x3df: {  	[tilespmem:s5+$0xA560] =	vst v15;
	v10 =	vmul.f32 v10, v16;
	v15 =	vld [tilespmem:s5+$0xA5D0]  }
0x3e0: {  	[tilespmem:s5+$0xA570] =	vst v12;
	v12 =	vmul.f32 v18, v16;
	v18 =	vld [tilespmem:s5+$0xA5E0]  }
0x3e1: {  	[tilespmem:s5+$0xA580] =	vst v10;
	v10 =	vmul.f32 v14, v16;
	v14 =	vld [tilespmem:s5+$0xA5F0]  }
0x3e2: {  	[tilespmem:s5+$0xA590] =	vst v12;
	v12 =	vmul.f32 v19, v16;
	v19 =	vld [tilespmem:s5+$0xA600]  }
0x3e3: {  	[tilespmem:s5+$0xA5A0] =	vst v10;
	v10 =	vmul.f32 v17, v16;
	v17 =	vld [tilespmem:s5+$0xA610]  }
0x3e4: {  	[tilespmem:s5+$0xA5B0] =	vst v12;
	v12 =	vmul.f32 v15, v16;
	v15 =	vld [tilespmem:s5+$0xA620]  }
0x3e5: {  	v8 =	vbroadcast v8, $0xE;
	[tilespmem:s5+$0xA4F0] =	vst v13;
	v13 =	vmul.f32 v18, v16;
	v18 =	vld [tilespmem:s5+$0xA630]  }
0x3e6: {  	[tilespmem:s5+$0xA5D0] =	vst v12;
	v12 =	vmul.f32 v14, v16;
	v14 =	vld [tilespmem:s5+$0xA640]  }
0x3e7: {  	[tilespmem:s5+$0xA5E0] =	vst v13;
	v13 =	vmul.f32 v19, v8;
	v16 =	vld [tilespmem:s5+$0xA650]  }
0x3e8: {  	[tilespmem:s5+$0xA5F0] =	vst v12;
	v12 =	vmul.f32 v17, v8;
	v17 =	vld [tilespmem:s5+$0xA660]  }
0x3e9: {  	[tilespmem:s5+$0xA600] =	vst v13;
	v13 =	vmul.f32 v15, v8;
	v15 =	vld [tilespmem:s5+$0xA670]  }
0x3ea: {  	[tilespmem:s5+$0xA610] =	vst v12;
	v12 =	vmul.f32 v18, v8;
	v18 =	vld [tilespmem:s5+$0xA680]  }
0x3eb: {  	[tilespmem:s5+$0xA620] =	vst v13;
	v13 =	vmul.f32 v14, v8;
	v14 =	vld [tilespmem:s5+$0xA690]  }
0x3ec: {  	[tilespmem:s5+$0xA630] =	vst v12;
	v12 =	vmul.f32 v16, v8;
	v16 =	vld [tilespmem:s5+$0xA6A0]  }
0x3ed: {  	[tilespmem:s5+$0xA640] =	vst v13;
	v13 =	vmul.f32 v17, v8;
	v17 =	vld [tilespmem:s5+$0xA6B0]  }
0x3ee: {  	[tilespmem:s5+$0xA5C0] =	vst v10;
	v8 =	vmul.f32 v15, v8;
	v10 =	vld [tilespmem:s5+$0xA6C0]  }
0x3ef: {  	[tilespmem:s5+$0xA660] =	vst v13;
	v13 =	vmul.f32 v18, v11;
	v15 =	vld [tilespmem:s5+$0xA6E0]  }
0x3f0: {  	[tilespmem:s5+$0xA670] =	vst v8;
	v8 =	vmul.f32 v14, v11;
	v14 =	vld [tilespmem:s5+$0xA6F0]  }
0x3f1: {  	[tilespmem:s5+$0xA680] =	vst v13;
	v13 =	vmul.f32 v16, v11  }
0x3f2: {  	[tilespmem:s5+$0xA690] =	vst v8;
	v8 =	vmul.f32 v17, v11  }
0x3f3: {  	v16 =	vmul.f32 v22, v21;
	[tilespmem:s5+$0xA6A0] =	vst v13  }
0x3f4: {  	[tilespmem:s5+$0xA6B0] =	vst v8;
	v8 =	vmul.f32 v10, v11  }
.Ltmp6:
0x3f5: {  	[tilespmem:s5+$0xA530] =	vst v16;
	v10 =	vmul.f32 v14, v11;
	(pc) =	sbr.rel @p0 .LBB2_15-.Ltmp6, $4  }
0x3f6: {  	[tilespmem:s5+$0xA6C0] =	vst v8  }
0x3f7: {  	v8 =	vmul.f32 v15, v11;
	[tilespmem:s5+$0xA6F0] =	vst v10  }
0x3f8: {  	[tilespmem:s5+$0xA650] =	vst v12  }
0x3f9: {  	[tilespmem:s5+$0xA6E0] =	vst v8  }
0x3fa: {  	[tilespmem:s5+$0xA520] =	vst v9;
	p0 =	seq.s32 s31, $0x4F  }
0x3fb: {  	[spmem:s3] =	stream.indirect.scatter.add.f32 [tilespmem:s24], [sflag:$0x4], $0x80, s6, s23, $0x2000b8;
	v63 =	vld [tilespmem:$0x0]  }
0x3fc: {  	s5 =	simm.s32 @!p0 $0x3;
	p2 =	sne.s32 @!p0 s1, $0x7  }
0x3fd: {  	_ =	swait.ge @!p0 [sflag:s5], $0x2000;
	p1 =	por !p2, p0  }
0x3fe: {  	[sflag:s5] =	ssyncset.done @!p0 $0x0;
	s1 =	sadd.s32 @!p1 $0x4F80, s0  }
0x3ff: {  	s6 =	simm.s32 @!p1 $0x7F00;
	[sflag:s5] =	ssyncadd.s32 @!p0 $0xFFFFE000;
	s5 =	simm.s32 @!p1 $0x40  }
0x400: {  	[tilespmem:s6], [sflag:$0x1] =	stream.indirect.gather @!p1 [hbm4b:s7+s5], $0x80, s1, s5, $0x2000b8;
	v63 =	vld [tilespmem:$0x0]  }
0x401: {  	s1 =	simm.s32 @!p1 $0x4  }
0x402: {  	_ =	swait.ge @!p1 [sflag:s1], $0x2000  }
0x403: {  	p2 =	por p2, p0;
	[sflag:s1] =	ssyncset.done @!p1 $0x0  }
0x404: {  	[sflag:s1] =	ssyncadd.s32 @!p1 $0xFFFFE000;
	s1 =	simm.s32 @!p2 $0x4  }
0x405: {  	s5 =	sand.u32 @!p2 $0x78, s31;
	_ =	swait.ge @!p2 [sflag:s1], $0x2000  }
0x406: {  	s5 =	sadd.s32 @!p2 s5, s25;
	[sflag:s1] =	ssyncset.done @!p2 $0x0  }
0x407: {  	[sflag:s1] =	ssyncadd.s32 @!p2 $0xFFFFE000;
	s1 =	sshll.u32 @!p2 s5, $0x4  }
0x408: {  	s26 =	simm.s32 @!p2 $0x4F00;
	s6 =	simm.s32 @!p2 $0x0;
	s5 =	sadd.s32 @!p2 s2, s1  }
0x409: {  	[tilespmem:s26], [sflag:$0x1] =	stream.linear.gather @!p2 [hbm4b:s5+s6], $0x400, $0x200038;
	v63 =	vld [tilespmem:$0x0]  }
0x40a: {  	s1 =	sadd.s32 @!p2 s8, s1;
	s5 =	simm.s32 @!p2 $0x5300  }
0x40b: {  	[tilespmem:s5], [sflag:$0x2] =	stream.linear.gather @!p2 [hbm4b:s1+s6], $0x400, $0x200038;
	v63 =	vld [tilespmem:$0x0]  }
0x40c: {  	s1 =	simm.s32 @!p2 $0x1  }
0x40d: {  	_ =	swait.ge @!p2 [sflag:s1], $0x400  }
0x40e: {  	[sflag:s1] =	ssyncset.done @!p2 $0x0  }
0x40f: {  	[sflag:s1] =	ssyncadd.s32 @!p2 $0xFFFFFC00;
	s1 =	simm.s32 @!p2 $0x2  }
0x410: {  	s0 =	sadd.s32 @!p1 $0x4FC0, s0;
	_ =	swait.ge @!p2 [sflag:s1], $0x400  }
0x411: {  	s0 =	simm.s32 @p1 $0x4F40;
	s31 =	sadd.s32 @!p0 $0x1, s31;
	[sflag:s1] =	ssyncset.done @!p2 $0x0  }
0x412: {  	s5 =	simm.s32 @!p2 $0x7F00;
	[sflag:s1] =	ssyncadd.s32 @!p2 $0xFFFFFC00;
	s1 =	simm.s32 @!p2 $0x40  }
0x413: {  	[tilespmem:s5], [sflag:$0x1] =	stream.indirect.gather @!p2 [hbm4b:s7+s1], $0x80, s26, s1, $0x2000b8;
	v63 =	vld [tilespmem:$0x0]  }
0x414: {  	p1 =	sne.s32 @!p0 s31, $0x50;
	s1 =	simm.s32 @!p0 $0x40;
	s5 =	simm.s32 @!p0 $0x9F00  }
0x415: {  	[tilespmem:s5], [sflag:$0x2] =	stream.indirect.gather @!p0 [hbm4b:s7+s1], $0x80, s0, s1, $0x2000b8;
	v63 =	vld [tilespmem:$0x0]  }
0x416: {  	p0 =	por p0, !p1  }
.Ltmp7:
0x417: {  	_ = 	snop;
	(pc) =	sbr.rel @!p0 .LBB2_12-.Ltmp7, $1  }
0x418: {  	_ =	sdelay $0x3  }
0x419: {  	s0 =	simm.s32 $0x3  }
0x41a: {  	_ =	swait.ge [sflag:s0], $0x2000  }
0x41b: {  	[sflag:s0] =	ssyncset.done $0x0  }
0x41c: {  	s31 =	simm.s32 $0x4;
	[sflag:s0] =	ssyncadd.s32 $0xFFFFE000  }
0x41d: {  	_ =	swait.ge [sflag:s31], $0x2000  }
0x41e: {  	[sflag:s31] =	ssyncset.done $0x0  }
0x41f: {  	[sflag:s31] =	ssyncadd.s32 $0xFFFFE000  }
0x420: {  	_ =	strace $0x9000004A  }
0x421: {  	_ =	strace $0x8000004B  }
0x422: {  	[bflag:$0x0] =	sbarrier.arrive $0xFFFF  }
0x423: {  	[tilespmem:s13], [sflag:$0x5] =	stream.linear.gather [spmem:s11], $0x4000, $0x200038;
	v63 =	vld [tilespmem:$0x0]  }
0x424: {  	_ =	swait.ge [sflag:s9], $0x4000  }
0x425: {  	[sflag:s9] =	ssyncset.done $0x0  }
0x426: {  	s1 =	rddreg [dreg:$0xa];
	[sflag:s9] =	ssyncadd.s32 $0xFFFFC000  }
0x427: {  	[hbm4b:s1+s4] =	stream.linear.scatter [tilespmem:s13], [sflag:$0x5], $0x4000, $0x200038;
	v63 =	vld [tilespmem:$0x0]  }
0x428: {  	_ =	swait.ge [sflag:s9], $0x4000  }
0x429: {  	[sflag:s9] =	ssyncset.done $0x0  }
0x42a: {  	[sflag:s9] =	ssyncadd.s32 $0xFFFFC000  }
0x42b: {  	[tilespmem:s13], [sflag:$0x5] =	stream.linear.gather [spmem:s14], $0x4000, $0x200038;
	v63 =	vld [tilespmem:$0x0]  }
0x42c: {  	_ =	swait.ge [sflag:s9], $0x4000  }
0x42d: {  	[sflag:s9] =	ssyncset.done $0x0  }
0x42e: {  	s5 =	rddreg [dreg:$0xb];
	[sflag:s9] =	ssyncadd.s32 $0xFFFFC000  }
0x42f: {  	[hbm4b:s5+s4] =	stream.linear.scatter [tilespmem:s13], [sflag:$0x5], $0x4000, $0x200038;
	v63 =	vld [tilespmem:$0x0]  }
0x430: {  	_ =	swait.ge [sflag:s9], $0x4000  }
0x431: {  	[sflag:s9] =	ssyncset.done $0x0  }
0x432: {  	[sflag:s9] =	ssyncadd.s32 $0xFFFFC000  }
0x433: {  	[tilespmem:s13], [sflag:$0x5] =	stream.linear.gather [spmem:s15], $0x4000, $0x200038;
	v63 =	vld [tilespmem:$0x0]  }
0x434: {  	_ =	swait.ge [sflag:s9], $0x4000  }
0x435: {  	[sflag:s9] =	ssyncset.done $0x0  }
0x436: {  	s6 =	rddreg [dreg:$0xc];
	[sflag:s9] =	ssyncadd.s32 $0xFFFFC000  }
0x437: {  	[hbm4b:s6+s4] =	stream.linear.scatter [tilespmem:s13], [sflag:$0x5], $0x4000, $0x200038;
	v63 =	vld [tilespmem:$0x0]  }
0x438: {  	_ =	swait.ge [sflag:s9], $0x4000  }
0x439: {  	[sflag:s9] =	ssyncset.done $0x0  }
0x43a: {  	[sflag:s9] =	ssyncadd.s32 $0xFFFFC000  }
0x43b: {  	[tilespmem:s13], [sflag:$0x5] =	stream.linear.gather [spmem:s16], $0x4000, $0x200038;
	v63 =	vld [tilespmem:$0x0]  }
0x43c: {  	_ =	swait.ge [sflag:s9], $0x4000  }
0x43d: {  	[sflag:s9] =	ssyncset.done $0x0  }
0x43e: {  	s26 =	rddreg [dreg:$0xd];
	[sflag:s9] =	ssyncadd.s32 $0xFFFFC000  }
0x43f: {  	[hbm4b:s26+s4] =	stream.linear.scatter [tilespmem:s13], [sflag:$0x5], $0x4000, $0x200038;
	v63 =	vld [tilespmem:$0x0]  }
0x440: {  	_ =	swait.ge [sflag:s9], $0x4000  }
0x441: {  	[sflag:s9] =	ssyncset.done $0x0  }
0x442: {  	[sflag:s9] =	ssyncadd.s32 $0xFFFFC000  }
0x443: {  	[tilespmem:s13], [sflag:$0x5] =	stream.linear.gather [spmem:s17], $0x4000, $0x200038;
	v63 =	vld [tilespmem:$0x0]  }
0x444: {  	_ =	swait.ge [sflag:s9], $0x4000  }
0x445: {  	[sflag:s9] =	ssyncset.done $0x0  }
0x446: {  	s28 =	rddreg [dreg:$0xe];
	[sflag:s9] =	ssyncadd.s32 $0xFFFFC000  }
0x447: {  	[hbm4b:s28+s4] =	stream.linear.scatter [tilespmem:s13], [sflag:$0x5], $0x4000, $0x200038;
	v63 =	vld [tilespmem:$0x0]  }
0x448: {  	_ =	swait.ge [sflag:s9], $0x4000  }
0x449: {  	s29 =	sadd.s32 $0x1, s29;
	s31 =	rddreg [dreg:$0x12]  }
0x44a: {  	p0 =	sne.s32 s29, s31  }
.Ltmp8:
0x44b: {  	_ = 	snop;
	(pc) =	sbr.rel @p0 .LBB2_1-.Ltmp8, $4  }
0x44c: {  	_ = 	snop  }
0x44d: {  	[sflag:s9] =	ssyncset.done $0x0  }
0x44e: {  	[sflag:s9] =	ssyncadd.s32 $0xFFFFC000  }
0x44f: {  	_ =	strace $0x9000004B  }
0x450: {  	_ =	sfence.sel $0x180000  }
0x451: {  	[bflag:$0x0] =	sbarrier.arrive $0xFFFF  }
0x452: {  	_ =	strace $0x90000047  }
0x453: {  	s0 =	stileid.u32;
	[bflag:$0x2] =	sbarrier.arrive $0xFFFF  }
0x454: {  	p0 =	sne.s32 s0, $0x0;
	s0 =	rddreg [dreg:$0x3]  }
0x455: {  	s0 =	sadd.s32 @!p0 $0x100000, s0  }
0x456: {  	[sflag:s0] =	ssyncadd.tile.s32 @!p0 $0x1;
	_ =	shalt  }
.Lfunc_end2:
_tile_overlayer_lowered:
.L_overlay_start_2:
0x457: {  	(tag) =	ssettag $0x2  }
0x458: {  	s0 =	rddreg [dreg:$0x0];
	s2 =	stileid.u32  }
0x459: {  	s1 =	rddreg [dreg:$0x1];
	p0 =	sne.s32 s2, $0x0  }
0x45a: {  	s3 =	rddreg [dreg:$0x2];
	[bflag:$0x3] =	sbarrier.arrive $0xFFFF;
	s2 =	simm.s32 @!p0 $0x1C05  }
0x45b: {  	[timem:s3], [sflag:s2] =	dma.local @!p0 [hbm:s0], s1  }
0x45c: {  	s0 =	simm.s32 @!p0 $0x5  }
0x45d: {  	_ =	swait.ge @!p0 [sflag:s0], s1  }
0x45e: {  	s1 =	ssub.s32 @!p0 $0x0, s1;
	[sflag:s0] =	ssyncset.done @!p0 $0x0  }
0x45f: {  	[sflag:s0] =	ssyncadd.s32 @!p0 s1  }
0x460: {  	[bflag:$0x3] =	sbarrier.arrive $0xFFFF  }
0x461: {  	_ =	shalt  }

</sc_bundles>
